<compile_context>
chip_gen: v7x
topology: tpu7x:2x2x1
jax: 0.10.2.dev20260603
libtpu: 0.0.44.dev20260713+nightly
codegen_flags: <defaults>
</compile_context>

<pallas_src>
import functools

import jax
import jax.numpy as jnp
from jax import lax
from jax.experimental import pallas as pl
from jax.experimental.pallas import tpu as pltpu
from jax.experimental.pallas import tpu_sc as plsc

N1 = 16384
N2 = 4096
C = 512
CP = C // 2
K = 5
KP = 8


BN_T1 = 512


def _topk_body(p1_ref, p2t_ref, idx_ref):
    p1 = p1_ref[...]
    p2t = p2t_ref[...]
    mm = jnp.dot(p1.astype(jnp.bfloat16), p2t.astype(jnp.bfloat16),
                 preferred_element_type=jnp.float32)
    s1 = ((p1[:, 0:1] * p1[:, 0:1] + p1[:, 1:2] * p1[:, 1:2])
          + p1[:, 2:3] * p1[:, 2:3])
    s2 = ((p2t[0:1, :] * p2t[0:1, :] + p2t[1:2, :] * p2t[1:2, :])
          + p2t[2:3, :] * p2t[2:3, :])
    d = (s1 - 2.0 * mm) + s2
    iota = lax.broadcasted_iota(jnp.int32, (BN_T1, N2), 1)
    idxs = []
    for k in range(K):
        am = jnp.argmin(d, axis=1).astype(jnp.int32)[:, None]
        idxs.append(am)
        if k < K - 1:
            d = jnp.where(iota == am, jnp.float32(jnp.inf), d)
    ik = jnp.concatenate(idxs, axis=1)
    idx_ref[...] = jnp.concatenate(
        [ik, jnp.zeros((BN_T1, KP - K), jnp.int32)], axis=1)


def _topk_call(p1, p2t):
    nq = p1.shape[0]
    return pl.pallas_call(
        _topk_body,
        grid=(nq // BN_T1,),
        in_specs=[
            pl.BlockSpec((BN_T1, 3), lambda i: (i, 0)),
            pl.BlockSpec((3, N2), lambda i: (0, 0)),
        ],
        out_specs=pl.BlockSpec((BN_T1, KP), lambda i: (i, 0)),
        out_shape=jax.ShapeDtypeStruct((nq, KP), jnp.int32),
    )(p1, p2t)



BM_T2 = 512


def _lin1_body(x1_ref, w1t_ref, b1_ref, g1_ref, be1_ref, y_ref, st_ref):
    i = pl.program_id(0)
    y = jnp.dot(x1_ref[...].astype(jnp.bfloat16),
                w1t_ref[...].astype(jnp.bfloat16),
                preferred_element_type=jnp.float32) + b1_ref[...]
    y_ref[...] = y

    @pl.when(i == 0)
    def _():
        st_ref[...] = jnp.zeros_like(st_ref)

    st_ref[0:1, :] += jnp.sum(y, axis=0, keepdims=True)
    st_ref[1:2, :] += jnp.sum(y * y, axis=0, keepdims=True)

    @pl.when(i == pl.num_programs(0) - 1)
    def _():
        mean = st_ref[0:1, :] / jnp.float32(N1)
        var = st_ref[1:2, :] / jnp.float32(N1) - mean * mean
        st_ref[0:1, :] = mean
        st_ref[1:2, :] = g1_ref[...] * lax.rsqrt(var + jnp.float32(1e-5))
        st_ref[2:3, :] = be1_ref[...]


def _lin1_call(x1, w1t, b1, g1, be1):
    return pl.pallas_call(
        _lin1_body,
        grid=(N1 // BM_T2,),
        in_specs=[
            pl.BlockSpec((BM_T2, 2 * C), lambda i: (i, 0)),
            pl.BlockSpec((2 * C, C), lambda i: (0, 0)),
            pl.BlockSpec((1, C), lambda i: (0, 0)),
            pl.BlockSpec((1, C), lambda i: (0, 0)),
            pl.BlockSpec((1, C), lambda i: (0, 0)),
        ],
        out_specs=[
            pl.BlockSpec((BM_T2, C), lambda i: (i, 0)),
            pl.BlockSpec((8, C), lambda i: (0, 0)),
        ],
        out_shape=[
            jax.ShapeDtypeStruct((N1, C), jnp.float32),
            jax.ShapeDtypeStruct((8, C), jnp.float32),
        ],
    )(x1, w1t, b1, g1, be1)



BM_T3 = 512


def _lin2_body(x2_ref, w2t_ref, b2_ref, z_ref):
    z = jnp.dot(x2_ref[...], w2t_ref[...],
                preferred_element_type=jnp.float32) + b2_ref[...]
    zb = z.astype(jnp.bfloat16)
    lo = lax.bitcast_convert_type(zb[:, :C // 2], jnp.uint16).astype(jnp.int32)
    hi = lax.bitcast_convert_type(zb[:, C // 2:], jnp.uint16).astype(jnp.int32)
    z_ref[...] = lo | (hi << 16)


def _lin2_call(x2, w2t, b2):
    return pl.pallas_call(
        _lin2_body,
        grid=(N2 // BM_T3,),
        in_specs=[
            pl.BlockSpec((BM_T3, C), lambda i: (i, 0)),
            pl.BlockSpec((C, C), lambda i: (0, 0)),
            pl.BlockSpec((1, C), lambda i: (0, 0)),
        ],
        out_specs=pl.BlockSpec((BM_T3, C // 2), lambda i: (i, 0)),
        out_shape=jax.ShapeDtypeStruct((N2, C // 2), jnp.int32),
    )(x2, w2t, b2)



NW = 32
QB = 16


@functools.cache
def _interp_call(nq):
    bpw = nq // NW
    nsb = bpw // QB

    def _interp_body(z2_hbm, idx_hbm, p1_hbm, p2t_hbm, out_hbm,
                     idx_v, p1_v, p2t_v, wtmp_v, rows_v, acc_v, sem):
        cc = lax.axis_index("c")
        ss = lax.axis_index("s")
        wid = ss * 2 + cc
        base = wid * bpw
        pltpu.sync_copy(idx_hbm.at[pl.ds(base, bpw), :], idx_v)
        pltpu.sync_copy(p1_hbm.at[pl.ds(base, bpw), :], p1_v)
        pltpu.sync_copy(p2t_hbm, p2t_v)
        iota16 = lax.broadcasted_iota(jnp.int32, (16,), 0)

        def col(k):
            return jnp.full((16,), k, jnp.int32)

        def fire_gathers(b, buf):
            qb = b * QB
            for k in range(K):
                cidx = plsc.load_gather(idx_v, [qb + iota16, col(k)])
                pltpu.async_copy(z2_hbm.at[cidx], rows_v.at[buf, k], sem)

        fire_gathers(0, 0)

        def sb_body(b, carry):
            qb = b * QB
            cur = lax.rem(b, 2)
            for k in range(K):
                pltpu.make_async_copy(
                    z2_hbm.at[pl.ds(0, QB)], rows_v.at[cur, k], sem).wait()
            @pl.when(b + 1 < nsb)
            def _():
                fire_gathers(b + 1, 1 - cur)
            p1x = plsc.load_gather(p1_v, [qb + iota16, col(0)])
            p1y = plsc.load_gather(p1_v, [qb + iota16, col(1)])
            p1z = plsc.load_gather(p1_v, [qb + iota16, col(2)])
            wks = []
            for k in range(K):
                cidx = plsc.load_gather(idx_v, [qb + iota16, col(k)])
                dx = plsc.load_gather(p2t_v, [col(0), cidx]) - p1x
                dy = plsc.load_gather(p2t_v, [col(1), cidx]) - p1y
                dz = plsc.load_gather(p2t_v, [col(2), cidx]) - p1z
                d16 = (dx * dx + dy * dy) + dz * dz
                d16 = jnp.maximum(d16, jnp.float32(1e-10))
                wks.append(1.0 / d16)
            wsum = ((wks[0] + wks[1]) + (wks[2] + wks[3])) + wks[4]
            for k in range(K):
                wtmp_v[pl.ds(k * 16, 16)] = wks[k] / wsum

            def q_body(q, carry2):
                ws = []
                for k in range(K):
                    wk = plsc.load_gather(
                        wtmp_v, [jnp.broadcast_to(k * 16 + q, (16,))])
                    ws.append(plsc.pack(wk, wk,
                                        format=plsc.PackFormat.INTERLEAVED))
                for j in range(CP // 16):
                    r0 = plsc.bitcast(
                        rows_v[cur, 0, q, pl.ds(j * 16, 16)], jnp.bfloat16)
                    acc = ws[0] * r0
                    for k in range(1, K):
                        rk = plsc.bitcast(
                            rows_v[cur, k, q, pl.ds(j * 16, 16)], jnp.bfloat16)
                        acc = acc + ws[k] * rk
                    acc_v[q, pl.ds(j * 16, 16)] = plsc.bitcast(
                        acc, jnp.int32)
                return carry2

            lax.fori_loop(0, QB, q_body, 0)
            pltpu.sync_copy(acc_v, out_hbm.at[pl.ds(base + qb, QB), :])
            return carry

        lax.fori_loop(0, nsb, sb_body, 0)

    return pl.kernel(
        _interp_body,
        out_type=jax.ShapeDtypeStruct((nq, CP), jnp.int32),
        mesh=plsc.VectorSubcoreMesh(core_axis_name="c", subcore_axis_name="s"),
        compiler_params=pltpu.CompilerParams(needs_layout_passes=False),
        scratch_types=[
            pltpu.VMEM((bpw, KP), jnp.int32),
            pltpu.VMEM((bpw, 3), jnp.float32),
            pltpu.VMEM((3, N2), jnp.float32),
            pltpu.VMEM((K * QB,), jnp.float32),
            pltpu.VMEM((2, K, QB, CP), jnp.int32),
            pltpu.VMEM((QB, CP), jnp.int32),
            pltpu.SemaphoreType.DMA,
        ],
    )



BM_T5 = 512


_HBLK = (N1 // 2) // BM_T5


def _final_body(y_ref, ita_ref, itb_ref, st_ref, o_ref):
    i = pl.program_id(0)
    mean = st_ref[0:1, :]
    scale = st_ref[1:2, :]
    be = st_ref[2:3, :]
    h1 = jnp.maximum((y_ref[...] - mean) * scale + be, 0.0)
    v = jnp.where(i < _HBLK, ita_ref[...], itb_ref[...])
    lo = lax.bitcast_convert_type(v << 16, jnp.float32)
    hi = lax.bitcast_convert_type(v & jnp.int32(-65536), jnp.float32)
    o_ref[:, 0:CP] = h1[:, 0:CP] + jnp.maximum(lo, 0.0)
    o_ref[:, CP:C] = h1[:, CP:C] + jnp.maximum(hi, 0.0)


def _final_call(y1, interp_a, interp_b, stats):
    return pl.pallas_call(
        _final_body,
        grid=(N1 // BM_T5,),
        in_specs=[
            pl.BlockSpec((BM_T5, C), lambda i: (i, 0)),
            pl.BlockSpec((BM_T5, CP), lambda i: (jnp.minimum(i, _HBLK - 1), 0)),
            pl.BlockSpec((BM_T5, CP), lambda i: (jnp.maximum(i - _HBLK, 0), 0)),
            pl.BlockSpec((8, C), lambda i: (0, 0)),
        ],
        out_specs=pl.BlockSpec((BM_T5, C), lambda i: (i, 0)),
        out_shape=jax.ShapeDtypeStruct((N1, C), jnp.float32),
    )(y1, interp_a, interp_b, stats)




def kernel(p1, x1, o1, p2, x2, o2, W1, b1, g1, be1, W2, b2):
    p2t = p2.T
    z2 = _lin2_call(x2, W2.T, b2[None, :])
    H = N1 // 2
    halves = []
    for lo in range(0, N1, H):
        p1h = p1[lo:lo + H]
        idx8 = _topk_call(p1h, p2t)
        halves.append(_interp_call(H)(z2, idx8, p1h, p2t))
    y1, stats = _lin1_call(x1, W1.T, b1[None, :], g1[None, :], be1[None, :])
    return _final_call(y1, halves[0], halves[1], stats)

# --- scband reference (transcript-rebuilt; emitter-appended) ---
"""Pipeline reference for scband-transition-up2-16750372454754 (READ-ONLY COPY).

The authoritative reference and input builder live on the scoring server;
editing this copy changes nothing except your own understanding.
"""

import jax, jax.numpy as jnp
import numpy as np

N1 = 16384
N2 = 4096
C = 512  # in_planes
K = 5


def _bn(x, gamma, beta, eps=1e-5):
    # BatchNorm1d in training mode: biased batch statistics
    mean = jnp.mean(x, axis=0)
    var = jnp.var(x, axis=0)
    return gamma * (x - mean) / jnp.sqrt(var + eps) + beta


def setup_inputs(seed: int = 0) -> dict:
    key = jax.random.key(seed)
    ks = jax.random.split(key, 10)
    p1 = jax.random.uniform(ks[0], (N1, 3), dtype=jnp.float32)
    x1 = jax.random.normal(ks[1], (N1, 2 * C), dtype=jnp.float32)
    o1 = jnp.array([N1], dtype=jnp.int32)
    p2 = jax.random.uniform(ks[2], (N2, 3), dtype=jnp.float32)
    x2 = jax.random.normal(ks[3], (N2, C), dtype=jnp.float32)
    o2 = jnp.array([N2], dtype=jnp.int32)
    # linear1: Linear(2C, C) + BN(C) + ReLU
    W1 = jax.random.normal(ks[4], (C, 2 * C), dtype=jnp.float32) * (1.0 / np.sqrt(2 * C))
    b1 = jnp.zeros((C,), dtype=jnp.float32)
    g1 = jnp.ones((C,), dtype=jnp.float32)
    be1 = jnp.zeros((C,), dtype=jnp.float32)
    # linear2: Linear(C, C) + ReLU (no BN in out_planes=None branch)
    W2 = jax.random.normal(ks[5], (C, C), dtype=jnp.float32) * (1.0 / np.sqrt(C))
    b2 = jnp.zeros((C,), dtype=jnp.float32)
    return {"p1": p1, "x1": x1, "o1": o1, "p2": p2, "x2": x2, "o2": o2,
            "W1": W1, "b1": b1, "g1": g1, "be1": be1, "W2": W2, "b2": b2}


def reference(p1, x1, o1, p2, x2, o2, W1, b1, g1, be1, W2, b2):
    # pointops.queryandgroup(5, p2, p1, x2, None, o2, o1, use_xyz=True)
    # Single batch (o1=[N1], o2=[N2]): kNN of each p1 point among p2 points.
    d2 = (jnp.sum(p1 ** 2, axis=1, keepdims=True)
          - 2.0 * p1 @ p2.T
          + jnp.sum(p2 ** 2, axis=1)[None, :])  # [N1, N2]
    _, idx = jax.lax.top_k(-d2, K)  # [N1, K] nearest neighbor indices
    grouped_xyz = p2[idx] - p1[:, None, :]      # [N1, K, 3] relative coords
    grouped_feats = x2[idx]                      # [N1, K, C]
    dists = jnp.sum(grouped_xyz ** 2, axis=-1)   # [N1, K]
    dists = jnp.where(dists < 1e-10, 1e-10, dists)
    weight = 1.0 / dists
    weight = weight / jnp.sum(weight, axis=-1).reshape(grouped_feats.shape[0], 1)
    interpolated = jnp.sum(grouped_feats * weight.reshape(grouped_feats.shape[0], grouped_feats.shape[1], 1), axis=1)  # [N1, C]
    h1 = jax.nn.relu(_bn(x1 @ W1.T + b1, g1, be1))   # linear1(x1)
    h2 = jax.nn.relu(interpolated @ W2.T + b2)        # linear2(interp)
    return h1 + h2

if __name__ == "__main__":
    import jax
    _d = setup_inputs()
    print(jax.jit(kernel)(*tuple(_d.values())))

</pallas_src>

<mosaic_0001>
#map = affine_map<(d0, d1) -> (0, 0)>
module attributes {stable_mosaic.version = 14 : i64} {
  func.func @_interp_body(%arg0: i32, %arg1: i32, %arg2: memref<4096x256xi32, #tpu.memory_space<hbm>>, %arg3: memref<8192x8xi32, #tpu.memory_space<hbm>>, %arg4: memref<8192x3xf32, #tpu.memory_space<hbm>>, %arg5: memref<3x4096xf32, #tpu.memory_space<hbm>>, %arg6: memref<8192x256xi32, #tpu.memory_space<hbm>>, %arg7: memref<256x8xi32, #tpu.memory_space<vmem>>, %arg8: memref<256x3xf32, #tpu.memory_space<vmem>>, %arg9: memref<3x4096xf32, #tpu.memory_space<vmem>>, %arg10: memref<80xf32, #tpu.memory_space<vmem>>, %arg11: memref<2x5x16x256xi32, #tpu.memory_space<vmem>>, %arg12: memref<16x256xi32, #tpu.memory_space<vmem>>, %arg13: memref<!tpu.dma_semaphore, #tpu.memory_space<semaphore_mem>>) attributes {dimension_semantics = [#tpu.dimension_semantics<core_parallel>, #tpu.dimension_semantics<subcore_parallel>], iteration_bounds = array<i64: 2, 16>, scalar_prefetch = 0 : i64, scratch_operands = 7 : i64, tpu.core_type = #tpu.core_type<sc_vector_subcore>, window_params = [{transform_indices = #map}, {transform_indices = #map}, {transform_indices = #map}, {transform_indices = #map}, {transform_indices = #map}]} {
    %mul3A = arith.constant 2 : i32
    %mul3A_0 = arith.muli %arg1, %mul3A : i32
    %add3A = arith.addi %mul3A_0, %arg0 : i32
    %mul3A_1 = arith.constant 256 : i32
    %mul3A_2 = arith.muli %add3A, %mul3A_1 : i32
    "tpu.region"() ({
      %run_scoped3A = tpu.sem_alloc : memref<!tpu.dma_semaphore, #tpu.memory_space<semaphore_mem>>
      %dma_start3A_80 = arith.constant 0 : i32
      %dma_start3A_81 = tpu.memref_slice %arg3[%mul3A_2, %dma_start3A_80] : memref<8192x8xi32, #tpu.memory_space<hbm>> -> memref<256x8xi32, #tpu.memory_space<hbm>>
      %dma_start3A_82 = arith.constant 0 : i32
      %dma_start3A_83 = tpu.memref_slice %arg3[%mul3A_2, %dma_start3A_82] : memref<8192x8xi32, #tpu.memory_space<hbm>> -> memref<256x8xi32, #tpu.memory_space<hbm>>
      tpu.enqueue_dma source(%dma_start3A_83 : memref<256x8xi32, #tpu.memory_space<hbm>>) target(%arg7 : memref<256x8xi32, #tpu.memory_space<vmem>>) target_semaphore(%run_scoped3A : memref<!tpu.dma_semaphore, #tpu.memory_space<semaphore_mem>>)
      %dma_wait3A = arith.constant 0 : i32
      %dma_wait3A_84 = tpu.memref_slice %arg3[%mul3A_2, %dma_wait3A] : memref<8192x8xi32, #tpu.memory_space<hbm>> -> memref<256x8xi32, #tpu.memory_space<hbm>>
      %dma_wait3A_85 = arith.constant 0 : i32
      %dma_wait3A_86 = tpu.memref_slice %arg3[%mul3A_2, %dma_wait3A_85] : memref<8192x8xi32, #tpu.memory_space<hbm>> -> memref<256x8xi32, #tpu.memory_space<hbm>>
      tpu.wait_dma2 semaphore(%run_scoped3A : memref<!tpu.dma_semaphore, #tpu.memory_space<semaphore_mem>>) src(%dma_wait3A_86 : memref<256x8xi32, #tpu.memory_space<hbm>>) dst(%arg7 : memref<256x8xi32, #tpu.memory_space<vmem>>)
      tpu.yield
    }) : () -> ()
    "tpu.region"() ({
      %run_scoped3A = tpu.sem_alloc : memref<!tpu.dma_semaphore, #tpu.memory_space<semaphore_mem>>
      %dma_start3A_80 = arith.constant 0 : i32
      %dma_start3A_81 = tpu.memref_slice %arg4[%mul3A_2, %dma_start3A_80] : memref<8192x3xf32, #tpu.memory_space<hbm>> -> memref<256x3xf32, #tpu.memory_space<hbm>>
      %dma_start3A_82 = arith.constant 0 : i32
      %dma_start3A_83 = tpu.memref_slice %arg4[%mul3A_2, %dma_start3A_82] : memref<8192x3xf32, #tpu.memory_space<hbm>> -> memref<256x3xf32, #tpu.memory_space<hbm>>
      tpu.enqueue_dma source(%dma_start3A_83 : memref<256x3xf32, #tpu.memory_space<hbm>>) target(%arg8 : memref<256x3xf32, #tpu.memory_space<vmem>>) target_semaphore(%run_scoped3A : memref<!tpu.dma_semaphore, #tpu.memory_space<semaphore_mem>>)
      %dma_wait3A = arith.constant 0 : i32
      %dma_wait3A_84 = tpu.memref_slice %arg4[%mul3A_2, %dma_wait3A] : memref<8192x3xf32, #tpu.memory_space<hbm>> -> memref<256x3xf32, #tpu.memory_space<hbm>>
      %dma_wait3A_85 = arith.constant 0 : i32
      %dma_wait3A_86 = tpu.memref_slice %arg4[%mul3A_2, %dma_wait3A_85] : memref<8192x3xf32, #tpu.memory_space<hbm>> -> memref<256x3xf32, #tpu.memory_space<hbm>>
      tpu.wait_dma2 semaphore(%run_scoped3A : memref<!tpu.dma_semaphore, #tpu.memory_space<semaphore_mem>>) src(%dma_wait3A_86 : memref<256x3xf32, #tpu.memory_space<hbm>>) dst(%arg8 : memref<256x3xf32, #tpu.memory_space<vmem>>)
      tpu.yield
    }) : () -> ()
    "tpu.region"() ({
      %run_scoped3A = tpu.sem_alloc : memref<!tpu.dma_semaphore, #tpu.memory_space<semaphore_mem>>
      tpu.enqueue_dma source(%arg5 : memref<3x4096xf32, #tpu.memory_space<hbm>>) target(%arg9 : memref<3x4096xf32, #tpu.memory_space<vmem>>) target_semaphore(%run_scoped3A : memref<!tpu.dma_semaphore, #tpu.memory_space<semaphore_mem>>)
      tpu.wait_dma2 semaphore(%run_scoped3A : memref<!tpu.dma_semaphore, #tpu.memory_space<semaphore_mem>>) src(%arg5 : memref<3x4096xf32, #tpu.memory_space<hbm>>) dst(%arg9 : memref<3x4096xf32, #tpu.memory_space<vmem>>)
      tpu.yield
    }) : () -> ()
    %iota3A = tpu.iota {dimensions = array<i32: 0>} : vector<16xi32>
    %add3A_3 = arith.constant 0 : i32
    %add3A_4 = vector.broadcast %add3A_3 : i32 to vector<16xi32>
    %add3A_5 = arith.addi %add3A_4, %iota3A : vector<16xi32>
    %broadcast_in_dim3A = arith.constant 0 : i32
    %broadcast_in_dim3A_6 = vector.broadcast %broadcast_in_dim3A : i32 to vector<16xi32>
    %gather3A = tpu.vector_load_idx %arg7[%add3A_5, %broadcast_in_dim3A_6] : memref<256x8xi32, #tpu.memory_space<vmem>>[vector<16xi32>, vector<16xi32>], vector<16xi32>,
    %dma_start3A = arith.constant 0 : i32
    %dma_start3A_7 = arith.constant 0 : i32
    %dma_start3A_8 = arith.constant 0 : i32
    %dma_start3A_9 = arith.constant 0 : i32
    %dma_start3A_10 = tpu.memref_slice %arg11[%dma_start3A, %dma_start3A_7, %dma_start3A_8, %dma_start3A_9] : memref<2x5x16x256xi32, #tpu.memory_space<vmem>> -> memref<1x1x16x256xi32, #tpu.memory_space<vmem>>
    %dma_start3A_11 = tpu.memref_squeeze %dma_start3A_10 : memref<1x1x16x256xi32, #tpu.memory_space<vmem>> -> memref<16x256xi32, #tpu.memory_space<vmem>>
    %dma_start3A_12 = arith.constant 0 : i32
    %dma_start3A_13 = arith.constant 0 : i32
    %dma_start3A_14 = tpu.memref_slice %arg2[%dma_start3A_12, %dma_start3A_13] : memref<4096x256xi32, #tpu.memory_space<hbm>> -> memref<4096x256xi32, #tpu.memory_space<hbm>>
    tpu.enqueue_indirect_dma source(%dma_start3A_14 : memref<4096x256xi32, #tpu.memory_space<hbm>>) target(%dma_start3A_11 : memref<16x256xi32, #tpu.memory_space<vmem>>) offsets(%gather3A : vector<16xi32>) semaphore(%arg13 : memref<!tpu.dma_semaphore, #tpu.memory_space<semaphore_mem>>)
    %add3A_15 = arith.constant 0 : i32
    %add3A_16 = vector.broadcast %add3A_15 : i32 to vector<16xi32>
    %add3A_17 = arith.addi %add3A_16, %iota3A : vector<16xi32>
    %broadcast_in_dim3A_18 = arith.constant 1 : i32
    %broadcast_in_dim3A_19 = vector.broadcast %broadcast_in_dim3A_18 : i32 to vector<16xi32>
    %gather3A_20 = tpu.vector_load_idx %arg7[%add3A_17, %broadcast_in_dim3A_19] : memref<256x8xi32, #tpu.memory_space<vmem>>[vector<16xi32>, vector<16xi32>], vector<16xi32>,
    %dma_start3A_21 = arith.constant 0 : i32
    %dma_start3A_22 = arith.constant 1 : i32
    %dma_start3A_23 = arith.constant 0 : i32
    %dma_start3A_24 = arith.constant 0 : i32
    %dma_start3A_25 = tpu.memref_slice %arg11[%dma_start3A_21, %dma_start3A_22, %dma_start3A_23, %dma_start3A_24] : memref<2x5x16x256xi32, #tpu.memory_space<vmem>> -> memref<1x1x16x256xi32, #tpu.memory_space<vmem>>
    %dma_start3A_26 = tpu.memref_squeeze %dma_start3A_25 : memref<1x1x16x256xi32, #tpu.memory_space<vmem>> -> memref<16x256xi32, #tpu.memory_space<vmem>>
    %dma_start3A_27 = arith.constant 0 : i32
    %dma_start3A_28 = arith.constant 0 : i32
    %dma_start3A_29 = tpu.memref_slice %arg2[%dma_start3A_27, %dma_start3A_28] : memref<4096x256xi32, #tpu.memory_space<hbm>> -> memref<4096x256xi32, #tpu.memory_space<hbm>>
    tpu.enqueue_indirect_dma source(%dma_start3A_29 : memref<4096x256xi32, #tpu.memory_space<hbm>>) target(%dma_start3A_26 : memref<16x256xi32, #tpu.memory_space<vmem>>) offsets(%gather3A_20 : vector<16xi32>) semaphore(%arg13 : memref<!tpu.dma_semaphore, #tpu.memory_space<semaphore_mem>>)
    %add3A_30 = arith.constant 0 : i32
    %add3A_31 = vector.broadcast %add3A_30 : i32 to vector<16xi32>
    %add3A_32 = arith.addi %add3A_31, %iota3A : vector<16xi32>
    %broadcast_in_dim3A_33 = arith.constant 2 : i32
    %broadcast_in_dim3A_34 = vector.broadcast %broadcast_in_dim3A_33 : i32 to vector<16xi32>
    %gather3A_35 = tpu.vector_load_idx %arg7[%add3A_32, %broadcast_in_dim3A_34] : memref<256x8xi32, #tpu.memory_space<vmem>>[vector<16xi32>, vector<16xi32>], vector<16xi32>,
    %dma_start3A_36 = arith.constant 0 : i32
    %dma_start3A_37 = arith.constant 2 : i32
    %dma_start3A_38 = arith.constant 0 : i32
    %dma_start3A_39 = arith.constant 0 : i32
    %dma_start3A_40 = tpu.memref_slice %arg11[%dma_start3A_36, %dma_start3A_37, %dma_start3A_38, %dma_start3A_39] : memref<2x5x16x256xi32, #tpu.memory_space<vmem>> -> memref<1x1x16x256xi32, #tpu.memory_space<vmem>>
    %dma_start3A_41 = tpu.memref_squeeze %dma_start3A_40 : memref<1x1x16x256xi32, #tpu.memory_space<vmem>> -> memref<16x256xi32, #tpu.memory_space<vmem>>
    %dma_start3A_42 = arith.constant 0 : i32
    %dma_start3A_43 = arith.constant 0 : i32
    %dma_start3A_44 = tpu.memref_slice %arg2[%dma_start3A_42, %dma_start3A_43] : memref<4096x256xi32, #tpu.memory_space<hbm>> -> memref<4096x256xi32, #tpu.memory_space<hbm>>
    tpu.enqueue_indirect_dma source(%dma_start3A_44 : memref<4096x256xi32, #tpu.memory_space<hbm>>) target(%dma_start3A_41 : memref<16x256xi32, #tpu.memory_space<vmem>>) offsets(%gather3A_35 : vector<16xi32>) semaphore(%arg13 : memref<!tpu.dma_semaphore, #tpu.memory_space<semaphore_mem>>)
    %add3A_45 = arith.constant 0 : i32
    %add3A_46 = vector.broadcast %add3A_45 : i32 to vector<16xi32>
    %add3A_47 = arith.addi %add3A_46, %iota3A : vector<16xi32>
    %broadcast_in_dim3A_48 = arith.constant 3 : i32
    %broadcast_in_dim3A_49 = vector.broadcast %broadcast_in_dim3A_48 : i32 to vector<16xi32>
    %gather3A_50 = tpu.vector_load_idx %arg7[%add3A_47, %broadcast_in_dim3A_49] : memref<256x8xi32, #tpu.memory_space<vmem>>[vector<16xi32>, vector<16xi32>], vector<16xi32>,
    %dma_start3A_51 = arith.constant 0 : i32
    %dma_start3A_52 = arith.constant 3 : i32
    %dma_start3A_53 = arith.constant 0 : i32
    %dma_start3A_54 = arith.constant 0 : i32
    %dma_start3A_55 = tpu.memref_slice %arg11[%dma_start3A_51, %dma_start3A_52, %dma_start3A_53, %dma_start3A_54] : memref<2x5x16x256xi32, #tpu.memory_space<vmem>> -> memref<1x1x16x256xi32, #tpu.memory_space<vmem>>
    %dma_start3A_56 = tpu.memref_squeeze %dma_start3A_55 : memref<1x1x16x256xi32, #tpu.memory_space<vmem>> -> memref<16x256xi32, #tpu.memory_space<vmem>>
    %dma_start3A_57 = arith.constant 0 : i32
    %dma_start3A_58 = arith.constant 0 : i32
    %dma_start3A_59 = tpu.memref_slice %arg2[%dma_start3A_57, %dma_start3A_58] : memref<4096x256xi32, #tpu.memory_space<hbm>> -> memref<4096x256xi32, #tpu.memory_space<hbm>>
    tpu.enqueue_indirect_dma source(%dma_start3A_59 : memref<4096x256xi32, #tpu.memory_space<hbm>>) target(%dma_start3A_56 : memref<16x256xi32, #tpu.memory_space<vmem>>) offsets(%gather3A_50 : vector<16xi32>) semaphore(%arg13 : memref<!tpu.dma_semaphore, #tpu.memory_space<semaphore_mem>>)
    %add3A_60 = arith.constant 0 : i32
    %add3A_61 = vector.broadcast %add3A_60 : i32 to vector<16xi32>
    %add3A_62 = arith.addi %add3A_61, %iota3A : vector<16xi32>
    %broadcast_in_dim3A_63 = arith.constant 4 : i32
    %broadcast_in_dim3A_64 = vector.broadcast %broadcast_in_dim3A_63 : i32 to vector<16xi32>
    %gather3A_65 = tpu.vector_load_idx %arg7[%add3A_62, %broadcast_in_dim3A_64] : memref<256x8xi32, #tpu.memory_space<vmem>>[vector<16xi32>, vector<16xi32>], vector<16xi32>,
    %dma_start3A_66 = arith.constant 0 : i32
    %dma_start3A_67 = arith.constant 4 : i32
    %dma_start3A_68 = arith.constant 0 : i32
    %dma_start3A_69 = arith.constant 0 : i32
    %dma_start3A_70 = tpu.memref_slice %arg11[%dma_start3A_66, %dma_start3A_67, %dma_start3A_68, %dma_start3A_69] : memref<2x5x16x256xi32, #tpu.memory_space<vmem>> -> memref<1x1x16x256xi32, #tpu.memory_space<vmem>>
    %dma_start3A_71 = tpu.memref_squeeze %dma_start3A_70 : memref<1x1x16x256xi32, #tpu.memory_space<vmem>> -> memref<16x256xi32, #tpu.memory_space<vmem>>
    %dma_start3A_72 = arith.constant 0 : i32
    %dma_start3A_73 = arith.constant 0 : i32
    %dma_start3A_74 = tpu.memref_slice %arg2[%dma_start3A_72, %dma_start3A_73] : memref<4096x256xi32, #tpu.memory_space<hbm>> -> memref<4096x256xi32, #tpu.memory_space<hbm>>
    tpu.enqueue_indirect_dma source(%dma_start3A_74 : memref<4096x256xi32, #tpu.memory_space<hbm>>) target(%dma_start3A_71 : memref<16x256xi32, #tpu.memory_space<vmem>>) offsets(%gather3A_65 : vector<16xi32>) semaphore(%arg13 : memref<!tpu.dma_semaphore, #tpu.memory_space<semaphore_mem>>)
    %scan3A = arith.constant 0 : i32
    %scan3A_75 = arith.constant 0 : i32
    %scan3A_76 = arith.constant 16 : i32
    %scan3A_77 = arith.addi %scan3A_75, %scan3A_76 : i32
    %scan3A_78 = arith.constant 1 : i32
    scf.for %scan3A_80 = %scan3A_75 to %scan3A_77 step %scan3A_78  : i32 {
      %mul3A_81 = arith.constant 16 : i32
      %mul3A_82 = arith.muli %scan3A_80, %mul3A_81 : i32
      %rem3A = arith.constant 2 : i32
      %rem3A_83 = arith.remsi %scan3A_80, %rem3A : i32
      %dma_wait3A = arith.constant 0 : i32
      %dma_wait3A_84 = arith.constant 0 : i32
      %dma_wait3A_85 = arith.constant 0 : i32
      %dma_wait3A_86 = tpu.memref_slice %arg11[%rem3A_83, %dma_wait3A, %dma_wait3A_84, %dma_wait3A_85] : memref<2x5x16x256xi32, #tpu.memory_space<vmem>> -> memref<1x1x16x256xi32, #tpu.memory_space<vmem>>
      %dma_wait3A_87 = tpu.memref_squeeze %dma_wait3A_86 : memref<1x1x16x256xi32, #tpu.memory_space<vmem>> -> memref<16x256xi32, #tpu.memory_space<vmem>>
      %dma_wait3A_88 = arith.constant 0 : i32
      %dma_wait3A_89 = arith.constant 0 : i32
      %dma_wait3A_90 = tpu.memref_slice %arg2[%dma_wait3A_88, %dma_wait3A_89] : memref<4096x256xi32, #tpu.memory_space<hbm>> -> memref<16x256xi32, #tpu.memory_space<hbm>>
      %dma_wait3A_91 = arith.constant 0 : i32
      %dma_wait3A_92 = arith.constant 0 : i32
      %dma_wait3A_93 = tpu.memref_slice %arg11[%rem3A_83, %dma_wait3A, %dma_wait3A_91, %dma_wait3A_92] : memref<2x5x16x256xi32, #tpu.memory_space<vmem>> -> memref<1x1x16x256xi32, #tpu.memory_space<vmem>>
      %dma_wait3A_94 = tpu.memref_squeeze %dma_wait3A_93 : memref<1x1x16x256xi32, #tpu.memory_space<vmem>> -> memref<16x256xi32, #tpu.memory_space<vmem>>
      %dma_wait3A_95 = arith.constant 0 : i32
      %dma_wait3A_96 = arith.constant 0 : i32
      %dma_wait3A_97 = tpu.memref_slice %arg2[%dma_wait3A_95, %dma_wait3A_96] : memref<4096x256xi32, #tpu.memory_space<hbm>> -> memref<16x256xi32, #tpu.memory_space<hbm>>
      tpu.wait_dma2 semaphore(%arg13 : memref<!tpu.dma_semaphore, #tpu.memory_space<semaphore_mem>>) src(%dma_wait3A_97 : memref<16x256xi32, #tpu.memory_space<hbm>>) dst(%dma_wait3A_94 : memref<16x256xi32, #tpu.memory_space<vmem>>)
      %dma_wait3A_98 = arith.constant 1 : i32
      %dma_wait3A_99 = arith.constant 0 : i32
      %dma_wait3A_100 = arith.constant 0 : i32
      %dma_wait3A_101 = tpu.memref_slice %arg11[%rem3A_83, %dma_wait3A_98, %dma_wait3A_99, %dma_wait3A_100] : memref<2x5x16x256xi32, #tpu.memory_space<vmem>> -> memref<1x1x16x256xi32, #tpu.memory_space<vmem>>
      %dma_wait3A_102 = tpu.memref_squeeze %dma_wait3A_101 : memref<1x1x16x256xi32, #tpu.memory_space<vmem>> -> memref<16x256xi32, #tpu.memory_space<vmem>>
      %dma_wait3A_103 = arith.constant 0 : i32
      %dma_wait3A_104 = arith.constant 0 : i32
      %dma_wait3A_105 = tpu.memref_slice %arg2[%dma_wait3A_103, %dma_wait3A_104] : memref<4096x256xi32, #tpu.memory_space<hbm>> -> memref<16x256xi32, #tpu.memory_space<hbm>>
      %dma_wait3A_106 = arith.constant 0 : i32
      %dma_wait3A_107 = arith.constant 0 : i32
      %dma_wait3A_108 = tpu.memref_slice %arg11[%rem3A_83, %dma_wait3A_98, %dma_wait3A_106, %dma_wait3A_107] : memref<2x5x16x256xi32, #tpu.memory_space<vmem>> -> memref<1x1x16x256xi32, #tpu.memory_space<vmem>>
      %dma_wait3A_109 = tpu.memref_squeeze %dma_wait3A_108 : memref<1x1x16x256xi32, #tpu.memory_space<vmem>> -> memref<16x256xi32, #tpu.memory_space<vmem>>
      %dma_wait3A_110 = arith.constant 0 : i32
      %dma_wait3A_111 = arith.constant 0 : i32
      %dma_wait3A_112 = tpu.memref_slice %arg2[%dma_wait3A_110, %dma_wait3A_111] : memref<4096x256xi32, #tpu.memory_space<hbm>> -> memref<16x256xi32, #tpu.memory_space<hbm>>
      tpu.wait_dma2 semaphore(%arg13 : memref<!tpu.dma_semaphore, #tpu.memory_space<semaphore_mem>>) src(%dma_wait3A_112 : memref<16x256xi32, #tpu.memory_space<hbm>>) dst(%dma_wait3A_109 : memref<16x256xi32, #tpu.memory_space<vmem>>)
      %dma_wait3A_113 = arith.constant 2 : i32
      %dma_wait3A_114 = arith.constant 0 : i32
      %dma_wait3A_115 = arith.constant 0 : i32
      %dma_wait3A_116 = tpu.memref_slice %arg11[%rem3A_83, %dma_wait3A_113, %dma_wait3A_114, %dma_wait3A_115] : memref<2x5x16x256xi32, #tpu.memory_space<vmem>> -> memref<1x1x16x256xi32, #tpu.memory_space<vmem>>
      %dma_wait3A_117 = tpu.memref_squeeze %dma_wait3A_116 : memref<1x1x16x256xi32, #tpu.memory_space<vmem>> -> memref<16x256xi32, #tpu.memory_space<vmem>>
      %dma_wait3A_118 = arith.constant 0 : i32
      %dma_wait3A_119 = arith.constant 0 : i32
      %dma_wait3A_120 = tpu.memref_slice %arg2[%dma_wait3A_118, %dma_wait3A_119] : memref<4096x256xi32, #tpu.memory_space<hbm>> -> memref<16x256xi32, #tpu.memory_space<hbm>>
      %dma_wait3A_121 = arith.constant 0 : i32
      %dma_wait3A_122 = arith.constant 0 : i32
      %dma_wait3A_123 = tpu.memref_slice %arg11[%rem3A_83, %dma_wait3A_113, %dma_wait3A_121, %dma_wait3A_122] : memref<2x5x16x256xi32, #tpu.memory_space<vmem>> -> memref<1x1x16x256xi32, #tpu.memory_space<vmem>>
      %dma_wait3A_124 = tpu.memref_squeeze %dma_wait3A_123 : memref<1x1x16x256xi32, #tpu.memory_space<vmem>> -> memref<16x256xi32, #tpu.memory_space<vmem>>
      %dma_wait3A_125 = arith.constant 0 : i32
      %dma_wait3A_126 = arith.constant 0 : i32
      %dma_wait3A_127 = tpu.memref_slice %arg2[%dma_wait3A_125, %dma_wait3A_126] : memref<4096x256xi32, #tpu.memory_space<hbm>> -> memref<16x256xi32, #tpu.memory_space<hbm>>
      tpu.wait_dma2 semaphore(%arg13 : memref<!tpu.dma_semaphore, #tpu.memory_space<semaphore_mem>>) src(%dma_wait3A_127 : memref<16x256xi32, #tpu.memory_space<hbm>>) dst(%dma_wait3A_124 : memref<16x256xi32, #tpu.memory_space<vmem>>)
      %dma_wait3A_128 = arith.constant 3 : i32
      %dma_wait3A_129 = arith.constant 0 : i32
      %dma_wait3A_130 = arith.constant 0 : i32
      %dma_wait3A_131 = tpu.memref_slice %arg11[%rem3A_83, %dma_wait3A_128, %dma_wait3A_129, %dma_wait3A_130] : memref<2x5x16x256xi32, #tpu.memory_space<vmem>> -> memref<1x1x16x256xi32, #tpu.memory_space<vmem>>
      %dma_wait3A_132 = tpu.memref_squeeze %dma_wait3A_131 : memref<1x1x16x256xi32, #tpu.memory_space<vmem>> -> memref<16x256xi32, #tpu.memory_space<vmem>>
      %dma_wait3A_133 = arith.constant 0 : i32
      %dma_wait3A_134 = arith.constant 0 : i32
      %dma_wait3A_135 = tpu.memref_slice %arg2[%dma_wait3A_133, %dma_wait3A_134] : memref<4096x256xi32, #tpu.memory_space<hbm>> -> memref<16x256xi32, #tpu.memory_space<hbm>>
      %dma_wait3A_136 = arith.constant 0 : i32
      %dma_wait3A_137 = arith.constant 0 : i32
      %dma_wait3A_138 = tpu.memref_slice %arg11[%rem3A_83, %dma_wait3A_128, %dma_wait3A_136, %dma_wait3A_137] : memref<2x5x16x256xi32, #tpu.memory_space<vmem>> -> memref<1x1x16x256xi32, #tpu.memory_space<vmem>>
      %dma_wait3A_139 = tpu.memref_squeeze %dma_wait3A_138 : memref<1x1x16x256xi32, #tpu.memory_space<vmem>> -> memref<16x256xi32, #tpu.memory_space<vmem>>
      %dma_wait3A_140 = arith.constant 0 : i32
      %dma_wait3A_141 = arith.constant 0 : i32
      %dma_wait3A_142 = tpu.memref_slice %arg2[%dma_wait3A_140, %dma_wait3A_141] : memref<4096x256xi32, #tpu.memory_space<hbm>> -> memref<16x256xi32, #tpu.memory_space<hbm>>
      tpu.wait_dma2 semaphore(%arg13 : memref<!tpu.dma_semaphore, #tpu.memory_space<semaphore_mem>>) src(%dma_wait3A_142 : memref<16x256xi32, #tpu.memory_space<hbm>>) dst(%dma_wait3A_139 : memref<16x256xi32, #tpu.memory_space<vmem>>)
      %dma_wait3A_143 = arith.constant 4 : i32
      %dma_wait3A_144 = arith.constant 0 : i32
      %dma_wait3A_145 = arith.constant 0 : i32
      %dma_wait3A_146 = tpu.memref_slice %arg11[%rem3A_83, %dma_wait3A_143, %dma_wait3A_144, %dma_wait3A_145] : memref<2x5x16x256xi32, #tpu.memory_space<vmem>> -> memref<1x1x16x256xi32, #tpu.memory_space<vmem>>
      %dma_wait3A_147 = tpu.memref_squeeze %dma_wait3A_146 : memref<1x1x16x256xi32, #tpu.memory_space<vmem>> -> memref<16x256xi32, #tpu.memory_space<vmem>>
      %dma_wait3A_148 = arith.constant 0 : i32
      %dma_wait3A_149 = arith.constant 0 : i32
      %dma_wait3A_150 = tpu.memref_slice %arg2[%dma_wait3A_148, %dma_wait3A_149] : memref<4096x256xi32, #tpu.memory_space<hbm>> -> memref<16x256xi32, #tpu.memory_space<hbm>>
      %dma_wait3A_151 = arith.constant 0 : i32
      %dma_wait3A_152 = arith.constant 0 : i32
      %dma_wait3A_153 = tpu.memref_slice %arg11[%rem3A_83, %dma_wait3A_143, %dma_wait3A_151, %dma_wait3A_152] : memref<2x5x16x256xi32, #tpu.memory_space<vmem>> -> memref<1x1x16x256xi32, #tpu.memory_space<vmem>>
      %dma_wait3A_154 = tpu.memref_squeeze %dma_wait3A_153 : memref<1x1x16x256xi32, #tpu.memory_space<vmem>> -> memref<16x256xi32, #tpu.memory_space<vmem>>
      %dma_wait3A_155 = arith.constant 0 : i32
      %dma_wait3A_156 = arith.constant 0 : i32
      %dma_wait3A_157 = tpu.memref_slice %arg2[%dma_wait3A_155, %dma_wait3A_156] : memref<4096x256xi32, #tpu.memory_space<hbm>> -> memref<16x256xi32, #tpu.memory_space<hbm>>
      tpu.wait_dma2 semaphore(%arg13 : memref<!tpu.dma_semaphore, #tpu.memory_space<semaphore_mem>>) src(%dma_wait3A_157 : memref<16x256xi32, #tpu.memory_space<hbm>>) dst(%dma_wait3A_154 : memref<16x256xi32, #tpu.memory_space<vmem>>)
      %add3A_158 = arith.constant 1 : i32
      %add3A_159 = arith.addi %scan3A_80, %add3A_158 : i32
      %lt3A = arith.constant 16 : i32
      %lt3A_160 = arith.cmpi slt, %add3A_159, %lt3A : i32
      %convert_element_type3A = arith.extui %lt3A_160 : i1 to i32
      %cond3A = arith.constant 0 : i32
      %cond3A_161 = arith.cmpi ne, %convert_element_type3A, %cond3A : i32
      scf.if %cond3A_161 {
        %add3A_339 = arith.constant 1 : i32
        %add3A_340 = arith.addi %scan3A_80, %add3A_339 : i32
        %sub3A_341 = arith.constant 1 : i32
        %sub3A_342 = arith.subi %sub3A_341, %rem3A_83 : i32
        %mul3A_343 = arith.constant 16 : i32
        %mul3A_344 = arith.muli %add3A_340, %mul3A_343 : i32
        %add3A_345 = vector.broadcast %mul3A_344 : i32 to vector<16xi32>
        %add3A_346 = arith.addi %add3A_345, %iota3A : vector<16xi32>
        %broadcast_in_dim3A_347 = arith.constant 0 : i32
        %broadcast_in_dim3A_348 = vector.broadcast %broadcast_in_dim3A_347 : i32 to vector<16xi32>
        %gather3A_349 = tpu.vector_load_idx %arg7[%add3A_346, %broadcast_in_dim3A_348] : memref<256x8xi32, #tpu.memory_space<vmem>>[vector<16xi32>, vector<16xi32>], vector<16xi32>,
        %dma_start3A_350 = arith.constant 0 : i32
        %dma_start3A_351 = arith.constant 0 : i32
        %dma_start3A_352 = arith.constant 0 : i32
        %dma_start3A_353 = tpu.memref_slice %arg11[%sub3A_342, %dma_start3A_350, %dma_start3A_351, %dma_start3A_352] : memref<2x5x16x256xi32, #tpu.memory_space<vmem>> -> memref<1x1x16x256xi32, #tpu.memory_space<vmem>>
        %dma_start3A_354 = tpu.memref_squeeze %dma_start3A_353 : memref<1x1x16x256xi32, #tpu.memory_space<vmem>> -> memref<16x256xi32, #tpu.memory_space<vmem>>
        %dma_start3A_355 = arith.constant 0 : i32
        %dma_start3A_356 = arith.constant 0 : i32
        %dma_start3A_357 = tpu.memref_slice %arg2[%dma_start3A_355, %dma_start3A_356] : memref<4096x256xi32, #tpu.memory_space<hbm>> -> memref<4096x256xi32, #tpu.memory_space<hbm>>
        tpu.enqueue_indirect_dma source(%dma_start3A_357 : memref<4096x256xi32, #tpu.memory_space<hbm>>) target(%dma_start3A_354 : memref<16x256xi32, #tpu.memory_space<vmem>>) offsets(%gather3A_349 : vector<16xi32>) semaphore(%arg13 : memref<!tpu.dma_semaphore, #tpu.memory_space<semaphore_mem>>)
        %add3A_358 = vector.broadcast %mul3A_344 : i32 to vector<16xi32>
        %add3A_359 = arith.addi %add3A_358, %iota3A : vector<16xi32>
        %broadcast_in_dim3A_360 = arith.constant 1 : i32
        %broadcast_in_dim3A_361 = vector.broadcast %broadcast_in_dim3A_360 : i32 to vector<16xi32>
        %gather3A_362 = tpu.vector_load_idx %arg7[%add3A_359, %broadcast_in_dim3A_361] : memref<256x8xi32, #tpu.memory_space<vmem>>[vector<16xi32>, vector<16xi32>], vector<16xi32>,
        %dma_start3A_363 = arith.constant 1 : i32
        %dma_start3A_364 = arith.constant 0 : i32
        %dma_start3A_365 = arith.constant 0 : i32
        %dma_start3A_366 = tpu.memref_slice %arg11[%sub3A_342, %dma_start3A_363, %dma_start3A_364, %dma_start3A_365] : memref<2x5x16x256xi32, #tpu.memory_space<vmem>> -> memref<1x1x16x256xi32, #tpu.memory_space<vmem>>
        %dma_start3A_367 = tpu.memref_squeeze %dma_start3A_366 : memref<1x1x16x256xi32, #tpu.memory_space<vmem>> -> memref<16x256xi32, #tpu.memory_space<vmem>>
        %dma_start3A_368 = arith.constant 0 : i32
        %dma_start3A_369 = arith.constant 0 : i32
        %dma_start3A_370 = tpu.memref_slice %arg2[%dma_start3A_368, %dma_start3A_369] : memref<4096x256xi32, #tpu.memory_space<hbm>> -> memref<4096x256xi32, #tpu.memory_space<hbm>>
        tpu.enqueue_indirect_dma source(%dma_start3A_370 : memref<4096x256xi32, #tpu.memory_space<hbm>>) target(%dma_start3A_367 : memref<16x256xi32, #tpu.memory_space<vmem>>) offsets(%gather3A_362 : vector<16xi32>) semaphore(%arg13 : memref<!tpu.dma_semaphore, #tpu.memory_space<semaphore_mem>>)
        %add3A_371 = vector.broadcast %mul3A_344 : i32 to vector<16xi32>
        %add3A_372 = arith.addi %add3A_371, %iota3A : vector<16xi32>
        %broadcast_in_dim3A_373 = arith.constant 2 : i32
        %broadcast_in_dim3A_374 = vector.broadcast %broadcast_in_dim3A_373 : i32 to vector<16xi32>
        %gather3A_375 = tpu.vector_load_idx %arg7[%add3A_372, %broadcast_in_dim3A_374] : memref<256x8xi32, #tpu.memory_space<vmem>>[vector<16xi32>, vector<16xi32>], vector<16xi32>,
        %dma_start3A_376 = arith.constant 2 : i32
        %dma_start3A_377 = arith.constant 0 : i32
        %dma_start3A_378 = arith.constant 0 : i32
        %dma_start3A_379 = tpu.memref_slice %arg11[%sub3A_342, %dma_start3A_376, %dma_start3A_377, %dma_start3A_378] : memref<2x5x16x256xi32, #tpu.memory_space<vmem>> -> memref<1x1x16x256xi32, #tpu.memory_space<vmem>>
        %dma_start3A_380 = tpu.memref_squeeze %dma_start3A_379 : memref<1x1x16x256xi32, #tpu.memory_space<vmem>> -> memref<16x256xi32, #tpu.memory_space<vmem>>
        %dma_start3A_381 = arith.constant 0 : i32
        %dma_start3A_382 = arith.constant 0 : i32
        %dma_start3A_383 = tpu.memref_slice %arg2[%dma_start3A_381, %dma_start3A_382] : memref<4096x256xi32, #tpu.memory_space<hbm>> -> memref<4096x256xi32, #tpu.memory_space<hbm>>
        tpu.enqueue_indirect_dma source(%dma_start3A_383 : memref<4096x256xi32, #tpu.memory_space<hbm>>) target(%dma_start3A_380 : memref<16x256xi32, #tpu.memory_space<vmem>>) offsets(%gather3A_375 : vector<16xi32>) semaphore(%arg13 : memref<!tpu.dma_semaphore, #tpu.memory_space<semaphore_mem>>)
        %add3A_384 = vector.broadcast %mul3A_344 : i32 to vector<16xi32>
        %add3A_385 = arith.addi %add3A_384, %iota3A : vector<16xi32>
        %broadcast_in_dim3A_386 = arith.constant 3 : i32
        %broadcast_in_dim3A_387 = vector.broadcast %broadcast_in_dim3A_386 : i32 to vector<16xi32>
        %gather3A_388 = tpu.vector_load_idx %arg7[%add3A_385, %broadcast_in_dim3A_387] : memref<256x8xi32, #tpu.memory_space<vmem>>[vector<16xi32>, vector<16xi32>], vector<16xi32>,
        %dma_start3A_389 = arith.constant 3 : i32
        %dma_start3A_390 = arith.constant 0 : i32
        %dma_start3A_391 = arith.constant 0 : i32
        %dma_start3A_392 = tpu.memref_slice %arg11[%sub3A_342, %dma_start3A_389, %dma_start3A_390, %dma_start3A_391] : memref<2x5x16x256xi32, #tpu.memory_space<vmem>> -> memref<1x1x16x256xi32, #tpu.memory_space<vmem>>
        %dma_start3A_393 = tpu.memref_squeeze %dma_start3A_392 : memref<1x1x16x256xi32, #tpu.memory_space<vmem>> -> memref<16x256xi32, #tpu.memory_space<vmem>>
        %dma_start3A_394 = arith.constant 0 : i32
        %dma_start3A_395 = arith.constant 0 : i32
        %dma_start3A_396 = tpu.memref_slice %arg2[%dma_start3A_394, %dma_start3A_395] : memref<4096x256xi32, #tpu.memory_space<hbm>> -> memref<4096x256xi32, #tpu.memory_space<hbm>>
        tpu.enqueue_indirect_dma source(%dma_start3A_396 : memref<4096x256xi32, #tpu.memory_space<hbm>>) target(%dma_start3A_393 : memref<16x256xi32, #tpu.memory_space<vmem>>) offsets(%gather3A_388 : vector<16xi32>) semaphore(%arg13 : memref<!tpu.dma_semaphore, #tpu.memory_space<semaphore_mem>>)
        %add3A_397 = vector.broadcast %mul3A_344 : i32 to vector<16xi32>
        %add3A_398 = arith.addi %add3A_397, %iota3A : vector<16xi32>
        %broadcast_in_dim3A_399 = arith.constant 4 : i32
        %broadcast_in_dim3A_400 = vector.broadcast %broadcast_in_dim3A_399 : i32 to vector<16xi32>
        %gather3A_401 = tpu.vector_load_idx %arg7[%add3A_398, %broadcast_in_dim3A_400] : memref<256x8xi32, #tpu.memory_space<vmem>>[vector<16xi32>, vector<16xi32>], vector<16xi32>,
        %dma_start3A_402 = arith.constant 4 : i32
        %dma_start3A_403 = arith.constant 0 : i32
        %dma_start3A_404 = arith.constant 0 : i32
        %dma_start3A_405 = tpu.memref_slice %arg11[%sub3A_342, %dma_start3A_402, %dma_start3A_403, %dma_start3A_404] : memref<2x5x16x256xi32, #tpu.memory_space<vmem>> -> memref<1x1x16x256xi32, #tpu.memory_space<vmem>>
        %dma_start3A_406 = tpu.memref_squeeze %dma_start3A_405 : memref<1x1x16x256xi32, #tpu.memory_space<vmem>> -> memref<16x256xi32, #tpu.memory_space<vmem>>
        %dma_start3A_407 = arith.constant 0 : i32
        %dma_start3A_408 = arith.constant 0 : i32
        %dma_start3A_409 = tpu.memref_slice %arg2[%dma_start3A_407, %dma_start3A_408] : memref<4096x256xi32, #tpu.memory_space<hbm>> -> memref<4096x256xi32, #tpu.memory_space<hbm>>
        tpu.enqueue_indirect_dma source(%dma_start3A_409 : memref<4096x256xi32, #tpu.memory_space<hbm>>) target(%dma_start3A_406 : memref<16x256xi32, #tpu.memory_space<vmem>>) offsets(%gather3A_401 : vector<16xi32>) semaphore(%arg13 : memref<!tpu.dma_semaphore, #tpu.memory_space<semaphore_mem>>)
      } else {
      }
      %add3A_162 = vector.broadcast %mul3A_82 : i32 to vector<16xi32>
      %add3A_163 = arith.addi %add3A_162, %iota3A : vector<16xi32>
      %broadcast_in_dim3A_164 = arith.constant 0 : i32
      %broadcast_in_dim3A_165 = vector.broadcast %broadcast_in_dim3A_164 : i32 to vector<16xi32>
      %gather3A_166 = tpu.vector_load_idx %arg8[%add3A_163, %broadcast_in_dim3A_165] : memref<256x3xf32, #tpu.memory_space<vmem>>[vector<16xi32>, vector<16xi32>], vector<16xf32>,
      %add3A_167 = vector.broadcast %mul3A_82 : i32 to vector<16xi32>
      %add3A_168 = arith.addi %add3A_167, %iota3A : vector<16xi32>
      %broadcast_in_dim3A_169 = arith.constant 1 : i32
      %broadcast_in_dim3A_170 = vector.broadcast %broadcast_in_dim3A_169 : i32 to vector<16xi32>
      %gather3A_171 = tpu.vector_load_idx %arg8[%add3A_168, %broadcast_in_dim3A_170] : memref<256x3xf32, #tpu.memory_space<vmem>>[vector<16xi32>, vector<16xi32>], vector<16xf32>,
      %add3A_172 = vector.broadcast %mul3A_82 : i32 to vector<16xi32>
      %add3A_173 = arith.addi %add3A_172, %iota3A : vector<16xi32>
      %broadcast_in_dim3A_174 = arith.constant 2 : i32
      %broadcast_in_dim3A_175 = vector.broadcast %broadcast_in_dim3A_174 : i32 to vector<16xi32>
      %gather3A_176 = tpu.vector_load_idx %arg8[%add3A_173, %broadcast_in_dim3A_175] : memref<256x3xf32, #tpu.memory_space<vmem>>[vector<16xi32>, vector<16xi32>], vector<16xf32>,
      %add3A_177 = vector.broadcast %mul3A_82 : i32 to vector<16xi32>
      %add3A_178 = arith.addi %add3A_177, %iota3A : vector<16xi32>
      %broadcast_in_dim3A_179 = arith.constant 0 : i32
      %broadcast_in_dim3A_180 = vector.broadcast %broadcast_in_dim3A_179 : i32 to vector<16xi32>
      %gather3A_181 = tpu.vector_load_idx %arg7[%add3A_178, %broadcast_in_dim3A_180] : memref<256x8xi32, #tpu.memory_space<vmem>>[vector<16xi32>, vector<16xi32>], vector<16xi32>,
      %broadcast_in_dim3A_182 = arith.constant 0 : i32
      %broadcast_in_dim3A_183 = vector.broadcast %broadcast_in_dim3A_182 : i32 to vector<16xi32>
      %gather3A_184 = tpu.vector_load_idx %arg9[%broadcast_in_dim3A_183, %gather3A_181] : memref<3x4096xf32, #tpu.memory_space<vmem>>[vector<16xi32>, vector<16xi32>], vector<16xf32>,
      %sub3A = arith.subf %gather3A_184, %gather3A_166 : vector<16xf32>
      %broadcast_in_dim3A_185 = arith.constant 1 : i32
      %broadcast_in_dim3A_186 = vector.broadcast %broadcast_in_dim3A_185 : i32 to vector<16xi32>
      %gather3A_187 = tpu.vector_load_idx %arg9[%broadcast_in_dim3A_186, %gather3A_181] : memref<3x4096xf32, #tpu.memory_space<vmem>>[vector<16xi32>, vector<16xi32>], vector<16xf32>,
      %sub3A_188 = arith.subf %gather3A_187, %gather3A_171 : vector<16xf32>
      %broadcast_in_dim3A_189 = arith.constant 2 : i32
      %broadcast_in_dim3A_190 = vector.broadcast %broadcast_in_dim3A_189 : i32 to vector<16xi32>
      %gather3A_191 = tpu.vector_load_idx %arg9[%broadcast_in_dim3A_190, %gather3A_181] : memref<3x4096xf32, #tpu.memory_space<vmem>>[vector<16xi32>, vector<16xi32>], vector<16xf32>,
      %sub3A_192 = arith.subf %gather3A_191, %gather3A_176 : vector<16xf32>
      %mul3A_193 = arith.mulf %sub3A, %sub3A : vector<16xf32>
      %mul3A_194 = arith.mulf %sub3A_188, %sub3A_188 : vector<16xf32>
      %add3A_195 = arith.addf %mul3A_193, %mul3A_194 : vector<16xf32>
      %mul3A_196 = arith.mulf %sub3A_192, %sub3A_192 : vector<16xf32>
      %add3A_197 = arith.addf %add3A_195, %mul3A_196 : vector<16xf32>
      %max3A = arith.constant 1.000000e-10 : f32
      %max3A_198 = vector.broadcast %max3A : f32 to vector<16xf32>
      %max3A_199 = arith.maximumf %add3A_197, %max3A_198 : vector<16xf32>
      %div3A = arith.constant 1.000000e+00 : f32
      %div3A_200 = vector.broadcast %div3A : f32 to vector<16xf32>
      %div3A_201 = arith.divf %div3A_200, %max3A_199 : vector<16xf32>
      %add3A_202 = vector.broadcast %mul3A_82 : i32 to vector<16xi32>
      %add3A_203 = arith.addi %add3A_202, %iota3A : vector<16xi32>
      %broadcast_in_dim3A_204 = arith.constant 1 : i32
      %broadcast_in_dim3A_205 = vector.broadcast %broadcast_in_dim3A_204 : i32 to vector<16xi32>
      %gather3A_206 = tpu.vector_load_idx %arg7[%add3A_203, %broadcast_in_dim3A_205] : memref<256x8xi32, #tpu.memory_space<vmem>>[vector<16xi32>, vector<16xi32>], vector<16xi32>,
      %broadcast_in_dim3A_207 = arith.constant 0 : i32
      %broadcast_in_dim3A_208 = vector.broadcast %broadcast_in_dim3A_207 : i32 to vector<16xi32>
      %gather3A_209 = tpu.vector_load_idx %arg9[%broadcast_in_dim3A_208, %gather3A_206] : memref<3x4096xf32, #tpu.memory_space<vmem>>[vector<16xi32>, vector<16xi32>], vector<16xf32>,
      %sub3A_210 = arith.subf %gather3A_209, %gather3A_166 : vector<16xf32>
      %broadcast_in_dim3A_211 = arith.constant 1 : i32
      %broadcast_in_dim3A_212 = vector.broadcast %broadcast_in_dim3A_211 : i32 to vector<16xi32>
      %gather3A_213 = tpu.vector_load_idx %arg9[%broadcast_in_dim3A_212, %gather3A_206] : memref<3x4096xf32, #tpu.memory_space<vmem>>[vector<16xi32>, vector<16xi32>], vector<16xf32>,
      %sub3A_214 = arith.subf %gather3A_213, %gather3A_171 : vector<16xf32>
      %broadcast_in_dim3A_215 = arith.constant 2 : i32
      %broadcast_in_dim3A_216 = vector.broadcast %broadcast_in_dim3A_215 : i32 to vector<16xi32>
      %gather3A_217 = tpu.vector_load_idx %arg9[%broadcast_in_dim3A_216, %gather3A_206] : memref<3x4096xf32, #tpu.memory_space<vmem>>[vector<16xi32>, vector<16xi32>], vector<16xf32>,
      %sub3A_218 = arith.subf %gather3A_217, %gather3A_176 : vector<16xf32>
      %mul3A_219 = arith.mulf %sub3A_210, %sub3A_210 : vector<16xf32>
      %mul3A_220 = arith.mulf %sub3A_214, %sub3A_214 : vector<16xf32>
      %add3A_221 = arith.addf %mul3A_219, %mul3A_220 : vector<16xf32>
      %mul3A_222 = arith.mulf %sub3A_218, %sub3A_218 : vector<16xf32>
      %add3A_223 = arith.addf %add3A_221, %mul3A_222 : vector<16xf32>
      %max3A_224 = arith.constant 1.000000e-10 : f32
      %max3A_225 = vector.broadcast %max3A_224 : f32 to vector<16xf32>
      %max3A_226 = arith.maximumf %add3A_223, %max3A_225 : vector<16xf32>
      %div3A_227 = arith.constant 1.000000e+00 : f32
      %div3A_228 = vector.broadcast %div3A_227 : f32 to vector<16xf32>
      %div3A_229 = arith.divf %div3A_228, %max3A_226 : vector<16xf32>
      %add3A_230 = vector.broadcast %mul3A_82 : i32 to vector<16xi32>
      %add3A_231 = arith.addi %add3A_230, %iota3A : vector<16xi32>
      %broadcast_in_dim3A_232 = arith.constant 2 : i32
      %broadcast_in_dim3A_233 = vector.broadcast %broadcast_in_dim3A_232 : i32 to vector<16xi32>
      %gather3A_234 = tpu.vector_load_idx %arg7[%add3A_231, %broadcast_in_dim3A_233] : memref<256x8xi32, #tpu.memory_space<vmem>>[vector<16xi32>, vector<16xi32>], vector<16xi32>,
      %broadcast_in_dim3A_235 = arith.constant 0 : i32
      %broadcast_in_dim3A_236 = vector.broadcast %broadcast_in_dim3A_235 : i32 to vector<16xi32>
      %gather3A_237 = tpu.vector_load_idx %arg9[%broadcast_in_dim3A_236, %gather3A_234] : memref<3x4096xf32, #tpu.memory_space<vmem>>[vector<16xi32>, vector<16xi32>], vector<16xf32>,
      %sub3A_238 = arith.subf %gather3A_237, %gather3A_166 : vector<16xf32>
      %broadcast_in_dim3A_239 = arith.constant 1 : i32
      %broadcast_in_dim3A_240 = vector.broadcast %broadcast_in_dim3A_239 : i32 to vector<16xi32>
      %gather3A_241 = tpu.vector_load_idx %arg9[%broadcast_in_dim3A_240, %gather3A_234] : memref<3x4096xf32, #tpu.memory_space<vmem>>[vector<16xi32>, vector<16xi32>], vector<16xf32>,
      %sub3A_242 = arith.subf %gather3A_241, %gather3A_171 : vector<16xf32>
      %broadcast_in_dim3A_243 = arith.constant 2 : i32
      %broadcast_in_dim3A_244 = vector.broadcast %broadcast_in_dim3A_243 : i32 to vector<16xi32>
      %gather3A_245 = tpu.vector_load_idx %arg9[%broadcast_in_dim3A_244, %gather3A_234] : memref<3x4096xf32, #tpu.memory_space<vmem>>[vector<16xi32>, vector<16xi32>], vector<16xf32>,
      %sub3A_246 = arith.subf %gather3A_245, %gather3A_176 : vector<16xf32>
      %mul3A_247 = arith.mulf %sub3A_238, %sub3A_238 : vector<16xf32>
      %mul3A_248 = arith.mulf %sub3A_242, %sub3A_242 : vector<16xf32>
      %add3A_249 = arith.addf %mul3A_247, %mul3A_248 : vector<16xf32>
      %mul3A_250 = arith.mulf %sub3A_246, %sub3A_246 : vector<16xf32>
      %add3A_251 = arith.addf %add3A_249, %mul3A_250 : vector<16xf32>
      %max3A_252 = arith.constant 1.000000e-10 : f32
      %max3A_253 = vector.broadcast %max3A_252 : f32 to vector<16xf32>
      %max3A_254 = arith.maximumf %add3A_251, %max3A_253 : vector<16xf32>
      %div3A_255 = arith.constant 1.000000e+00 : f32
      %div3A_256 = vector.broadcast %div3A_255 : f32 to vector<16xf32>
      %div3A_257 = arith.divf %div3A_256, %max3A_254 : vector<16xf32>
      %add3A_258 = vector.broadcast %mul3A_82 : i32 to vector<16xi32>
      %add3A_259 = arith.addi %add3A_258, %iota3A : vector<16xi32>
      %broadcast_in_dim3A_260 = arith.constant 3 : i32
      %broadcast_in_dim3A_261 = vector.broadcast %broadcast_in_dim3A_260 : i32 to vector<16xi32>
      %gather3A_262 = tpu.vector_load_idx %arg7[%add3A_259, %broadcast_in_dim3A_261] : memref<256x8xi32, #tpu.memory_space<vmem>>[vector<16xi32>, vector<16xi32>], vector<16xi32>,
      %broadcast_in_dim3A_263 = arith.constant 0 : i32
      %broadcast_in_dim3A_264 = vector.broadcast %broadcast_in_dim3A_263 : i32 to vector<16xi32>
      %gather3A_265 = tpu.vector_load_idx %arg9[%broadcast_in_dim3A_264, %gather3A_262] : memref<3x4096xf32, #tpu.memory_space<vmem>>[vector<16xi32>, vector<16xi32>], vector<16xf32>,
      %sub3A_266 = arith.subf %gather3A_265, %gather3A_166 : vector<16xf32>
      %broadcast_in_dim3A_267 = arith.constant 1 : i32
      %broadcast_in_dim3A_268 = vector.broadcast %broadcast_in_dim3A_267 : i32 to vector<16xi32>
      %gather3A_269 = tpu.vector_load_idx %arg9[%broadcast_in_dim3A_268, %gather3A_262] : memref<3x4096xf32, #tpu.memory_space<vmem>>[vector<16xi32>, vector<16xi32>], vector<16xf32>,
      %sub3A_270 = arith.subf %gather3A_269, %gather3A_171 : vector<16xf32>
      %broadcast_in_dim3A_271 = arith.constant 2 : i32
      %broadcast_in_dim3A_272 = vector.broadcast %broadcast_in_dim3A_271 : i32 to vector<16xi32>
      %gather3A_273 = tpu.vector_load_idx %arg9[%broadcast_in_dim3A_272, %gather3A_262] : memref<3x4096xf32, #tpu.memory_space<vmem>>[vector<16xi32>, vector<16xi32>], vector<16xf32>,
      %sub3A_274 = arith.subf %gather3A_273, %gather3A_176 : vector<16xf32>
      %mul3A_275 = arith.mulf %sub3A_266, %sub3A_266 : vector<16xf32>
      %mul3A_276 = arith.mulf %sub3A_270, %sub3A_270 : vector<16xf32>
      %add3A_277 = arith.addf %mul3A_275, %mul3A_276 : vector<16xf32>
      %mul3A_278 = arith.mulf %sub3A_274, %sub3A_274 : vector<16xf32>
      %add3A_279 = arith.addf %add3A_277, %mul3A_278 : vector<16xf32>
      %max3A_280 = arith.constant 1.000000e-10 : f32
      %max3A_281 = vector.broadcast %max3A_280 : f32 to vector<16xf32>
      %max3A_282 = arith.maximumf %add3A_279, %max3A_281 : vector<16xf32>
      %div3A_283 = arith.constant 1.000000e+00 : f32
      %div3A_284 = vector.broadcast %div3A_283 : f32 to vector<16xf32>
      %div3A_285 = arith.divf %div3A_284, %max3A_282 : vector<16xf32>
      %add3A_286 = vector.broadcast %mul3A_82 : i32 to vector<16xi32>
      %add3A_287 = arith.addi %add3A_286, %iota3A : vector<16xi32>
      %broadcast_in_dim3A_288 = arith.constant 4 : i32
      %broadcast_in_dim3A_289 = vector.broadcast %broadcast_in_dim3A_288 : i32 to vector<16xi32>
      %gather3A_290 = tpu.vector_load_idx %arg7[%add3A_287, %broadcast_in_dim3A_289] : memref<256x8xi32, #tpu.memory_space<vmem>>[vector<16xi32>, vector<16xi32>], vector<16xi32>,
      %broadcast_in_dim3A_291 = arith.constant 0 : i32
      %broadcast_in_dim3A_292 = vector.broadcast %broadcast_in_dim3A_291 : i32 to vector<16xi32>
      %gather3A_293 = tpu.vector_load_idx %arg9[%broadcast_in_dim3A_292, %gather3A_290] : memref<3x4096xf32, #tpu.memory_space<vmem>>[vector<16xi32>, vector<16xi32>], vector<16xf32>,
      %sub3A_294 = arith.subf %gather3A_293, %gather3A_166 : vector<16xf32>
      %broadcast_in_dim3A_295 = arith.constant 1 : i32
      %broadcast_in_dim3A_296 = vector.broadcast %broadcast_in_dim3A_295 : i32 to vector<16xi32>
      %gather3A_297 = tpu.vector_load_idx %arg9[%broadcast_in_dim3A_296, %gather3A_290] : memref<3x4096xf32, #tpu.memory_space<vmem>>[vector<16xi32>, vector<16xi32>], vector<16xf32>,
      %sub3A_298 = arith.subf %gather3A_297, %gather3A_171 : vector<16xf32>
      %broadcast_in_dim3A_299 = arith.constant 2 : i32
      %broadcast_in_dim3A_300 = vector.broadcast %broadcast_in_dim3A_299 : i32 to vector<16xi32>
      %gather3A_301 = tpu.vector_load_idx %arg9[%broadcast_in_dim3A_300, %gather3A_290] : memref<3x4096xf32, #tpu.memory_space<vmem>>[vector<16xi32>, vector<16xi32>], vector<16xf32>,
      %sub3A_302 = arith.subf %gather3A_301, %gather3A_176 : vector<16xf32>
      %mul3A_303 = arith.mulf %sub3A_294, %sub3A_294 : vector<16xf32>
      %mul3A_304 = arith.mulf %sub3A_298, %sub3A_298 : vector<16xf32>
      %add3A_305 = arith.addf %mul3A_303, %mul3A_304 : vector<16xf32>
      %mul3A_306 = arith.mulf %sub3A_302, %sub3A_302 : vector<16xf32>
      %add3A_307 = arith.addf %add3A_305, %mul3A_306 : vector<16xf32>
      %max3A_308 = arith.constant 1.000000e-10 : f32
      %max3A_309 = vector.broadcast %max3A_308 : f32 to vector<16xf32>
      %max3A_310 = arith.maximumf %add3A_307, %max3A_309 : vector<16xf32>
      %div3A_311 = arith.constant 1.000000e+00 : f32
      %div3A_312 = vector.broadcast %div3A_311 : f32 to vector<16xf32>
      %div3A_313 = arith.divf %div3A_312, %max3A_310 : vector<16xf32>
      %add3A_314 = arith.addf %div3A_201, %div3A_229 : vector<16xf32>
      %add3A_315 = arith.addf %div3A_257, %div3A_285 : vector<16xf32>
      %add3A_316 = arith.addf %add3A_314, %add3A_315 : vector<16xf32>
      %add3A_317 = arith.addf %add3A_316, %div3A_313 : vector<16xf32>
      %div3A_318 = arith.divf %div3A_201, %add3A_317 : vector<16xf32>
      %swap3A = arith.constant 0 : index
      %swap3A_319 = tpu.vector_load %arg10[%swap3A] {strides = array<i32>} : memref<80xf32, #tpu.memory_space<vmem>>, vector<16xf32>,
      tpu.vector_store %arg10[%swap3A], %div3A_318 {strides = array<i32>} : memref<80xf32, #tpu.memory_space<vmem>>, vector<16xf32>,
      %div3A_320 = arith.divf %div3A_229, %add3A_317 : vector<16xf32>
      %swap3A_321 = arith.constant 16 : index
      %swap3A_322 = tpu.vector_load %arg10[%swap3A_321] {strides = array<i32>} : memref<80xf32, #tpu.memory_space<vmem>>, vector<16xf32>,
      tpu.vector_store %arg10[%swap3A_321], %div3A_320 {strides = array<i32>} : memref<80xf32, #tpu.memory_space<vmem>>, vector<16xf32>,
      %div3A_323 = arith.divf %div3A_257, %add3A_317 : vector<16xf32>
      %swap3A_324 = arith.constant 32 : index
      %swap3A_325 = tpu.vector_load %arg10[%swap3A_324] {strides = array<i32>} : memref<80xf32, #tpu.memory_space<vmem>>, vector<16xf32>,
      tpu.vector_store %arg10[%swap3A_324], %div3A_323 {strides = array<i32>} : memref<80xf32, #tpu.memory_space<vmem>>, vector<16xf32>,
      %div3A_326 = arith.divf %div3A_285, %add3A_317 : vector<16xf32>
      %swap3A_327 = arith.constant 48 : index
      %swap3A_328 = tpu.vector_load %arg10[%swap3A_327] {strides = array<i32>} : memref<80xf32, #tpu.memory_space<vmem>>, vector<16xf32>,
      tpu.vector_store %arg10[%swap3A_327], %div3A_326 {strides = array<i32>} : memref<80xf32, #tpu.memory_space<vmem>>, vector<16xf32>,
      %div3A_329 = arith.divf %div3A_313, %add3A_317 : vector<16xf32>
      %swap3A_330 = arith.constant 64 : index
      %swap3A_331 = tpu.vector_load %arg10[%swap3A_330] {strides = array<i32>} : memref<80xf32, #tpu.memory_space<vmem>>, vector<16xf32>,
      tpu.vector_store %arg10[%swap3A_330], %div3A_329 {strides = array<i32>} : memref<80xf32, #tpu.memory_space<vmem>>, vector<16xf32>,
      %scan3A_332 = arith.constant 0 : i32
      %scan3A_333 = arith.constant 0 : i32
      %scan3A_334 = arith.constant 16 : i32
      %scan3A_335 = arith.addi %scan3A_333, %scan3A_334 : i32
      %scan3A_336 = arith.constant 1 : i32
      scf.for %scan3A_339 = %scan3A_333 to %scan3A_335 step %scan3A_336  : i32 {
        %add3A_340 = arith.constant 0 : i32
        %add3A_341 = arith.addi %add3A_340, %scan3A_339 : i32
        %broadcast_in_dim3A_342 = vector.broadcast %add3A_341 : i32 to vector<16xi32>
        %gather3A_343 = tpu.vector_load_idx %arg10[%broadcast_in_dim3A_342] : memref<80xf32, #tpu.memory_space<vmem>>[vector<16xi32>], vector<16xf32>,
        %pack3A = tpu.pack_subelements %gather3A_343, %gather3A_343 {pack_format = #tpu.pack_format<interleaved>, positions = array<i32: 0, 1>} : vector<16xf32>, vector<16xf32> -> vector<32xbf16>
        %add3A_344 = arith.constant 16 : i32
        %add3A_345 = arith.addi %add3A_344, %scan3A_339 : i32
        %broadcast_in_dim3A_346 = vector.broadcast %add3A_345 : i32 to vector<16xi32>
        %gather3A_347 = tpu.vector_load_idx %arg10[%broadcast_in_dim3A_346] : memref<80xf32, #tpu.memory_space<vmem>>[vector<16xi32>], vector<16xf32>,
        %pack3A_348 = tpu.pack_subelements %gather3A_347, %gather3A_347 {pack_format = #tpu.pack_format<interleaved>, positions = array<i32: 0, 1>} : vector<16xf32>, vector<16xf32> -> vector<32xbf16>
        %add3A_349 = arith.constant 32 : i32
        %add3A_350 = arith.addi %add3A_349, %scan3A_339 : i32
        %broadcast_in_dim3A_351 = vector.broadcast %add3A_350 : i32 to vector<16xi32>
        %gather3A_352 = tpu.vector_load_idx %arg10[%broadcast_in_dim3A_351] : memref<80xf32, #tpu.memory_space<vmem>>[vector<16xi32>], vector<16xf32>,
        %pack3A_353 = tpu.pack_subelements %gather3A_352, %gather3A_352 {pack_format = #tpu.pack_format<interleaved>, positions = array<i32: 0, 1>} : vector<16xf32>, vector<16xf32> -> vector<32xbf16>
        %add3A_354 = arith.constant 48 : i32
        %add3A_355 = arith.addi %add3A_354, %scan3A_339 : i32
        %broadcast_in_dim3A_356 = vector.broadcast %add3A_355 : i32 to vector<16xi32>
        %gather3A_357 = tpu.vector_load_idx %arg10[%broadcast_in_dim3A_356] : memref<80xf32, #tpu.memory_space<vmem>>[vector<16xi32>], vector<16xf32>,
        %pack3A_358 = tpu.pack_subelements %gather3A_357, %gather3A_357 {pack_format = #tpu.pack_format<interleaved>, positions = array<i32: 0, 1>} : vector<16xf32>, vector<16xf32> -> vector<32xbf16>
        %add3A_359 = arith.constant 64 : i32
        %add3A_360 = arith.addi %add3A_359, %scan3A_339 : i32
        %broadcast_in_dim3A_361 = vector.broadcast %add3A_360 : i32 to vector<16xi32>
        %gather3A_362 = tpu.vector_load_idx %arg10[%broadcast_in_dim3A_361] : memref<80xf32, #tpu.memory_space<vmem>>[vector<16xi32>], vector<16xf32>,
        %pack3A_363 = tpu.pack_subelements %gather3A_362, %gather3A_362 {pack_format = #tpu.pack_format<interleaved>, positions = array<i32: 0, 1>} : vector<16xf32>, vector<16xf32> -> vector<32xbf16>
        %get3A = arith.constant 0 : i32
        %get3A_364 = arith.index_cast %rem3A_83 : i32 to index
        %get3A_365 = arith.index_cast %get3A : i32 to index
        %get3A_366 = arith.index_cast %scan3A_339 : i32 to index
        %get3A_367 = arith.constant 0 : index
        %get3A_368 = tpu.vector_load %arg11[%get3A_364, %get3A_365, %get3A_366, %get3A_367] {strides = array<i32>} : memref<2x5x16x256xi32, #tpu.memory_space<vmem>>, vector<16xi32>,
        %bitcast3A = vector.bitcast %get3A_368 : vector<16xi32> to vector<32xbf16>
        %mul3A_369 = arith.mulf %pack3A, %bitcast3A : vector<32xbf16>
        %get3A_370 = arith.constant 1 : i32
        %get3A_371 = arith.index_cast %rem3A_83 : i32 to index
        %get3A_372 = arith.index_cast %get3A_370 : i32 to index
        %get3A_373 = arith.index_cast %scan3A_339 : i32 to index
        %get3A_374 = arith.constant 0 : index
        %get3A_375 = tpu.vector_load %arg11[%get3A_371, %get3A_372, %get3A_373, %get3A_374] {strides = array<i32>} : memref<2x5x16x256xi32, #tpu.memory_space<vmem>>, vector<16xi32>,
        %bitcast3A_376 = vector.bitcast %get3A_375 : vector<16xi32> to vector<32xbf16>
        %mul3A_377 = arith.mulf %pack3A_348, %bitcast3A_376 : vector<32xbf16>
        %add3A_378 = arith.addf %mul3A_369, %mul3A_377 : vector<32xbf16>
        %get3A_379 = arith.constant 2 : i32
        %get3A_380 = arith.index_cast %rem3A_83 : i32 to index
        %get3A_381 = arith.index_cast %get3A_379 : i32 to index
        %get3A_382 = arith.index_cast %scan3A_339 : i32 to index
        %get3A_383 = arith.constant 0 : index
        %get3A_384 = tpu.vector_load %arg11[%get3A_380, %get3A_381, %get3A_382, %get3A_383] {strides = array<i32>} : memref<2x5x16x256xi32, #tpu.memory_space<vmem>>, vector<16xi32>,
        %bitcast3A_385 = vector.bitcast %get3A_384 : vector<16xi32> to vector<32xbf16>
        %mul3A_386 = arith.mulf %pack3A_353, %bitcast3A_385 : vector<32xbf16>
        %add3A_387 = arith.addf %add3A_378, %mul3A_386 : vector<32xbf16>
        %get3A_388 = arith.constant 3 : i32
        %get3A_389 = arith.index_cast %rem3A_83 : i32 to index
        %get3A_390 = arith.index_cast %get3A_388 : i32 to index
        %get3A_391 = arith.index_cast %scan3A_339 : i32 to index
        %get3A_392 = arith.constant 0 : index
        %get3A_393 = tpu.vector_load %arg11[%get3A_389, %get3A_390, %get3A_391, %get3A_392] {strides = array<i32>} : memref<2x5x16x256xi32, #tpu.memory_space<vmem>>, vector<16xi32>,
        %bitcast3A_394 = vector.bitcast %get3A_393 : vector<16xi32> to vector<32xbf16>
        %mul3A_395 = arith.mulf %pack3A_358, %bitcast3A_394 : vector<32xbf16>
        %add3A_396 = arith.addf %add3A_387, %mul3A_395 : vector<32xbf16>
        %get3A_397 = arith.constant 4 : i32
        %get3A_398 = arith.index_cast %rem3A_83 : i32 to index
        %get3A_399 = arith.index_cast %get3A_397 : i32 to index
        %get3A_400 = arith.index_cast %scan3A_339 : i32 to index
        %get3A_401 = arith.constant 0 : index
        %get3A_402 = tpu.vector_load %arg11[%get3A_398, %get3A_399, %get3A_400, %get3A_401] {strides = array<i32>} : memref<2x5x16x256xi32, #tpu.memory_space<vmem>>, vector<16xi32>,
        %bitcast3A_403 = vector.bitcast %get3A_402 : vector<16xi32> to vector<32xbf16>
        %mul3A_404 = arith.mulf %pack3A_363, %bitcast3A_403 : vector<32xbf16>
        %add3A_405 = arith.addf %add3A_396, %mul3A_404 : vector<32xbf16>
        %bitcast3A_406 = vector.bitcast %add3A_405 : vector<32xbf16> to vector<16xi32>
        %swap3A_407 = arith.index_cast %scan3A_339 : i32 to index
        %swap3A_408 = arith.constant 0 : index
        %swap3A_409 = tpu.vector_load %arg12[%swap3A_407, %swap3A_408] {strides = array<i32>} : memref<16x256xi32, #tpu.memory_space<vmem>>, vector<16xi32>,
        tpu.vector_store %arg12[%swap3A_407, %swap3A_408], %bitcast3A_406 {strides = array<i32>} : memref<16x256xi32, #tpu.memory_space<vmem>>, vector<16xi32>,
        %get3A_410 = arith.constant 0 : i32
        %get3A_411 = arith.index_cast %rem3A_83 : i32 to index
        %get3A_412 = arith.index_cast %get3A_410 : i32 to index
        %get3A_413 = arith.index_cast %scan3A_339 : i32 to index
        %get3A_414 = arith.constant 16 : index
        %get3A_415 = tpu.vector_load %arg11[%get3A_411, %get3A_412, %get3A_413, %get3A_414] {strides = array<i32>} : memref<2x5x16x256xi32, #tpu.memory_space<vmem>>, vector<16xi32>,
        %bitcast3A_416 = vector.bitcast %get3A_415 : vector<16xi32> to vector<32xbf16>
        %mul3A_417 = arith.mulf %pack3A, %bitcast3A_416 : vector<32xbf16>
        %get3A_418 = arith.constant 1 : i32
        %get3A_419 = arith.index_cast %rem3A_83 : i32 to index
        %get3A_420 = arith.index_cast %get3A_418 : i32 to index
        %get3A_421 = arith.index_cast %scan3A_339 : i32 to index
        %get3A_422 = arith.constant 16 : index
        %get3A_423 = tpu.vector_load %arg11[%get3A_419, %get3A_420, %get3A_421, %get3A_422] {strides = array<i32>} : memref<2x5x16x256xi32, #tpu.memory_space<vmem>>, vector<16xi32>,
        %bitcast3A_424 = vector.bitcast %get3A_423 : vector<16xi32> to vector<32xbf16>
        %mul3A_425 = arith.mulf %pack3A_348, %bitcast3A_424 : vector<32xbf16>
        %add3A_426 = arith.addf %mul3A_417, %mul3A_425 : vector<32xbf16>
        %get3A_427 = arith.constant 2 : i32
        %get3A_428 = arith.index_cast %rem3A_83 : i32 to index
        %get3A_429 = arith.index_cast %get3A_427 : i32 to index
        %get3A_430 = arith.index_cast %scan3A_339 : i32 to index
        %get3A_431 = arith.constant 16 : index
        %get3A_432 = tpu.vector_load %arg11[%get3A_428, %get3A_429, %get3A_430, %get3A_431] {strides = array<i32>} : memref<2x5x16x256xi32, #tpu.memory_space<vmem>>, vector<16xi32>,
        %bitcast3A_433 = vector.bitcast %get3A_432 : vector<16xi32> to vector<32xbf16>
        %mul3A_434 = arith.mulf %pack3A_353, %bitcast3A_433 : vector<32xbf16>
        %add3A_435 = arith.addf %add3A_426, %mul3A_434 : vector<32xbf16>
        %get3A_436 = arith.constant 3 : i32
        %get3A_437 = arith.index_cast %rem3A_83 : i32 to index
        %get3A_438 = arith.index_cast %get3A_436 : i32 to index
        %get3A_439 = arith.index_cast %scan3A_339 : i32 to index
        %get3A_440 = arith.constant 16 : index
        %get3A_441 = tpu.vector_load %arg11[%get3A_437, %get3A_438, %get3A_439, %get3A_440] {strides = array<i32>} : memref<2x5x16x256xi32, #tpu.memory_space<vmem>>, vector<16xi32>,
        %bitcast3A_442 = vector.bitcast %get3A_441 : vector<16xi32> to vector<32xbf16>
        %mul3A_443 = arith.mulf %pack3A_358, %bitcast3A_442 : vector<32xbf16>
        %add3A_444 = arith.addf %add3A_435, %mul3A_443 : vector<32xbf16>
        %get3A_445 = arith.constant 4 : i32
        %get3A_446 = arith.index_cast %rem3A_83 : i32 to index
        %get3A_447 = arith.index_cast %get3A_445 : i32 to index
        %get3A_448 = arith.index_cast %scan3A_339 : i32 to index
        %get3A_449 = arith.constant 16 : index
        %get3A_450 = tpu.vector_load %arg11[%get3A_446, %get3A_447, %get3A_448, %get3A_449] {strides = array<i32>} : memref<2x5x16x256xi32, #tpu.memory_space<vmem>>, vector<16xi32>,
        %bitcast3A_451 = vector.bitcast %get3A_450 : vector<16xi32> to vector<32xbf16>
        %mul3A_452 = arith.mulf %pack3A_363, %bitcast3A_451 : vector<32xbf16>
        %add3A_453 = arith.addf %add3A_444, %mul3A_452 : vector<32xbf16>
        %bitcast3A_454 = vector.bitcast %add3A_453 : vector<32xbf16> to vector<16xi32>
        %swap3A_455 = arith.index_cast %scan3A_339 : i32 to index
        %swap3A_456 = arith.constant 16 : index
        %swap3A_457 = tpu.vector_load %arg12[%swap3A_455, %swap3A_456] {strides = array<i32>} : memref<16x256xi32, #tpu.memory_space<vmem>>, vector<16xi32>,
        tpu.vector_store %arg12[%swap3A_455, %swap3A_456], %bitcast3A_454 {strides = array<i32>} : memref<16x256xi32, #tpu.memory_space<vmem>>, vector<16xi32>,
        %get3A_458 = arith.constant 0 : i32
        %get3A_459 = arith.index_cast %rem3A_83 : i32 to index
        %get3A_460 = arith.index_cast %get3A_458 : i32 to index
        %get3A_461 = arith.index_cast %scan3A_339 : i32 to index
        %get3A_462 = arith.constant 32 : index
        %get3A_463 = tpu.vector_load %arg11[%get3A_459, %get3A_460, %get3A_461, %get3A_462] {strides = array<i32>} : memref<2x5x16x256xi32, #tpu.memory_space<vmem>>, vector<16xi32>,
        %bitcast3A_464 = vector.bitcast %get3A_463 : vector<16xi32> to vector<32xbf16>
        %mul3A_465 = arith.mulf %pack3A, %bitcast3A_464 : vector<32xbf16>
        %get3A_466 = arith.constant 1 : i32
        %get3A_467 = arith.index_cast %rem3A_83 : i32 to index
        %get3A_468 = arith.index_cast %get3A_466 : i32 to index
        %get3A_469 = arith.index_cast %scan3A_339 : i32 to index
        %get3A_470 = arith.constant 32 : index
        %get3A_471 = tpu.vector_load %arg11[%get3A_467, %get3A_468, %get3A_469, %get3A_470] {strides = array<i32>} : memref<2x5x16x256xi32, #tpu.memory_space<vmem>>, vector<16xi32>,
        %bitcast3A_472 = vector.bitcast %get3A_471 : vector<16xi32> to vector<32xbf16>
        %mul3A_473 = arith.mulf %pack3A_348, %bitcast3A_472 : vector<32xbf16>
        %add3A_474 = arith.addf %mul3A_465, %mul3A_473 : vector<32xbf16>
        %get3A_475 = arith.constant 2 : i32
        %get3A_476 = arith.index_cast %rem3A_83 : i32 to index
        %get3A_477 = arith.index_cast %get3A_475 : i32 to index
        %get3A_478 = arith.index_cast %scan3A_339 : i32 to index
        %get3A_479 = arith.constant 32 : index
        %get3A_480 = tpu.vector_load %arg11[%get3A_476, %get3A_477, %get3A_478, %get3A_479] {strides = array<i32>} : memref<2x5x16x256xi32, #tpu.memory_space<vmem>>, vector<16xi32>,
        %bitcast3A_481 = vector.bitcast %get3A_480 : vector<16xi32> to vector<32xbf16>
        %mul3A_482 = arith.mulf %pack3A_353, %bitcast3A_481 : vector<32xbf16>
        %add3A_483 = arith.addf %add3A_474, %mul3A_482 : vector<32xbf16>
        %get3A_484 = arith.constant 3 : i32
        %get3A_485 = arith.index_cast %rem3A_83 : i32 to index
        %get3A_486 = arith.index_cast %get3A_484 : i32 to index
        %get3A_487 = arith.index_cast %scan3A_339 : i32 to index
        %get3A_488 = arith.constant 32 : index
        %get3A_489 = tpu.vector_load %arg11[%get3A_485, %get3A_486, %get3A_487, %get3A_488] {strides = array<i32>} : memref<2x5x16x256xi32, #tpu.memory_space<vmem>>, vector<16xi32>,
        %bitcast3A_490 = vector.bitcast %get3A_489 : vector<16xi32> to vector<32xbf16>
        %mul3A_491 = arith.mulf %pack3A_358, %bitcast3A_490 : vector<32xbf16>
        %add3A_492 = arith.addf %add3A_483, %mul3A_491 : vector<32xbf16>
        %get3A_493 = arith.constant 4 : i32
        %get3A_494 = arith.index_cast %rem3A_83 : i32 to index
        %get3A_495 = arith.index_cast %get3A_493 : i32 to index
        %get3A_496 = arith.index_cast %scan3A_339 : i32 to index
        %get3A_497 = arith.constant 32 : index
        %get3A_498 = tpu.vector_load %arg11[%get3A_494, %get3A_495, %get3A_496, %get3A_497] {strides = array<i32>} : memref<2x5x16x256xi32, #tpu.memory_space<vmem>>, vector<16xi32>,
        %bitcast3A_499 = vector.bitcast %get3A_498 : vector<16xi32> to vector<32xbf16>
        %mul3A_500 = arith.mulf %pack3A_363, %bitcast3A_499 : vector<32xbf16>
        %add3A_501 = arith.addf %add3A_492, %mul3A_500 : vector<32xbf16>
        %bitcast3A_502 = vector.bitcast %add3A_501 : vector<32xbf16> to vector<16xi32>
        %swap3A_503 = arith.index_cast %scan3A_339 : i32 to index
        %swap3A_504 = arith.constant 32 : index
        %swap3A_505 = tpu.vector_load %arg12[%swap3A_503, %swap3A_504] {strides = array<i32>} : memref<16x256xi32, #tpu.memory_space<vmem>>, vector<16xi32>,
        tpu.vector_store %arg12[%swap3A_503, %swap3A_504], %bitcast3A_502 {strides = array<i32>} : memref<16x256xi32, #tpu.memory_space<vmem>>, vector<16xi32>,
        %get3A_506 = arith.constant 0 : i32
        %get3A_507 = arith.index_cast %rem3A_83 : i32 to index
        %get3A_508 = arith.index_cast %get3A_506 : i32 to index
        %get3A_509 = arith.index_cast %scan3A_339 : i32 to index
        %get3A_510 = arith.constant 48 : index
        %get3A_511 = tpu.vector_load %arg11[%get3A_507, %get3A_508, %get3A_509, %get3A_510] {strides = array<i32>} : memref<2x5x16x256xi32, #tpu.memory_space<vmem>>, vector<16xi32>,
        %bitcast3A_512 = vector.bitcast %get3A_511 : vector<16xi32> to vector<32xbf16>
        %mul3A_513 = arith.mulf %pack3A, %bitcast3A_512 : vector<32xbf16>
        %get3A_514 = arith.constant 1 : i32
        %get3A_515 = arith.index_cast %rem3A_83 : i32 to index
        %get3A_516 = arith.index_cast %get3A_514 : i32 to index
        %get3A_517 = arith.index_cast %scan3A_339 : i32 to index
        %get3A_518 = arith.constant 48 : index
        %get3A_519 = tpu.vector_load %arg11[%get3A_515, %get3A_516, %get3A_517, %get3A_518] {strides = array<i32>} : memref<2x5x16x256xi32, #tpu.memory_space<vmem>>, vector<16xi32>,
        %bitcast3A_520 = vector.bitcast %get3A_519 : vector<16xi32> to vector<32xbf16>
        %mul3A_521 = arith.mulf %pack3A_348, %bitcast3A_520 : vector<32xbf16>
        %add3A_522 = arith.addf %mul3A_513, %mul3A_521 : vector<32xbf16>
        %get3A_523 = arith.constant 2 : i32
        %get3A_524 = arith.index_cast %rem3A_83 : i32 to index
        %get3A_525 = arith.index_cast %get3A_523 : i32 to index
        %get3A_526 = arith.index_cast %scan3A_339 : i32 to index
        %get3A_527 = arith.constant 48 : index
        %get3A_528 = tpu.vector_load %arg11[%get3A_524, %get3A_525, %get3A_526, %get3A_527] {strides = array<i32>} : memref<2x5x16x256xi32, #tpu.memory_space<vmem>>, vector<16xi32>,
        %bitcast3A_529 = vector.bitcast %get3A_528 : vector<16xi32> to vector<32xbf16>
        %mul3A_530 = arith.mulf %pack3A_353, %bitcast3A_529 : vector<32xbf16>
        %add3A_531 = arith.addf %add3A_522, %mul3A_530 : vector<32xbf16>
        %get3A_532 = arith.constant 3 : i32
        %get3A_533 = arith.index_cast %rem3A_83 : i32 to index
        %get3A_534 = arith.index_cast %get3A_532 : i32 to index
        %get3A_535 = arith.index_cast %scan3A_339 : i32 to index
        %get3A_536 = arith.constant 48 : index
        %get3A_537 = tpu.vector_load %arg11[%get3A_533, %get3A_534, %get3A_535, %get3A_536] {strides = array<i32>} : memref<2x5x16x256xi32, #tpu.memory_space<vmem>>, vector<16xi32>,
        %bitcast3A_538 = vector.bitcast %get3A_537 : vector<16xi32> to vector<32xbf16>
        %mul3A_539 = arith.mulf %pack3A_358, %bitcast3A_538 : vector<32xbf16>
        %add3A_540 = arith.addf %add3A_531, %mul3A_539 : vector<32xbf16>
        %get3A_541 = arith.constant 4 : i32
        %get3A_542 = arith.index_cast %rem3A_83 : i32 to index
        %get3A_543 = arith.index_cast %get3A_541 : i32 to index
        %get3A_544 = arith.index_cast %scan3A_339 : i32 to index
        %get3A_545 = arith.constant 48 : index
        %get3A_546 = tpu.vector_load %arg11[%get3A_542, %get3A_543, %get3A_544, %get3A_545] {strides = array<i32>} : memref<2x5x16x256xi32, #tpu.memory_space<vmem>>, vector<16xi32>,
        %bitcast3A_547 = vector.bitcast %get3A_546 : vector<16xi32> to vector<32xbf16>
        %mul3A_548 = arith.mulf %pack3A_363, %bitcast3A_547 : vector<32xbf16>
        %add3A_549 = arith.addf %add3A_540, %mul3A_548 : vector<32xbf16>
        %bitcast3A_550 = vector.bitcast %add3A_549 : vector<32xbf16> to vector<16xi32>
        %swap3A_551 = arith.index_cast %scan3A_339 : i32 to index
        %swap3A_552 = arith.constant 48 : index
        %swap3A_553 = tpu.vector_load %arg12[%swap3A_551, %swap3A_552] {strides = array<i32>} : memref<16x256xi32, #tpu.memory_space<vmem>>, vector<16xi32>,
        tpu.vector_store %arg12[%swap3A_551, %swap3A_552], %bitcast3A_550 {strides = array<i32>} : memref<16x256xi32, #tpu.memory_space<vmem>>, vector<16xi32>,
        %get3A_554 = arith.constant 0 : i32
        %get3A_555 = arith.index_cast %rem3A_83 : i32 to index
        %get3A_556 = arith.index_cast %get3A_554 : i32 to index
        %get3A_557 = arith.index_cast %scan3A_339 : i32 to index
        %get3A_558 = arith.constant 64 : index
        %get3A_559 = tpu.vector_load %arg11[%get3A_555, %get3A_556, %get3A_557, %get3A_558] {strides = array<i32>} : memref<2x5x16x256xi32, #tpu.memory_space<vmem>>, vector<16xi32>,
        %bitcast3A_560 = vector.bitcast %get3A_559 : vector<16xi32> to vector<32xbf16>
        %mul3A_561 = arith.mulf %pack3A, %bitcast3A_560 : vector<32xbf16>
        %get3A_562 = arith.constant 1 : i32
        %get3A_563 = arith.index_cast %rem3A_83 : i32 to index
        %get3A_564 = arith.index_cast %get3A_562 : i32 to index
        %get3A_565 = arith.index_cast %scan3A_339 : i32 to index
        %get3A_566 = arith.constant 64 : index
        %get3A_567 = tpu.vector_load %arg11[%get3A_563, %get3A_564, %get3A_565, %get3A_566] {strides = array<i32>} : memref<2x5x16x256xi32, #tpu.memory_space<vmem>>, vector<16xi32>,
        %bitcast3A_568 = vector.bitcast %get3A_567 : vector<16xi32> to vector<32xbf16>
        %mul3A_569 = arith.mulf %pack3A_348, %bitcast3A_568 : vector<32xbf16>
        %add3A_570 = arith.addf %mul3A_561, %mul3A_569 : vector<32xbf16>
        %get3A_571 = arith.constant 2 : i32
        %get3A_572 = arith.index_cast %rem3A_83 : i32 to index
        %get3A_573 = arith.index_cast %get3A_571 : i32 to index
        %get3A_574 = arith.index_cast %scan3A_339 : i32 to index
        %get3A_575 = arith.constant 64 : index
        %get3A_576 = tpu.vector_load %arg11[%get3A_572, %get3A_573, %get3A_574, %get3A_575] {strides = array<i32>} : memref<2x5x16x256xi32, #tpu.memory_space<vmem>>, vector<16xi32>,
        %bitcast3A_577 = vector.bitcast %get3A_576 : vector<16xi32> to vector<32xbf16>
        %mul3A_578 = arith.mulf %pack3A_353, %bitcast3A_577 : vector<32xbf16>
        %add3A_579 = arith.addf %add3A_570, %mul3A_578 : vector<32xbf16>
        %get3A_580 = arith.constant 3 : i32
        %get3A_581 = arith.index_cast %rem3A_83 : i32 to index
        %get3A_582 = arith.index_cast %get3A_580 : i32 to index
        %get3A_583 = arith.index_cast %scan3A_339 : i32 to index
        %get3A_584 = arith.constant 64 : index
        %get3A_585 = tpu.vector_load %arg11[%get3A_581, %get3A_582, %get3A_583, %get3A_584] {strides = array<i32>} : memref<2x5x16x256xi32, #tpu.memory_space<vmem>>, vector<16xi32>,
        %bitcast3A_586 = vector.bitcast %get3A_585 : vector<16xi32> to vector<32xbf16>
        %mul3A_587 = arith.mulf %pack3A_358, %bitcast3A_586 : vector<32xbf16>
        %add3A_588 = arith.addf %add3A_579, %mul3A_587 : vector<32xbf16>
        %get3A_589 = arith.constant 4 : i32
        %get3A_590 = arith.index_cast %rem3A_83 : i32 to index
        %get3A_591 = arith.index_cast %get3A_589 : i32 to index
        %get3A_592 = arith.index_cast %scan3A_339 : i32 to index
        %get3A_593 = arith.constant 64 : index
        %get3A_594 = tpu.vector_load %arg11[%get3A_590, %get3A_591, %get3A_592, %get3A_593] {strides = array<i32>} : memref<2x5x16x256xi32, #tpu.memory_space<vmem>>, vector<16xi32>,
        %bitcast3A_595 = vector.bitcast %get3A_594 : vector<16xi32> to vector<32xbf16>
        %mul3A_596 = arith.mulf %pack3A_363, %bitcast3A_595 : vector<32xbf16>
        %add3A_597 = arith.addf %add3A_588, %mul3A_596 : vector<32xbf16>
        %bitcast3A_598 = vector.bitcast %add3A_597 : vector<32xbf16> to vector<16xi32>
        %swap3A_599 = arith.index_cast %scan3A_339 : i32 to index
        %swap3A_600 = arith.constant 64 : index
        %swap3A_601 = tpu.vector_load %arg12[%swap3A_599, %swap3A_600] {strides = array<i32>} : memref<16x256xi32, #tpu.memory_space<vmem>>, vector<16xi32>,
        tpu.vector_store %arg12[%swap3A_599, %swap3A_600], %bitcast3A_598 {strides = array<i32>} : memref<16x256xi32, #tpu.memory_space<vmem>>, vector<16xi32>,
        %get3A_602 = arith.constant 0 : i32
        %get3A_603 = arith.index_cast %rem3A_83 : i32 to index
        %get3A_604 = arith.index_cast %get3A_602 : i32 to index
        %get3A_605 = arith.index_cast %scan3A_339 : i32 to index
        %get3A_606 = arith.constant 80 : index
        %get3A_607 = tpu.vector_load %arg11[%get3A_603, %get3A_604, %get3A_605, %get3A_606] {strides = array<i32>} : memref<2x5x16x256xi32, #tpu.memory_space<vmem>>, vector<16xi32>,
        %bitcast3A_608 = vector.bitcast %get3A_607 : vector<16xi32> to vector<32xbf16>
        %mul3A_609 = arith.mulf %pack3A, %bitcast3A_608 : vector<32xbf16>
        %get3A_610 = arith.constant 1 : i32
        %get3A_611 = arith.index_cast %rem3A_83 : i32 to index
        %get3A_612 = arith.index_cast %get3A_610 : i32 to index
        %get3A_613 = arith.index_cast %scan3A_339 : i32 to index
        %get3A_614 = arith.constant 80 : index
        %get3A_615 = tpu.vector_load %arg11[%get3A_611, %get3A_612, %get3A_613, %get3A_614] {strides = array<i32>} : memref<2x5x16x256xi32, #tpu.memory_space<vmem>>, vector<16xi32>,
        %bitcast3A_616 = vector.bitcast %get3A_615 : vector<16xi32> to vector<32xbf16>
        %mul3A_617 = arith.mulf %pack3A_348, %bitcast3A_616 : vector<32xbf16>
        %add3A_618 = arith.addf %mul3A_609, %mul3A_617 : vector<32xbf16>
        %get3A_619 = arith.constant 2 : i32
        %get3A_620 = arith.index_cast %rem3A_83 : i32 to index
        %get3A_621 = arith.index_cast %get3A_619 : i32 to index
        %get3A_622 = arith.index_cast %scan3A_339 : i32 to index
        %get3A_623 = arith.constant 80 : index
        %get3A_624 = tpu.vector_load %arg11[%get3A_620, %get3A_621, %get3A_622, %get3A_623] {strides = array<i32>} : memref<2x5x16x256xi32, #tpu.memory_space<vmem>>, vector<16xi32>,
        %bitcast3A_625 = vector.bitcast %get3A_624 : vector<16xi32> to vector<32xbf16>
        %mul3A_626 = arith.mulf %pack3A_353, %bitcast3A_625 : vector<32xbf16>
        %add3A_627 = arith.addf %add3A_618, %mul3A_626 : vector<32xbf16>
        %get3A_628 = arith.constant 3 : i32
        %get3A_629 = arith.index_cast %rem3A_83 : i32 to index
        %get3A_630 = arith.index_cast %get3A_628 : i32 to index
        %get3A_631 = arith.index_cast %scan3A_339 : i32 to index
        %get3A_632 = arith.constant 80 : index
        %get3A_633 = tpu.vector_load %arg11[%get3A_629, %get3A_630, %get3A_631, %get3A_632] {strides = array<i32>} : memref<2x5x16x256xi32, #tpu.memory_space<vmem>>, vector<16xi32>,
        %bitcast3A_634 = vector.bitcast %get3A_633 : vector<16xi32> to vector<32xbf16>
        %mul3A_635 = arith.mulf %pack3A_358, %bitcast3A_634 : vector<32xbf16>
        %add3A_636 = arith.addf %add3A_627, %mul3A_635 : vector<32xbf16>
        %get3A_637 = arith.constant 4 : i32
        %get3A_638 = arith.index_cast %rem3A_83 : i32 to index
        %get3A_639 = arith.index_cast %get3A_637 : i32 to index
        %get3A_640 = arith.index_cast %scan3A_339 : i32 to index
        %get3A_641 = arith.constant 80 : index
        %get3A_642 = tpu.vector_load %arg11[%get3A_638, %get3A_639, %get3A_640, %get3A_641] {strides = array<i32>} : memref<2x5x16x256xi32, #tpu.memory_space<vmem>>, vector<16xi32>,
        %bitcast3A_643 = vector.bitcast %get3A_642 : vector<16xi32> to vector<32xbf16>
        %mul3A_644 = arith.mulf %pack3A_363, %bitcast3A_643 : vector<32xbf16>
        %add3A_645 = arith.addf %add3A_636, %mul3A_644 : vector<32xbf16>
        %bitcast3A_646 = vector.bitcast %add3A_645 : vector<32xbf16> to vector<16xi32>
        %swap3A_647 = arith.index_cast %scan3A_339 : i32 to index
        %swap3A_648 = arith.constant 80 : index
        %swap3A_649 = tpu.vector_load %arg12[%swap3A_647, %swap3A_648] {strides = array<i32>} : memref<16x256xi32, #tpu.memory_space<vmem>>, vector<16xi32>,
        tpu.vector_store %arg12[%swap3A_647, %swap3A_648], %bitcast3A_646 {strides = array<i32>} : memref<16x256xi32, #tpu.memory_space<vmem>>, vector<16xi32>,
        %get3A_650 = arith.constant 0 : i32
        %get3A_651 = arith.index_cast %rem3A_83 : i32 to index
        %get3A_652 = arith.index_cast %get3A_650 : i32 to index
        %get3A_653 = arith.index_cast %scan3A_339 : i32 to index
        %get3A_654 = arith.constant 96 : index
        %get3A_655 = tpu.vector_load %arg11[%get3A_651, %get3A_652, %get3A_653, %get3A_654] {strides = array<i32>} : memref<2x5x16x256xi32, #tpu.memory_space<vmem>>, vector<16xi32>,
        %bitcast3A_656 = vector.bitcast %get3A_655 : vector<16xi32> to vector<32xbf16>
        %mul3A_657 = arith.mulf %pack3A, %bitcast3A_656 : vector<32xbf16>
        %get3A_658 = arith.constant 1 : i32
        %get3A_659 = arith.index_cast %rem3A_83 : i32 to index
        %get3A_660 = arith.index_cast %get3A_658 : i32 to index
        %get3A_661 = arith.index_cast %scan3A_339 : i32 to index
        %get3A_662 = arith.constant 96 : index
        %get3A_663 = tpu.vector_load %arg11[%get3A_659, %get3A_660, %get3A_661, %get3A_662] {strides = array<i32>} : memref<2x5x16x256xi32, #tpu.memory_space<vmem>>, vector<16xi32>,
        %bitcast3A_664 = vector.bitcast %get3A_663 : vector<16xi32> to vector<32xbf16>
        %mul3A_665 = arith.mulf %pack3A_348, %bitcast3A_664 : vector<32xbf16>
        %add3A_666 = arith.addf %mul3A_657, %mul3A_665 : vector<32xbf16>
        %get3A_667 = arith.constant 2 : i32
        %get3A_668 = arith.index_cast %rem3A_83 : i32 to index
        %get3A_669 = arith.index_cast %get3A_667 : i32 to index
        %get3A_670 = arith.index_cast %scan3A_339 : i32 to index
        %get3A_671 = arith.constant 96 : index
        %get3A_672 = tpu.vector_load %arg11[%get3A_668, %get3A_669, %get3A_670, %get3A_671] {strides = array<i32>} : memref<2x5x16x256xi32, #tpu.memory_space<vmem>>, vector<16xi32>,
        %bitcast3A_673 = vector.bitcast %get3A_672 : vector<16xi32> to vector<32xbf16>
        %mul3A_674 = arith.mulf %pack3A_353, %bitcast3A_673 : vector<32xbf16>
        %add3A_675 = arith.addf %add3A_666, %mul3A_674 : vector<32xbf16>
        %get3A_676 = arith.constant 3 : i32
        %get3A_677 = arith.index_cast %rem3A_83 : i32 to index
        %get3A_678 = arith.index_cast %get3A_676 : i32 to index
        %get3A_679 = arith.index_cast %scan3A_339 : i32 to index
        %get3A_680 = arith.constant 96 : index
        %get3A_681 = tpu.vector_load %arg11[%get3A_677, %get3A_678, %get3A_679, %get3A_680] {strides = array<i32>} : memref<2x5x16x256xi32, #tpu.memory_space<vmem>>, vector<16xi32>,
        %bitcast3A_682 = vector.bitcast %get3A_681 : vector<16xi32> to vector<32xbf16>
        %mul3A_683 = arith.mulf %pack3A_358, %bitcast3A_682 : vector<32xbf16>
        %add3A_684 = arith.addf %add3A_675, %mul3A_683 : vector<32xbf16>
        %get3A_685 = arith.constant 4 : i32
        %get3A_686 = arith.index_cast %rem3A_83 : i32 to index
        %get3A_687 = arith.index_cast %get3A_685 : i32 to index
        %get3A_688 = arith.index_cast %scan3A_339 : i32 to index
        %get3A_689 = arith.constant 96 : index
        %get3A_690 = tpu.vector_load %arg11[%get3A_686, %get3A_687, %get3A_688, %get3A_689] {strides = array<i32>} : memref<2x5x16x256xi32, #tpu.memory_space<vmem>>, vector<16xi32>,
        %bitcast3A_691 = vector.bitcast %get3A_690 : vector<16xi32> to vector<32xbf16>
        %mul3A_692 = arith.mulf %pack3A_363, %bitcast3A_691 : vector<32xbf16>
        %add3A_693 = arith.addf %add3A_684, %mul3A_692 : vector<32xbf16>
        %bitcast3A_694 = vector.bitcast %add3A_693 : vector<32xbf16> to vector<16xi32>
        %swap3A_695 = arith.index_cast %scan3A_339 : i32 to index
        %swap3A_696 = arith.constant 96 : index
        %swap3A_697 = tpu.vector_load %arg12[%swap3A_695, %swap3A_696] {strides = array<i32>} : memref<16x256xi32, #tpu.memory_space<vmem>>, vector<16xi32>,
        tpu.vector_store %arg12[%swap3A_695, %swap3A_696], %bitcast3A_694 {strides = array<i32>} : memref<16x256xi32, #tpu.memory_space<vmem>>, vector<16xi32>,
        %get3A_698 = arith.constant 0 : i32
        %get3A_699 = arith.index_cast %rem3A_83 : i32 to index
        %get3A_700 = arith.index_cast %get3A_698 : i32 to index
        %get3A_701 = arith.index_cast %scan3A_339 : i32 to index
        %get3A_702 = arith.constant 112 : index
        %get3A_703 = tpu.vector_load %arg11[%get3A_699, %get3A_700, %get3A_701, %get3A_702] {strides = array<i32>} : memref<2x5x16x256xi32, #tpu.memory_space<vmem>>, vector<16xi32>,
        %bitcast3A_704 = vector.bitcast %get3A_703 : vector<16xi32> to vector<32xbf16>
        %mul3A_705 = arith.mulf %pack3A, %bitcast3A_704 : vector<32xbf16>
        %get3A_706 = arith.constant 1 : i32
        %get3A_707 = arith.index_cast %rem3A_83 : i32 to index
        %get3A_708 = arith.index_cast %get3A_706 : i32 to index
        %get3A_709 = arith.index_cast %scan3A_339 : i32 to index
        %get3A_710 = arith.constant 112 : index
        %get3A_711 = tpu.vector_load %arg11[%get3A_707, %get3A_708, %get3A_709, %get3A_710] {strides = array<i32>} : memref<2x5x16x256xi32, #tpu.memory_space<vmem>>, vector<16xi32>,
        %bitcast3A_712 = vector.bitcast %get3A_711 : vector<16xi32> to vector<32xbf16>
        %mul3A_713 = arith.mulf %pack3A_348, %bitcast3A_712 : vector<32xbf16>
        %add3A_714 = arith.addf %mul3A_705, %mul3A_713 : vector<32xbf16>
        %get3A_715 = arith.constant 2 : i32
        %get3A_716 = arith.index_cast %rem3A_83 : i32 to index
        %get3A_717 = arith.index_cast %get3A_715 : i32 to index
        %get3A_718 = arith.index_cast %scan3A_339 : i32 to index
        %get3A_719 = arith.constant 112 : index
        %get3A_720 = tpu.vector_load %arg11[%get3A_716, %get3A_717, %get3A_718, %get3A_719] {strides = array<i32>} : memref<2x5x16x256xi32, #tpu.memory_space<vmem>>, vector<16xi32>,
        %bitcast3A_721 = vector.bitcast %get3A_720 : vector<16xi32> to vector<32xbf16>
        %mul3A_722 = arith.mulf %pack3A_353, %bitcast3A_721 : vector<32xbf16>
        %add3A_723 = arith.addf %add3A_714, %mul3A_722 : vector<32xbf16>
        %get3A_724 = arith.constant 3 : i32
        %get3A_725 = arith.index_cast %rem3A_83 : i32 to index
        %get3A_726 = arith.index_cast %get3A_724 : i32 to index
        %get3A_727 = arith.index_cast %scan3A_339 : i32 to index
        %get3A_728 = arith.constant 112 : index
        %get3A_729 = tpu.vector_load %arg11[%get3A_725, %get3A_726, %get3A_727, %get3A_728] {strides = array<i32>} : memref<2x5x16x256xi32, #tpu.memory_space<vmem>>, vector<16xi32>,
        %bitcast3A_730 = vector.bitcast %get3A_729 : vector<16xi32> to vector<32xbf16>
        %mul3A_731 = arith.mulf %pack3A_358, %bitcast3A_730 : vector<32xbf16>
        %add3A_732 = arith.addf %add3A_723, %mul3A_731 : vector<32xbf16>
        %get3A_733 = arith.constant 4 : i32
        %get3A_734 = arith.index_cast %rem3A_83 : i32 to index
        %get3A_735 = arith.index_cast %get3A_733 : i32 to index
        %get3A_736 = arith.index_cast %scan3A_339 : i32 to index
        %get3A_737 = arith.constant 112 : index
        %get3A_738 = tpu.vector_load %arg11[%get3A_734, %get3A_735, %get3A_736, %get3A_737] {strides = array<i32>} : memref<2x5x16x256xi32, #tpu.memory_space<vmem>>, vector<16xi32>,
        %bitcast3A_739 = vector.bitcast %get3A_738 : vector<16xi32> to vector<32xbf16>
        %mul3A_740 = arith.mulf %pack3A_363, %bitcast3A_739 : vector<32xbf16>
        %add3A_741 = arith.addf %add3A_732, %mul3A_740 : vector<32xbf16>
        %bitcast3A_742 = vector.bitcast %add3A_741 : vector<32xbf16> to vector<16xi32>
        %swap3A_743 = arith.index_cast %scan3A_339 : i32 to index
        %swap3A_744 = arith.constant 112 : index
        %swap3A_745 = tpu.vector_load %arg12[%swap3A_743, %swap3A_744] {strides = array<i32>} : memref<16x256xi32, #tpu.memory_space<vmem>>, vector<16xi32>,
        tpu.vector_store %arg12[%swap3A_743, %swap3A_744], %bitcast3A_742 {strides = array<i32>} : memref<16x256xi32, #tpu.memory_space<vmem>>, vector<16xi32>,
        %get3A_746 = arith.constant 0 : i32
        %get3A_747 = arith.index_cast %rem3A_83 : i32 to index
        %get3A_748 = arith.index_cast %get3A_746 : i32 to index
        %get3A_749 = arith.index_cast %scan3A_339 : i32 to index
        %get3A_750 = arith.constant 128 : index
        %get3A_751 = tpu.vector_load %arg11[%get3A_747, %get3A_748, %get3A_749, %get3A_750] {strides = array<i32>} : memref<2x5x16x256xi32, #tpu.memory_space<vmem>>, vector<16xi32>,
        %bitcast3A_752 = vector.bitcast %get3A_751 : vector<16xi32> to vector<32xbf16>
        %mul3A_753 = arith.mulf %pack3A, %bitcast3A_752 : vector<32xbf16>
        %get3A_754 = arith.constant 1 : i32
        %get3A_755 = arith.index_cast %rem3A_83 : i32 to index
        %get3A_756 = arith.index_cast %get3A_754 : i32 to index
        %get3A_757 = arith.index_cast %scan3A_339 : i32 to index
        %get3A_758 = arith.constant 128 : index
        %get3A_759 = tpu.vector_load %arg11[%get3A_755, %get3A_756, %get3A_757, %get3A_758] {strides = array<i32>} : memref<2x5x16x256xi32, #tpu.memory_space<vmem>>, vector<16xi32>,
        %bitcast3A_760 = vector.bitcast %get3A_759 : vector<16xi32> to vector<32xbf16>
        %mul3A_761 = arith.mulf %pack3A_348, %bitcast3A_760 : vector<32xbf16>
        %add3A_762 = arith.addf %mul3A_753, %mul3A_761 : vector<32xbf16>
        %get3A_763 = arith.constant 2 : i32
        %get3A_764 = arith.index_cast %rem3A_83 : i32 to index
        %get3A_765 = arith.index_cast %get3A_763 : i32 to index
        %get3A_766 = arith.index_cast %scan3A_339 : i32 to index
        %get3A_767 = arith.constant 128 : index
        %get3A_768 = tpu.vector_load %arg11[%get3A_764, %get3A_765, %get3A_766, %get3A_767] {strides = array<i32>} : memref<2x5x16x256xi32, #tpu.memory_space<vmem>>, vector<16xi32>,
        %bitcast3A_769 = vector.bitcast %get3A_768 : vector<16xi32> to vector<32xbf16>
        %mul3A_770 = arith.mulf %pack3A_353, %bitcast3A_769 : vector<32xbf16>
        %add3A_771 = arith.addf %add3A_762, %mul3A_770 : vector<32xbf16>
        %get3A_772 = arith.constant 3 : i32
        %get3A_773 = arith.index_cast %rem3A_83 : i32 to index
        %get3A_774 = arith.index_cast %get3A_772 : i32 to index
        %get3A_775 = arith.index_cast %scan3A_339 : i32 to index
        %get3A_776 = arith.constant 128 : index
        %get3A_777 = tpu.vector_load %arg11[%get3A_773, %get3A_774, %get3A_775, %get3A_776] {strides = array<i32>} : memref<2x5x16x256xi32, #tpu.memory_space<vmem>>, vector<16xi32>,
        %bitcast3A_778 = vector.bitcast %get3A_777 : vector<16xi32> to vector<32xbf16>
        %mul3A_779 = arith.mulf %pack3A_358, %bitcast3A_778 : vector<32xbf16>
        %add3A_780 = arith.addf %add3A_771, %mul3A_779 : vector<32xbf16>
        %get3A_781 = arith.constant 4 : i32
        %get3A_782 = arith.index_cast %rem3A_83 : i32 to index
        %get3A_783 = arith.index_cast %get3A_781 : i32 to index
        %get3A_784 = arith.index_cast %scan3A_339 : i32 to index
        %get3A_785 = arith.constant 128 : index
        %get3A_786 = tpu.vector_load %arg11[%get3A_782, %get3A_783, %get3A_784, %get3A_785] {strides = array<i32>} : memref<2x5x16x256xi32, #tpu.memory_space<vmem>>, vector<16xi32>,
        %bitcast3A_787 = vector.bitcast %get3A_786 : vector<16xi32> to vector<32xbf16>
        %mul3A_788 = arith.mulf %pack3A_363, %bitcast3A_787 : vector<32xbf16>
        %add3A_789 = arith.addf %add3A_780, %mul3A_788 : vector<32xbf16>
        %bitcast3A_790 = vector.bitcast %add3A_789 : vector<32xbf16> to vector<16xi32>
        %swap3A_791 = arith.index_cast %scan3A_339 : i32 to index
        %swap3A_792 = arith.constant 128 : index
        %swap3A_793 = tpu.vector_load %arg12[%swap3A_791, %swap3A_792] {strides = array<i32>} : memref<16x256xi32, #tpu.memory_space<vmem>>, vector<16xi32>,
        tpu.vector_store %arg12[%swap3A_791, %swap3A_792], %bitcast3A_790 {strides = array<i32>} : memref<16x256xi32, #tpu.memory_space<vmem>>, vector<16xi32>,
        %get3A_794 = arith.constant 0 : i32
        %get3A_795 = arith.index_cast %rem3A_83 : i32 to index
        %get3A_796 = arith.index_cast %get3A_794 : i32 to index
        %get3A_797 = arith.index_cast %scan3A_339 : i32 to index
        %get3A_798 = arith.constant 144 : index
        %get3A_799 = tpu.vector_load %arg11[%get3A_795, %get3A_796, %get3A_797, %get3A_798] {strides = array<i32>} : memref<2x5x16x256xi32, #tpu.memory_space<vmem>>, vector<16xi32>,
        %bitcast3A_800 = vector.bitcast %get3A_799 : vector<16xi32> to vector<32xbf16>
        %mul3A_801 = arith.mulf %pack3A, %bitcast3A_800 : vector<32xbf16>
        %get3A_802 = arith.constant 1 : i32
        %get3A_803 = arith.index_cast %rem3A_83 : i32 to index
        %get3A_804 = arith.index_cast %get3A_802 : i32 to index
        %get3A_805 = arith.index_cast %scan3A_339 : i32 to index
        %get3A_806 = arith.constant 144 : index
        %get3A_807 = tpu.vector_load %arg11[%get3A_803, %get3A_804, %get3A_805, %get3A_806] {strides = array<i32>} : memref<2x5x16x256xi32, #tpu.memory_space<vmem>>, vector<16xi32>,
        %bitcast3A_808 = vector.bitcast %get3A_807 : vector<16xi32> to vector<32xbf16>
        %mul3A_809 = arith.mulf %pack3A_348, %bitcast3A_808 : vector<32xbf16>
        %add3A_810 = arith.addf %mul3A_801, %mul3A_809 : vector<32xbf16>
        %get3A_811 = arith.constant 2 : i32
        %get3A_812 = arith.index_cast %rem3A_83 : i32 to index
        %get3A_813 = arith.index_cast %get3A_811 : i32 to index
        %get3A_814 = arith.index_cast %scan3A_339 : i32 to index
        %get3A_815 = arith.constant 144 : index
        %get3A_816 = tpu.vector_load %arg11[%get3A_812, %get3A_813, %get3A_814, %get3A_815] {strides = array<i32>} : memref<2x5x16x256xi32, #tpu.memory_space<vmem>>, vector<16xi32>,
        %bitcast3A_817 = vector.bitcast %get3A_816 : vector<16xi32> to vector<32xbf16>
        %mul3A_818 = arith.mulf %pack3A_353, %bitcast3A_817 : vector<32xbf16>
        %add3A_819 = arith.addf %add3A_810, %mul3A_818 : vector<32xbf16>
        %get3A_820 = arith.constant 3 : i32
        %get3A_821 = arith.index_cast %rem3A_83 : i32 to index
        %get3A_822 = arith.index_cast %get3A_820 : i32 to index
        %get3A_823 = arith.index_cast %scan3A_339 : i32 to index
        %get3A_824 = arith.constant 144 : index
        %get3A_825 = tpu.vector_load %arg11[%get3A_821, %get3A_822, %get3A_823, %get3A_824] {strides = array<i32>} : memref<2x5x16x256xi32, #tpu.memory_space<vmem>>, vector<16xi32>,
        %bitcast3A_826 = vector.bitcast %get3A_825 : vector<16xi32> to vector<32xbf16>
        %mul3A_827 = arith.mulf %pack3A_358, %bitcast3A_826 : vector<32xbf16>
        %add3A_828 = arith.addf %add3A_819, %mul3A_827 : vector<32xbf16>
        %get3A_829 = arith.constant 4 : i32
        %get3A_830 = arith.index_cast %rem3A_83 : i32 to index
        %get3A_831 = arith.index_cast %get3A_829 : i32 to index
        %get3A_832 = arith.index_cast %scan3A_339 : i32 to index
        %get3A_833 = arith.constant 144 : index
        %get3A_834 = tpu.vector_load %arg11[%get3A_830, %get3A_831, %get3A_832, %get3A_833] {strides = array<i32>} : memref<2x5x16x256xi32, #tpu.memory_space<vmem>>, vector<16xi32>,
        %bitcast3A_835 = vector.bitcast %get3A_834 : vector<16xi32> to vector<32xbf16>
        %mul3A_836 = arith.mulf %pack3A_363, %bitcast3A_835 : vector<32xbf16>
        %add3A_837 = arith.addf %add3A_828, %mul3A_836 : vector<32xbf16>
        %bitcast3A_838 = vector.bitcast %add3A_837 : vector<32xbf16> to vector<16xi32>
        %swap3A_839 = arith.index_cast %scan3A_339 : i32 to index
        %swap3A_840 = arith.constant 144 : index
        %swap3A_841 = tpu.vector_load %arg12[%swap3A_839, %swap3A_840] {strides = array<i32>} : memref<16x256xi32, #tpu.memory_space<vmem>>, vector<16xi32>,
        tpu.vector_store %arg12[%swap3A_839, %swap3A_840], %bitcast3A_838 {strides = array<i32>} : memref<16x256xi32, #tpu.memory_space<vmem>>, vector<16xi32>,
        %get3A_842 = arith.constant 0 : i32
        %get3A_843 = arith.index_cast %rem3A_83 : i32 to index
        %get3A_844 = arith.index_cast %get3A_842 : i32 to index
        %get3A_845 = arith.index_cast %scan3A_339 : i32 to index
        %get3A_846 = arith.constant 160 : index
        %get3A_847 = tpu.vector_load %arg11[%get3A_843, %get3A_844, %get3A_845, %get3A_846] {strides = array<i32>} : memref<2x5x16x256xi32, #tpu.memory_space<vmem>>, vector<16xi32>,
        %bitcast3A_848 = vector.bitcast %get3A_847 : vector<16xi32> to vector<32xbf16>
        %mul3A_849 = arith.mulf %pack3A, %bitcast3A_848 : vector<32xbf16>
        %get3A_850 = arith.constant 1 : i32
        %get3A_851 = arith.index_cast %rem3A_83 : i32 to index
        %get3A_852 = arith.index_cast %get3A_850 : i32 to index
        %get3A_853 = arith.index_cast %scan3A_339 : i32 to index
        %get3A_854 = arith.constant 160 : index
        %get3A_855 = tpu.vector_load %arg11[%get3A_851, %get3A_852, %get3A_853, %get3A_854] {strides = array<i32>} : memref<2x5x16x256xi32, #tpu.memory_space<vmem>>, vector<16xi32>,
        %bitcast3A_856 = vector.bitcast %get3A_855 : vector<16xi32> to vector<32xbf16>
        %mul3A_857 = arith.mulf %pack3A_348, %bitcast3A_856 : vector<32xbf16>
        %add3A_858 = arith.addf %mul3A_849, %mul3A_857 : vector<32xbf16>
        %get3A_859 = arith.constant 2 : i32
        %get3A_860 = arith.index_cast %rem3A_83 : i32 to index
        %get3A_861 = arith.index_cast %get3A_859 : i32 to index
        %get3A_862 = arith.index_cast %scan3A_339 : i32 to index
        %get3A_863 = arith.constant 160 : index
        %get3A_864 = tpu.vector_load %arg11[%get3A_860, %get3A_861, %get3A_862, %get3A_863] {strides = array<i32>} : memref<2x5x16x256xi32, #tpu.memory_space<vmem>>, vector<16xi32>,
        %bitcast3A_865 = vector.bitcast %get3A_864 : vector<16xi32> to vector<32xbf16>
        %mul3A_866 = arith.mulf %pack3A_353, %bitcast3A_865 : vector<32xbf16>
        %add3A_867 = arith.addf %add3A_858, %mul3A_866 : vector<32xbf16>
        %get3A_868 = arith.constant 3 : i32
        %get3A_869 = arith.index_cast %rem3A_83 : i32 to index
        %get3A_870 = arith.index_cast %get3A_868 : i32 to index
        %get3A_871 = arith.index_cast %scan3A_339 : i32 to index
        %get3A_872 = arith.constant 160 : index
        %get3A_873 = tpu.vector_load %arg11[%get3A_869, %get3A_870, %get3A_871, %get3A_872] {strides = array<i32>} : memref<2x5x16x256xi32, #tpu.memory_space<vmem>>, vector<16xi32>,
        %bitcast3A_874 = vector.bitcast %get3A_873 : vector<16xi32> to vector<32xbf16>
        %mul3A_875 = arith.mulf %pack3A_358, %bitcast3A_874 : vector<32xbf16>
        %add3A_876 = arith.addf %add3A_867, %mul3A_875 : vector<32xbf16>
        %get3A_877 = arith.constant 4 : i32
        %get3A_878 = arith.index_cast %rem3A_83 : i32 to index
        %get3A_879 = arith.index_cast %get3A_877 : i32 to index
        %get3A_880 = arith.index_cast %scan3A_339 : i32 to index
        %get3A_881 = arith.constant 160 : index
        %get3A_882 = tpu.vector_load %arg11[%get3A_878, %get3A_879, %get3A_880, %get3A_881] {strides = array<i32>} : memref<2x5x16x256xi32, #tpu.memory_space<vmem>>, vector<16xi32>,
        %bitcast3A_883 = vector.bitcast %get3A_882 : vector<16xi32> to vector<32xbf16>
        %mul3A_884 = arith.mulf %pack3A_363, %bitcast3A_883 : vector<32xbf16>
        %add3A_885 = arith.addf %add3A_876, %mul3A_884 : vector<32xbf16>
        %bitcast3A_886 = vector.bitcast %add3A_885 : vector<32xbf16> to vector<16xi32>
        %swap3A_887 = arith.index_cast %scan3A_339 : i32 to index
        %swap3A_888 = arith.constant 160 : index
        %swap3A_889 = tpu.vector_load %arg12[%swap3A_887, %swap3A_888] {strides = array<i32>} : memref<16x256xi32, #tpu.memory_space<vmem>>, vector<16xi32>,
        tpu.vector_store %arg12[%swap3A_887, %swap3A_888], %bitcast3A_886 {strides = array<i32>} : memref<16x256xi32, #tpu.memory_space<vmem>>, vector<16xi32>,
        %get3A_890 = arith.constant 0 : i32
        %get3A_891 = arith.index_cast %rem3A_83 : i32 to index
        %get3A_892 = arith.index_cast %get3A_890 : i32 to index
        %get3A_893 = arith.index_cast %scan3A_339 : i32 to index
        %get3A_894 = arith.constant 176 : index
        %get3A_895 = tpu.vector_load %arg11[%get3A_891, %get3A_892, %get3A_893, %get3A_894] {strides = array<i32>} : memref<2x5x16x256xi32, #tpu.memory_space<vmem>>, vector<16xi32>,
        %bitcast3A_896 = vector.bitcast %get3A_895 : vector<16xi32> to vector<32xbf16>
        %mul3A_897 = arith.mulf %pack3A, %bitcast3A_896 : vector<32xbf16>
        %get3A_898 = arith.constant 1 : i32
        %get3A_899 = arith.index_cast %rem3A_83 : i32 to index
        %get3A_900 = arith.index_cast %get3A_898 : i32 to index
        %get3A_901 = arith.index_cast %scan3A_339 : i32 to index
        %get3A_902 = arith.constant 176 : index
        %get3A_903 = tpu.vector_load %arg11[%get3A_899, %get3A_900, %get3A_901, %get3A_902] {strides = array<i32>} : memref<2x5x16x256xi32, #tpu.memory_space<vmem>>, vector<16xi32>,
        %bitcast3A_904 = vector.bitcast %get3A_903 : vector<16xi32> to vector<32xbf16>
        %mul3A_905 = arith.mulf %pack3A_348, %bitcast3A_904 : vector<32xbf16>
        %add3A_906 = arith.addf %mul3A_897, %mul3A_905 : vector<32xbf16>
        %get3A_907 = arith.constant 2 : i32
        %get3A_908 = arith.index_cast %rem3A_83 : i32 to index
        %get3A_909 = arith.index_cast %get3A_907 : i32 to index
        %get3A_910 = arith.index_cast %scan3A_339 : i32 to index
        %get3A_911 = arith.constant 176 : index
        %get3A_912 = tpu.vector_load %arg11[%get3A_908, %get3A_909, %get3A_910, %get3A_911] {strides = array<i32>} : memref<2x5x16x256xi32, #tpu.memory_space<vmem>>, vector<16xi32>,
        %bitcast3A_913 = vector.bitcast %get3A_912 : vector<16xi32> to vector<32xbf16>
        %mul3A_914 = arith.mulf %pack3A_353, %bitcast3A_913 : vector<32xbf16>
        %add3A_915 = arith.addf %add3A_906, %mul3A_914 : vector<32xbf16>
        %get3A_916 = arith.constant 3 : i32
        %get3A_917 = arith.index_cast %rem3A_83 : i32 to index
        %get3A_918 = arith.index_cast %get3A_916 : i32 to index
        %get3A_919 = arith.index_cast %scan3A_339 : i32 to index
        %get3A_920 = arith.constant 176 : index
        %get3A_921 = tpu.vector_load %arg11[%get3A_917, %get3A_918, %get3A_919, %get3A_920] {strides = array<i32>} : memref<2x5x16x256xi32, #tpu.memory_space<vmem>>, vector<16xi32>,
        %bitcast3A_922 = vector.bitcast %get3A_921 : vector<16xi32> to vector<32xbf16>
        %mul3A_923 = arith.mulf %pack3A_358, %bitcast3A_922 : vector<32xbf16>
        %add3A_924 = arith.addf %add3A_915, %mul3A_923 : vector<32xbf16>
        %get3A_925 = arith.constant 4 : i32
        %get3A_926 = arith.index_cast %rem3A_83 : i32 to index
        %get3A_927 = arith.index_cast %get3A_925 : i32 to index
        %get3A_928 = arith.index_cast %scan3A_339 : i32 to index
        %get3A_929 = arith.constant 176 : index
        %get3A_930 = tpu.vector_load %arg11[%get3A_926, %get3A_927, %get3A_928, %get3A_929] {strides = array<i32>} : memref<2x5x16x256xi32, #tpu.memory_space<vmem>>, vector<16xi32>,
        %bitcast3A_931 = vector.bitcast %get3A_930 : vector<16xi32> to vector<32xbf16>
        %mul3A_932 = arith.mulf %pack3A_363, %bitcast3A_931 : vector<32xbf16>
        %add3A_933 = arith.addf %add3A_924, %mul3A_932 : vector<32xbf16>
        %bitcast3A_934 = vector.bitcast %add3A_933 : vector<32xbf16> to vector<16xi32>
        %swap3A_935 = arith.index_cast %scan3A_339 : i32 to index
        %swap3A_936 = arith.constant 176 : index
        %swap3A_937 = tpu.vector_load %arg12[%swap3A_935, %swap3A_936] {strides = array<i32>} : memref<16x256xi32, #tpu.memory_space<vmem>>, vector<16xi32>,
        tpu.vector_store %arg12[%swap3A_935, %swap3A_936], %bitcast3A_934 {strides = array<i32>} : memref<16x256xi32, #tpu.memory_space<vmem>>, vector<16xi32>,
        %get3A_938 = arith.constant 0 : i32
        %get3A_939 = arith.index_cast %rem3A_83 : i32 to index
        %get3A_940 = arith.index_cast %get3A_938 : i32 to index
        %get3A_941 = arith.index_cast %scan3A_339 : i32 to index
        %get3A_942 = arith.constant 192 : index
        %get3A_943 = tpu.vector_load %arg11[%get3A_939, %get3A_940, %get3A_941, %get3A_942] {strides = array<i32>} : memref<2x5x16x256xi32, #tpu.memory_space<vmem>>, vector<16xi32>,
        %bitcast3A_944 = vector.bitcast %get3A_943 : vector<16xi32> to vector<32xbf16>
        %mul3A_945 = arith.mulf %pack3A, %bitcast3A_944 : vector<32xbf16>
        %get3A_946 = arith.constant 1 : i32
        %get3A_947 = arith.index_cast %rem3A_83 : i32 to index
        %get3A_948 = arith.index_cast %get3A_946 : i32 to index
        %get3A_949 = arith.index_cast %scan3A_339 : i32 to index
        %get3A_950 = arith.constant 192 : index
        %get3A_951 = tpu.vector_load %arg11[%get3A_947, %get3A_948, %get3A_949, %get3A_950] {strides = array<i32>} : memref<2x5x16x256xi32, #tpu.memory_space<vmem>>, vector<16xi32>,
        %bitcast3A_952 = vector.bitcast %get3A_951 : vector<16xi32> to vector<32xbf16>
        %mul3A_953 = arith.mulf %pack3A_348, %bitcast3A_952 : vector<32xbf16>
        %add3A_954 = arith.addf %mul3A_945, %mul3A_953 : vector<32xbf16>
        %get3A_955 = arith.constant 2 : i32
        %get3A_956 = arith.index_cast %rem3A_83 : i32 to index
        %get3A_957 = arith.index_cast %get3A_955 : i32 to index
        %get3A_958 = arith.index_cast %scan3A_339 : i32 to index
        %get3A_959 = arith.constant 192 : index
        %get3A_960 = tpu.vector_load %arg11[%get3A_956, %get3A_957, %get3A_958, %get3A_959] {strides = array<i32>} : memref<2x5x16x256xi32, #tpu.memory_space<vmem>>, vector<16xi32>,
        %bitcast3A_961 = vector.bitcast %get3A_960 : vector<16xi32> to vector<32xbf16>
        %mul3A_962 = arith.mulf %pack3A_353, %bitcast3A_961 : vector<32xbf16>
        %add3A_963 = arith.addf %add3A_954, %mul3A_962 : vector<32xbf16>
        %get3A_964 = arith.constant 3 : i32
        %get3A_965 = arith.index_cast %rem3A_83 : i32 to index
        %get3A_966 = arith.index_cast %get3A_964 : i32 to index
        %get3A_967 = arith.index_cast %scan3A_339 : i32 to index
        %get3A_968 = arith.constant 192 : index
        %get3A_969 = tpu.vector_load %arg11[%get3A_965, %get3A_966, %get3A_967, %get3A_968] {strides = array<i32>} : memref<2x5x16x256xi32, #tpu.memory_space<vmem>>, vector<16xi32>,
        %bitcast3A_970 = vector.bitcast %get3A_969 : vector<16xi32> to vector<32xbf16>
        %mul3A_971 = arith.mulf %pack3A_358, %bitcast3A_970 : vector<32xbf16>
        %add3A_972 = arith.addf %add3A_963, %mul3A_971 : vector<32xbf16>
        %get3A_973 = arith.constant 4 : i32
        %get3A_974 = arith.index_cast %rem3A_83 : i32 to index
        %get3A_975 = arith.index_cast %get3A_973 : i32 to index
        %get3A_976 = arith.index_cast %scan3A_339 : i32 to index
        %get3A_977 = arith.constant 192 : index
        %get3A_978 = tpu.vector_load %arg11[%get3A_974, %get3A_975, %get3A_976, %get3A_977] {strides = array<i32>} : memref<2x5x16x256xi32, #tpu.memory_space<vmem>>, vector<16xi32>,
        %bitcast3A_979 = vector.bitcast %get3A_978 : vector<16xi32> to vector<32xbf16>
        %mul3A_980 = arith.mulf %pack3A_363, %bitcast3A_979 : vector<32xbf16>
        %add3A_981 = arith.addf %add3A_972, %mul3A_980 : vector<32xbf16>
        %bitcast3A_982 = vector.bitcast %add3A_981 : vector<32xbf16> to vector<16xi32>
        %swap3A_983 = arith.index_cast %scan3A_339 : i32 to index
        %swap3A_984 = arith.constant 192 : index
        %swap3A_985 = tpu.vector_load %arg12[%swap3A_983, %swap3A_984] {strides = array<i32>} : memref<16x256xi32, #tpu.memory_space<vmem>>, vector<16xi32>,
        tpu.vector_store %arg12[%swap3A_983, %swap3A_984], %bitcast3A_982 {strides = array<i32>} : memref<16x256xi32, #tpu.memory_space<vmem>>, vector<16xi32>,
        %get3A_986 = arith.constant 0 : i32
        %get3A_987 = arith.index_cast %rem3A_83 : i32 to index
        %get3A_988 = arith.index_cast %get3A_986 : i32 to index
        %get3A_989 = arith.index_cast %scan3A_339 : i32 to index
        %get3A_990 = arith.constant 208 : index
        %get3A_991 = tpu.vector_load %arg11[%get3A_987, %get3A_988, %get3A_989, %get3A_990] {strides = array<i32>} : memref<2x5x16x256xi32, #tpu.memory_space<vmem>>, vector<16xi32>,
        %bitcast3A_992 = vector.bitcast %get3A_991 : vector<16xi32> to vector<32xbf16>
        %mul3A_993 = arith.mulf %pack3A, %bitcast3A_992 : vector<32xbf16>
        %get3A_994 = arith.constant 1 : i32
        %get3A_995 = arith.index_cast %rem3A_83 : i32 to index
        %get3A_996 = arith.index_cast %get3A_994 : i32 to index
        %get3A_997 = arith.index_cast %scan3A_339 : i32 to index
        %get3A_998 = arith.constant 208 : index
        %get3A_999 = tpu.vector_load %arg11[%get3A_995, %get3A_996, %get3A_997, %get3A_998] {strides = array<i32>} : memref<2x5x16x256xi32, #tpu.memory_space<vmem>>, vector<16xi32>,
        %bitcast3A_1000 = vector.bitcast %get3A_999 : vector<16xi32> to vector<32xbf16>
        %mul3A_1001 = arith.mulf %pack3A_348, %bitcast3A_1000 : vector<32xbf16>
        %add3A_1002 = arith.addf %mul3A_993, %mul3A_1001 : vector<32xbf16>
        %get3A_1003 = arith.constant 2 : i32
        %get3A_1004 = arith.index_cast %rem3A_83 : i32 to index
        %get3A_1005 = arith.index_cast %get3A_1003 : i32 to index
        %get3A_1006 = arith.index_cast %scan3A_339 : i32 to index
        %get3A_1007 = arith.constant 208 : index
        %get3A_1008 = tpu.vector_load %arg11[%get3A_1004, %get3A_1005, %get3A_1006, %get3A_1007] {strides = array<i32>} : memref<2x5x16x256xi32, #tpu.memory_space<vmem>>, vector<16xi32>,
        %bitcast3A_1009 = vector.bitcast %get3A_1008 : vector<16xi32> to vector<32xbf16>
        %mul3A_1010 = arith.mulf %pack3A_353, %bitcast3A_1009 : vector<32xbf16>
        %add3A_1011 = arith.addf %add3A_1002, %mul3A_1010 : vector<32xbf16>
        %get3A_1012 = arith.constant 3 : i32
        %get3A_1013 = arith.index_cast %rem3A_83 : i32 to index
        %get3A_1014 = arith.index_cast %get3A_1012 : i32 to index
        %get3A_1015 = arith.index_cast %scan3A_339 : i32 to index
        %get3A_1016 = arith.constant 208 : index
        %get3A_1017 = tpu.vector_load %arg11[%get3A_1013, %get3A_1014, %get3A_1015, %get3A_1016] {strides = array<i32>} : memref<2x5x16x256xi32, #tpu.memory_space<vmem>>, vector<16xi32>,
        %bitcast3A_1018 = vector.bitcast %get3A_1017 : vector<16xi32> to vector<32xbf16>
        %mul3A_1019 = arith.mulf %pack3A_358, %bitcast3A_1018 : vector<32xbf16>
        %add3A_1020 = arith.addf %add3A_1011, %mul3A_1019 : vector<32xbf16>
        %get3A_1021 = arith.constant 4 : i32
        %get3A_1022 = arith.index_cast %rem3A_83 : i32 to index
        %get3A_1023 = arith.index_cast %get3A_1021 : i32 to index
        %get3A_1024 = arith.index_cast %scan3A_339 : i32 to index
        %get3A_1025 = arith.constant 208 : index
        %get3A_1026 = tpu.vector_load %arg11[%get3A_1022, %get3A_1023, %get3A_1024, %get3A_1025] {strides = array<i32>} : memref<2x5x16x256xi32, #tpu.memory_space<vmem>>, vector<16xi32>,
        %bitcast3A_1027 = vector.bitcast %get3A_1026 : vector<16xi32> to vector<32xbf16>
        %mul3A_1028 = arith.mulf %pack3A_363, %bitcast3A_1027 : vector<32xbf16>
        %add3A_1029 = arith.addf %add3A_1020, %mul3A_1028 : vector<32xbf16>
        %bitcast3A_1030 = vector.bitcast %add3A_1029 : vector<32xbf16> to vector<16xi32>
        %swap3A_1031 = arith.index_cast %scan3A_339 : i32 to index
        %swap3A_1032 = arith.constant 208 : index
        %swap3A_1033 = tpu.vector_load %arg12[%swap3A_1031, %swap3A_1032] {strides = array<i32>} : memref<16x256xi32, #tpu.memory_space<vmem>>, vector<16xi32>,
        tpu.vector_store %arg12[%swap3A_1031, %swap3A_1032], %bitcast3A_1030 {strides = array<i32>} : memref<16x256xi32, #tpu.memory_space<vmem>>, vector<16xi32>,
        %get3A_1034 = arith.constant 0 : i32
        %get3A_1035 = arith.index_cast %rem3A_83 : i32 to index
        %get3A_1036 = arith.index_cast %get3A_1034 : i32 to index
        %get3A_1037 = arith.index_cast %scan3A_339 : i32 to index
        %get3A_1038 = arith.constant 224 : index
        %get3A_1039 = tpu.vector_load %arg11[%get3A_1035, %get3A_1036, %get3A_1037, %get3A_1038] {strides = array<i32>} : memref<2x5x16x256xi32, #tpu.memory_space<vmem>>, vector<16xi32>,
        %bitcast3A_1040 = vector.bitcast %get3A_1039 : vector<16xi32> to vector<32xbf16>
        %mul3A_1041 = arith.mulf %pack3A, %bitcast3A_1040 : vector<32xbf16>
        %get3A_1042 = arith.constant 1 : i32
        %get3A_1043 = arith.index_cast %rem3A_83 : i32 to index
        %get3A_1044 = arith.index_cast %get3A_1042 : i32 to index
        %get3A_1045 = arith.index_cast %scan3A_339 : i32 to index
        %get3A_1046 = arith.constant 224 : index
        %get3A_1047 = tpu.vector_load %arg11[%get3A_1043, %get3A_1044, %get3A_1045, %get3A_1046] {strides = array<i32>} : memref<2x5x16x256xi32, #tpu.memory_space<vmem>>, vector<16xi32>,
        %bitcast3A_1048 = vector.bitcast %get3A_1047 : vector<16xi32> to vector<32xbf16>
        %mul3A_1049 = arith.mulf %pack3A_348, %bitcast3A_1048 : vector<32xbf16>
        %add3A_1050 = arith.addf %mul3A_1041, %mul3A_1049 : vector<32xbf16>
        %get3A_1051 = arith.constant 2 : i32
        %get3A_1052 = arith.index_cast %rem3A_83 : i32 to index
        %get3A_1053 = arith.index_cast %get3A_1051 : i32 to index
        %get3A_1054 = arith.index_cast %scan3A_339 : i32 to index
        %get3A_1055 = arith.constant 224 : index
        %get3A_1056 = tpu.vector_load %arg11[%get3A_1052, %get3A_1053, %get3A_1054, %get3A_1055] {strides = array<i32>} : memref<2x5x16x256xi32, #tpu.memory_space<vmem>>, vector<16xi32>,
        %bitcast3A_1057 = vector.bitcast %get3A_1056 : vector<16xi32> to vector<32xbf16>
        %mul3A_1058 = arith.mulf %pack3A_353, %bitcast3A_1057 : vector<32xbf16>
        %add3A_1059 = arith.addf %add3A_1050, %mul3A_1058 : vector<32xbf16>
        %get3A_1060 = arith.constant 3 : i32
        %get3A_1061 = arith.index_cast %rem3A_83 : i32 to index
        %get3A_1062 = arith.index_cast %get3A_1060 : i32 to index
        %get3A_1063 = arith.index_cast %scan3A_339 : i32 to index
        %get3A_1064 = arith.constant 224 : index
        %get3A_1065 = tpu.vector_load %arg11[%get3A_1061, %get3A_1062, %get3A_1063, %get3A_1064] {strides = array<i32>} : memref<2x5x16x256xi32, #tpu.memory_space<vmem>>, vector<16xi32>,
        %bitcast3A_1066 = vector.bitcast %get3A_1065 : vector<16xi32> to vector<32xbf16>
        %mul3A_1067 = arith.mulf %pack3A_358, %bitcast3A_1066 : vector<32xbf16>
        %add3A_1068 = arith.addf %add3A_1059, %mul3A_1067 : vector<32xbf16>
        %get3A_1069 = arith.constant 4 : i32
        %get3A_1070 = arith.index_cast %rem3A_83 : i32 to index
        %get3A_1071 = arith.index_cast %get3A_1069 : i32 to index
        %get3A_1072 = arith.index_cast %scan3A_339 : i32 to index
        %get3A_1073 = arith.constant 224 : index
        %get3A_1074 = tpu.vector_load %arg11[%get3A_1070, %get3A_1071, %get3A_1072, %get3A_1073] {strides = array<i32>} : memref<2x5x16x256xi32, #tpu.memory_space<vmem>>, vector<16xi32>,
        %bitcast3A_1075 = vector.bitcast %get3A_1074 : vector<16xi32> to vector<32xbf16>
        %mul3A_1076 = arith.mulf %pack3A_363, %bitcast3A_1075 : vector<32xbf16>
        %add3A_1077 = arith.addf %add3A_1068, %mul3A_1076 : vector<32xbf16>
        %bitcast3A_1078 = vector.bitcast %add3A_1077 : vector<32xbf16> to vector<16xi32>
        %swap3A_1079 = arith.index_cast %scan3A_339 : i32 to index
        %swap3A_1080 = arith.constant 224 : index
        %swap3A_1081 = tpu.vector_load %arg12[%swap3A_1079, %swap3A_1080] {strides = array<i32>} : memref<16x256xi32, #tpu.memory_space<vmem>>, vector<16xi32>,
        tpu.vector_store %arg12[%swap3A_1079, %swap3A_1080], %bitcast3A_1078 {strides = array<i32>} : memref<16x256xi32, #tpu.memory_space<vmem>>, vector<16xi32>,
        %get3A_1082 = arith.constant 0 : i32
        %get3A_1083 = arith.index_cast %rem3A_83 : i32 to index
        %get3A_1084 = arith.index_cast %get3A_1082 : i32 to index
        %get3A_1085 = arith.index_cast %scan3A_339 : i32 to index
        %get3A_1086 = arith.constant 240 : index
        %get3A_1087 = tpu.vector_load %arg11[%get3A_1083, %get3A_1084, %get3A_1085, %get3A_1086] {strides = array<i32>} : memref<2x5x16x256xi32, #tpu.memory_space<vmem>>, vector<16xi32>,
        %bitcast3A_1088 = vector.bitcast %get3A_1087 : vector<16xi32> to vector<32xbf16>
        %mul3A_1089 = arith.mulf %pack3A, %bitcast3A_1088 : vector<32xbf16>
        %get3A_1090 = arith.constant 1 : i32
        %get3A_1091 = arith.index_cast %rem3A_83 : i32 to index
        %get3A_1092 = arith.index_cast %get3A_1090 : i32 to index
        %get3A_1093 = arith.index_cast %scan3A_339 : i32 to index
        %get3A_1094 = arith.constant 240 : index
        %get3A_1095 = tpu.vector_load %arg11[%get3A_1091, %get3A_1092, %get3A_1093, %get3A_1094] {strides = array<i32>} : memref<2x5x16x256xi32, #tpu.memory_space<vmem>>, vector<16xi32>,
        %bitcast3A_1096 = vector.bitcast %get3A_1095 : vector<16xi32> to vector<32xbf16>
        %mul3A_1097 = arith.mulf %pack3A_348, %bitcast3A_1096 : vector<32xbf16>
        %add3A_1098 = arith.addf %mul3A_1089, %mul3A_1097 : vector<32xbf16>
        %get3A_1099 = arith.constant 2 : i32
        %get3A_1100 = arith.index_cast %rem3A_83 : i32 to index
        %get3A_1101 = arith.index_cast %get3A_1099 : i32 to index
        %get3A_1102 = arith.index_cast %scan3A_339 : i32 to index
        %get3A_1103 = arith.constant 240 : index
        %get3A_1104 = tpu.vector_load %arg11[%get3A_1100, %get3A_1101, %get3A_1102, %get3A_1103] {strides = array<i32>} : memref<2x5x16x256xi32, #tpu.memory_space<vmem>>, vector<16xi32>,
        %bitcast3A_1105 = vector.bitcast %get3A_1104 : vector<16xi32> to vector<32xbf16>
        %mul3A_1106 = arith.mulf %pack3A_353, %bitcast3A_1105 : vector<32xbf16>
        %add3A_1107 = arith.addf %add3A_1098, %mul3A_1106 : vector<32xbf16>
        %get3A_1108 = arith.constant 3 : i32
        %get3A_1109 = arith.index_cast %rem3A_83 : i32 to index
        %get3A_1110 = arith.index_cast %get3A_1108 : i32 to index
        %get3A_1111 = arith.index_cast %scan3A_339 : i32 to index
        %get3A_1112 = arith.constant 240 : index
        %get3A_1113 = tpu.vector_load %arg11[%get3A_1109, %get3A_1110, %get3A_1111, %get3A_1112] {strides = array<i32>} : memref<2x5x16x256xi32, #tpu.memory_space<vmem>>, vector<16xi32>,
        %bitcast3A_1114 = vector.bitcast %get3A_1113 : vector<16xi32> to vector<32xbf16>
        %mul3A_1115 = arith.mulf %pack3A_358, %bitcast3A_1114 : vector<32xbf16>
        %add3A_1116 = arith.addf %add3A_1107, %mul3A_1115 : vector<32xbf16>
        %get3A_1117 = arith.constant 4 : i32
        %get3A_1118 = arith.index_cast %rem3A_83 : i32 to index
        %get3A_1119 = arith.index_cast %get3A_1117 : i32 to index
        %get3A_1120 = arith.index_cast %scan3A_339 : i32 to index
        %get3A_1121 = arith.constant 240 : index
        %get3A_1122 = tpu.vector_load %arg11[%get3A_1118, %get3A_1119, %get3A_1120, %get3A_1121] {strides = array<i32>} : memref<2x5x16x256xi32, #tpu.memory_space<vmem>>, vector<16xi32>,
        %bitcast3A_1123 = vector.bitcast %get3A_1122 : vector<16xi32> to vector<32xbf16>
        %mul3A_1124 = arith.mulf %pack3A_363, %bitcast3A_1123 : vector<32xbf16>
        %add3A_1125 = arith.addf %add3A_1116, %mul3A_1124 : vector<32xbf16>
        %bitcast3A_1126 = vector.bitcast %add3A_1125 : vector<32xbf16> to vector<16xi32>
        %swap3A_1127 = arith.index_cast %scan3A_339 : i32 to index
        %swap3A_1128 = arith.constant 240 : index
        %swap3A_1129 = tpu.vector_load %arg12[%swap3A_1127, %swap3A_1128] {strides = array<i32>} : memref<16x256xi32, #tpu.memory_space<vmem>>, vector<16xi32>,
        tpu.vector_store %arg12[%swap3A_1127, %swap3A_1128], %bitcast3A_1126 {strides = array<i32>} : memref<16x256xi32, #tpu.memory_space<vmem>>, vector<16xi32>,
      }
      %scan3A_337 = arith.constant 16 : i32
      %add3A_338 = arith.addi %mul3A_2, %mul3A_82 : i32
      "tpu.region"() ({
        %run_scoped3A = tpu.sem_alloc : memref<!tpu.dma_semaphore, #tpu.memory_space<semaphore_mem>>
        %dma_start3A_339 = arith.constant 0 : i32
        %dma_start3A_340 = tpu.memref_slice %arg6[%add3A_338, %dma_start3A_339] : memref<8192x256xi32, #tpu.memory_space<hbm>> -> memref<16x256xi32, #tpu.memory_space<hbm>>
        %dma_start3A_341 = arith.constant 0 : i32
        %dma_start3A_342 = tpu.memref_slice %arg6[%add3A_338, %dma_start3A_341] : memref<8192x256xi32, #tpu.memory_space<hbm>> -> memref<16x256xi32, #tpu.memory_space<hbm>>
        tpu.enqueue_dma source(%arg12 : memref<16x256xi32, #tpu.memory_space<vmem>>) target(%dma_start3A_342 : memref<16x256xi32, #tpu.memory_space<hbm>>) target_semaphore(%run_scoped3A : memref<!tpu.dma_semaphore, #tpu.memory_space<semaphore_mem>>)
        %dma_wait3A_343 = arith.constant 0 : i32
        %dma_wait3A_344 = tpu.memref_slice %arg6[%add3A_338, %dma_wait3A_343] : memref<8192x256xi32, #tpu.memory_space<hbm>> -> memref<16x256xi32, #tpu.memory_space<hbm>>
        %dma_wait3A_345 = arith.constant 0 : i32
        %dma_wait3A_346 = tpu.memref_slice %arg6[%add3A_338, %dma_wait3A_345] : memref<8192x256xi32, #tpu.memory_space<hbm>> -> memref<16x256xi32, #tpu.memory_space<hbm>>
        tpu.wait_dma2 semaphore(%run_scoped3A : memref<!tpu.dma_semaphore, #tpu.memory_space<semaphore_mem>>) src(%arg12 : memref<16x256xi32, #tpu.memory_space<vmem>>) dst(%dma_wait3A_346 : memref<16x256xi32, #tpu.memory_space<hbm>>)
        tpu.yield
      }) : () -> ()
    }
    %scan3A_79 = arith.constant 16 : i32
    return
  }
}

#map = affine_map<(d0, d1) -> (0, 0)>
module attributes {stable_mosaic.version = 14 : i64} {
  func.func @_interp_body(%arg0: i32, %arg1: i32, %arg2: memref<4096x256xi32, #tpu.memory_space<hbm>>, %arg3: memref<8192x8xi32, #tpu.memory_space<hbm>>, %arg4: memref<8192x3xf32, #tpu.memory_space<hbm>>, %arg5: memref<3x4096xf32, #tpu.memory_space<hbm>>, %arg6: memref<8192x256xi32, #tpu.memory_space<hbm>>, %arg7: memref<256x8xi32, #tpu.memory_space<vmem>>, %arg8: memref<256x3xf32, #tpu.memory_space<vmem>>, %arg9: memref<3x4096xf32, #tpu.memory_space<vmem>>, %arg10: memref<80xf32, #tpu.memory_space<vmem>>, %arg11: memref<2x5x16x256xi32, #tpu.memory_space<vmem>>, %arg12: memref<16x256xi32, #tpu.memory_space<vmem>>, %arg13: memref<!tpu.dma_semaphore, #tpu.memory_space<semaphore_mem>>) attributes {dimension_semantics = [#tpu.dimension_semantics<core_parallel>, #tpu.dimension_semantics<subcore_parallel>], iteration_bounds = array<i64: 2, 16>, scalar_prefetch = 0 : i64, scratch_operands = 7 : i64, tpu.core_type = #tpu.core_type<sc_vector_subcore>, window_params = [{transform_indices = #map}, {transform_indices = #map}, {transform_indices = #map}, {transform_indices = #map}, {transform_indices = #map}]} {
    %mul3A = arith.constant 2 : i32
    %mul3A_0 = arith.muli %arg1, %mul3A : i32
    %add3A = arith.addi %mul3A_0, %arg0 : i32
    %mul3A_1 = arith.constant 256 : i32
    %mul3A_2 = arith.muli %add3A, %mul3A_1 : i32
    "tpu.region"() ({
      %run_scoped3A = tpu.sem_alloc : memref<!tpu.dma_semaphore, #tpu.memory_space<semaphore_mem>>
      %dma_start3A_80 = arith.constant 0 : i32
      %dma_start3A_81 = tpu.memref_slice %arg3[%mul3A_2, %dma_start3A_80] : memref<8192x8xi32, #tpu.memory_space<hbm>> -> memref<256x8xi32, #tpu.memory_space<hbm>>
      %dma_start3A_82 = arith.constant 0 : i32
      %dma_start3A_83 = tpu.memref_slice %arg3[%mul3A_2, %dma_start3A_82] : memref<8192x8xi32, #tpu.memory_space<hbm>> -> memref<256x8xi32, #tpu.memory_space<hbm>>
      tpu.enqueue_dma source(%dma_start3A_83 : memref<256x8xi32, #tpu.memory_space<hbm>>) target(%arg7 : memref<256x8xi32, #tpu.memory_space<vmem>>) target_semaphore(%run_scoped3A : memref<!tpu.dma_semaphore, #tpu.memory_space<semaphore_mem>>)
      %dma_wait3A = arith.constant 0 : i32
      %dma_wait3A_84 = tpu.memref_slice %arg3[%mul3A_2, %dma_wait3A] : memref<8192x8xi32, #tpu.memory_space<hbm>> -> memref<256x8xi32, #tpu.memory_space<hbm>>
      %dma_wait3A_85 = arith.constant 0 : i32
      %dma_wait3A_86 = tpu.memref_slice %arg3[%mul3A_2, %dma_wait3A_85] : memref<8192x8xi32, #tpu.memory_space<hbm>> -> memref<256x8xi32, #tpu.memory_space<hbm>>
      tpu.wait_dma2 semaphore(%run_scoped3A : memref<!tpu.dma_semaphore, #tpu.memory_space<semaphore_mem>>) src(%dma_wait3A_86 : memref<256x8xi32, #tpu.memory_space<hbm>>) dst(%arg7 : memref<256x8xi32, #tpu.memory_space<vmem>>)
      tpu.yield
    }) : () -> ()
    "tpu.region"() ({
      %run_scoped3A = tpu.sem_alloc : memref<!tpu.dma_semaphore, #tpu.memory_space<semaphore_mem>>
      %dma_start3A_80 = arith.constant 0 : i32
      %dma_start3A_81 = tpu.memref_slice %arg4[%mul3A_2, %dma_start3A_80] : memref<8192x3xf32, #tpu.memory_space<hbm>> -> memref<256x3xf32, #tpu.memory_space<hbm>>
      %dma_start3A_82 = arith.constant 0 : i32
      %dma_start3A_83 = tpu.memref_slice %arg4[%mul3A_2, %dma_start3A_82] : memref<8192x3xf32, #tpu.memory_space<hbm>> -> memref<256x3xf32, #tpu.memory_space<hbm>>
      tpu.enqueue_dma source(%dma_start3A_83 : memref<256x3xf32, #tpu.memory_space<hbm>>) target(%arg8 : memref<256x3xf32, #tpu.memory_space<vmem>>) target_semaphore(%run_scoped3A : memref<!tpu.dma_semaphore, #tpu.memory_space<semaphore_mem>>)
      %dma_wait3A = arith.constant 0 : i32
      %dma_wait3A_84 = tpu.memref_slice %arg4[%mul3A_2, %dma_wait3A] : memref<8192x3xf32, #tpu.memory_space<hbm>> -> memref<256x3xf32, #tpu.memory_space<hbm>>
      %dma_wait3A_85 = arith.constant 0 : i32
      %dma_wait3A_86 = tpu.memref_slice %arg4[%mul3A_2, %dma_wait3A_85] : memref<8192x3xf32, #tpu.memory_space<hbm>> -> memref<256x3xf32, #tpu.memory_space<hbm>>
      tpu.wait_dma2 semaphore(%run_scoped3A : memref<!tpu.dma_semaphore, #tpu.memory_space<semaphore_mem>>) src(%dma_wait3A_86 : memref<256x3xf32, #tpu.memory_space<hbm>>) dst(%arg8 : memref<256x3xf32, #tpu.memory_space<vmem>>)
      tpu.yield
    }) : () -> ()
    "tpu.region"() ({
      %run_scoped3A = tpu.sem_alloc : memref<!tpu.dma_semaphore, #tpu.memory_space<semaphore_mem>>
      tpu.enqueue_dma source(%arg5 : memref<3x4096xf32, #tpu.memory_space<hbm>>) target(%arg9 : memref<3x4096xf32, #tpu.memory_space<vmem>>) target_semaphore(%run_scoped3A : memref<!tpu.dma_semaphore, #tpu.memory_space<semaphore_mem>>)
      tpu.wait_dma2 semaphore(%run_scoped3A : memref<!tpu.dma_semaphore, #tpu.memory_space<semaphore_mem>>) src(%arg5 : memref<3x4096xf32, #tpu.memory_space<hbm>>) dst(%arg9 : memref<3x4096xf32, #tpu.memory_space<vmem>>)
      tpu.yield
    }) : () -> ()
    %iota3A = tpu.iota {dimensions = array<i32: 0>} : vector<16xi32>
    %add3A_3 = arith.constant 0 : i32
    %add3A_4 = vector.broadcast %add3A_3 : i32 to vector<16xi32>
    %add3A_5 = arith.addi %add3A_4, %iota3A : vector<16xi32>
    %broadcast_in_dim3A = arith.constant 0 : i32
    %broadcast_in_dim3A_6 = vector.broadcast %broadcast_in_dim3A : i32 to vector<16xi32>
    %gather3A = tpu.vector_load_idx %arg7[%add3A_5, %broadcast_in_dim3A_6] : memref<256x8xi32, #tpu.memory_space<vmem>>[vector<16xi32>, vector<16xi32>], vector<16xi32>,
    %dma_start3A = arith.constant 0 : i32
    %dma_start3A_7 = arith.constant 0 : i32
    %dma_start3A_8 = arith.constant 0 : i32
    %dma_start3A_9 = arith.constant 0 : i32
    %dma_start3A_10 = tpu.memref_slice %arg11[%dma_start3A, %dma_start3A_7, %dma_start3A_8, %dma_start3A_9] : memref<2x5x16x256xi32, #tpu.memory_space<vmem>> -> memref<1x1x16x256xi32, #tpu.memory_space<vmem>>
    %dma_start3A_11 = tpu.memref_squeeze %dma_start3A_10 : memref<1x1x16x256xi32, #tpu.memory_space<vmem>> -> memref<16x256xi32, #tpu.memory_space<vmem>>
    %dma_start3A_12 = arith.constant 0 : i32
    %dma_start3A_13 = arith.constant 0 : i32
    %dma_start3A_14 = tpu.memref_slice %arg2[%dma_start3A_12, %dma_start3A_13] : memref<4096x256xi32, #tpu.memory_space<hbm>> -> memref<4096x256xi32, #tpu.memory_space<hbm>>
    tpu.enqueue_indirect_dma source(%dma_start3A_14 : memref<4096x256xi32, #tpu.memory_space<hbm>>) target(%dma_start3A_11 : memref<16x256xi32, #tpu.memory_space<vmem>>) offsets(%gather3A : vector<16xi32>) semaphore(%arg13 : memref<!tpu.dma_semaphore, #tpu.memory_space<semaphore_mem>>)
    %add3A_15 = arith.constant 0 : i32
    %add3A_16 = vector.broadcast %add3A_15 : i32 to vector<16xi32>
    %add3A_17 = arith.addi %add3A_16, %iota3A : vector<16xi32>
    %broadcast_in_dim3A_18 = arith.constant 1 : i32
    %broadcast_in_dim3A_19 = vector.broadcast %broadcast_in_dim3A_18 : i32 to vector<16xi32>
    %gather3A_20 = tpu.vector_load_idx %arg7[%add3A_17, %broadcast_in_dim3A_19] : memref<256x8xi32, #tpu.memory_space<vmem>>[vector<16xi32>, vector<16xi32>], vector<16xi32>,
    %dma_start3A_21 = arith.constant 0 : i32
    %dma_start3A_22 = arith.constant 1 : i32
    %dma_start3A_23 = arith.constant 0 : i32
    %dma_start3A_24 = arith.constant 0 : i32
    %dma_start3A_25 = tpu.memref_slice %arg11[%dma_start3A_21, %dma_start3A_22, %dma_start3A_23, %dma_start3A_24] : memref<2x5x16x256xi32, #tpu.memory_space<vmem>> -> memref<1x1x16x256xi32, #tpu.memory_space<vmem>>
    %dma_start3A_26 = tpu.memref_squeeze %dma_start3A_25 : memref<1x1x16x256xi32, #tpu.memory_space<vmem>> -> memref<16x256xi32, #tpu.memory_space<vmem>>
    %dma_start3A_27 = arith.constant 0 : i32
    %dma_start3A_28 = arith.constant 0 : i32
    %dma_start3A_29 = tpu.memref_slice %arg2[%dma_start3A_27, %dma_start3A_28] : memref<4096x256xi32, #tpu.memory_space<hbm>> -> memref<4096x256xi32, #tpu.memory_space<hbm>>
    tpu.enqueue_indirect_dma source(%dma_start3A_29 : memref<4096x256xi32, #tpu.memory_space<hbm>>) target(%dma_start3A_26 : memref<16x256xi32, #tpu.memory_space<vmem>>) offsets(%gather3A_20 : vector<16xi32>) semaphore(%arg13 : memref<!tpu.dma_semaphore, #tpu.memory_space<semaphore_mem>>)
    %add3A_30 = arith.constant 0 : i32
    %add3A_31 = vector.broadcast %add3A_30 : i32 to vector<16xi32>
    %add3A_32 = arith.addi %add3A_31, %iota3A : vector<16xi32>
    %broadcast_in_dim3A_33 = arith.constant 2 : i32
    %broadcast_in_dim3A_34 = vector.broadcast %broadcast_in_dim3A_33 : i32 to vector<16xi32>
    %gather3A_35 = tpu.vector_load_idx %arg7[%add3A_32, %broadcast_in_dim3A_34] : memref<256x8xi32, #tpu.memory_space<vmem>>[vector<16xi32>, vector<16xi32>], vector<16xi32>,
    %dma_start3A_36 = arith.constant 0 : i32
    %dma_start3A_37 = arith.constant 2 : i32
    %dma_start3A_38 = arith.constant 0 : i32
    %dma_start3A_39 = arith.constant 0 : i32
    %dma_start3A_40 = tpu.memref_slice %arg11[%dma_start3A_36, %dma_start3A_37, %dma_start3A_38, %dma_start3A_39] : memref<2x5x16x256xi32, #tpu.memory_space<vmem>> -> memref<1x1x16x256xi32, #tpu.memory_space<vmem>>
    %dma_start3A_41 = tpu.memref_squeeze %dma_start3A_40 : memref<1x1x16x256xi32, #tpu.memory_space<vmem>> -> memref<16x256xi32, #tpu.memory_space<vmem>>
    %dma_start3A_42 = arith.constant 0 : i32
    %dma_start3A_43 = arith.constant 0 : i32
    %dma_start3A_44 = tpu.memref_slice %arg2[%dma_start3A_42, %dma_start3A_43] : memref<4096x256xi32, #tpu.memory_space<hbm>> -> memref<4096x256xi32, #tpu.memory_space<hbm>>
    tpu.enqueue_indirect_dma source(%dma_start3A_44 : memref<4096x256xi32, #tpu.memory_space<hbm>>) target(%dma_start3A_41 : memref<16x256xi32, #tpu.memory_space<vmem>>) offsets(%gather3A_35 : vector<16xi32>) semaphore(%arg13 : memref<!tpu.dma_semaphore, #tpu.memory_space<semaphore_mem>>)
    %add3A_45 = arith.constant 0 : i32
    %add3A_46 = vector.broadcast %add3A_45 : i32 to vector<16xi32>
    %add3A_47 = arith.addi %add3A_46, %iota3A : vector<16xi32>
    %broadcast_in_dim3A_48 = arith.constant 3 : i32
    %broadcast_in_dim3A_49 = vector.broadcast %broadcast_in_dim3A_48 : i32 to vector<16xi32>
    %gather3A_50 = tpu.vector_load_idx %arg7[%add3A_47, %broadcast_in_dim3A_49] : memref<256x8xi32, #tpu.memory_space<vmem>>[vector<16xi32>, vector<16xi32>], vector<16xi32>,
    %dma_start3A_51 = arith.constant 0 : i32
    %dma_start3A_52 = arith.constant 3 : i32
    %dma_start3A_53 = arith.constant 0 : i32
    %dma_start3A_54 = arith.constant 0 : i32
    %dma_start3A_55 = tpu.memref_slice %arg11[%dma_start3A_51, %dma_start3A_52, %dma_start3A_53, %dma_start3A_54] : memref<2x5x16x256xi32, #tpu.memory_space<vmem>> -> memref<1x1x16x256xi32, #tpu.memory_space<vmem>>
    %dma_start3A_56 = tpu.memref_squeeze %dma_start3A_55 : memref<1x1x16x256xi32, #tpu.memory_space<vmem>> -> memref<16x256xi32, #tpu.memory_space<vmem>>
    %dma_start3A_57 = arith.constant 0 : i32
    %dma_start3A_58 = arith.constant 0 : i32
    %dma_start3A_59 = tpu.memref_slice %arg2[%dma_start3A_57, %dma_start3A_58] : memref<4096x256xi32, #tpu.memory_space<hbm>> -> memref<4096x256xi32, #tpu.memory_space<hbm>>
    tpu.enqueue_indirect_dma source(%dma_start3A_59 : memref<4096x256xi32, #tpu.memory_space<hbm>>) target(%dma_start3A_56 : memref<16x256xi32, #tpu.memory_space<vmem>>) offsets(%gather3A_50 : vector<16xi32>) semaphore(%arg13 : memref<!tpu.dma_semaphore, #tpu.memory_space<semaphore_mem>>)
    %add3A_60 = arith.constant 0 : i32
    %add3A_61 = vector.broadcast %add3A_60 : i32 to vector<16xi32>
    %add3A_62 = arith.addi %add3A_61, %iota3A : vector<16xi32>
    %broadcast_in_dim3A_63 = arith.constant 4 : i32
    %broadcast_in_dim3A_64 = vector.broadcast %broadcast_in_dim3A_63 : i32 to vector<16xi32>
    %gather3A_65 = tpu.vector_load_idx %arg7[%add3A_62, %broadcast_in_dim3A_64] : memref<256x8xi32, #tpu.memory_space<vmem>>[vector<16xi32>, vector<16xi32>], vector<16xi32>,
    %dma_start3A_66 = arith.constant 0 : i32
    %dma_start3A_67 = arith.constant 4 : i32
    %dma_start3A_68 = arith.constant 0 : i32
    %dma_start3A_69 = arith.constant 0 : i32
    %dma_start3A_70 = tpu.memref_slice %arg11[%dma_start3A_66, %dma_start3A_67, %dma_start3A_68, %dma_start3A_69] : memref<2x5x16x256xi32, #tpu.memory_space<vmem>> -> memref<1x1x16x256xi32, #tpu.memory_space<vmem>>
    %dma_start3A_71 = tpu.memref_squeeze %dma_start3A_70 : memref<1x1x16x256xi32, #tpu.memory_space<vmem>> -> memref<16x256xi32, #tpu.memory_space<vmem>>
    %dma_start3A_72 = arith.constant 0 : i32
    %dma_start3A_73 = arith.constant 0 : i32
    %dma_start3A_74 = tpu.memref_slice %arg2[%dma_start3A_72, %dma_start3A_73] : memref<4096x256xi32, #tpu.memory_space<hbm>> -> memref<4096x256xi32, #tpu.memory_space<hbm>>
    tpu.enqueue_indirect_dma source(%dma_start3A_74 : memref<4096x256xi32, #tpu.memory_space<hbm>>) target(%dma_start3A_71 : memref<16x256xi32, #tpu.memory_space<vmem>>) offsets(%gather3A_65 : vector<16xi32>) semaphore(%arg13 : memref<!tpu.dma_semaphore, #tpu.memory_space<semaphore_mem>>)
    %scan3A = arith.constant 0 : i32
    %scan3A_75 = arith.constant 0 : i32
    %scan3A_76 = arith.constant 16 : i32
    %scan3A_77 = arith.addi %scan3A_75, %scan3A_76 : i32
    %scan3A_78 = arith.constant 1 : i32
    scf.for %scan3A_80 = %scan3A_75 to %scan3A_77 step %scan3A_78  : i32 {
      %mul3A_81 = arith.constant 16 : i32
      %mul3A_82 = arith.muli %scan3A_80, %mul3A_81 : i32
      %rem3A = arith.constant 2 : i32
      %rem3A_83 = arith.remsi %scan3A_80, %rem3A : i32
      %dma_wait3A = arith.constant 0 : i32
      %dma_wait3A_84 = arith.constant 0 : i32
      %dma_wait3A_85 = arith.constant 0 : i32
      %dma_wait3A_86 = tpu.memref_slice %arg11[%rem3A_83, %dma_wait3A, %dma_wait3A_84, %dma_wait3A_85] : memref<2x5x16x256xi32, #tpu.memory_space<vmem>> -> memref<1x1x16x256xi32, #tpu.memory_space<vmem>>
      %dma_wait3A_87 = tpu.memref_squeeze %dma_wait3A_86 : memref<1x1x16x256xi32, #tpu.memory_space<vmem>> -> memref<16x256xi32, #tpu.memory_space<vmem>>
      %dma_wait3A_88 = arith.constant 0 : i32
      %dma_wait3A_89 = arith.constant 0 : i32
      %dma_wait3A_90 = tpu.memref_slice %arg2[%dma_wait3A_88, %dma_wait3A_89] : memref<4096x256xi32, #tpu.memory_space<hbm>> -> memref<16x256xi32, #tpu.memory_space<hbm>>
      %dma_wait3A_91 = arith.constant 0 : i32
      %dma_wait3A_92 = arith.constant 0 : i32
      %dma_wait3A_93 = tpu.memref_slice %arg11[%rem3A_83, %dma_wait3A, %dma_wait3A_91, %dma_wait3A_92] : memref<2x5x16x256xi32, #tpu.memory_space<vmem>> -> memref<1x1x16x256xi32, #tpu.memory_space<vmem>>
      %dma_wait3A_94 = tpu.memref_squeeze %dma_wait3A_93 : memref<1x1x16x256xi32, #tpu.memory_space<vmem>> -> memref<16x256xi32, #tpu.memory_space<vmem>>
      %dma_wait3A_95 = arith.constant 0 : i32
      %dma_wait3A_96 = arith.constant 0 : i32
      %dma_wait3A_97 = tpu.memref_slice %arg2[%dma_wait3A_95, %dma_wait3A_96] : memref<4096x256xi32, #tpu.memory_space<hbm>> -> memref<16x256xi32, #tpu.memory_space<hbm>>
      tpu.wait_dma2 semaphore(%arg13 : memref<!tpu.dma_semaphore, #tpu.memory_space<semaphore_mem>>) src(%dma_wait3A_97 : memref<16x256xi32, #tpu.memory_space<hbm>>) dst(%dma_wait3A_94 : memref<16x256xi32, #tpu.memory_space<vmem>>)
      %dma_wait3A_98 = arith.constant 1 : i32
      %dma_wait3A_99 = arith.constant 0 : i32
      %dma_wait3A_100 = arith.constant 0 : i32
      %dma_wait3A_101 = tpu.memref_slice %arg11[%rem3A_83, %dma_wait3A_98, %dma_wait3A_99, %dma_wait3A_100] : memref<2x5x16x256xi32, #tpu.memory_space<vmem>> -> memref<1x1x16x256xi32, #tpu.memory_space<vmem>>
      %dma_wait3A_102 = tpu.memref_squeeze %dma_wait3A_101 : memref<1x1x16x256xi32, #tpu.memory_space<vmem>> -> memref<16x256xi32, #tpu.memory_space<vmem>>
      %dma_wait3A_103 = arith.constant 0 : i32
      %dma_wait3A_104 = arith.constant 0 : i32
      %dma_wait3A_105 = tpu.memref_slice %arg2[%dma_wait3A_103, %dma_wait3A_104] : memref<4096x256xi32, #tpu.memory_space<hbm>> -> memref<16x256xi32, #tpu.memory_space<hbm>>
      %dma_wait3A_106 = arith.constant 0 : i32
      %dma_wait3A_107 = arith.constant 0 : i32
      %dma_wait3A_108 = tpu.memref_slice %arg11[%rem3A_83, %dma_wait3A_98, %dma_wait3A_106, %dma_wait3A_107] : memref<2x5x16x256xi32, #tpu.memory_space<vmem>> -> memref<1x1x16x256xi32, #tpu.memory_space<vmem>>
      %dma_wait3A_109 = tpu.memref_squeeze %dma_wait3A_108 : memref<1x1x16x256xi32, #tpu.memory_space<vmem>> -> memref<16x256xi32, #tpu.memory_space<vmem>>
      %dma_wait3A_110 = arith.constant 0 : i32
      %dma_wait3A_111 = arith.constant 0 : i32
      %dma_wait3A_112 = tpu.memref_slice %arg2[%dma_wait3A_110, %dma_wait3A_111] : memref<4096x256xi32, #tpu.memory_space<hbm>> -> memref<16x256xi32, #tpu.memory_space<hbm>>
      tpu.wait_dma2 semaphore(%arg13 : memref<!tpu.dma_semaphore, #tpu.memory_space<semaphore_mem>>) src(%dma_wait3A_112 : memref<16x256xi32, #tpu.memory_space<hbm>>) dst(%dma_wait3A_109 : memref<16x256xi32, #tpu.memory_space<vmem>>)
      %dma_wait3A_113 = arith.constant 2 : i32
      %dma_wait3A_114 = arith.constant 0 : i32
      %dma_wait3A_115 = arith.constant 0 : i32
      %dma_wait3A_116 = tpu.memref_slice %arg11[%rem3A_83, %dma_wait3A_113, %dma_wait3A_114, %dma_wait3A_115] : memref<2x5x16x256xi32, #tpu.memory_space<vmem>> -> memref<1x1x16x256xi32, #tpu.memory_space<vmem>>
      %dma_wait3A_117 = tpu.memref_squeeze %dma_wait3A_116 : memref<1x1x16x256xi32, #tpu.memory_space<vmem>> -> memref<16x256xi32, #tpu.memory_space<vmem>>
      %dma_wait3A_118 = arith.constant 0 : i32
      %dma_wait3A_119 = arith.constant 0 : i32
      %dma_wait3A_120 = tpu.memref_slice %arg2[%dma_wait3A_118, %dma_wait3A_119] : memref<4096x256xi32, #tpu.memory_space<hbm>> -> memref<16x256xi32, #tpu.memory_space<hbm>>
      %dma_wait3A_121 = arith.constant 0 : i32
      %dma_wait3A_122 = arith.constant 0 : i32
      %dma_wait3A_123 = tpu.memref_slice %arg11[%rem3A_83, %dma_wait3A_113, %dma_wait3A_121, %dma_wait3A_122] : memref<2x5x16x256xi32, #tpu.memory_space<vmem>> -> memref<1x1x16x256xi32, #tpu.memory_space<vmem>>
      %dma_wait3A_124 = tpu.memref_squeeze %dma_wait3A_123 : memref<1x1x16x256xi32, #tpu.memory_space<vmem>> -> memref<16x256xi32, #tpu.memory_space<vmem>>
      %dma_wait3A_125 = arith.constant 0 : i32
      %dma_wait3A_126 = arith.constant 0 : i32
      %dma_wait3A_127 = tpu.memref_slice %arg2[%dma_wait3A_125, %dma_wait3A_126] : memref<4096x256xi32, #tpu.memory_space<hbm>> -> memref<16x256xi32, #tpu.memory_space<hbm>>
      tpu.wait_dma2 semaphore(%arg13 : memref<!tpu.dma_semaphore, #tpu.memory_space<semaphore_mem>>) src(%dma_wait3A_127 : memref<16x256xi32, #tpu.memory_space<hbm>>) dst(%dma_wait3A_124 : memref<16x256xi32, #tpu.memory_space<vmem>>)
      %dma_wait3A_128 = arith.constant 3 : i32
      %dma_wait3A_129 = arith.constant 0 : i32
      %dma_wait3A_130 = arith.constant 0 : i32
      %dma_wait3A_131 = tpu.memref_slice %arg11[%rem3A_83, %dma_wait3A_128, %dma_wait3A_129, %dma_wait3A_130] : memref<2x5x16x256xi32, #tpu.memory_space<vmem>> -> memref<1x1x16x256xi32, #tpu.memory_space<vmem>>
      %dma_wait3A_132 = tpu.memref_squeeze %dma_wait3A_131 : memref<1x1x16x256xi32, #tpu.memory_space<vmem>> -> memref<16x256xi32, #tpu.memory_space<vmem>>
      %dma_wait3A_133 = arith.constant 0 : i32
      %dma_wait3A_134 = arith.constant 0 : i32
      %dma_wait3A_135 = tpu.memref_slice %arg2[%dma_wait3A_133, %dma_wait3A_134] : memref<4096x256xi32, #tpu.memory_space<hbm>> -> memref<16x256xi32, #tpu.memory_space<hbm>>
      %dma_wait3A_136 = arith.constant 0 : i32
      %dma_wait3A_137 = arith.constant 0 : i32
      %dma_wait3A_138 = tpu.memref_slice %arg11[%rem3A_83, %dma_wait3A_128, %dma_wait3A_136, %dma_wait3A_137] : memref<2x5x16x256xi32, #tpu.memory_space<vmem>> -> memref<1x1x16x256xi32, #tpu.memory_space<vmem>>
      %dma_wait3A_139 = tpu.memref_squeeze %dma_wait3A_138 : memref<1x1x16x256xi32, #tpu.memory_space<vmem>> -> memref<16x256xi32, #tpu.memory_space<vmem>>
      %dma_wait3A_140 = arith.constant 0 : i32
      %dma_wait3A_141 = arith.constant 0 : i32
      %dma_wait3A_142 = tpu.memref_slice %arg2[%dma_wait3A_140, %dma_wait3A_141] : memref<4096x256xi32, #tpu.memory_space<hbm>> -> memref<16x256xi32, #tpu.memory_space<hbm>>
      tpu.wait_dma2 semaphore(%arg13 : memref<!tpu.dma_semaphore, #tpu.memory_space<semaphore_mem>>) src(%dma_wait3A_142 : memref<16x256xi32, #tpu.memory_space<hbm>>) dst(%dma_wait3A_139 : memref<16x256xi32, #tpu.memory_space<vmem>>)
      %dma_wait3A_143 = arith.constant 4 : i32
      %dma_wait3A_144 = arith.constant 0 : i32
      %dma_wait3A_145 = arith.constant 0 : i32
      %dma_wait3A_146 = tpu.memref_slice %arg11[%rem3A_83, %dma_wait3A_143, %dma_wait3A_144, %dma_wait3A_145] : memref<2x5x16x256xi32, #tpu.memory_space<vmem>> -> memref<1x1x16x256xi32, #tpu.memory_space<vmem>>
      %dma_wait3A_147 = tpu.memref_squeeze %dma_wait3A_146 : memref<1x1x16x256xi32, #tpu.memory_space<vmem>> -> memref<16x256xi32, #tpu.memory_space<vmem>>
      %dma_wait3A_148 = arith.constant 0 : i32
      %dma_wait3A_149 = arith.constant 0 : i32
      %dma_wait3A_150 = tpu.memref_slice %arg2[%dma_wait3A_148, %dma_wait3A_149] : memref<4096x256xi32, #tpu.memory_space<hbm>> -> memref<16x256xi32, #tpu.memory_space<hbm>>
      %dma_wait3A_151 = arith.constant 0 : i32
      %dma_wait3A_152 = arith.constant 0 : i32
      %dma_wait3A_153 = tpu.memref_slice %arg11[%rem3A_83, %dma_wait3A_143, %dma_wait3A_151, %dma_wait3A_152] : memref<2x5x16x256xi32, #tpu.memory_space<vmem>> -> memref<1x1x16x256xi32, #tpu.memory_space<vmem>>
      %dma_wait3A_154 = tpu.memref_squeeze %dma_wait3A_153 : memref<1x1x16x256xi32, #tpu.memory_space<vmem>> -> memref<16x256xi32, #tpu.memory_space<vmem>>
      %dma_wait3A_155 = arith.constant 0 : i32
      %dma_wait3A_156 = arith.constant 0 : i32
      %dma_wait3A_157 = tpu.memref_slice %arg2[%dma_wait3A_155, %dma_wait3A_156] : memref<4096x256xi32, #tpu.memory_space<hbm>> -> memref<16x256xi32, #tpu.memory_space<hbm>>
      tpu.wait_dma2 semaphore(%arg13 : memref<!tpu.dma_semaphore, #tpu.memory_space<semaphore_mem>>) src(%dma_wait3A_157 : memref<16x256xi32, #tpu.memory_space<hbm>>) dst(%dma_wait3A_154 : memref<16x256xi32, #tpu.memory_space<vmem>>)
      %add3A_158 = arith.constant 1 : i32
      %add3A_159 = arith.addi %scan3A_80, %add3A_158 : i32
      %lt3A = arith.constant 16 : i32
      %lt3A_160 = arith.cmpi slt, %add3A_159, %lt3A : i32
      %convert_element_type3A = arith.extui %lt3A_160 : i1 to i32
      %cond3A = arith.constant 0 : i32
      %cond3A_161 = arith.cmpi ne, %convert_element_type3A, %cond3A : i32
      scf.if %cond3A_161 {
        %add3A_339 = arith.constant 1 : i32
        %add3A_340 = arith.addi %scan3A_80, %add3A_339 : i32
        %sub3A_341 = arith.constant 1 : i32
        %sub3A_342 = arith.subi %sub3A_341, %rem3A_83 : i32
        %mul3A_343 = arith.constant 16 : i32
        %mul3A_344 = arith.muli %add3A_340, %mul3A_343 : i32
        %add3A_345 = vector.broadcast %mul3A_344 : i32 to vector<16xi32>
        %add3A_346 = arith.addi %add3A_345, %iota3A : vector<16xi32>
        %broadcast_in_dim3A_347 = arith.constant 0 : i32
        %broadcast_in_dim3A_348 = vector.broadcast %broadcast_in_dim3A_347 : i32 to vector<16xi32>
        %gather3A_349 = tpu.vector_load_idx %arg7[%add3A_346, %broadcast_in_dim3A_348] : memref<256x8xi32, #tpu.memory_space<vmem>>[vector<16xi32>, vector<16xi32>], vector<16xi32>,
        %dma_start3A_350 = arith.constant 0 : i32
        %dma_start3A_351 = arith.constant 0 : i32
        %dma_start3A_352 = arith.constant 0 : i32
        %dma_start3A_353 = tpu.memref_slice %arg11[%sub3A_342, %dma_start3A_350, %dma_start3A_351, %dma_start3A_352] : memref<2x5x16x256xi32, #tpu.memory_space<vmem>> -> memref<1x1x16x256xi32, #tpu.memory_space<vmem>>
        %dma_start3A_354 = tpu.memref_squeeze %dma_start3A_353 : memref<1x1x16x256xi32, #tpu.memory_space<vmem>> -> memref<16x256xi32, #tpu.memory_space<vmem>>
        %dma_start3A_355 = arith.constant 0 : i32
        %dma_start3A_356 = arith.constant 0 : i32
        %dma_start3A_357 = tpu.memref_slice %arg2[%dma_start3A_355, %dma_start3A_356] : memref<4096x256xi32, #tpu.memory_space<hbm>> -> memref<4096x256xi32, #tpu.memory_space<hbm>>
        tpu.enqueue_indirect_dma source(%dma_start3A_357 : memref<4096x256xi32, #tpu.memory_space<hbm>>) target(%dma_start3A_354 : memref<16x256xi32, #tpu.memory_space<vmem>>) offsets(%gather3A_349 : vector<16xi32>) semaphore(%arg13 : memref<!tpu.dma_semaphore, #tpu.memory_space<semaphore_mem>>)
        %add3A_358 = vector.broadcast %mul3A_344 : i32 to vector<16xi32>
        %add3A_359 = arith.addi %add3A_358, %iota3A : vector<16xi32>
        %broadcast_in_dim3A_360 = arith.constant 1 : i32
        %broadcast_in_dim3A_361 = vector.broadcast %broadcast_in_dim3A_360 : i32 to vector<16xi32>
        %gather3A_362 = tpu.vector_load_idx %arg7[%add3A_359, %broadcast_in_dim3A_361] : memref<256x8xi32, #tpu.memory_space<vmem>>[vector<16xi32>, vector<16xi32>], vector<16xi32>,
        %dma_start3A_363 = arith.constant 1 : i32
        %dma_start3A_364 = arith.constant 0 : i32
        %dma_start3A_365 = arith.constant 0 : i32
        %dma_start3A_366 = tpu.memref_slice %arg11[%sub3A_342, %dma_start3A_363, %dma_start3A_364, %dma_start3A_365] : memref<2x5x16x256xi32, #tpu.memory_space<vmem>> -> memref<1x1x16x256xi32, #tpu.memory_space<vmem>>
        %dma_start3A_367 = tpu.memref_squeeze %dma_start3A_366 : memref<1x1x16x256xi32, #tpu.memory_space<vmem>> -> memref<16x256xi32, #tpu.memory_space<vmem>>
        %dma_start3A_368 = arith.constant 0 : i32
        %dma_start3A_369 = arith.constant 0 : i32
        %dma_start3A_370 = tpu.memref_slice %arg2[%dma_start3A_368, %dma_start3A_369] : memref<4096x256xi32, #tpu.memory_space<hbm>> -> memref<4096x256xi32, #tpu.memory_space<hbm>>
        tpu.enqueue_indirect_dma source(%dma_start3A_370 : memref<4096x256xi32, #tpu.memory_space<hbm>>) target(%dma_start3A_367 : memref<16x256xi32, #tpu.memory_space<vmem>>) offsets(%gather3A_362 : vector<16xi32>) semaphore(%arg13 : memref<!tpu.dma_semaphore, #tpu.memory_space<semaphore_mem>>)
        %add3A_371 = vector.broadcast %mul3A_344 : i32 to vector<16xi32>
        %add3A_372 = arith.addi %add3A_371, %iota3A : vector<16xi32>
        %broadcast_in_dim3A_373 = arith.constant 2 : i32
        %broadcast_in_dim3A_374 = vector.broadcast %broadcast_in_dim3A_373 : i32 to vector<16xi32>
        %gather3A_375 = tpu.vector_load_idx %arg7[%add3A_372, %broadcast_in_dim3A_374] : memref<256x8xi32, #tpu.memory_space<vmem>>[vector<16xi32>, vector<16xi32>], vector<16xi32>,
        %dma_start3A_376 = arith.constant 2 : i32
        %dma_start3A_377 = arith.constant 0 : i32
        %dma_start3A_378 = arith.constant 0 : i32
        %dma_start3A_379 = tpu.memref_slice %arg11[%sub3A_342, %dma_start3A_376, %dma_start3A_377, %dma_start3A_378] : memref<2x5x16x256xi32, #tpu.memory_space<vmem>> -> memref<1x1x16x256xi32, #tpu.memory_space<vmem>>
        %dma_start3A_380 = tpu.memref_squeeze %dma_start3A_379 : memref<1x1x16x256xi32, #tpu.memory_space<vmem>> -> memref<16x256xi32, #tpu.memory_space<vmem>>
        %dma_start3A_381 = arith.constant 0 : i32
        %dma_start3A_382 = arith.constant 0 : i32
        %dma_start3A_383 = tpu.memref_slice %arg2[%dma_start3A_381, %dma_start3A_382] : memref<4096x256xi32, #tpu.memory_space<hbm>> -> memref<4096x256xi32, #tpu.memory_space<hbm>>
        tpu.enqueue_indirect_dma source(%dma_start3A_383 : memref<4096x256xi32, #tpu.memory_space<hbm>>) target(%dma_start3A_380 : memref<16x256xi32, #tpu.memory_space<vmem>>) offsets(%gather3A_375 : vector<16xi32>) semaphore(%arg13 : memref<!tpu.dma_semaphore, #tpu.memory_space<semaphore_mem>>)
        %add3A_384 = vector.broadcast %mul3A_344 : i32 to vector<16xi32>
        %add3A_385 = arith.addi %add3A_384, %iota3A : vector<16xi32>
        %broadcast_in_dim3A_386 = arith.constant 3 : i32
        %broadcast_in_dim3A_387 = vector.broadcast %broadcast_in_dim3A_386 : i32 to vector<16xi32>
        %gather3A_388 = tpu.vector_load_idx %arg7[%add3A_385, %broadcast_in_dim3A_387] : memref<256x8xi32, #tpu.memory_space<vmem>>[vector<16xi32>, vector<16xi32>], vector<16xi32>,
        %dma_start3A_389 = arith.constant 3 : i32
        %dma_start3A_390 = arith.constant 0 : i32
        %dma_start3A_391 = arith.constant 0 : i32
        %dma_start3A_392 = tpu.memref_slice %arg11[%sub3A_342, %dma_start3A_389, %dma_start3A_390, %dma_start3A_391] : memref<2x5x16x256xi32, #tpu.memory_space<vmem>> -> memref<1x1x16x256xi32, #tpu.memory_space<vmem>>
        %dma_start3A_393 = tpu.memref_squeeze %dma_start3A_392 : memref<1x1x16x256xi32, #tpu.memory_space<vmem>> -> memref<16x256xi32, #tpu.memory_space<vmem>>
        %dma_start3A_394 = arith.constant 0 : i32
        %dma_start3A_395 = arith.constant 0 : i32
        %dma_start3A_396 = tpu.memref_slice %arg2[%dma_start3A_394, %dma_start3A_395] : memref<4096x256xi32, #tpu.memory_space<hbm>> -> memref<4096x256xi32, #tpu.memory_space<hbm>>
        tpu.enqueue_indirect_dma source(%dma_start3A_396 : memref<4096x256xi32, #tpu.memory_space<hbm>>) target(%dma_start3A_393 : memref<16x256xi32, #tpu.memory_space<vmem>>) offsets(%gather3A_388 : vector<16xi32>) semaphore(%arg13 : memref<!tpu.dma_semaphore, #tpu.memory_space<semaphore_mem>>)
        %add3A_397 = vector.broadcast %mul3A_344 : i32 to vector<16xi32>
        %add3A_398 = arith.addi %add3A_397, %iota3A : vector<16xi32>
        %broadcast_in_dim3A_399 = arith.constant 4 : i32
        %broadcast_in_dim3A_400 = vector.broadcast %broadcast_in_dim3A_399 : i32 to vector<16xi32>
        %gather3A_401 = tpu.vector_load_idx %arg7[%add3A_398, %broadcast_in_dim3A_400] : memref<256x8xi32, #tpu.memory_space<vmem>>[vector<16xi32>, vector<16xi32>], vector<16xi32>,
        %dma_start3A_402 = arith.constant 4 : i32
        %dma_start3A_403 = arith.constant 0 : i32
        %dma_start3A_404 = arith.constant 0 : i32
        %dma_start3A_405 = tpu.memref_slice %arg11[%sub3A_342, %dma_start3A_402, %dma_start3A_403, %dma_start3A_404] : memref<2x5x16x256xi32, #tpu.memory_space<vmem>> -> memref<1x1x16x256xi32, #tpu.memory_space<vmem>>
        %dma_start3A_406 = tpu.memref_squeeze %dma_start3A_405 : memref<1x1x16x256xi32, #tpu.memory_space<vmem>> -> memref<16x256xi32, #tpu.memory_space<vmem>>
        %dma_start3A_407 = arith.constant 0 : i32
        %dma_start3A_408 = arith.constant 0 : i32
        %dma_start3A_409 = tpu.memref_slice %arg2[%dma_start3A_407, %dma_start3A_408] : memref<4096x256xi32, #tpu.memory_space<hbm>> -> memref<4096x256xi32, #tpu.memory_space<hbm>>
        tpu.enqueue_indirect_dma source(%dma_start3A_409 : memref<4096x256xi32, #tpu.memory_space<hbm>>) target(%dma_start3A_406 : memref<16x256xi32, #tpu.memory_space<vmem>>) offsets(%gather3A_401 : vector<16xi32>) semaphore(%arg13 : memref<!tpu.dma_semaphore, #tpu.memory_space<semaphore_mem>>)
      } else {
      }
      %add3A_162 = vector.broadcast %mul3A_82 : i32 to vector<16xi32>
      %add3A_163 = arith.addi %add3A_162, %iota3A : vector<16xi32>
      %broadcast_in_dim3A_164 = arith.constant 0 : i32
      %broadcast_in_dim3A_165 = vector.broadcast %broadcast_in_dim3A_164 : i32 to vector<16xi32>
      %gather3A_166 = tpu.vector_load_idx %arg8[%add3A_163, %broadcast_in_dim3A_165] : memref<256x3xf32, #tpu.memory_space<vmem>>[vector<16xi32>, vector<16xi32>], vector<16xf32>,
      %add3A_167 = vector.broadcast %mul3A_82 : i32 to vector<16xi32>
      %add3A_168 = arith.addi %add3A_167, %iota3A : vector<16xi32>
      %broadcast_in_dim3A_169 = arith.constant 1 : i32
      %broadcast_in_dim3A_170 = vector.broadcast %broadcast_in_dim3A_169 : i32 to vector<16xi32>
      %gather3A_171 = tpu.vector_load_idx %arg8[%add3A_168, %broadcast_in_dim3A_170] : memref<256x3xf32, #tpu.memory_space<vmem>>[vector<16xi32>, vector<16xi32>], vector<16xf32>,
      %add3A_172 = vector.broadcast %mul3A_82 : i32 to vector<16xi32>
      %add3A_173 = arith.addi %add3A_172, %iota3A : vector<16xi32>
      %broadcast_in_dim3A_174 = arith.constant 2 : i32
      %broadcast_in_dim3A_175 = vector.broadcast %broadcast_in_dim3A_174 : i32 to vector<16xi32>
      %gather3A_176 = tpu.vector_load_idx %arg8[%add3A_173, %broadcast_in_dim3A_175] : memref<256x3xf32, #tpu.memory_space<vmem>>[vector<16xi32>, vector<16xi32>], vector<16xf32>,
      %add3A_177 = vector.broadcast %mul3A_82 : i32 to vector<16xi32>
      %add3A_178 = arith.addi %add3A_177, %iota3A : vector<16xi32>
      %broadcast_in_dim3A_179 = arith.constant 0 : i32
      %broadcast_in_dim3A_180 = vector.broadcast %broadcast_in_dim3A_179 : i32 to vector<16xi32>
      %gather3A_181 = tpu.vector_load_idx %arg7[%add3A_178, %broadcast_in_dim3A_180] : memref<256x8xi32, #tpu.memory_space<vmem>>[vector<16xi32>, vector<16xi32>], vector<16xi32>,
      %broadcast_in_dim3A_182 = arith.constant 0 : i32
      %broadcast_in_dim3A_183 = vector.broadcast %broadcast_in_dim3A_182 : i32 to vector<16xi32>
      %gather3A_184 = tpu.vector_load_idx %arg9[%broadcast_in_dim3A_183, %gather3A_181] : memref<3x4096xf32, #tpu.memory_space<vmem>>[vector<16xi32>, vector<16xi32>], vector<16xf32>,
      %sub3A = arith.subf %gather3A_184, %gather3A_166 : vector<16xf32>
      %broadcast_in_dim3A_185 = arith.constant 1 : i32
      %broadcast_in_dim3A_186 = vector.broadcast %broadcast_in_dim3A_185 : i32 to vector<16xi32>
      %gather3A_187 = tpu.vector_load_idx %arg9[%broadcast_in_dim3A_186, %gather3A_181] : memref<3x4096xf32, #tpu.memory_space<vmem>>[vector<16xi32>, vector<16xi32>], vector<16xf32>,
      %sub3A_188 = arith.subf %gather3A_187, %gather3A_171 : vector<16xf32>
      %broadcast_in_dim3A_189 = arith.constant 2 : i32
      %broadcast_in_dim3A_190 = vector.broadcast %broadcast_in_dim3A_189 : i32 to vector<16xi32>
      %gather3A_191 = tpu.vector_load_idx %arg9[%broadcast_in_dim3A_190, %gather3A_181] : memref<3x4096xf32, #tpu.memory_space<vmem>>[vector<16xi32>, vector<16xi32>], vector<16xf32>,
      %sub3A_192 = arith.subf %gather3A_191, %gather3A_176 : vector<16xf32>
      %mul3A_193 = arith.mulf %sub3A, %sub3A : vector<16xf32>
      %mul3A_194 = arith.mulf %sub3A_188, %sub3A_188 : vector<16xf32>
      %add3A_195 = arith.addf %mul3A_193, %mul3A_194 : vector<16xf32>
      %mul3A_196 = arith.mulf %sub3A_192, %sub3A_192 : vector<16xf32>
      %add3A_197 = arith.addf %add3A_195, %mul3A_196 : vector<16xf32>
      %max3A = arith.constant 1.000000e-10 : f32
      %max3A_198 = vector.broadcast %max3A : f32 to vector<16xf32>
      %max3A_199 = arith.maximumf %add3A_197, %max3A_198 : vector<16xf32>
      %div3A = arith.constant 1.000000e+00 : f32
      %div3A_200 = vector.broadcast %div3A : f32 to vector<16xf32>
      %div3A_201 = arith.divf %div3A_200, %max3A_199 : vector<16xf32>
      %add3A_202 = vector.broadcast %mul3A_82 : i32 to vector<16xi32>
      %add3A_203 = arith.addi %add3A_202, %iota3A : vector<16xi32>
      %broadcast_in_dim3A_204 = arith.constant 1 : i32
      %broadcast_in_dim3A_205 = vector.broadcast %broadcast_in_dim3A_204 : i32 to vector<16xi32>
      %gather3A_206 = tpu.vector_load_idx %arg7[%add3A_203, %broadcast_in_dim3A_205] : memref<256x8xi32, #tpu.memory_space<vmem>>[vector<16xi32>, vector<16xi32>], vector<16xi32>,
      %broadcast_in_dim3A_207 = arith.constant 0 : i32
      %broadcast_in_dim3A_208 = vector.broadcast %broadcast_in_dim3A_207 : i32 to vector<16xi32>
      %gather3A_209 = tpu.vector_load_idx %arg9[%broadcast_in_dim3A_208, %gather3A_206] : memref<3x4096xf32, #tpu.memory_space<vmem>>[vector<16xi32>, vector<16xi32>], vector<16xf32>,
      %sub3A_210 = arith.subf %gather3A_209, %gather3A_166 : vector<16xf32>
      %broadcast_in_dim3A_211 = arith.constant 1 : i32
      %broadcast_in_dim3A_212 = vector.broadcast %broadcast_in_dim3A_211 : i32 to vector<16xi32>
      %gather3A_213 = tpu.vector_load_idx %arg9[%broadcast_in_dim3A_212, %gather3A_206] : memref<3x4096xf32, #tpu.memory_space<vmem>>[vector<16xi32>, vector<16xi32>], vector<16xf32>,
      %sub3A_214 = arith.subf %gather3A_213, %gather3A_171 : vector<16xf32>
      %broadcast_in_dim3A_215 = arith.constant 2 : i32
      %broadcast_in_dim3A_216 = vector.broadcast %broadcast_in_dim3A_215 : i32 to vector<16xi32>
      %gather3A_217 = tpu.vector_load_idx %arg9[%broadcast_in_dim3A_216, %gather3A_206] : memref<3x4096xf32, #tpu.memory_space<vmem>>[vector<16xi32>, vector<16xi32>], vector<16xf32>,
      %sub3A_218 = arith.subf %gather3A_217, %gather3A_176 : vector<16xf32>
      %mul3A_219 = arith.mulf %sub3A_210, %sub3A_210 : vector<16xf32>
      %mul3A_220 = arith.mulf %sub3A_214, %sub3A_214 : vector<16xf32>
      %add3A_221 = arith.addf %mul3A_219, %mul3A_220 : vector<16xf32>
      %mul3A_222 = arith.mulf %sub3A_218, %sub3A_218 : vector<16xf32>
      %add3A_223 = arith.addf %add3A_221, %mul3A_222 : vector<16xf32>
      %max3A_224 = arith.constant 1.000000e-10 : f32
      %max3A_225 = vector.broadcast %max3A_224 : f32 to vector<16xf32>
      %max3A_226 = arith.maximumf %add3A_223, %max3A_225 : vector<16xf32>
      %div3A_227 = arith.constant 1.000000e+00 : f32
      %div3A_228 = vector.broadcast %div3A_227 : f32 to vector<16xf32>
      %div3A_229 = arith.divf %div3A_228, %max3A_226 : vector<16xf32>
      %add3A_230 = vector.broadcast %mul3A_82 : i32 to vector<16xi32>
      %add3A_231 = arith.addi %add3A_230, %iota3A : vector<16xi32>
      %broadcast_in_dim3A_232 = arith.constant 2 : i32
      %broadcast_in_dim3A_233 = vector.broadcast %broadcast_in_dim3A_232 : i32 to vector<16xi32>
      %gather3A_234 = tpu.vector_load_idx %arg7[%add3A_231, %broadcast_in_dim3A_233] : memref<256x8xi32, #tpu.memory_space<vmem>>[vector<16xi32>, vector<16xi32>], vector<16xi32>,
      %broadcast_in_dim3A_235 = arith.constant 0 : i32
      %broadcast_in_dim3A_236 = vector.broadcast %broadcast_in_dim3A_235 : i32 to vector<16xi32>
      %gather3A_237 = tpu.vector_load_idx %arg9[%broadcast_in_dim3A_236, %gather3A_234] : memref<3x4096xf32, #tpu.memory_space<vmem>>[vector<16xi32>, vector<16xi32>], vector<16xf32>,
      %sub3A_238 = arith.subf %gather3A_237, %gather3A_166 : vector<16xf32>
      %broadcast_in_dim3A_239 = arith.constant 1 : i32
      %broadcast_in_dim3A_240 = vector.broadcast %broadcast_in_dim3A_239 : i32 to vector<16xi32>
      %gather3A_241 = tpu.vector_load_idx %arg9[%broadcast_in_dim3A_240, %gather3A_234] : memref<3x4096xf32, #tpu.memory_space<vmem>>[vector<16xi32>, vector<16xi32>], vector<16xf32>,
      %sub3A_242 = arith.subf %gather3A_241, %gather3A_171 : vector<16xf32>
      %broadcast_in_dim3A_243 = arith.constant 2 : i32
      %broadcast_in_dim3A_244 = vector.broadcast %broadcast_in_dim3A_243 : i32 to vector<16xi32>
      %gather3A_245 = tpu.vector_load_idx %arg9[%broadcast_in_dim3A_244, %gather3A_234] : memref<3x4096xf32, #tpu.memory_space<vmem>>[vector<16xi32>, vector<16xi32>], vector<16xf32>,
      %sub3A_246 = arith.subf %gather3A_245, %gather3A_176 : vector<16xf32>
      %mul3A_247 = arith.mulf %sub3A_238, %sub3A_238 : vector<16xf32>
      %mul3A_248 = arith.mulf %sub3A_242, %sub3A_242 : vector<16xf32>
      %add3A_249 = arith.addf %mul3A_247, %mul3A_248 : vector<16xf32>
      %mul3A_250 = arith.mulf %sub3A_246, %sub3A_246 : vector<16xf32>
      %add3A_251 = arith.addf %add3A_249, %mul3A_250 : vector<16xf32>
      %max3A_252 = arith.constant 1.000000e-10 : f32
      %max3A_253 = vector.broadcast %max3A_252 : f32 to vector<16xf32>
      %max3A_254 = arith.maximumf %add3A_251, %max3A_253 : vector<16xf32>
      %div3A_255 = arith.constant 1.000000e+00 : f32
      %div3A_256 = vector.broadcast %div3A_255 : f32 to vector<16xf32>
      %div3A_257 = arith.divf %div3A_256, %max3A_254 : vector<16xf32>
      %add3A_258 = vector.broadcast %mul3A_82 : i32 to vector<16xi32>
      %add3A_259 = arith.addi %add3A_258, %iota3A : vector<16xi32>
      %broadcast_in_dim3A_260 = arith.constant 3 : i32
      %broadcast_in_dim3A_261 = vector.broadcast %broadcast_in_dim3A_260 : i32 to vector<16xi32>
      %gather3A_262 = tpu.vector_load_idx %arg7[%add3A_259, %broadcast_in_dim3A_261] : memref<256x8xi32, #tpu.memory_space<vmem>>[vector<16xi32>, vector<16xi32>], vector<16xi32>,
      %broadcast_in_dim3A_263 = arith.constant 0 : i32
      %broadcast_in_dim3A_264 = vector.broadcast %broadcast_in_dim3A_263 : i32 to vector<16xi32>
      %gather3A_265 = tpu.vector_load_idx %arg9[%broadcast_in_dim3A_264, %gather3A_262] : memref<3x4096xf32, #tpu.memory_space<vmem>>[vector<16xi32>, vector<16xi32>], vector<16xf32>,
      %sub3A_266 = arith.subf %gather3A_265, %gather3A_166 : vector<16xf32>
      %broadcast_in_dim3A_267 = arith.constant 1 : i32
      %broadcast_in_dim3A_268 = vector.broadcast %broadcast_in_dim3A_267 : i32 to vector<16xi32>
      %gather3A_269 = tpu.vector_load_idx %arg9[%broadcast_in_dim3A_268, %gather3A_262] : memref<3x4096xf32, #tpu.memory_space<vmem>>[vector<16xi32>, vector<16xi32>], vector<16xf32>,
      %sub3A_270 = arith.subf %gather3A_269, %gather3A_171 : vector<16xf32>
      %broadcast_in_dim3A_271 = arith.constant 2 : i32
      %broadcast_in_dim3A_272 = vector.broadcast %broadcast_in_dim3A_271 : i32 to vector<16xi32>
      %gather3A_273 = tpu.vector_load_idx %arg9[%broadcast_in_dim3A_272, %gather3A_262] : memref<3x4096xf32, #tpu.memory_space<vmem>>[vector<16xi32>, vector<16xi32>], vector<16xf32>,
      %sub3A_274 = arith.subf %gather3A_273, %gather3A_176 : vector<16xf32>
      %mul3A_275 = arith.mulf %sub3A_266, %sub3A_266 : vector<16xf32>
      %mul3A_276 = arith.mulf %sub3A_270, %sub3A_270 : vector<16xf32>
      %add3A_277 = arith.addf %mul3A_275, %mul3A_276 : vector<16xf32>
      %mul3A_278 = arith.mulf %sub3A_274, %sub3A_274 : vector<16xf32>
      %add3A_279 = arith.addf %add3A_277, %mul3A_278 : vector<16xf32>
      %max3A_280 = arith.constant 1.000000e-10 : f32
      %max3A_281 = vector.broadcast %max3A_280 : f32 to vector<16xf32>
      %max3A_282 = arith.maximumf %add3A_279, %max3A_281 : vector<16xf32>
      %div3A_283 = arith.constant 1.000000e+00 : f32
      %div3A_284 = vector.broadcast %div3A_283 : f32 to vector<16xf32>
      %div3A_285 = arith.divf %div3A_284, %max3A_282 : vector<16xf32>
      %add3A_286 = vector.broadcast %mul3A_82 : i32 to vector<16xi32>
      %add3A_287 = arith.addi %add3A_286, %iota3A : vector<16xi32>
      %broadcast_in_dim3A_288 = arith.constant 4 : i32
      %broadcast_in_dim3A_289 = vector.broadcast %broadcast_in_dim3A_288 : i32 to vector<16xi32>
      %gather3A_290 = tpu.vector_load_idx %arg7[%add3A_287, %broadcast_in_dim3A_289] : memref<256x8xi32, #tpu.memory_space<vmem>>[vector<16xi32>, vector<16xi32>], vector<16xi32>,
      %broadcast_in_dim3A_291 = arith.constant 0 : i32
      %broadcast_in_dim3A_292 = vector.broadcast %broadcast_in_dim3A_291 : i32 to vector<16xi32>
      %gather3A_293 = tpu.vector_load_idx %arg9[%broadcast_in_dim3A_292, %gather3A_290] : memref<3x4096xf32, #tpu.memory_space<vmem>>[vector<16xi32>, vector<16xi32>], vector<16xf32>,
      %sub3A_294 = arith.subf %gather3A_293, %gather3A_166 : vector<16xf32>
      %broadcast_in_dim3A_295 = arith.constant 1 : i32
      %broadcast_in_dim3A_296 = vector.broadcast %broadcast_in_dim3A_295 : i32 to vector<16xi32>
      %gather3A_297 = tpu.vector_load_idx %arg9[%broadcast_in_dim3A_296, %gather3A_290] : memref<3x4096xf32, #tpu.memory_space<vmem>>[vector<16xi32>, vector<16xi32>], vector<16xf32>,
      %sub3A_298 = arith.subf %gather3A_297, %gather3A_171 : vector<16xf32>
      %broadcast_in_dim3A_299 = arith.constant 2 : i32
      %broadcast_in_dim3A_300 = vector.broadcast %broadcast_in_dim3A_299 : i32 to vector<16xi32>
      %gather3A_301 = tpu.vector_load_idx %arg9[%broadcast_in_dim3A_300, %gather3A_290] : memref<3x4096xf32, #tpu.memory_space<vmem>>[vector<16xi32>, vector<16xi32>], vector<16xf32>,
      %sub3A_302 = arith.subf %gather3A_301, %gather3A_176 : vector<16xf32>
      %mul3A_303 = arith.mulf %sub3A_294, %sub3A_294 : vector<16xf32>
      %mul3A_304 = arith.mulf %sub3A_298, %sub3A_298 : vector<16xf32>
      %add3A_305 = arith.addf %mul3A_303, %mul3A_304 : vector<16xf32>
      %mul3A_306 = arith.mulf %sub3A_302, %sub3A_302 : vector<16xf32>
      %add3A_307 = arith.addf %add3A_305, %mul3A_306 : vector<16xf32>
      %max3A_308 = arith.constant 1.000000e-10 : f32
      %max3A_309 = vector.broadcast %max3A_308 : f32 to vector<16xf32>
      %max3A_310 = arith.maximumf %add3A_307, %max3A_309 : vector<16xf32>
      %div3A_311 = arith.constant 1.000000e+00 : f32
      %div3A_312 = vector.broadcast %div3A_311 : f32 to vector<16xf32>
      %div3A_313 = arith.divf %div3A_312, %max3A_310 : vector<16xf32>
      %add3A_314 = arith.addf %div3A_201, %div3A_229 : vector<16xf32>
      %add3A_315 = arith.addf %div3A_257, %div3A_285 : vector<16xf32>
      %add3A_316 = arith.addf %add3A_314, %add3A_315 : vector<16xf32>
      %add3A_317 = arith.addf %add3A_316, %div3A_313 : vector<16xf32>
      %div3A_318 = arith.divf %div3A_201, %add3A_317 : vector<16xf32>
      %swap3A = arith.constant 0 : index
      %swap3A_319 = tpu.vector_load %arg10[%swap3A] {strides = array<i32>} : memref<80xf32, #tpu.memory_space<vmem>>, vector<16xf32>,
      tpu.vector_store %arg10[%swap3A], %div3A_318 {strides = array<i32>} : memref<80xf32, #tpu.memory_space<vmem>>, vector<16xf32>,
      %div3A_320 = arith.divf %div3A_229, %add3A_317 : vector<16xf32>
      %swap3A_321 = arith.constant 16 : index
      %swap3A_322 = tpu.vector_load %arg10[%swap3A_321] {strides = array<i32>} : memref<80xf32, #tpu.memory_space<vmem>>, vector<16xf32>,
      tpu.vector_store %arg10[%swap3A_321], %div3A_320 {strides = array<i32>} : memref<80xf32, #tpu.memory_space<vmem>>, vector<16xf32>,
      %div3A_323 = arith.divf %div3A_257, %add3A_317 : vector<16xf32>
      %swap3A_324 = arith.constant 32 : index
      %swap3A_325 = tpu.vector_load %arg10[%swap3A_324] {strides = array<i32>} : memref<80xf32, #tpu.memory_space<vmem>>, vector<16xf32>,
      tpu.vector_store %arg10[%swap3A_324], %div3A_323 {strides = array<i32>} : memref<80xf32, #tpu.memory_space<vmem>>, vector<16xf32>,
      %div3A_326 = arith.divf %div3A_285, %add3A_317 : vector<16xf32>
      %swap3A_327 = arith.constant 48 : index
      %swap3A_328 = tpu.vector_load %arg10[%swap3A_327] {strides = array<i32>} : memref<80xf32, #tpu.memory_space<vmem>>, vector<16xf32>,
      tpu.vector_store %arg10[%swap3A_327], %div3A_326 {strides = array<i32>} : memref<80xf32, #tpu.memory_space<vmem>>, vector<16xf32>,
      %div3A_329 = arith.divf %div3A_313, %add3A_317 : vector<16xf32>
      %swap3A_330 = arith.constant 64 : index
      %swap3A_331 = tpu.vector_load %arg10[%swap3A_330] {strides = array<i32>} : memref<80xf32, #tpu.memory_space<vmem>>, vector<16xf32>,
      tpu.vector_store %arg10[%swap3A_330], %div3A_329 {strides = array<i32>} : memref<80xf32, #tpu.memory_space<vmem>>, vector<16xf32>,
      %scan3A_332 = arith.constant 0 : i32
      %scan3A_333 = arith.constant 0 : i32
      %scan3A_334 = arith.constant 16 : i32
      %scan3A_335 = arith.addi %scan3A_333, %scan3A_334 : i32
      %scan3A_336 = arith.constant 1 : i32
      scf.for %scan3A_339 = %scan3A_333 to %scan3A_335 step %scan3A_336  : i32 {
        %add3A_340 = arith.constant 0 : i32
        %add3A_341 = arith.addi %add3A_340, %scan3A_339 : i32
        %broadcast_in_dim3A_342 = vector.broadcast %add3A_341 : i32 to vector<16xi32>
        %gather3A_343 = tpu.vector_load_idx %arg10[%broadcast_in_dim3A_342] : memref<80xf32, #tpu.memory_space<vmem>>[vector<16xi32>], vector<16xf32>,
        %pack3A = tpu.pack_subelements %gather3A_343, %gather3A_343 {pack_format = #tpu.pack_format<interleaved>, positions = array<i32: 0, 1>} : vector<16xf32>, vector<16xf32> -> vector<32xbf16>
        %add3A_344 = arith.constant 16 : i32
        %add3A_345 = arith.addi %add3A_344, %scan3A_339 : i32
        %broadcast_in_dim3A_346 = vector.broadcast %add3A_345 : i32 to vector<16xi32>
        %gather3A_347 = tpu.vector_load_idx %arg10[%broadcast_in_dim3A_346] : memref<80xf32, #tpu.memory_space<vmem>>[vector<16xi32>], vector<16xf32>,
        %pack3A_348 = tpu.pack_subelements %gather3A_347, %gather3A_347 {pack_format = #tpu.pack_format<interleaved>, positions = array<i32: 0, 1>} : vector<16xf32>, vector<16xf32> -> vector<32xbf16>
        %add3A_349 = arith.constant 32 : i32
        %add3A_350 = arith.addi %add3A_349, %scan3A_339 : i32
        %broadcast_in_dim3A_351 = vector.broadcast %add3A_350 : i32 to vector<16xi32>
        %gather3A_352 = tpu.vector_load_idx %arg10[%broadcast_in_dim3A_351] : memref<80xf32, #tpu.memory_space<vmem>>[vector<16xi32>], vector<16xf32>,
        %pack3A_353 = tpu.pack_subelements %gather3A_352, %gather3A_352 {pack_format = #tpu.pack_format<interleaved>, positions = array<i32: 0, 1>} : vector<16xf32>, vector<16xf32> -> vector<32xbf16>
        %add3A_354 = arith.constant 48 : i32
        %add3A_355 = arith.addi %add3A_354, %scan3A_339 : i32
        %broadcast_in_dim3A_356 = vector.broadcast %add3A_355 : i32 to vector<16xi32>
        %gather3A_357 = tpu.vector_load_idx %arg10[%broadcast_in_dim3A_356] : memref<80xf32, #tpu.memory_space<vmem>>[vector<16xi32>], vector<16xf32>,
        %pack3A_358 = tpu.pack_subelements %gather3A_357, %gather3A_357 {pack_format = #tpu.pack_format<interleaved>, positions = array<i32: 0, 1>} : vector<16xf32>, vector<16xf32> -> vector<32xbf16>
        %add3A_359 = arith.constant 64 : i32
        %add3A_360 = arith.addi %add3A_359, %scan3A_339 : i32
        %broadcast_in_dim3A_361 = vector.broadcast %add3A_360 : i32 to vector<16xi32>
        %gather3A_362 = tpu.vector_load_idx %arg10[%broadcast_in_dim3A_361] : memref<80xf32, #tpu.memory_space<vmem>>[vector<16xi32>], vector<16xf32>,
        %pack3A_363 = tpu.pack_subelements %gather3A_362, %gather3A_362 {pack_format = #tpu.pack_format<interleaved>, positions = array<i32: 0, 1>} : vector<16xf32>, vector<16xf32> -> vector<32xbf16>
        %get3A = arith.constant 0 : i32
        %get3A_364 = arith.index_cast %rem3A_83 : i32 to index
        %get3A_365 = arith.index_cast %get3A : i32 to index
        %get3A_366 = arith.index_cast %scan3A_339 : i32 to index
        %get3A_367 = arith.constant 0 : index
        %get3A_368 = tpu.vector_load %arg11[%get3A_364, %get3A_365, %get3A_366, %get3A_367] {strides = array<i32>} : memref<2x5x16x256xi32, #tpu.memory_space<vmem>>, vector<16xi32>,
        %bitcast3A = vector.bitcast %get3A_368 : vector<16xi32> to vector<32xbf16>
        %mul3A_369 = arith.mulf %pack3A, %bitcast3A : vector<32xbf16>
        %get3A_370 = arith.constant 1 : i32
        %get3A_371 = arith.index_cast %rem3A_83 : i32 to index
        %get3A_372 = arith.index_cast %get3A_370 : i32 to index
        %get3A_373 = arith.index_cast %scan3A_339 : i32 to index
        %get3A_374 = arith.constant 0 : index
        %get3A_375 = tpu.vector_load %arg11[%get3A_371, %get3A_372, %get3A_373, %get3A_374] {strides = array<i32>} : memref<2x5x16x256xi32, #tpu.memory_space<vmem>>, vector<16xi32>,
        %bitcast3A_376 = vector.bitcast %get3A_375 : vector<16xi32> to vector<32xbf16>
        %mul3A_377 = arith.mulf %pack3A_348, %bitcast3A_376 : vector<32xbf16>
        %add3A_378 = arith.addf %mul3A_369, %mul3A_377 : vector<32xbf16>
        %get3A_379 = arith.constant 2 : i32
        %get3A_380 = arith.index_cast %rem3A_83 : i32 to index
        %get3A_381 = arith.index_cast %get3A_379 : i32 to index
        %get3A_382 = arith.index_cast %scan3A_339 : i32 to index
        %get3A_383 = arith.constant 0 : index
        %get3A_384 = tpu.vector_load %arg11[%get3A_380, %get3A_381, %get3A_382, %get3A_383] {strides = array<i32>} : memref<2x5x16x256xi32, #tpu.memory_space<vmem>>, vector<16xi32>,
        %bitcast3A_385 = vector.bitcast %get3A_384 : vector<16xi32> to vector<32xbf16>
        %mul3A_386 = arith.mulf %pack3A_353, %bitcast3A_385 : vector<32xbf16>
        %add3A_387 = arith.addf %add3A_378, %mul3A_386 : vector<32xbf16>
        %get3A_388 = arith.constant 3 : i32
        %get3A_389 = arith.index_cast %rem3A_83 : i32 to index
        %get3A_390 = arith.index_cast %get3A_388 : i32 to index
        %get3A_391 = arith.index_cast %scan3A_339 : i32 to index
        %get3A_392 = arith.constant 0 : index
        %get3A_393 = tpu.vector_load %arg11[%get3A_389, %get3A_390, %get3A_391, %get3A_392] {strides = array<i32>} : memref<2x5x16x256xi32, #tpu.memory_space<vmem>>, vector<16xi32>,
        %bitcast3A_394 = vector.bitcast %get3A_393 : vector<16xi32> to vector<32xbf16>
        %mul3A_395 = arith.mulf %pack3A_358, %bitcast3A_394 : vector<32xbf16>
        %add3A_396 = arith.addf %add3A_387, %mul3A_395 : vector<32xbf16>
        %get3A_397 = arith.constant 4 : i32
        %get3A_398 = arith.index_cast %rem3A_83 : i32 to index
        %get3A_399 = arith.index_cast %get3A_397 : i32 to index
        %get3A_400 = arith.index_cast %scan3A_339 : i32 to index
        %get3A_401 = arith.constant 0 : index
        %get3A_402 = tpu.vector_load %arg11[%get3A_398, %get3A_399, %get3A_400, %get3A_401] {strides = array<i32>} : memref<2x5x16x256xi32, #tpu.memory_space<vmem>>, vector<16xi32>,
        %bitcast3A_403 = vector.bitcast %get3A_402 : vector<16xi32> to vector<32xbf16>
        %mul3A_404 = arith.mulf %pack3A_363, %bitcast3A_403 : vector<32xbf16>
        %add3A_405 = arith.addf %add3A_396, %mul3A_404 : vector<32xbf16>
        %bitcast3A_406 = vector.bitcast %add3A_405 : vector<32xbf16> to vector<16xi32>
        %swap3A_407 = arith.index_cast %scan3A_339 : i32 to index
        %swap3A_408 = arith.constant 0 : index
        %swap3A_409 = tpu.vector_load %arg12[%swap3A_407, %swap3A_408] {strides = array<i32>} : memref<16x256xi32, #tpu.memory_space<vmem>>, vector<16xi32>,
        tpu.vector_store %arg12[%swap3A_407, %swap3A_408], %bitcast3A_406 {strides = array<i32>} : memref<16x256xi32, #tpu.memory_space<vmem>>, vector<16xi32>,
        %get3A_410 = arith.constant 0 : i32
        %get3A_411 = arith.index_cast %rem3A_83 : i32 to index
        %get3A_412 = arith.index_cast %get3A_410 : i32 to index
        %get3A_413 = arith.index_cast %scan3A_339 : i32 to index
        %get3A_414 = arith.constant 16 : index
        %get3A_415 = tpu.vector_load %arg11[%get3A_411, %get3A_412, %get3A_413, %get3A_414] {strides = array<i32>} : memref<2x5x16x256xi32, #tpu.memory_space<vmem>>, vector<16xi32>,
        %bitcast3A_416 = vector.bitcast %get3A_415 : vector<16xi32> to vector<32xbf16>
        %mul3A_417 = arith.mulf %pack3A, %bitcast3A_416 : vector<32xbf16>
        %get3A_418 = arith.constant 1 : i32
        %get3A_419 = arith.index_cast %rem3A_83 : i32 to index
        %get3A_420 = arith.index_cast %get3A_418 : i32 to index
        %get3A_421 = arith.index_cast %scan3A_339 : i32 to index
        %get3A_422 = arith.constant 16 : index
        %get3A_423 = tpu.vector_load %arg11[%get3A_419, %get3A_420, %get3A_421, %get3A_422] {strides = array<i32>} : memref<2x5x16x256xi32, #tpu.memory_space<vmem>>, vector<16xi32>,
        %bitcast3A_424 = vector.bitcast %get3A_423 : vector<16xi32> to vector<32xbf16>
        %mul3A_425 = arith.mulf %pack3A_348, %bitcast3A_424 : vector<32xbf16>
        %add3A_426 = arith.addf %mul3A_417, %mul3A_425 : vector<32xbf16>
        %get3A_427 = arith.constant 2 : i32
        %get3A_428 = arith.index_cast %rem3A_83 : i32 to index
        %get3A_429 = arith.index_cast %get3A_427 : i32 to index
        %get3A_430 = arith.index_cast %scan3A_339 : i32 to index
        %get3A_431 = arith.constant 16 : index
        %get3A_432 = tpu.vector_load %arg11[%get3A_428, %get3A_429, %get3A_430, %get3A_431] {strides = array<i32>} : memref<2x5x16x256xi32, #tpu.memory_space<vmem>>, vector<16xi32>,
        %bitcast3A_433 = vector.bitcast %get3A_432 : vector<16xi32> to vector<32xbf16>
        %mul3A_434 = arith.mulf %pack3A_353, %bitcast3A_433 : vector<32xbf16>
        %add3A_435 = arith.addf %add3A_426, %mul3A_434 : vector<32xbf16>
        %get3A_436 = arith.constant 3 : i32
        %get3A_437 = arith.index_cast %rem3A_83 : i32 to index
        %get3A_438 = arith.index_cast %get3A_436 : i32 to index
        %get3A_439 = arith.index_cast %scan3A_339 : i32 to index
        %get3A_440 = arith.constant 16 : index
        %get3A_441 = tpu.vector_load %arg11[%get3A_437, %get3A_438, %get3A_439, %get3A_440] {strides = array<i32>} : memref<2x5x16x256xi32, #tpu.memory_space<vmem>>, vector<16xi32>,
        %bitcast3A_442 = vector.bitcast %get3A_441 : vector<16xi32> to vector<32xbf16>
        %mul3A_443 = arith.mulf %pack3A_358, %bitcast3A_442 : vector<32xbf16>
        %add3A_444 = arith.addf %add3A_435, %mul3A_443 : vector<32xbf16>
        %get3A_445 = arith.constant 4 : i32
        %get3A_446 = arith.index_cast %rem3A_83 : i32 to index
        %get3A_447 = arith.index_cast %get3A_445 : i32 to index
        %get3A_448 = arith.index_cast %scan3A_339 : i32 to index
        %get3A_449 = arith.constant 16 : index
        %get3A_450 = tpu.vector_load %arg11[%get3A_446, %get3A_447, %get3A_448, %get3A_449] {strides = array<i32>} : memref<2x5x16x256xi32, #tpu.memory_space<vmem>>, vector<16xi32>,
        %bitcast3A_451 = vector.bitcast %get3A_450 : vector<16xi32> to vector<32xbf16>
        %mul3A_452 = arith.mulf %pack3A_363, %bitcast3A_451 : vector<32xbf16>
        %add3A_453 = arith.addf %add3A_444, %mul3A_452 : vector<32xbf16>
        %bitcast3A_454 = vector.bitcast %add3A_453 : vector<32xbf16> to vector<16xi32>
        %swap3A_455 = arith.index_cast %scan3A_339 : i32 to index
        %swap3A_456 = arith.constant 16 : index
        %swap3A_457 = tpu.vector_load %arg12[%swap3A_455, %swap3A_456] {strides = array<i32>} : memref<16x256xi32, #tpu.memory_space<vmem>>, vector<16xi32>,
        tpu.vector_store %arg12[%swap3A_455, %swap3A_456], %bitcast3A_454 {strides = array<i32>} : memref<16x256xi32, #tpu.memory_space<vmem>>, vector<16xi32>,
        %get3A_458 = arith.constant 0 : i32
        %get3A_459 = arith.index_cast %rem3A_83 : i32 to index
        %get3A_460 = arith.index_cast %get3A_458 : i32 to index
        %get3A_461 = arith.index_cast %scan3A_339 : i32 to index
        %get3A_462 = arith.constant 32 : index
        %get3A_463 = tpu.vector_load %arg11[%get3A_459, %get3A_460, %get3A_461, %get3A_462] {strides = array<i32>} : memref<2x5x16x256xi32, #tpu.memory_space<vmem>>, vector<16xi32>,
        %bitcast3A_464 = vector.bitcast %get3A_463 : vector<16xi32> to vector<32xbf16>
        %mul3A_465 = arith.mulf %pack3A, %bitcast3A_464 : vector<32xbf16>
        %get3A_466 = arith.constant 1 : i32
        %get3A_467 = arith.index_cast %rem3A_83 : i32 to index
        %get3A_468 = arith.index_cast %get3A_466 : i32 to index
        %get3A_469 = arith.index_cast %scan3A_339 : i32 to index
        %get3A_470 = arith.constant 32 : index
        %get3A_471 = tpu.vector_load %arg11[%get3A_467, %get3A_468, %get3A_469, %get3A_470] {strides = array<i32>} : memref<2x5x16x256xi32, #tpu.memory_space<vmem>>, vector<16xi32>,
        %bitcast3A_472 = vector.bitcast %get3A_471 : vector<16xi32> to vector<32xbf16>
        %mul3A_473 = arith.mulf %pack3A_348, %bitcast3A_472 : vector<32xbf16>
        %add3A_474 = arith.addf %mul3A_465, %mul3A_473 : vector<32xbf16>
        %get3A_475 = arith.constant 2 : i32
        %get3A_476 = arith.index_cast %rem3A_83 : i32 to index
        %get3A_477 = arith.index_cast %get3A_475 : i32 to index
        %get3A_478 = arith.index_cast %scan3A_339 : i32 to index
        %get3A_479 = arith.constant 32 : index
        %get3A_480 = tpu.vector_load %arg11[%get3A_476, %get3A_477, %get3A_478, %get3A_479] {strides = array<i32>} : memref<2x5x16x256xi32, #tpu.memory_space<vmem>>, vector<16xi32>,
        %bitcast3A_481 = vector.bitcast %get3A_480 : vector<16xi32> to vector<32xbf16>
        %mul3A_482 = arith.mulf %pack3A_353, %bitcast3A_481 : vector<32xbf16>
        %add3A_483 = arith.addf %add3A_474, %mul3A_482 : vector<32xbf16>
        %get3A_484 = arith.constant 3 : i32
        %get3A_485 = arith.index_cast %rem3A_83 : i32 to index
        %get3A_486 = arith.index_cast %get3A_484 : i32 to index
        %get3A_487 = arith.index_cast %scan3A_339 : i32 to index
        %get3A_488 = arith.constant 32 : index
        %get3A_489 = tpu.vector_load %arg11[%get3A_485, %get3A_486, %get3A_487, %get3A_488] {strides = array<i32>} : memref<2x5x16x256xi32, #tpu.memory_space<vmem>>, vector<16xi32>,
        %bitcast3A_490 = vector.bitcast %get3A_489 : vector<16xi32> to vector<32xbf16>
        %mul3A_491 = arith.mulf %pack3A_358, %bitcast3A_490 : vector<32xbf16>
        %add3A_492 = arith.addf %add3A_483, %mul3A_491 : vector<32xbf16>
        %get3A_493 = arith.constant 4 : i32
        %get3A_494 = arith.index_cast %rem3A_83 : i32 to index
        %get3A_495 = arith.index_cast %get3A_493 : i32 to index
        %get3A_496 = arith.index_cast %scan3A_339 : i32 to index
        %get3A_497 = arith.constant 32 : index
        %get3A_498 = tpu.vector_load %arg11[%get3A_494, %get3A_495, %get3A_496, %get3A_497] {strides = array<i32>} : memref<2x5x16x256xi32, #tpu.memory_space<vmem>>, vector<16xi32>,
        %bitcast3A_499 = vector.bitcast %get3A_498 : vector<16xi32> to vector<32xbf16>
        %mul3A_500 = arith.mulf %pack3A_363, %bitcast3A_499 : vector<32xbf16>
        %add3A_501 = arith.addf %add3A_492, %mul3A_500 : vector<32xbf16>
        %bitcast3A_502 = vector.bitcast %add3A_501 : vector<32xbf16> to vector<16xi32>
        %swap3A_503 = arith.index_cast %scan3A_339 : i32 to index
        %swap3A_504 = arith.constant 32 : index
        %swap3A_505 = tpu.vector_load %arg12[%swap3A_503, %swap3A_504] {strides = array<i32>} : memref<16x256xi32, #tpu.memory_space<vmem>>, vector<16xi32>,
        tpu.vector_store %arg12[%swap3A_503, %swap3A_504], %bitcast3A_502 {strides = array<i32>} : memref<16x256xi32, #tpu.memory_space<vmem>>, vector<16xi32>,
        %get3A_506 = arith.constant 0 : i32
        %get3A_507 = arith.index_cast %rem3A_83 : i32 to index
        %get3A_508 = arith.index_cast %get3A_506 : i32 to index
        %get3A_509 = arith.index_cast %scan3A_339 : i32 to index
        %get3A_510 = arith.constant 48 : index
        %get3A_511 = tpu.vector_load %arg11[%get3A_507, %get3A_508, %get3A_509, %get3A_510] {strides = array<i32>} : memref<2x5x16x256xi32, #tpu.memory_space<vmem>>, vector<16xi32>,
        %bitcast3A_512 = vector.bitcast %get3A_511 : vector<16xi32> to vector<32xbf16>
        %mul3A_513 = arith.mulf %pack3A, %bitcast3A_512 : vector<32xbf16>
        %get3A_514 = arith.constant 1 : i32
        %get3A_515 = arith.index_cast %rem3A_83 : i32 to index
        %get3A_516 = arith.index_cast %get3A_514 : i32 to index
        %get3A_517 = arith.index_cast %scan3A_339 : i32 to index
        %get3A_518 = arith.constant 48 : index
        %get3A_519 = tpu.vector_load %arg11[%get3A_515, %get3A_516, %get3A_517, %get3A_518] {strides = array<i32>} : memref<2x5x16x256xi32, #tpu.memory_space<vmem>>, vector<16xi32>,
        %bitcast3A_520 = vector.bitcast %get3A_519 : vector<16xi32> to vector<32xbf16>
        %mul3A_521 = arith.mulf %pack3A_348, %bitcast3A_520 : vector<32xbf16>
        %add3A_522 = arith.addf %mul3A_513, %mul3A_521 : vector<32xbf16>
        %get3A_523 = arith.constant 2 : i32
        %get3A_524 = arith.index_cast %rem3A_83 : i32 to index
        %get3A_525 = arith.index_cast %get3A_523 : i32 to index
        %get3A_526 = arith.index_cast %scan3A_339 : i32 to index
        %get3A_527 = arith.constant 48 : index
        %get3A_528 = tpu.vector_load %arg11[%get3A_524, %get3A_525, %get3A_526, %get3A_527] {strides = array<i32>} : memref<2x5x16x256xi32, #tpu.memory_space<vmem>>, vector<16xi32>,
        %bitcast3A_529 = vector.bitcast %get3A_528 : vector<16xi32> to vector<32xbf16>
        %mul3A_530 = arith.mulf %pack3A_353, %bitcast3A_529 : vector<32xbf16>
        %add3A_531 = arith.addf %add3A_522, %mul3A_530 : vector<32xbf16>
        %get3A_532 = arith.constant 3 : i32
        %get3A_533 = arith.index_cast %rem3A_83 : i32 to index
        %get3A_534 = arith.index_cast %get3A_532 : i32 to index
        %get3A_535 = arith.index_cast %scan3A_339 : i32 to index
        %get3A_536 = arith.constant 48 : index
        %get3A_537 = tpu.vector_load %arg11[%get3A_533, %get3A_534, %get3A_535, %get3A_536] {strides = array<i32>} : memref<2x5x16x256xi32, #tpu.memory_space<vmem>>, vector<16xi32>,
        %bitcast3A_538 = vector.bitcast %get3A_537 : vector<16xi32> to vector<32xbf16>
        %mul3A_539 = arith.mulf %pack3A_358, %bitcast3A_538 : vector<32xbf16>
        %add3A_540 = arith.addf %add3A_531, %mul3A_539 : vector<32xbf16>
        %get3A_541 = arith.constant 4 : i32
        %get3A_542 = arith.index_cast %rem3A_83 : i32 to index
        %get3A_543 = arith.index_cast %get3A_541 : i32 to index
        %get3A_544 = arith.index_cast %scan3A_339 : i32 to index
        %get3A_545 = arith.constant 48 : index
        %get3A_546 = tpu.vector_load %arg11[%get3A_542, %get3A_543, %get3A_544, %get3A_545] {strides = array<i32>} : memref<2x5x16x256xi32, #tpu.memory_space<vmem>>, vector<16xi32>,
        %bitcast3A_547 = vector.bitcast %get3A_546 : vector<16xi32> to vector<32xbf16>
        %mul3A_548 = arith.mulf %pack3A_363, %bitcast3A_547 : vector<32xbf16>
        %add3A_549 = arith.addf %add3A_540, %mul3A_548 : vector<32xbf16>
        %bitcast3A_550 = vector.bitcast %add3A_549 : vector<32xbf16> to vector<16xi32>
        %swap3A_551 = arith.index_cast %scan3A_339 : i32 to index
        %swap3A_552 = arith.constant 48 : index
        %swap3A_553 = tpu.vector_load %arg12[%swap3A_551, %swap3A_552] {strides = array<i32>} : memref<16x256xi32, #tpu.memory_space<vmem>>, vector<16xi32>,
        tpu.vector_store %arg12[%swap3A_551, %swap3A_552], %bitcast3A_550 {strides = array<i32>} : memref<16x256xi32, #tpu.memory_space<vmem>>, vector<16xi32>,
        %get3A_554 = arith.constant 0 : i32
        %get3A_555 = arith.index_cast %rem3A_83 : i32 to index
        %get3A_556 = arith.index_cast %get3A_554 : i32 to index
        %get3A_557 = arith.index_cast %scan3A_339 : i32 to index
        %get3A_558 = arith.constant 64 : index
        %get3A_559 = tpu.vector_load %arg11[%get3A_555, %get3A_556, %get3A_557, %get3A_558] {strides = array<i32>} : memref<2x5x16x256xi32, #tpu.memory_space<vmem>>, vector<16xi32>,
        %bitcast3A_560 = vector.bitcast %get3A_559 : vector<16xi32> to vector<32xbf16>
        %mul3A_561 = arith.mulf %pack3A, %bitcast3A_560 : vector<32xbf16>
        %get3A_562 = arith.constant 1 : i32
        %get3A_563 = arith.index_cast %rem3A_83 : i32 to index
        %get3A_564 = arith.index_cast %get3A_562 : i32 to index
        %get3A_565 = arith.index_cast %scan3A_339 : i32 to index
        %get3A_566 = arith.constant 64 : index
        %get3A_567 = tpu.vector_load %arg11[%get3A_563, %get3A_564, %get3A_565, %get3A_566] {strides = array<i32>} : memref<2x5x16x256xi32, #tpu.memory_space<vmem>>, vector<16xi32>,
        %bitcast3A_568 = vector.bitcast %get3A_567 : vector<16xi32> to vector<32xbf16>
        %mul3A_569 = arith.mulf %pack3A_348, %bitcast3A_568 : vector<32xbf16>
        %add3A_570 = arith.addf %mul3A_561, %mul3A_569 : vector<32xbf16>
        %get3A_571 = arith.constant 2 : i32
        %get3A_572 = arith.index_cast %rem3A_83 : i32 to index
        %get3A_573 = arith.index_cast %get3A_571 : i32 to index
        %get3A_574 = arith.index_cast %scan3A_339 : i32 to index
        %get3A_575 = arith.constant 64 : index
        %get3A_576 = tpu.vector_load %arg11[%get3A_572, %get3A_573, %get3A_574, %get3A_575] {strides = array<i32>} : memref<2x5x16x256xi32, #tpu.memory_space<vmem>>, vector<16xi32>,
        %bitcast3A_577 = vector.bitcast %get3A_576 : vector<16xi32> to vector<32xbf16>
        %mul3A_578 = arith.mulf %pack3A_353, %bitcast3A_577 : vector<32xbf16>
        %add3A_579 = arith.addf %add3A_570, %mul3A_578 : vector<32xbf16>
        %get3A_580 = arith.constant 3 : i32
        %get3A_581 = arith.index_cast %rem3A_83 : i32 to index
        %get3A_582 = arith.index_cast %get3A_580 : i32 to index
        %get3A_583 = arith.index_cast %scan3A_339 : i32 to index
        %get3A_584 = arith.constant 64 : index
        %get3A_585 = tpu.vector_load %arg11[%get3A_581, %get3A_582, %get3A_583, %get3A_584] {strides = array<i32>} : memref<2x5x16x256xi32, #tpu.memory_space<vmem>>, vector<16xi32>,
        %bitcast3A_586 = vector.bitcast %get3A_585 : vector<16xi32> to vector<32xbf16>
        %mul3A_587 = arith.mulf %pack3A_358, %bitcast3A_586 : vector<32xbf16>
        %add3A_588 = arith.addf %add3A_579, %mul3A_587 : vector<32xbf16>
        %get3A_589 = arith.constant 4 : i32
        %get3A_590 = arith.index_cast %rem3A_83 : i32 to index
        %get3A_591 = arith.index_cast %get3A_589 : i32 to index
        %get3A_592 = arith.index_cast %scan3A_339 : i32 to index
        %get3A_593 = arith.constant 64 : index
        %get3A_594 = tpu.vector_load %arg11[%get3A_590, %get3A_591, %get3A_592, %get3A_593] {strides = array<i32>} : memref<2x5x16x256xi32, #tpu.memory_space<vmem>>, vector<16xi32>,
        %bitcast3A_595 = vector.bitcast %get3A_594 : vector<16xi32> to vector<32xbf16>
        %mul3A_596 = arith.mulf %pack3A_363, %bitcast3A_595 : vector<32xbf16>
        %add3A_597 = arith.addf %add3A_588, %mul3A_596 : vector<32xbf16>
        %bitcast3A_598 = vector.bitcast %add3A_597 : vector<32xbf16> to vector<16xi32>
        %swap3A_599 = arith.index_cast %scan3A_339 : i32 to index
        %swap3A_600 = arith.constant 64 : index
        %swap3A_601 = tpu.vector_load %arg12[%swap3A_599, %swap3A_600] {strides = array<i32>} : memref<16x256xi32, #tpu.memory_space<vmem>>, vector<16xi32>,
        tpu.vector_store %arg12[%swap3A_599, %swap3A_600], %bitcast3A_598 {strides = array<i32>} : memref<16x256xi32, #tpu.memory_space<vmem>>, vector<16xi32>,
        %get3A_602 = arith.constant 0 : i32
        %get3A_603 = arith.index_cast %rem3A_83 : i32 to index
        %get3A_604 = arith.index_cast %get3A_602 : i32 to index
        %get3A_605 = arith.index_cast %scan3A_339 : i32 to index
        %get3A_606 = arith.constant 80 : index
        %get3A_607 = tpu.vector_load %arg11[%get3A_603, %get3A_604, %get3A_605, %get3A_606] {strides = array<i32>} : memref<2x5x16x256xi32, #tpu.memory_space<vmem>>, vector<16xi32>,
        %bitcast3A_608 = vector.bitcast %get3A_607 : vector<16xi32> to vector<32xbf16>
        %mul3A_609 = arith.mulf %pack3A, %bitcast3A_608 : vector<32xbf16>
        %get3A_610 = arith.constant 1 : i32
        %get3A_611 = arith.index_cast %rem3A_83 : i32 to index
        %get3A_612 = arith.index_cast %get3A_610 : i32 to index
        %get3A_613 = arith.index_cast %scan3A_339 : i32 to index
        %get3A_614 = arith.constant 80 : index
        %get3A_615 = tpu.vector_load %arg11[%get3A_611, %get3A_612, %get3A_613, %get3A_614] {strides = array<i32>} : memref<2x5x16x256xi32, #tpu.memory_space<vmem>>, vector<16xi32>,
        %bitcast3A_616 = vector.bitcast %get3A_615 : vector<16xi32> to vector<32xbf16>
        %mul3A_617 = arith.mulf %pack3A_348, %bitcast3A_616 : vector<32xbf16>
        %add3A_618 = arith.addf %mul3A_609, %mul3A_617 : vector<32xbf16>
        %get3A_619 = arith.constant 2 : i32
        %get3A_620 = arith.index_cast %rem3A_83 : i32 to index
        %get3A_621 = arith.index_cast %get3A_619 : i32 to index
        %get3A_622 = arith.index_cast %scan3A_339 : i32 to index
        %get3A_623 = arith.constant 80 : index
        %get3A_624 = tpu.vector_load %arg11[%get3A_620, %get3A_621, %get3A_622, %get3A_623] {strides = array<i32>} : memref<2x5x16x256xi32, #tpu.memory_space<vmem>>, vector<16xi32>,
        %bitcast3A_625 = vector.bitcast %get3A_624 : vector<16xi32> to vector<32xbf16>
        %mul3A_626 = arith.mulf %pack3A_353, %bitcast3A_625 : vector<32xbf16>
        %add3A_627 = arith.addf %add3A_618, %mul3A_626 : vector<32xbf16>
        %get3A_628 = arith.constant 3 : i32
        %get3A_629 = arith.index_cast %rem3A_83 : i32 to index
        %get3A_630 = arith.index_cast %get3A_628 : i32 to index
        %get3A_631 = arith.index_cast %scan3A_339 : i32 to index
        %get3A_632 = arith.constant 80 : index
        %get3A_633 = tpu.vector_load %arg11[%get3A_629, %get3A_630, %get3A_631, %get3A_632] {strides = array<i32>} : memref<2x5x16x256xi32, #tpu.memory_space<vmem>>, vector<16xi32>,
        %bitcast3A_634 = vector.bitcast %get3A_633 : vector<16xi32> to vector<32xbf16>
        %mul3A_635 = arith.mulf %pack3A_358, %bitcast3A_634 : vector<32xbf16>
        %add3A_636 = arith.addf %add3A_627, %mul3A_635 : vector<32xbf16>
        %get3A_637 = arith.constant 4 : i32
        %get3A_638 = arith.index_cast %rem3A_83 : i32 to index
        %get3A_639 = arith.index_cast %get3A_637 : i32 to index
        %get3A_640 = arith.index_cast %scan3A_339 : i32 to index
        %get3A_641 = arith.constant 80 : index
        %get3A_642 = tpu.vector_load %arg11[%get3A_638, %get3A_639, %get3A_640, %get3A_641] {strides = array<i32>} : memref<2x5x16x256xi32, #tpu.memory_space<vmem>>, vector<16xi32>,
        %bitcast3A_643 = vector.bitcast %get3A_642 : vector<16xi32> to vector<32xbf16>
        %mul3A_644 = arith.mulf %pack3A_363, %bitcast3A_643 : vector<32xbf16>
        %add3A_645 = arith.addf %add3A_636, %mul3A_644 : vector<32xbf16>
        %bitcast3A_646 = vector.bitcast %add3A_645 : vector<32xbf16> to vector<16xi32>
        %swap3A_647 = arith.index_cast %scan3A_339 : i32 to index
        %swap3A_648 = arith.constant 80 : index
        %swap3A_649 = tpu.vector_load %arg12[%swap3A_647, %swap3A_648] {strides = array<i32>} : memref<16x256xi32, #tpu.memory_space<vmem>>, vector<16xi32>,
        tpu.vector_store %arg12[%swap3A_647, %swap3A_648], %bitcast3A_646 {strides = array<i32>} : memref<16x256xi32, #tpu.memory_space<vmem>>, vector<16xi32>,
        %get3A_650 = arith.constant 0 : i32
        %get3A_651 = arith.index_cast %rem3A_83 : i32 to index
        %get3A_652 = arith.index_cast %get3A_650 : i32 to index
        %get3A_653 = arith.index_cast %scan3A_339 : i32 to index
        %get3A_654 = arith.constant 96 : index
        %get3A_655 = tpu.vector_load %arg11[%get3A_651, %get3A_652, %get3A_653, %get3A_654] {strides = array<i32>} : memref<2x5x16x256xi32, #tpu.memory_space<vmem>>, vector<16xi32>,
        %bitcast3A_656 = vector.bitcast %get3A_655 : vector<16xi32> to vector<32xbf16>
        %mul3A_657 = arith.mulf %pack3A, %bitcast3A_656 : vector<32xbf16>
        %get3A_658 = arith.constant 1 : i32
        %get3A_659 = arith.index_cast %rem3A_83 : i32 to index
        %get3A_660 = arith.index_cast %get3A_658 : i32 to index
        %get3A_661 = arith.index_cast %scan3A_339 : i32 to index
        %get3A_662 = arith.constant 96 : index
        %get3A_663 = tpu.vector_load %arg11[%get3A_659, %get3A_660, %get3A_661, %get3A_662] {strides = array<i32>} : memref<2x5x16x256xi32, #tpu.memory_space<vmem>>, vector<16xi32>,
        %bitcast3A_664 = vector.bitcast %get3A_663 : vector<16xi32> to vector<32xbf16>
        %mul3A_665 = arith.mulf %pack3A_348, %bitcast3A_664 : vector<32xbf16>
        %add3A_666 = arith.addf %mul3A_657, %mul3A_665 : vector<32xbf16>
        %get3A_667 = arith.constant 2 : i32
        %get3A_668 = arith.index_cast %rem3A_83 : i32 to index
        %get3A_669 = arith.index_cast %get3A_667 : i32 to index
        %get3A_670 = arith.index_cast %scan3A_339 : i32 to index
        %get3A_671 = arith.constant 96 : index
        %get3A_672 = tpu.vector_load %arg11[%get3A_668, %get3A_669, %get3A_670, %get3A_671] {strides = array<i32>} : memref<2x5x16x256xi32, #tpu.memory_space<vmem>>, vector<16xi32>,
        %bitcast3A_673 = vector.bitcast %get3A_672 : vector<16xi32> to vector<32xbf16>
        %mul3A_674 = arith.mulf %pack3A_353, %bitcast3A_673 : vector<32xbf16>
        %add3A_675 = arith.addf %add3A_666, %mul3A_674 : vector<32xbf16>
        %get3A_676 = arith.constant 3 : i32
        %get3A_677 = arith.index_cast %rem3A_83 : i32 to index
        %get3A_678 = arith.index_cast %get3A_676 : i32 to index
        %get3A_679 = arith.index_cast %scan3A_339 : i32 to index
        %get3A_680 = arith.constant 96 : index
        %get3A_681 = tpu.vector_load %arg11[%get3A_677, %get3A_678, %get3A_679, %get3A_680] {strides = array<i32>} : memref<2x5x16x256xi32, #tpu.memory_space<vmem>>, vector<16xi32>,
        %bitcast3A_682 = vector.bitcast %get3A_681 : vector<16xi32> to vector<32xbf16>
        %mul3A_683 = arith.mulf %pack3A_358, %bitcast3A_682 : vector<32xbf16>
        %add3A_684 = arith.addf %add3A_675, %mul3A_683 : vector<32xbf16>
        %get3A_685 = arith.constant 4 : i32
        %get3A_686 = arith.index_cast %rem3A_83 : i32 to index
        %get3A_687 = arith.index_cast %get3A_685 : i32 to index
        %get3A_688 = arith.index_cast %scan3A_339 : i32 to index
        %get3A_689 = arith.constant 96 : index
        %get3A_690 = tpu.vector_load %arg11[%get3A_686, %get3A_687, %get3A_688, %get3A_689] {strides = array<i32>} : memref<2x5x16x256xi32, #tpu.memory_space<vmem>>, vector<16xi32>,
        %bitcast3A_691 = vector.bitcast %get3A_690 : vector<16xi32> to vector<32xbf16>
        %mul3A_692 = arith.mulf %pack3A_363, %bitcast3A_691 : vector<32xbf16>
        %add3A_693 = arith.addf %add3A_684, %mul3A_692 : vector<32xbf16>
        %bitcast3A_694 = vector.bitcast %add3A_693 : vector<32xbf16> to vector<16xi32>
        %swap3A_695 = arith.index_cast %scan3A_339 : i32 to index
        %swap3A_696 = arith.constant 96 : index
        %swap3A_697 = tpu.vector_load %arg12[%swap3A_695, %swap3A_696] {strides = array<i32>} : memref<16x256xi32, #tpu.memory_space<vmem>>, vector<16xi32>,
        tpu.vector_store %arg12[%swap3A_695, %swap3A_696], %bitcast3A_694 {strides = array<i32>} : memref<16x256xi32, #tpu.memory_space<vmem>>, vector<16xi32>,
        %get3A_698 = arith.constant 0 : i32
        %get3A_699 = arith.index_cast %rem3A_83 : i32 to index
        %get3A_700 = arith.index_cast %get3A_698 : i32 to index
        %get3A_701 = arith.index_cast %scan3A_339 : i32 to index
        %get3A_702 = arith.constant 112 : index
        %get3A_703 = tpu.vector_load %arg11[%get3A_699, %get3A_700, %get3A_701, %get3A_702] {strides = array<i32>} : memref<2x5x16x256xi32, #tpu.memory_space<vmem>>, vector<16xi32>,
        %bitcast3A_704 = vector.bitcast %get3A_703 : vector<16xi32> to vector<32xbf16>
        %mul3A_705 = arith.mulf %pack3A, %bitcast3A_704 : vector<32xbf16>
        %get3A_706 = arith.constant 1 : i32
        %get3A_707 = arith.index_cast %rem3A_83 : i32 to index
        %get3A_708 = arith.index_cast %get3A_706 : i32 to index
        %get3A_709 = arith.index_cast %scan3A_339 : i32 to index
        %get3A_710 = arith.constant 112 : index
        %get3A_711 = tpu.vector_load %arg11[%get3A_707, %get3A_708, %get3A_709, %get3A_710] {strides = array<i32>} : memref<2x5x16x256xi32, #tpu.memory_space<vmem>>, vector<16xi32>,
        %bitcast3A_712 = vector.bitcast %get3A_711 : vector<16xi32> to vector<32xbf16>
        %mul3A_713 = arith.mulf %pack3A_348, %bitcast3A_712 : vector<32xbf16>
        %add3A_714 = arith.addf %mul3A_705, %mul3A_713 : vector<32xbf16>
        %get3A_715 = arith.constant 2 : i32
        %get3A_716 = arith.index_cast %rem3A_83 : i32 to index
        %get3A_717 = arith.index_cast %get3A_715 : i32 to index
        %get3A_718 = arith.index_cast %scan3A_339 : i32 to index
        %get3A_719 = arith.constant 112 : index
        %get3A_720 = tpu.vector_load %arg11[%get3A_716, %get3A_717, %get3A_718, %get3A_719] {strides = array<i32>} : memref<2x5x16x256xi32, #tpu.memory_space<vmem>>, vector<16xi32>,
        %bitcast3A_721 = vector.bitcast %get3A_720 : vector<16xi32> to vector<32xbf16>
        %mul3A_722 = arith.mulf %pack3A_353, %bitcast3A_721 : vector<32xbf16>
        %add3A_723 = arith.addf %add3A_714, %mul3A_722 : vector<32xbf16>
        %get3A_724 = arith.constant 3 : i32
        %get3A_725 = arith.index_cast %rem3A_83 : i32 to index
        %get3A_726 = arith.index_cast %get3A_724 : i32 to index
        %get3A_727 = arith.index_cast %scan3A_339 : i32 to index
        %get3A_728 = arith.constant 112 : index
        %get3A_729 = tpu.vector_load %arg11[%get3A_725, %get3A_726, %get3A_727, %get3A_728] {strides = array<i32>} : memref<2x5x16x256xi32, #tpu.memory_space<vmem>>, vector<16xi32>,
        %bitcast3A_730 = vector.bitcast %get3A_729 : vector<16xi32> to vector<32xbf16>
        %mul3A_731 = arith.mulf %pack3A_358, %bitcast3A_730 : vector<32xbf16>
        %add3A_732 = arith.addf %add3A_723, %mul3A_731 : vector<32xbf16>
        %get3A_733 = arith.constant 4 : i32
        %get3A_734 = arith.index_cast %rem3A_83 : i32 to index
        %get3A_735 = arith.index_cast %get3A_733 : i32 to index
        %get3A_736 = arith.index_cast %scan3A_339 : i32 to index
        %get3A_737 = arith.constant 112 : index
        %get3A_738 = tpu.vector_load %arg11[%get3A_734, %get3A_735, %get3A_736, %get3A_737] {strides = array<i32>} : memref<2x5x16x256xi32, #tpu.memory_space<vmem>>, vector<16xi32>,
        %bitcast3A_739 = vector.bitcast %get3A_738 : vector<16xi32> to vector<32xbf16>
        %mul3A_740 = arith.mulf %pack3A_363, %bitcast3A_739 : vector<32xbf16>
        %add3A_741 = arith.addf %add3A_732, %mul3A_740 : vector<32xbf16>
        %bitcast3A_742 = vector.bitcast %add3A_741 : vector<32xbf16> to vector<16xi32>
        %swap3A_743 = arith.index_cast %scan3A_339 : i32 to index
        %swap3A_744 = arith.constant 112 : index
        %swap3A_745 = tpu.vector_load %arg12[%swap3A_743, %swap3A_744] {strides = array<i32>} : memref<16x256xi32, #tpu.memory_space<vmem>>, vector<16xi32>,
        tpu.vector_store %arg12[%swap3A_743, %swap3A_744], %bitcast3A_742 {strides = array<i32>} : memref<16x256xi32, #tpu.memory_space<vmem>>, vector<16xi32>,
        %get3A_746 = arith.constant 0 : i32
        %get3A_747 = arith.index_cast %rem3A_83 : i32 to index
        %get3A_748 = arith.index_cast %get3A_746 : i32 to index
        %get3A_749 = arith.index_cast %scan3A_339 : i32 to index
        %get3A_750 = arith.constant 128 : index
        %get3A_751 = tpu.vector_load %arg11[%get3A_747, %get3A_748, %get3A_749, %get3A_750] {strides = array<i32>} : memref<2x5x16x256xi32, #tpu.memory_space<vmem>>, vector<16xi32>,
        %bitcast3A_752 = vector.bitcast %get3A_751 : vector<16xi32> to vector<32xbf16>
        %mul3A_753 = arith.mulf %pack3A, %bitcast3A_752 : vector<32xbf16>
        %get3A_754 = arith.constant 1 : i32
        %get3A_755 = arith.index_cast %rem3A_83 : i32 to index
        %get3A_756 = arith.index_cast %get3A_754 : i32 to index
        %get3A_757 = arith.index_cast %scan3A_339 : i32 to index
        %get3A_758 = arith.constant 128 : index
        %get3A_759 = tpu.vector_load %arg11[%get3A_755, %get3A_756, %get3A_757, %get3A_758] {strides = array<i32>} : memref<2x5x16x256xi32, #tpu.memory_space<vmem>>, vector<16xi32>,
        %bitcast3A_760 = vector.bitcast %get3A_759 : vector<16xi32> to vector<32xbf16>
        %mul3A_761 = arith.mulf %pack3A_348, %bitcast3A_760 : vector<32xbf16>
        %add3A_762 = arith.addf %mul3A_753, %mul3A_761 : vector<32xbf16>
        %get3A_763 = arith.constant 2 : i32
        %get3A_764 = arith.index_cast %rem3A_83 : i32 to index
        %get3A_765 = arith.index_cast %get3A_763 : i32 to index
        %get3A_766 = arith.index_cast %scan3A_339 : i32 to index
        %get3A_767 = arith.constant 128 : index
        %get3A_768 = tpu.vector_load %arg11[%get3A_764, %get3A_765, %get3A_766, %get3A_767] {strides = array<i32>} : memref<2x5x16x256xi32, #tpu.memory_space<vmem>>, vector<16xi32>,
        %bitcast3A_769 = vector.bitcast %get3A_768 : vector<16xi32> to vector<32xbf16>
        %mul3A_770 = arith.mulf %pack3A_353, %bitcast3A_769 : vector<32xbf16>
        %add3A_771 = arith.addf %add3A_762, %mul3A_770 : vector<32xbf16>
        %get3A_772 = arith.constant 3 : i32
        %get3A_773 = arith.index_cast %rem3A_83 : i32 to index
        %get3A_774 = arith.index_cast %get3A_772 : i32 to index
        %get3A_775 = arith.index_cast %scan3A_339 : i32 to index
        %get3A_776 = arith.constant 128 : index
        %get3A_777 = tpu.vector_load %arg11[%get3A_773, %get3A_774, %get3A_775, %get3A_776] {strides = array<i32>} : memref<2x5x16x256xi32, #tpu.memory_space<vmem>>, vector<16xi32>,
        %bitcast3A_778 = vector.bitcast %get3A_777 : vector<16xi32> to vector<32xbf16>
        %mul3A_779 = arith.mulf %pack3A_358, %bitcast3A_778 : vector<32xbf16>
        %add3A_780 = arith.addf %add3A_771, %mul3A_779 : vector<32xbf16>
        %get3A_781 = arith.constant 4 : i32
        %get3A_782 = arith.index_cast %rem3A_83 : i32 to index
        %get3A_783 = arith.index_cast %get3A_781 : i32 to index
        %get3A_784 = arith.index_cast %scan3A_339 : i32 to index
        %get3A_785 = arith.constant 128 : index
        %get3A_786 = tpu.vector_load %arg11[%get3A_782, %get3A_783, %get3A_784, %get3A_785] {strides = array<i32>} : memref<2x5x16x256xi32, #tpu.memory_space<vmem>>, vector<16xi32>,
        %bitcast3A_787 = vector.bitcast %get3A_786 : vector<16xi32> to vector<32xbf16>
        %mul3A_788 = arith.mulf %pack3A_363, %bitcast3A_787 : vector<32xbf16>
        %add3A_789 = arith.addf %add3A_780, %mul3A_788 : vector<32xbf16>
        %bitcast3A_790 = vector.bitcast %add3A_789 : vector<32xbf16> to vector<16xi32>
        %swap3A_791 = arith.index_cast %scan3A_339 : i32 to index
        %swap3A_792 = arith.constant 128 : index
        %swap3A_793 = tpu.vector_load %arg12[%swap3A_791, %swap3A_792] {strides = array<i32>} : memref<16x256xi32, #tpu.memory_space<vmem>>, vector<16xi32>,
        tpu.vector_store %arg12[%swap3A_791, %swap3A_792], %bitcast3A_790 {strides = array<i32>} : memref<16x256xi32, #tpu.memory_space<vmem>>, vector<16xi32>,
        %get3A_794 = arith.constant 0 : i32
        %get3A_795 = arith.index_cast %rem3A_83 : i32 to index
        %get3A_796 = arith.index_cast %get3A_794 : i32 to index
        %get3A_797 = arith.index_cast %scan3A_339 : i32 to index
        %get3A_798 = arith.constant 144 : index
        %get3A_799 = tpu.vector_load %arg11[%get3A_795, %get3A_796, %get3A_797, %get3A_798] {strides = array<i32>} : memref<2x5x16x256xi32, #tpu.memory_space<vmem>>, vector<16xi32>,
        %bitcast3A_800 = vector.bitcast %get3A_799 : vector<16xi32> to vector<32xbf16>
        %mul3A_801 = arith.mulf %pack3A, %bitcast3A_800 : vector<32xbf16>
        %get3A_802 = arith.constant 1 : i32
        %get3A_803 = arith.index_cast %rem3A_83 : i32 to index
        %get3A_804 = arith.index_cast %get3A_802 : i32 to index
        %get3A_805 = arith.index_cast %scan3A_339 : i32 to index
        %get3A_806 = arith.constant 144 : index
        %get3A_807 = tpu.vector_load %arg11[%get3A_803, %get3A_804, %get3A_805, %get3A_806] {strides = array<i32>} : memref<2x5x16x256xi32, #tpu.memory_space<vmem>>, vector<16xi32>,
        %bitcast3A_808 = vector.bitcast %get3A_807 : vector<16xi32> to vector<32xbf16>
        %mul3A_809 = arith.mulf %pack3A_348, %bitcast3A_808 : vector<32xbf16>
        %add3A_810 = arith.addf %mul3A_801, %mul3A_809 : vector<32xbf16>
        %get3A_811 = arith.constant 2 : i32
        %get3A_812 = arith.index_cast %rem3A_83 : i32 to index
        %get3A_813 = arith.index_cast %get3A_811 : i32 to index
        %get3A_814 = arith.index_cast %scan3A_339 : i32 to index
        %get3A_815 = arith.constant 144 : index
        %get3A_816 = tpu.vector_load %arg11[%get3A_812, %get3A_813, %get3A_814, %get3A_815] {strides = array<i32>} : memref<2x5x16x256xi32, #tpu.memory_space<vmem>>, vector<16xi32>,
        %bitcast3A_817 = vector.bitcast %get3A_816 : vector<16xi32> to vector<32xbf16>
        %mul3A_818 = arith.mulf %pack3A_353, %bitcast3A_817 : vector<32xbf16>
        %add3A_819 = arith.addf %add3A_810, %mul3A_818 : vector<32xbf16>
        %get3A_820 = arith.constant 3 : i32
        %get3A_821 = arith.index_cast %rem3A_83 : i32 to index
        %get3A_822 = arith.index_cast %get3A_820 : i32 to index
        %get3A_823 = arith.index_cast %scan3A_339 : i32 to index
        %get3A_824 = arith.constant 144 : index
        %get3A_825 = tpu.vector_load %arg11[%get3A_821, %get3A_822, %get3A_823, %get3A_824] {strides = array<i32>} : memref<2x5x16x256xi32, #tpu.memory_space<vmem>>, vector<16xi32>,
        %bitcast3A_826 = vector.bitcast %get3A_825 : vector<16xi32> to vector<32xbf16>
        %mul3A_827 = arith.mulf %pack3A_358, %bitcast3A_826 : vector<32xbf16>
        %add3A_828 = arith.addf %add3A_819, %mul3A_827 : vector<32xbf16>
        %get3A_829 = arith.constant 4 : i32
        %get3A_830 = arith.index_cast %rem3A_83 : i32 to index
        %get3A_831 = arith.index_cast %get3A_829 : i32 to index
        %get3A_832 = arith.index_cast %scan3A_339 : i32 to index
        %get3A_833 = arith.constant 144 : index
        %get3A_834 = tpu.vector_load %arg11[%get3A_830, %get3A_831, %get3A_832, %get3A_833] {strides = array<i32>} : memref<2x5x16x256xi32, #tpu.memory_space<vmem>>, vector<16xi32>,
        %bitcast3A_835 = vector.bitcast %get3A_834 : vector<16xi32> to vector<32xbf16>
        %mul3A_836 = arith.mulf %pack3A_363, %bitcast3A_835 : vector<32xbf16>
        %add3A_837 = arith.addf %add3A_828, %mul3A_836 : vector<32xbf16>
        %bitcast3A_838 = vector.bitcast %add3A_837 : vector<32xbf16> to vector<16xi32>
        %swap3A_839 = arith.index_cast %scan3A_339 : i32 to index
        %swap3A_840 = arith.constant 144 : index
        %swap3A_841 = tpu.vector_load %arg12[%swap3A_839, %swap3A_840] {strides = array<i32>} : memref<16x256xi32, #tpu.memory_space<vmem>>, vector<16xi32>,
        tpu.vector_store %arg12[%swap3A_839, %swap3A_840], %bitcast3A_838 {strides = array<i32>} : memref<16x256xi32, #tpu.memory_space<vmem>>, vector<16xi32>,
        %get3A_842 = arith.constant 0 : i32
        %get3A_843 = arith.index_cast %rem3A_83 : i32 to index
        %get3A_844 = arith.index_cast %get3A_842 : i32 to index
        %get3A_845 = arith.index_cast %scan3A_339 : i32 to index
        %get3A_846 = arith.constant 160 : index
        %get3A_847 = tpu.vector_load %arg11[%get3A_843, %get3A_844, %get3A_845, %get3A_846] {strides = array<i32>} : memref<2x5x16x256xi32, #tpu.memory_space<vmem>>, vector<16xi32>,
        %bitcast3A_848 = vector.bitcast %get3A_847 : vector<16xi32> to vector<32xbf16>
        %mul3A_849 = arith.mulf %pack3A, %bitcast3A_848 : vector<32xbf16>
        %get3A_850 = arith.constant 1 : i32
        %get3A_851 = arith.index_cast %rem3A_83 : i32 to index
        %get3A_852 = arith.index_cast %get3A_850 : i32 to index
        %get3A_853 = arith.index_cast %scan3A_339 : i32 to index
        %get3A_854 = arith.constant 160 : index
        %get3A_855 = tpu.vector_load %arg11[%get3A_851, %get3A_852, %get3A_853, %get3A_854] {strides = array<i32>} : memref<2x5x16x256xi32, #tpu.memory_space<vmem>>, vector<16xi32>,
        %bitcast3A_856 = vector.bitcast %get3A_855 : vector<16xi32> to vector<32xbf16>
        %mul3A_857 = arith.mulf %pack3A_348, %bitcast3A_856 : vector<32xbf16>
        %add3A_858 = arith.addf %mul3A_849, %mul3A_857 : vector<32xbf16>
        %get3A_859 = arith.constant 2 : i32
        %get3A_860 = arith.index_cast %rem3A_83 : i32 to index
        %get3A_861 = arith.index_cast %get3A_859 : i32 to index
        %get3A_862 = arith.index_cast %scan3A_339 : i32 to index
        %get3A_863 = arith.constant 160 : index
        %get3A_864 = tpu.vector_load %arg11[%get3A_860, %get3A_861, %get3A_862, %get3A_863] {strides = array<i32>} : memref<2x5x16x256xi32, #tpu.memory_space<vmem>>, vector<16xi32>,
        %bitcast3A_865 = vector.bitcast %get3A_864 : vector<16xi32> to vector<32xbf16>
        %mul3A_866 = arith.mulf %pack3A_353, %bitcast3A_865 : vector<32xbf16>
        %add3A_867 = arith.addf %add3A_858, %mul3A_866 : vector<32xbf16>
        %get3A_868 = arith.constant 3 : i32
        %get3A_869 = arith.index_cast %rem3A_83 : i32 to index
        %get3A_870 = arith.index_cast %get3A_868 : i32 to index
        %get3A_871 = arith.index_cast %scan3A_339 : i32 to index
        %get3A_872 = arith.constant 160 : index
        %get3A_873 = tpu.vector_load %arg11[%get3A_869, %get3A_870, %get3A_871, %get3A_872] {strides = array<i32>} : memref<2x5x16x256xi32, #tpu.memory_space<vmem>>, vector<16xi32>,
        %bitcast3A_874 = vector.bitcast %get3A_873 : vector<16xi32> to vector<32xbf16>
        %mul3A_875 = arith.mulf %pack3A_358, %bitcast3A_874 : vector<32xbf16>
        %add3A_876 = arith.addf %add3A_867, %mul3A_875 : vector<32xbf16>
        %get3A_877 = arith.constant 4 : i32
        %get3A_878 = arith.index_cast %rem3A_83 : i32 to index
        %get3A_879 = arith.index_cast %get3A_877 : i32 to index
        %get3A_880 = arith.index_cast %scan3A_339 : i32 to index
        %get3A_881 = arith.constant 160 : index
        %get3A_882 = tpu.vector_load %arg11[%get3A_878, %get3A_879, %get3A_880, %get3A_881] {strides = array<i32>} : memref<2x5x16x256xi32, #tpu.memory_space<vmem>>, vector<16xi32>,
        %bitcast3A_883 = vector.bitcast %get3A_882 : vector<16xi32> to vector<32xbf16>
        %mul3A_884 = arith.mulf %pack3A_363, %bitcast3A_883 : vector<32xbf16>
        %add3A_885 = arith.addf %add3A_876, %mul3A_884 : vector<32xbf16>
        %bitcast3A_886 = vector.bitcast %add3A_885 : vector<32xbf16> to vector<16xi32>
        %swap3A_887 = arith.index_cast %scan3A_339 : i32 to index
        %swap3A_888 = arith.constant 160 : index
        %swap3A_889 = tpu.vector_load %arg12[%swap3A_887, %swap3A_888] {strides = array<i32>} : memref<16x256xi32, #tpu.memory_space<vmem>>, vector<16xi32>,
        tpu.vector_store %arg12[%swap3A_887, %swap3A_888], %bitcast3A_886 {strides = array<i32>} : memref<16x256xi32, #tpu.memory_space<vmem>>, vector<16xi32>,
        %get3A_890 = arith.constant 0 : i32
        %get3A_891 = arith.index_cast %rem3A_83 : i32 to index
        %get3A_892 = arith.index_cast %get3A_890 : i32 to index
        %get3A_893 = arith.index_cast %scan3A_339 : i32 to index
        %get3A_894 = arith.constant 176 : index
        %get3A_895 = tpu.vector_load %arg11[%get3A_891, %get3A_892, %get3A_893, %get3A_894] {strides = array<i32>} : memref<2x5x16x256xi32, #tpu.memory_space<vmem>>, vector<16xi32>,
        %bitcast3A_896 = vector.bitcast %get3A_895 : vector<16xi32> to vector<32xbf16>
        %mul3A_897 = arith.mulf %pack3A, %bitcast3A_896 : vector<32xbf16>
        %get3A_898 = arith.constant 1 : i32
        %get3A_899 = arith.index_cast %rem3A_83 : i32 to index
        %get3A_900 = arith.index_cast %get3A_898 : i32 to index
        %get3A_901 = arith.index_cast %scan3A_339 : i32 to index
        %get3A_902 = arith.constant 176 : index
        %get3A_903 = tpu.vector_load %arg11[%get3A_899, %get3A_900, %get3A_901, %get3A_902] {strides = array<i32>} : memref<2x5x16x256xi32, #tpu.memory_space<vmem>>, vector<16xi32>,
        %bitcast3A_904 = vector.bitcast %get3A_903 : vector<16xi32> to vector<32xbf16>
        %mul3A_905 = arith.mulf %pack3A_348, %bitcast3A_904 : vector<32xbf16>
        %add3A_906 = arith.addf %mul3A_897, %mul3A_905 : vector<32xbf16>
        %get3A_907 = arith.constant 2 : i32
        %get3A_908 = arith.index_cast %rem3A_83 : i32 to index
        %get3A_909 = arith.index_cast %get3A_907 : i32 to index
        %get3A_910 = arith.index_cast %scan3A_339 : i32 to index
        %get3A_911 = arith.constant 176 : index
        %get3A_912 = tpu.vector_load %arg11[%get3A_908, %get3A_909, %get3A_910, %get3A_911] {strides = array<i32>} : memref<2x5x16x256xi32, #tpu.memory_space<vmem>>, vector<16xi32>,
        %bitcast3A_913 = vector.bitcast %get3A_912 : vector<16xi32> to vector<32xbf16>
        %mul3A_914 = arith.mulf %pack3A_353, %bitcast3A_913 : vector<32xbf16>
        %add3A_915 = arith.addf %add3A_906, %mul3A_914 : vector<32xbf16>
        %get3A_916 = arith.constant 3 : i32
        %get3A_917 = arith.index_cast %rem3A_83 : i32 to index
        %get3A_918 = arith.index_cast %get3A_916 : i32 to index
        %get3A_919 = arith.index_cast %scan3A_339 : i32 to index
        %get3A_920 = arith.constant 176 : index
        %get3A_921 = tpu.vector_load %arg11[%get3A_917, %get3A_918, %get3A_919, %get3A_920] {strides = array<i32>} : memref<2x5x16x256xi32, #tpu.memory_space<vmem>>, vector<16xi32>,
        %bitcast3A_922 = vector.bitcast %get3A_921 : vector<16xi32> to vector<32xbf16>
        %mul3A_923 = arith.mulf %pack3A_358, %bitcast3A_922 : vector<32xbf16>
        %add3A_924 = arith.addf %add3A_915, %mul3A_923 : vector<32xbf16>
        %get3A_925 = arith.constant 4 : i32
        %get3A_926 = arith.index_cast %rem3A_83 : i32 to index
        %get3A_927 = arith.index_cast %get3A_925 : i32 to index
        %get3A_928 = arith.index_cast %scan3A_339 : i32 to index
        %get3A_929 = arith.constant 176 : index
        %get3A_930 = tpu.vector_load %arg11[%get3A_926, %get3A_927, %get3A_928, %get3A_929] {strides = array<i32>} : memref<2x5x16x256xi32, #tpu.memory_space<vmem>>, vector<16xi32>,
        %bitcast3A_931 = vector.bitcast %get3A_930 : vector<16xi32> to vector<32xbf16>
        %mul3A_932 = arith.mulf %pack3A_363, %bitcast3A_931 : vector<32xbf16>
        %add3A_933 = arith.addf %add3A_924, %mul3A_932 : vector<32xbf16>
        %bitcast3A_934 = vector.bitcast %add3A_933 : vector<32xbf16> to vector<16xi32>
        %swap3A_935 = arith.index_cast %scan3A_339 : i32 to index
        %swap3A_936 = arith.constant 176 : index
        %swap3A_937 = tpu.vector_load %arg12[%swap3A_935, %swap3A_936] {strides = array<i32>} : memref<16x256xi32, #tpu.memory_space<vmem>>, vector<16xi32>,
        tpu.vector_store %arg12[%swap3A_935, %swap3A_936], %bitcast3A_934 {strides = array<i32>} : memref<16x256xi32, #tpu.memory_space<vmem>>, vector<16xi32>,
        %get3A_938 = arith.constant 0 : i32
        %get3A_939 = arith.index_cast %rem3A_83 : i32 to index
        %get3A_940 = arith.index_cast %get3A_938 : i32 to index
        %get3A_941 = arith.index_cast %scan3A_339 : i32 to index
        %get3A_942 = arith.constant 192 : index
        %get3A_943 = tpu.vector_load %arg11[%get3A_939, %get3A_940, %get3A_941, %get3A_942] {strides = array<i32>} : memref<2x5x16x256xi32, #tpu.memory_space<vmem>>, vector<16xi32>,
        %bitcast3A_944 = vector.bitcast %get3A_943 : vector<16xi32> to vector<32xbf16>
        %mul3A_945 = arith.mulf %pack3A, %bitcast3A_944 : vector<32xbf16>
        %get3A_946 = arith.constant 1 : i32
        %get3A_947 = arith.index_cast %rem3A_83 : i32 to index
        %get3A_948 = arith.index_cast %get3A_946 : i32 to index
        %get3A_949 = arith.index_cast %scan3A_339 : i32 to index
        %get3A_950 = arith.constant 192 : index
        %get3A_951 = tpu.vector_load %arg11[%get3A_947, %get3A_948, %get3A_949, %get3A_950] {strides = array<i32>} : memref<2x5x16x256xi32, #tpu.memory_space<vmem>>, vector<16xi32>,
        %bitcast3A_952 = vector.bitcast %get3A_951 : vector<16xi32> to vector<32xbf16>
        %mul3A_953 = arith.mulf %pack3A_348, %bitcast3A_952 : vector<32xbf16>
        %add3A_954 = arith.addf %mul3A_945, %mul3A_953 : vector<32xbf16>
        %get3A_955 = arith.constant 2 : i32
        %get3A_956 = arith.index_cast %rem3A_83 : i32 to index
        %get3A_957 = arith.index_cast %get3A_955 : i32 to index
        %get3A_958 = arith.index_cast %scan3A_339 : i32 to index
        %get3A_959 = arith.constant 192 : index
        %get3A_960 = tpu.vector_load %arg11[%get3A_956, %get3A_957, %get3A_958, %get3A_959] {strides = array<i32>} : memref<2x5x16x256xi32, #tpu.memory_space<vmem>>, vector<16xi32>,
        %bitcast3A_961 = vector.bitcast %get3A_960 : vector<16xi32> to vector<32xbf16>
        %mul3A_962 = arith.mulf %pack3A_353, %bitcast3A_961 : vector<32xbf16>
        %add3A_963 = arith.addf %add3A_954, %mul3A_962 : vector<32xbf16>
        %get3A_964 = arith.constant 3 : i32
        %get3A_965 = arith.index_cast %rem3A_83 : i32 to index
        %get3A_966 = arith.index_cast %get3A_964 : i32 to index
        %get3A_967 = arith.index_cast %scan3A_339 : i32 to index
        %get3A_968 = arith.constant 192 : index
        %get3A_969 = tpu.vector_load %arg11[%get3A_965, %get3A_966, %get3A_967, %get3A_968] {strides = array<i32>} : memref<2x5x16x256xi32, #tpu.memory_space<vmem>>, vector<16xi32>,
        %bitcast3A_970 = vector.bitcast %get3A_969 : vector<16xi32> to vector<32xbf16>
        %mul3A_971 = arith.mulf %pack3A_358, %bitcast3A_970 : vector<32xbf16>
        %add3A_972 = arith.addf %add3A_963, %mul3A_971 : vector<32xbf16>
        %get3A_973 = arith.constant 4 : i32
        %get3A_974 = arith.index_cast %rem3A_83 : i32 to index
        %get3A_975 = arith.index_cast %get3A_973 : i32 to index
        %get3A_976 = arith.index_cast %scan3A_339 : i32 to index
        %get3A_977 = arith.constant 192 : index
        %get3A_978 = tpu.vector_load %arg11[%get3A_974, %get3A_975, %get3A_976, %get3A_977] {strides = array<i32>} : memref<2x5x16x256xi32, #tpu.memory_space<vmem>>, vector<16xi32>,
        %bitcast3A_979 = vector.bitcast %get3A_978 : vector<16xi32> to vector<32xbf16>
        %mul3A_980 = arith.mulf %pack3A_363, %bitcast3A_979 : vector<32xbf16>
        %add3A_981 = arith.addf %add3A_972, %mul3A_980 : vector<32xbf16>
        %bitcast3A_982 = vector.bitcast %add3A_981 : vector<32xbf16> to vector<16xi32>
        %swap3A_983 = arith.index_cast %scan3A_339 : i32 to index
        %swap3A_984 = arith.constant 192 : index
        %swap3A_985 = tpu.vector_load %arg12[%swap3A_983, %swap3A_984] {strides = array<i32>} : memref<16x256xi32, #tpu.memory_space<vmem>>, vector<16xi32>,
        tpu.vector_store %arg12[%swap3A_983, %swap3A_984], %bitcast3A_982 {strides = array<i32>} : memref<16x256xi32, #tpu.memory_space<vmem>>, vector<16xi32>,
        %get3A_986 = arith.constant 0 : i32
        %get3A_987 = arith.index_cast %rem3A_83 : i32 to index
        %get3A_988 = arith.index_cast %get3A_986 : i32 to index
        %get3A_989 = arith.index_cast %scan3A_339 : i32 to index
        %get3A_990 = arith.constant 208 : index
        %get3A_991 = tpu.vector_load %arg11[%get3A_987, %get3A_988, %get3A_989, %get3A_990] {strides = array<i32>} : memref<2x5x16x256xi32, #tpu.memory_space<vmem>>, vector<16xi32>,
        %bitcast3A_992 = vector.bitcast %get3A_991 : vector<16xi32> to vector<32xbf16>
        %mul3A_993 = arith.mulf %pack3A, %bitcast3A_992 : vector<32xbf16>
        %get3A_994 = arith.constant 1 : i32
        %get3A_995 = arith.index_cast %rem3A_83 : i32 to index
        %get3A_996 = arith.index_cast %get3A_994 : i32 to index
        %get3A_997 = arith.index_cast %scan3A_339 : i32 to index
        %get3A_998 = arith.constant 208 : index
        %get3A_999 = tpu.vector_load %arg11[%get3A_995, %get3A_996, %get3A_997, %get3A_998] {strides = array<i32>} : memref<2x5x16x256xi32, #tpu.memory_space<vmem>>, vector<16xi32>,
        %bitcast3A_1000 = vector.bitcast %get3A_999 : vector<16xi32> to vector<32xbf16>
        %mul3A_1001 = arith.mulf %pack3A_348, %bitcast3A_1000 : vector<32xbf16>
        %add3A_1002 = arith.addf %mul3A_993, %mul3A_1001 : vector<32xbf16>
        %get3A_1003 = arith.constant 2 : i32
        %get3A_1004 = arith.index_cast %rem3A_83 : i32 to index
        %get3A_1005 = arith.index_cast %get3A_1003 : i32 to index
        %get3A_1006 = arith.index_cast %scan3A_339 : i32 to index
        %get3A_1007 = arith.constant 208 : index
        %get3A_1008 = tpu.vector_load %arg11[%get3A_1004, %get3A_1005, %get3A_1006, %get3A_1007] {strides = array<i32>} : memref<2x5x16x256xi32, #tpu.memory_space<vmem>>, vector<16xi32>,
        %bitcast3A_1009 = vector.bitcast %get3A_1008 : vector<16xi32> to vector<32xbf16>
        %mul3A_1010 = arith.mulf %pack3A_353, %bitcast3A_1009 : vector<32xbf16>
        %add3A_1011 = arith.addf %add3A_1002, %mul3A_1010 : vector<32xbf16>
        %get3A_1012 = arith.constant 3 : i32
        %get3A_1013 = arith.index_cast %rem3A_83 : i32 to index
        %get3A_1014 = arith.index_cast %get3A_1012 : i32 to index
        %get3A_1015 = arith.index_cast %scan3A_339 : i32 to index
        %get3A_1016 = arith.constant 208 : index
        %get3A_1017 = tpu.vector_load %arg11[%get3A_1013, %get3A_1014, %get3A_1015, %get3A_1016] {strides = array<i32>} : memref<2x5x16x256xi32, #tpu.memory_space<vmem>>, vector<16xi32>,
        %bitcast3A_1018 = vector.bitcast %get3A_1017 : vector<16xi32> to vector<32xbf16>
        %mul3A_1019 = arith.mulf %pack3A_358, %bitcast3A_1018 : vector<32xbf16>
        %add3A_1020 = arith.addf %add3A_1011, %mul3A_1019 : vector<32xbf16>
        %get3A_1021 = arith.constant 4 : i32
        %get3A_1022 = arith.index_cast %rem3A_83 : i32 to index
        %get3A_1023 = arith.index_cast %get3A_1021 : i32 to index
        %get3A_1024 = arith.index_cast %scan3A_339 : i32 to index
        %get3A_1025 = arith.constant 208 : index
        %get3A_1026 = tpu.vector_load %arg11[%get3A_1022, %get3A_1023, %get3A_1024, %get3A_1025] {strides = array<i32>} : memref<2x5x16x256xi32, #tpu.memory_space<vmem>>, vector<16xi32>,
        %bitcast3A_1027 = vector.bitcast %get3A_1026 : vector<16xi32> to vector<32xbf16>
        %mul3A_1028 = arith.mulf %pack3A_363, %bitcast3A_1027 : vector<32xbf16>
        %add3A_1029 = arith.addf %add3A_1020, %mul3A_1028 : vector<32xbf16>
        %bitcast3A_1030 = vector.bitcast %add3A_1029 : vector<32xbf16> to vector<16xi32>
        %swap3A_1031 = arith.index_cast %scan3A_339 : i32 to index
        %swap3A_1032 = arith.constant 208 : index
        %swap3A_1033 = tpu.vector_load %arg12[%swap3A_1031, %swap3A_1032] {strides = array<i32>} : memref<16x256xi32, #tpu.memory_space<vmem>>, vector<16xi32>,
        tpu.vector_store %arg12[%swap3A_1031, %swap3A_1032], %bitcast3A_1030 {strides = array<i32>} : memref<16x256xi32, #tpu.memory_space<vmem>>, vector<16xi32>,
        %get3A_1034 = arith.constant 0 : i32
        %get3A_1035 = arith.index_cast %rem3A_83 : i32 to index
        %get3A_1036 = arith.index_cast %get3A_1034 : i32 to index
        %get3A_1037 = arith.index_cast %scan3A_339 : i32 to index
        %get3A_1038 = arith.constant 224 : index
        %get3A_1039 = tpu.vector_load %arg11[%get3A_1035, %get3A_1036, %get3A_1037, %get3A_1038] {strides = array<i32>} : memref<2x5x16x256xi32, #tpu.memory_space<vmem>>, vector<16xi32>,
        %bitcast3A_1040 = vector.bitcast %get3A_1039 : vector<16xi32> to vector<32xbf16>
        %mul3A_1041 = arith.mulf %pack3A, %bitcast3A_1040 : vector<32xbf16>
        %get3A_1042 = arith.constant 1 : i32
        %get3A_1043 = arith.index_cast %rem3A_83 : i32 to index
        %get3A_1044 = arith.index_cast %get3A_1042 : i32 to index
        %get3A_1045 = arith.index_cast %scan3A_339 : i32 to index
        %get3A_1046 = arith.constant 224 : index
        %get3A_1047 = tpu.vector_load %arg11[%get3A_1043, %get3A_1044, %get3A_1045, %get3A_1046] {strides = array<i32>} : memref<2x5x16x256xi32, #tpu.memory_space<vmem>>, vector<16xi32>,
        %bitcast3A_1048 = vector.bitcast %get3A_1047 : vector<16xi32> to vector<32xbf16>
        %mul3A_1049 = arith.mulf %pack3A_348, %bitcast3A_1048 : vector<32xbf16>
        %add3A_1050 = arith.addf %mul3A_1041, %mul3A_1049 : vector<32xbf16>
        %get3A_1051 = arith.constant 2 : i32
        %get3A_1052 = arith.index_cast %rem3A_83 : i32 to index
        %get3A_1053 = arith.index_cast %get3A_1051 : i32 to index
        %get3A_1054 = arith.index_cast %scan3A_339 : i32 to index
        %get3A_1055 = arith.constant 224 : index
        %get3A_1056 = tpu.vector_load %arg11[%get3A_1052, %get3A_1053, %get3A_1054, %get3A_1055] {strides = array<i32>} : memref<2x5x16x256xi32, #tpu.memory_space<vmem>>, vector<16xi32>,
        %bitcast3A_1057 = vector.bitcast %get3A_1056 : vector<16xi32> to vector<32xbf16>
        %mul3A_1058 = arith.mulf %pack3A_353, %bitcast3A_1057 : vector<32xbf16>
        %add3A_1059 = arith.addf %add3A_1050, %mul3A_1058 : vector<32xbf16>
        %get3A_1060 = arith.constant 3 : i32
        %get3A_1061 = arith.index_cast %rem3A_83 : i32 to index
        %get3A_1062 = arith.index_cast %get3A_1060 : i32 to index
        %get3A_1063 = arith.index_cast %scan3A_339 : i32 to index
        %get3A_1064 = arith.constant 224 : index
        %get3A_1065 = tpu.vector_load %arg11[%get3A_1061, %get3A_1062, %get3A_1063, %get3A_1064] {strides = array<i32>} : memref<2x5x16x256xi32, #tpu.memory_space<vmem>>, vector<16xi32>,
        %bitcast3A_1066 = vector.bitcast %get3A_1065 : vector<16xi32> to vector<32xbf16>
        %mul3A_1067 = arith.mulf %pack3A_358, %bitcast3A_1066 : vector<32xbf16>
        %add3A_1068 = arith.addf %add3A_1059, %mul3A_1067 : vector<32xbf16>
        %get3A_1069 = arith.constant 4 : i32
        %get3A_1070 = arith.index_cast %rem3A_83 : i32 to index
        %get3A_1071 = arith.index_cast %get3A_1069 : i32 to index
        %get3A_1072 = arith.index_cast %scan3A_339 : i32 to index
        %get3A_1073 = arith.constant 224 : index
        %get3A_1074 = tpu.vector_load %arg11[%get3A_1070, %get3A_1071, %get3A_1072, %get3A_1073] {strides = array<i32>} : memref<2x5x16x256xi32, #tpu.memory_space<vmem>>, vector<16xi32>,
        %bitcast3A_1075 = vector.bitcast %get3A_1074 : vector<16xi32> to vector<32xbf16>
        %mul3A_1076 = arith.mulf %pack3A_363, %bitcast3A_1075 : vector<32xbf16>
        %add3A_1077 = arith.addf %add3A_1068, %mul3A_1076 : vector<32xbf16>
        %bitcast3A_1078 = vector.bitcast %add3A_1077 : vector<32xbf16> to vector<16xi32>
        %swap3A_1079 = arith.index_cast %scan3A_339 : i32 to index
        %swap3A_1080 = arith.constant 224 : index
        %swap3A_1081 = tpu.vector_load %arg12[%swap3A_1079, %swap3A_1080] {strides = array<i32>} : memref<16x256xi32, #tpu.memory_space<vmem>>, vector<16xi32>,
        tpu.vector_store %arg12[%swap3A_1079, %swap3A_1080], %bitcast3A_1078 {strides = array<i32>} : memref<16x256xi32, #tpu.memory_space<vmem>>, vector<16xi32>,
        %get3A_1082 = arith.constant 0 : i32
        %get3A_1083 = arith.index_cast %rem3A_83 : i32 to index
        %get3A_1084 = arith.index_cast %get3A_1082 : i32 to index
        %get3A_1085 = arith.index_cast %scan3A_339 : i32 to index
        %get3A_1086 = arith.constant 240 : index
        %get3A_1087 = tpu.vector_load %arg11[%get3A_1083, %get3A_1084, %get3A_1085, %get3A_1086] {strides = array<i32>} : memref<2x5x16x256xi32, #tpu.memory_space<vmem>>, vector<16xi32>,
        %bitcast3A_1088 = vector.bitcast %get3A_1087 : vector<16xi32> to vector<32xbf16>
        %mul3A_1089 = arith.mulf %pack3A, %bitcast3A_1088 : vector<32xbf16>
        %get3A_1090 = arith.constant 1 : i32
        %get3A_1091 = arith.index_cast %rem3A_83 : i32 to index
        %get3A_1092 = arith.index_cast %get3A_1090 : i32 to index
        %get3A_1093 = arith.index_cast %scan3A_339 : i32 to index
        %get3A_1094 = arith.constant 240 : index
        %get3A_1095 = tpu.vector_load %arg11[%get3A_1091, %get3A_1092, %get3A_1093, %get3A_1094] {strides = array<i32>} : memref<2x5x16x256xi32, #tpu.memory_space<vmem>>, vector<16xi32>,
        %bitcast3A_1096 = vector.bitcast %get3A_1095 : vector<16xi32> to vector<32xbf16>
        %mul3A_1097 = arith.mulf %pack3A_348, %bitcast3A_1096 : vector<32xbf16>
        %add3A_1098 = arith.addf %mul3A_1089, %mul3A_1097 : vector<32xbf16>
        %get3A_1099 = arith.constant 2 : i32
        %get3A_1100 = arith.index_cast %rem3A_83 : i32 to index
        %get3A_1101 = arith.index_cast %get3A_1099 : i32 to index
        %get3A_1102 = arith.index_cast %scan3A_339 : i32 to index
        %get3A_1103 = arith.constant 240 : index
        %get3A_1104 = tpu.vector_load %arg11[%get3A_1100, %get3A_1101, %get3A_1102, %get3A_1103] {strides = array<i32>} : memref<2x5x16x256xi32, #tpu.memory_space<vmem>>, vector<16xi32>,
        %bitcast3A_1105 = vector.bitcast %get3A_1104 : vector<16xi32> to vector<32xbf16>
        %mul3A_1106 = arith.mulf %pack3A_353, %bitcast3A_1105 : vector<32xbf16>
        %add3A_1107 = arith.addf %add3A_1098, %mul3A_1106 : vector<32xbf16>
        %get3A_1108 = arith.constant 3 : i32
        %get3A_1109 = arith.index_cast %rem3A_83 : i32 to index
        %get3A_1110 = arith.index_cast %get3A_1108 : i32 to index
        %get3A_1111 = arith.index_cast %scan3A_339 : i32 to index
        %get3A_1112 = arith.constant 240 : index
        %get3A_1113 = tpu.vector_load %arg11[%get3A_1109, %get3A_1110, %get3A_1111, %get3A_1112] {strides = array<i32>} : memref<2x5x16x256xi32, #tpu.memory_space<vmem>>, vector<16xi32>,
        %bitcast3A_1114 = vector.bitcast %get3A_1113 : vector<16xi32> to vector<32xbf16>
        %mul3A_1115 = arith.mulf %pack3A_358, %bitcast3A_1114 : vector<32xbf16>
        %add3A_1116 = arith.addf %add3A_1107, %mul3A_1115 : vector<32xbf16>
        %get3A_1117 = arith.constant 4 : i32
        %get3A_1118 = arith.index_cast %rem3A_83 : i32 to index
        %get3A_1119 = arith.index_cast %get3A_1117 : i32 to index
        %get3A_1120 = arith.index_cast %scan3A_339 : i32 to index
        %get3A_1121 = arith.constant 240 : index
        %get3A_1122 = tpu.vector_load %arg11[%get3A_1118, %get3A_1119, %get3A_1120, %get3A_1121] {strides = array<i32>} : memref<2x5x16x256xi32, #tpu.memory_space<vmem>>, vector<16xi32>,
        %bitcast3A_1123 = vector.bitcast %get3A_1122 : vector<16xi32> to vector<32xbf16>
        %mul3A_1124 = arith.mulf %pack3A_363, %bitcast3A_1123 : vector<32xbf16>
        %add3A_1125 = arith.addf %add3A_1116, %mul3A_1124 : vector<32xbf16>
        %bitcast3A_1126 = vector.bitcast %add3A_1125 : vector<32xbf16> to vector<16xi32>
        %swap3A_1127 = arith.index_cast %scan3A_339 : i32 to index
        %swap3A_1128 = arith.constant 240 : index
        %swap3A_1129 = tpu.vector_load %arg12[%swap3A_1127, %swap3A_1128] {strides = array<i32>} : memref<16x256xi32, #tpu.memory_space<vmem>>, vector<16xi32>,
        tpu.vector_store %arg12[%swap3A_1127, %swap3A_1128], %bitcast3A_1126 {strides = array<i32>} : memref<16x256xi32, #tpu.memory_space<vmem>>, vector<16xi32>,
      }
      %scan3A_337 = arith.constant 16 : i32
      %add3A_338 = arith.addi %mul3A_2, %mul3A_82 : i32
      "tpu.region"() ({
        %run_scoped3A = tpu.sem_alloc : memref<!tpu.dma_semaphore, #tpu.memory_space<semaphore_mem>>
        %dma_start3A_339 = arith.constant 0 : i32
        %dma_start3A_340 = tpu.memref_slice %arg6[%add3A_338, %dma_start3A_339] : memref<8192x256xi32, #tpu.memory_space<hbm>> -> memref<16x256xi32, #tpu.memory_space<hbm>>
        %dma_start3A_341 = arith.constant 0 : i32
        %dma_start3A_342 = tpu.memref_slice %arg6[%add3A_338, %dma_start3A_341] : memref<8192x256xi32, #tpu.memory_space<hbm>> -> memref<16x256xi32, #tpu.memory_space<hbm>>
        tpu.enqueue_dma source(%arg12 : memref<16x256xi32, #tpu.memory_space<vmem>>) target(%dma_start3A_342 : memref<16x256xi32, #tpu.memory_space<hbm>>) target_semaphore(%run_scoped3A : memref<!tpu.dma_semaphore, #tpu.memory_space<semaphore_mem>>)
        %dma_wait3A_343 = arith.constant 0 : i32
        %dma_wait3A_344 = tpu.memref_slice %arg6[%add3A_338, %dma_wait3A_343] : memref<8192x256xi32, #tpu.memory_space<hbm>> -> memref<16x256xi32, #tpu.memory_space<hbm>>
        %dma_wait3A_345 = arith.constant 0 : i32
        %dma_wait3A_346 = tpu.memref_slice %arg6[%add3A_338, %dma_wait3A_345] : memref<8192x256xi32, #tpu.memory_space<hbm>> -> memref<16x256xi32, #tpu.memory_space<hbm>>
        tpu.wait_dma2 semaphore(%run_scoped3A : memref<!tpu.dma_semaphore, #tpu.memory_space<semaphore_mem>>) src(%arg12 : memref<16x256xi32, #tpu.memory_space<vmem>>) dst(%dma_wait3A_346 : memref<16x256xi32, #tpu.memory_space<hbm>>)
        tpu.yield
      }) : () -> ()
    }
    %scan3A_79 = arith.constant 16 : i32
    return
  }
}

module attributes {stable_mosaic.version = 14 : i64} {
  func.func @_topk_body(%arg0: i32, %arg1: memref<512x3xf32, #tpu.memory_space<vmem>>, %arg2: memref<3x4096xf32, #tpu.memory_space<vmem>>, %arg3: memref<512x8xi32, #tpu.memory_space<vmem>>) attributes {dimension_semantics = [#tpu.dimension_semantics<arbitrary>], iteration_bounds = array<i64: 16>, scalar_prefetch = 0 : i64, scratch_operands = 0 : i64, tpu.core_type = #tpu.core_type<tc>, window_params = [{transform_indices = @transform_0, window_bounds = array<i64: 512, 3>}, {pipeline_mode = #tpu.pipeline_mode<synchronous>, transform_indices = @transform_1, window_bounds = array<i64: 3, 4096>}, {transform_indices = @transform_2, window_bounds = array<i64: 512, 8>}]} {
    %get3A = arith.constant 0 : index
    %get3A_0 = arith.constant 0 : index
    %get3A_1 = vector.load %arg1[%get3A, %get3A_0] : memref<512x3xf32, #tpu.memory_space<vmem>>, vector<512x3xf32>
    %get3A_2 = arith.constant 0 : index
    %get3A_3 = arith.constant 0 : index
    %get3A_4 = vector.load %arg2[%get3A_2, %get3A_3] : memref<3x4096xf32, #tpu.memory_space<vmem>>, vector<3x4096xf32>
    %convert_element_type3A = arith.truncf %get3A_1 : vector<512x3xf32> to vector<512x3xbf16>
    %convert_element_type3A_5 = arith.truncf %get3A_4 : vector<3x4096xf32> to vector<3x4096xbf16>
    %dot_general3A = arith.constant dense<0.000000e+00> : vector<512x4096xf32>
    %dot_general3A_6 = tpu.matmul %convert_element_type3A, %convert_element_type3A_5, %dot_general3A {dimension_numbers = #tpu.dot_dimension_numbers<[1], [0], [0], [1], [0, 0, 1, 1], [], []>, transpose_lhs_hint = false} : vector<512x3xbf16>, vector<3x4096xbf16>, vector<512x4096xf32> -> vector<512x4096xf32>
    %slice3A = vector.extract_strided_slice %get3A_1 {offsets = [0, 0], sizes = [512, 1], strides = [1, 1]} : vector<512x3xf32> to vector<512x1xf32>
    %slice3A_7 = vector.extract_strided_slice %get3A_1 {offsets = [0, 0], sizes = [512, 1], strides = [1, 1]} : vector<512x3xf32> to vector<512x1xf32>
    %mul3A = arith.mulf %slice3A, %slice3A_7 : vector<512x1xf32>
    %slice3A_8 = vector.extract_strided_slice %get3A_1 {offsets = [0, 1], sizes = [512, 1], strides = [1, 1]} : vector<512x3xf32> to vector<512x1xf32>
    %slice3A_9 = vector.extract_strided_slice %get3A_1 {offsets = [0, 1], sizes = [512, 1], strides = [1, 1]} : vector<512x3xf32> to vector<512x1xf32>
    %mul3A_10 = arith.mulf %slice3A_8, %slice3A_9 : vector<512x1xf32>
    %add3A = arith.addf %mul3A, %mul3A_10 : vector<512x1xf32>
    %slice3A_11 = vector.extract_strided_slice %get3A_1 {offsets = [0, 2], sizes = [512, 1], strides = [1, 1]} : vector<512x3xf32> to vector<512x1xf32>
    %slice3A_12 = vector.extract_strided_slice %get3A_1 {offsets = [0, 2], sizes = [512, 1], strides = [1, 1]} : vector<512x3xf32> to vector<512x1xf32>
    %mul3A_13 = arith.mulf %slice3A_11, %slice3A_12 : vector<512x1xf32>
    %add3A_14 = arith.addf %add3A, %mul3A_13 : vector<512x1xf32>
    %slice3A_15 = vector.extract_strided_slice %get3A_4 {offsets = [0, 0], sizes = [1, 4096], strides = [1, 1]} : vector<3x4096xf32> to vector<1x4096xf32>
    %slice3A_16 = vector.extract_strided_slice %get3A_4 {offsets = [0, 0], sizes = [1, 4096], strides = [1, 1]} : vector<3x4096xf32> to vector<1x4096xf32>
    %mul3A_17 = arith.mulf %slice3A_15, %slice3A_16 : vector<1x4096xf32>
    %slice3A_18 = vector.extract_strided_slice %get3A_4 {offsets = [1, 0], sizes = [1, 4096], strides = [1, 1]} : vector<3x4096xf32> to vector<1x4096xf32>
    %slice3A_19 = vector.extract_strided_slice %get3A_4 {offsets = [1, 0], sizes = [1, 4096], strides = [1, 1]} : vector<3x4096xf32> to vector<1x4096xf32>
    %mul3A_20 = arith.mulf %slice3A_18, %slice3A_19 : vector<1x4096xf32>
    %add3A_21 = arith.addf %mul3A_17, %mul3A_20 : vector<1x4096xf32>
    %slice3A_22 = vector.extract_strided_slice %get3A_4 {offsets = [2, 0], sizes = [1, 4096], strides = [1, 1]} : vector<3x4096xf32> to vector<1x4096xf32>
    %slice3A_23 = vector.extract_strided_slice %get3A_4 {offsets = [2, 0], sizes = [1, 4096], strides = [1, 1]} : vector<3x4096xf32> to vector<1x4096xf32>
    %mul3A_24 = arith.mulf %slice3A_22, %slice3A_23 : vector<1x4096xf32>
    %add3A_25 = arith.addf %add3A_21, %mul3A_24 : vector<1x4096xf32>
    %mul3A_26 = arith.constant 2.000000e+00 : f32
    %mul3A_27 = vector.broadcast %mul3A_26 : f32 to vector<512x4096xf32>
    %mul3A_28 = arith.mulf %mul3A_27, %dot_general3A_6 : vector<512x4096xf32>
    %sub3A = vector.broadcast %add3A_14 : vector<512x1xf32> to vector<512x4096xf32>
    %sub3A_29 = arith.subf %sub3A, %mul3A_28 : vector<512x4096xf32>
    %add3A_30 = vector.broadcast %add3A_25 : vector<1x4096xf32> to vector<512x4096xf32>
    %add3A_31 = arith.addf %sub3A_29, %add3A_30 : vector<512x4096xf32>
    %iota3A = tpu.iota {dimensions = array<i32: 1>} : vector<512x4096xi32>
    %argmin3A = tpu.reduce_index %add3A_31 {axis = 1 : i32, kind = #tpu.reduction_kind<arg_min>} : vector<512x4096xf32> -> vector<512xi32>
    %broadcast_in_dim3A = vector.shape_cast %argmin3A : vector<512xi32> to vector<512x1xi32>
    %eq3A = vector.broadcast %broadcast_in_dim3A : vector<512x1xi32> to vector<512x4096xi32>
    %eq3A_32 = arith.cmpi eq, %iota3A, %eq3A : vector<512x4096xi32>
    %jit3A = arith.constant 0x7F800000 : f32
    %broadcast_in_dim3A_33 = vector.broadcast %jit3A : f32 to vector<512x4096xf32>
    %select_n3A = arith.select %eq3A_32, %broadcast_in_dim3A_33, %add3A_31 : vector<512x4096xi1>, vector<512x4096xf32>
    %argmin3A_34 = tpu.reduce_index %select_n3A {axis = 1 : i32, kind = #tpu.reduction_kind<arg_min>} : vector<512x4096xf32> -> vector<512xi32>
    %broadcast_in_dim3A_35 = vector.shape_cast %argmin3A_34 : vector<512xi32> to vector<512x1xi32>
    %eq3A_36 = vector.broadcast %broadcast_in_dim3A_35 : vector<512x1xi32> to vector<512x4096xi32>
    %eq3A_37 = arith.cmpi eq, %iota3A, %eq3A_36 : vector<512x4096xi32>
    %jit3A_38 = arith.constant 0x7F800000 : f32
    %broadcast_in_dim3A_39 = vector.broadcast %jit3A_38 : f32 to vector<512x4096xf32>
    %select_n3A_40 = arith.select %eq3A_37, %broadcast_in_dim3A_39, %select_n3A : vector<512x4096xi1>, vector<512x4096xf32>
    %argmin3A_41 = tpu.reduce_index %select_n3A_40 {axis = 1 : i32, kind = #tpu.reduction_kind<arg_min>} : vector<512x4096xf32> -> vector<512xi32>
    %broadcast_in_dim3A_42 = vector.shape_cast %argmin3A_41 : vector<512xi32> to vector<512x1xi32>
    %eq3A_43 = vector.broadcast %broadcast_in_dim3A_42 : vector<512x1xi32> to vector<512x4096xi32>
    %eq3A_44 = arith.cmpi eq, %iota3A, %eq3A_43 : vector<512x4096xi32>
    %jit3A_45 = arith.constant 0x7F800000 : f32
    %broadcast_in_dim3A_46 = vector.broadcast %jit3A_45 : f32 to vector<512x4096xf32>
    %select_n3A_47 = arith.select %eq3A_44, %broadcast_in_dim3A_46, %select_n3A_40 : vector<512x4096xi1>, vector<512x4096xf32>
    %argmin3A_48 = tpu.reduce_index %select_n3A_47 {axis = 1 : i32, kind = #tpu.reduction_kind<arg_min>} : vector<512x4096xf32> -> vector<512xi32>
    %broadcast_in_dim3A_49 = vector.shape_cast %argmin3A_48 : vector<512xi32> to vector<512x1xi32>
    %eq3A_50 = vector.broadcast %broadcast_in_dim3A_49 : vector<512x1xi32> to vector<512x4096xi32>
    %eq3A_51 = arith.cmpi eq, %iota3A, %eq3A_50 : vector<512x4096xi32>
    %jit3A_52 = arith.constant 0x7F800000 : f32
    %broadcast_in_dim3A_53 = vector.broadcast %jit3A_52 : f32 to vector<512x4096xf32>
    %select_n3A_54 = arith.select %eq3A_51, %broadcast_in_dim3A_53, %select_n3A_47 : vector<512x4096xi1>, vector<512x4096xf32>
    %argmin3A_55 = tpu.reduce_index %select_n3A_54 {axis = 1 : i32, kind = #tpu.reduction_kind<arg_min>} : vector<512x4096xf32> -> vector<512xi32>
    %broadcast_in_dim3A_56 = vector.shape_cast %argmin3A_55 : vector<512xi32> to vector<512x1xi32>
    %concatenate3A = tpu.concatenate %broadcast_in_dim3A, %broadcast_in_dim3A_35, %broadcast_in_dim3A_42, %broadcast_in_dim3A_49, %broadcast_in_dim3A_56 in 1 : vector<512x1xi32>, vector<512x1xi32>, vector<512x1xi32>, vector<512x1xi32>, vector<512x1xi32> -> vector<512x5xi32>
    %broadcast_in_dim3A_57 = arith.constant 0 : i32
    %broadcast_in_dim3A_58 = vector.broadcast %broadcast_in_dim3A_57 : i32 to vector<512x3xi32>
    %concatenate3A_59 = tpu.concatenate %concatenate3A, %broadcast_in_dim3A_58 in 1 : vector<512x5xi32>, vector<512x3xi32> -> vector<512x8xi32>
    %swap3A = arith.constant 0 : index
    %swap3A_60 = arith.constant 0 : index
    %swap3A_61 = vector.load %arg3[%swap3A, %swap3A_60] : memref<512x8xi32, #tpu.memory_space<vmem>>, vector<512x8xi32>
    tpu.vector_store %arg3[%swap3A, %swap3A_60], %concatenate3A_59 {strides = array<i32>} : memref<512x8xi32, #tpu.memory_space<vmem>>, vector<512x8xi32>,
    return
  }
  func.func @transform_0(%arg0: i32) -> (i32, i32) {
    %c0_i32 = arith.constant 0 : i32
    %c0_i32_0 = arith.constant 0 : i32
    return %arg0, %c0_i32 : i32, i32
  }
  func.func @transform_1(%arg0: i32) -> (i32, i32) {
    %c0_i32 = arith.constant 0 : i32
    %c0_i32_0 = arith.constant 0 : i32
    %c0_i32_1 = arith.constant 0 : i32
    return %c0_i32, %c0_i32_0 : i32, i32
  }
  func.func @transform_2(%arg0: i32) -> (i32, i32) {
    %c0_i32 = arith.constant 0 : i32
    %c0_i32_0 = arith.constant 0 : i32
    return %arg0, %c0_i32 : i32, i32
  }
}

module attributes {stable_mosaic.version = 14 : i64} {
  func.func @_lin2_body(%arg0: i32, %arg1: memref<512x512xf32, #tpu.memory_space<vmem>>, %arg2: memref<512x512xf32, #tpu.memory_space<vmem>>, %arg3: memref<1x512xf32, #tpu.memory_space<vmem>>, %arg4: memref<512x256xi32, #tpu.memory_space<vmem>>) attributes {dimension_semantics = [#tpu.dimension_semantics<arbitrary>], iteration_bounds = array<i64: 8>, scalar_prefetch = 0 : i64, scratch_operands = 0 : i64, tpu.core_type = #tpu.core_type<tc>, window_params = [{transform_indices = @transform_0, window_bounds = array<i64: 512, 512>}, {pipeline_mode = #tpu.pipeline_mode<synchronous>, transform_indices = @transform_1, window_bounds = array<i64: 512, 512>}, {pipeline_mode = #tpu.pipeline_mode<synchronous>, transform_indices = @transform_2, window_bounds = array<i64: 1, 512>}, {transform_indices = @transform_3, window_bounds = array<i64: 512, 256>}]} {
    %get3A = arith.constant 0 : index
    %get3A_0 = arith.constant 0 : index
    %get3A_1 = vector.load %arg1[%get3A, %get3A_0] : memref<512x512xf32, #tpu.memory_space<vmem>>, vector<512x512xf32>
    %get3A_2 = arith.constant 0 : index
    %get3A_3 = arith.constant 0 : index
    %get3A_4 = vector.load %arg2[%get3A_2, %get3A_3] : memref<512x512xf32, #tpu.memory_space<vmem>>, vector<512x512xf32>
    %dot_general3A = arith.constant dense<0.000000e+00> : vector<512x512xf32>
    %dot_general3A_5 = tpu.matmul %get3A_1, %get3A_4, %dot_general3A {dimension_numbers = #tpu.dot_dimension_numbers<[1], [0], [0], [1], [0, 0, 1, 1], [], []>, transpose_lhs_hint = false} : vector<512x512xf32>, vector<512x512xf32>, vector<512x512xf32> -> vector<512x512xf32>
    %get3A_6 = arith.constant 0 : index
    %get3A_7 = arith.constant 0 : index
    %get3A_8 = vector.load %arg3[%get3A_6, %get3A_7] : memref<1x512xf32, #tpu.memory_space<vmem>>, vector<1x512xf32>
    %add3A = vector.broadcast %get3A_8 : vector<1x512xf32> to vector<512x512xf32>
    %add3A_9 = arith.addf %dot_general3A_5, %add3A : vector<512x512xf32>
    %convert_element_type3A = arith.truncf %add3A_9 : vector<512x512xf32> to vector<512x512xbf16>
    %slice3A = vector.extract_strided_slice %convert_element_type3A {offsets = [0, 0], sizes = [512, 256], strides = [1, 1]} : vector<512x512xbf16> to vector<512x256xbf16>
    %bitcast_convert_type3A = tpu.bitcast %slice3A : vector<512x256xbf16> -> vector<512x256xi16>
    %convert_element_type3A_10 = arith.extui %bitcast_convert_type3A : vector<512x256xi16> to vector<512x256xi32>
    %slice3A_11 = vector.extract_strided_slice %convert_element_type3A {offsets = [0, 256], sizes = [512, 256], strides = [1, 1]} : vector<512x512xbf16> to vector<512x256xbf16>
    %bitcast_convert_type3A_12 = tpu.bitcast %slice3A_11 : vector<512x256xbf16> -> vector<512x256xi16>
    %convert_element_type3A_13 = arith.extui %bitcast_convert_type3A_12 : vector<512x256xi16> to vector<512x256xi32>
    %shift_left3A = arith.constant 16 : i32
    %shift_left3A_14 = vector.broadcast %shift_left3A : i32 to vector<512x256xi32>
    %shift_left3A_15 = arith.shli %convert_element_type3A_13, %shift_left3A_14 : vector<512x256xi32>
    %or3A = arith.ori %convert_element_type3A_10, %shift_left3A_15 : vector<512x256xi32>
    %swap3A = arith.constant 0 : index
    %swap3A_16 = arith.constant 0 : index
    %swap3A_17 = vector.load %arg4[%swap3A, %swap3A_16] : memref<512x256xi32, #tpu.memory_space<vmem>>, vector<512x256xi32>
    tpu.vector_store %arg4[%swap3A, %swap3A_16], %or3A {strides = array<i32>} : memref<512x256xi32, #tpu.memory_space<vmem>>, vector<512x256xi32>,
    return
  }
  func.func @transform_0(%arg0: i32) -> (i32, i32) {
    %c0_i32 = arith.constant 0 : i32
    %c0_i32_0 = arith.constant 0 : i32
    return %arg0, %c0_i32 : i32, i32
  }
  func.func @transform_1(%arg0: i32) -> (i32, i32) {
    %c0_i32 = arith.constant 0 : i32
    %c0_i32_0 = arith.constant 0 : i32
    %c0_i32_1 = arith.constant 0 : i32
    return %c0_i32, %c0_i32_0 : i32, i32
  }
  func.func @transform_2(%arg0: i32) -> (i32, i32) {
    %c0_i32 = arith.constant 0 : i32
    %c0_i32_0 = arith.constant 0 : i32
    %c0_i32_1 = arith.constant 0 : i32
    return %c0_i32, %c0_i32_0 : i32, i32
  }
  func.func @transform_3(%arg0: i32) -> (i32, i32) {
    %c0_i32 = arith.constant 0 : i32
    %c0_i32_0 = arith.constant 0 : i32
    return %arg0, %c0_i32 : i32, i32
  }
}

module attributes {stable_mosaic.version = 14 : i64} {
  func.func @_final_body(%arg0: i32, %arg1: memref<512x512xf32, #tpu.memory_space<vmem>>, %arg2: memref<512x256xi32, #tpu.memory_space<vmem>>, %arg3: memref<512x256xi32, #tpu.memory_space<vmem>>, %arg4: memref<8x512xf32, #tpu.memory_space<vmem>>, %arg5: memref<512x512xf32, #tpu.memory_space<vmem>>) attributes {dimension_semantics = [#tpu.dimension_semantics<arbitrary>], iteration_bounds = array<i64: 32>, scalar_prefetch = 0 : i64, scratch_operands = 0 : i64, tpu.core_type = #tpu.core_type<tc>, window_params = [{transform_indices = @transform_0, window_bounds = array<i64: 512, 512>}, {transform_indices = @transform_1, window_bounds = array<i64: 512, 256>}, {transform_indices = @transform_2, window_bounds = array<i64: 512, 256>}, {pipeline_mode = #tpu.pipeline_mode<synchronous>, transform_indices = @transform_3, window_bounds = array<i64: 8, 512>}, {transform_indices = @transform_4, window_bounds = array<i64: 512, 512>}]} {
    %get3A = arith.constant 0 : index
    %get3A_0 = arith.constant 0 : index
    %get3A_1 = vector.load %arg4[%get3A, %get3A_0] : memref<8x512xf32, #tpu.memory_space<vmem>>, vector<1x512xf32>
    %get3A_2 = arith.constant 1 : index
    %get3A_3 = arith.constant 0 : index
    %get3A_4 = vector.load %arg4[%get3A_2, %get3A_3] : memref<8x512xf32, #tpu.memory_space<vmem>>, vector<1x512xf32>
    %get3A_5 = arith.constant 2 : index
    %get3A_6 = arith.constant 0 : index
    %get3A_7 = vector.load %arg4[%get3A_5, %get3A_6] : memref<8x512xf32, #tpu.memory_space<vmem>>, vector<1x512xf32>
    %get3A_8 = arith.constant 0 : index
    %get3A_9 = arith.constant 0 : index
    %get3A_10 = vector.load %arg1[%get3A_8, %get3A_9] : memref<512x512xf32, #tpu.memory_space<vmem>>, vector<512x512xf32>
    %sub3A = vector.broadcast %get3A_1 : vector<1x512xf32> to vector<512x512xf32>
    %sub3A_11 = arith.subf %get3A_10, %sub3A : vector<512x512xf32>
    %mul3A = vector.broadcast %get3A_4 : vector<1x512xf32> to vector<512x512xf32>
    %mul3A_12 = arith.mulf %sub3A_11, %mul3A : vector<512x512xf32>
    %add3A = vector.broadcast %get3A_7 : vector<1x512xf32> to vector<512x512xf32>
    %add3A_13 = arith.addf %mul3A_12, %add3A : vector<512x512xf32>
    %max3A = arith.constant 0.000000e+00 : f32
    %max3A_14 = vector.broadcast %max3A : f32 to vector<512x512xf32>
    %max3A_15 = arith.maximumf %add3A_13, %max3A_14 : vector<512x512xf32>
    %lt3A = arith.constant 16 : i32
    %lt3A_16 = arith.cmpi slt, %arg0, %lt3A : i32
    %get3A_17 = arith.constant 0 : index
    %get3A_18 = arith.constant 0 : index
    %get3A_19 = vector.load %arg2[%get3A_17, %get3A_18] : memref<512x256xi32, #tpu.memory_space<vmem>>, vector<512x256xi32>
    %get3A_20 = arith.constant 0 : index
    %get3A_21 = arith.constant 0 : index
    %get3A_22 = vector.load %arg3[%get3A_20, %get3A_21] : memref<512x256xi32, #tpu.memory_space<vmem>>, vector<512x256xi32>
    %select_n3A = arith.select %lt3A_16, %get3A_19, %get3A_22 : vector<512x256xi32>
    %shift_left3A = arith.constant 16 : i32
    %shift_left3A_23 = vector.broadcast %shift_left3A : i32 to vector<512x256xi32>
    %shift_left3A_24 = arith.shli %select_n3A, %shift_left3A_23 : vector<512x256xi32>
    %bitcast_convert_type3A = tpu.bitcast %shift_left3A_24 : vector<512x256xi32> -> vector<512x256xf32>
    %and3A = arith.constant -65536 : i32
    %and3A_25 = vector.broadcast %and3A : i32 to vector<512x256xi32>
    %and3A_26 = arith.andi %select_n3A, %and3A_25 : vector<512x256xi32>
    %bitcast_convert_type3A_27 = tpu.bitcast %and3A_26 : vector<512x256xi32> -> vector<512x256xf32>
    %slice3A = vector.extract_strided_slice %max3A_15 {offsets = [0, 0], sizes = [512, 256], strides = [1, 1]} : vector<512x512xf32> to vector<512x256xf32>
    %max3A_28 = arith.constant 0.000000e+00 : f32
    %max3A_29 = vector.broadcast %max3A_28 : f32 to vector<512x256xf32>
    %max3A_30 = arith.maximumf %bitcast_convert_type3A, %max3A_29 : vector<512x256xf32>
    %add3A_31 = arith.addf %slice3A, %max3A_30 : vector<512x256xf32>
    %swap3A = arith.constant 0 : index
    %swap3A_32 = arith.constant 0 : index
    %swap3A_33 = vector.load %arg5[%swap3A, %swap3A_32] : memref<512x512xf32, #tpu.memory_space<vmem>>, vector<512x256xf32>
    tpu.vector_store %arg5[%swap3A, %swap3A_32], %add3A_31 {strides = array<i32>} : memref<512x512xf32, #tpu.memory_space<vmem>>, vector<512x256xf32>,
    %slice3A_34 = vector.extract_strided_slice %max3A_15 {offsets = [0, 256], sizes = [512, 256], strides = [1, 1]} : vector<512x512xf32> to vector<512x256xf32>
    %max3A_35 = arith.constant 0.000000e+00 : f32
    %max3A_36 = vector.broadcast %max3A_35 : f32 to vector<512x256xf32>
    %max3A_37 = arith.maximumf %bitcast_convert_type3A_27, %max3A_36 : vector<512x256xf32>
    %add3A_38 = arith.addf %slice3A_34, %max3A_37 : vector<512x256xf32>
    %swap3A_39 = arith.constant 0 : index
    %swap3A_40 = arith.constant 256 : index
    %swap3A_41 = vector.load %arg5[%swap3A_39, %swap3A_40] : memref<512x512xf32, #tpu.memory_space<vmem>>, vector<512x256xf32>
    tpu.vector_store %arg5[%swap3A_39, %swap3A_40], %add3A_38 {strides = array<i32>} : memref<512x512xf32, #tpu.memory_space<vmem>>, vector<512x256xf32>,
    return
  }
  func.func @transform_0(%arg0: i32) -> (i32, i32) {
    %c0_i32 = arith.constant 0 : i32
    %c0_i32_0 = arith.constant 0 : i32
    return %arg0, %c0_i32 : i32, i32
  }
  func.func @transform_1(%arg0: i32) -> (i32, i32) {
    %min3A = arith.constant 15 : i32
    %min3A_0 = arith.minsi %arg0, %min3A : i32
    %c0_i32 = arith.constant 0 : i32
    %c0_i32_1 = arith.constant 0 : i32
    return %min3A_0, %c0_i32 : i32, i32
  }
  func.func @transform_2(%arg0: i32) -> (i32, i32) {
    %sub3A = arith.constant 16 : i32
    %sub3A_0 = arith.subi %arg0, %sub3A : i32
    %max3A = arith.constant 0 : i32
    %max3A_1 = arith.maxsi %sub3A_0, %max3A : i32
    %c0_i32 = arith.constant 0 : i32
    %c0_i32_2 = arith.constant 0 : i32
    return %max3A_1, %c0_i32 : i32, i32
  }
  func.func @transform_3(%arg0: i32) -> (i32, i32) {
    %c0_i32 = arith.constant 0 : i32
    %c0_i32_0 = arith.constant 0 : i32
    %c0_i32_1 = arith.constant 0 : i32
    return %c0_i32, %c0_i32_0 : i32, i32
  }
  func.func @transform_4(%arg0: i32) -> (i32, i32) {
    %c0_i32 = arith.constant 0 : i32
    %c0_i32_0 = arith.constant 0 : i32
    return %arg0, %c0_i32 : i32, i32
  }
}

module attributes {stable_mosaic.version = 14 : i64} {
  func.func @_lin1_body(%arg0: i32, %arg1: memref<512x1024xf32, #tpu.memory_space<vmem>>, %arg2: memref<1024x512xf32, #tpu.memory_space<vmem>>, %arg3: memref<1x512xf32, #tpu.memory_space<vmem>>, %arg4: memref<1x512xf32, #tpu.memory_space<vmem>>, %arg5: memref<1x512xf32, #tpu.memory_space<vmem>>, %arg6: memref<512x512xf32, #tpu.memory_space<vmem>>, %arg7: memref<8x512xf32, #tpu.memory_space<vmem>>) attributes {dimension_semantics = [#tpu.dimension_semantics<arbitrary>], iteration_bounds = array<i64: 32>, scalar_prefetch = 0 : i64, scratch_operands = 0 : i64, tpu.core_type = #tpu.core_type<tc>, window_params = [{transform_indices = @transform_0, window_bounds = array<i64: 512, 1024>}, {pipeline_mode = #tpu.pipeline_mode<synchronous>, transform_indices = @transform_1, window_bounds = array<i64: 1024, 512>}, {pipeline_mode = #tpu.pipeline_mode<synchronous>, transform_indices = @transform_2, window_bounds = array<i64: 1, 512>}, {pipeline_mode = #tpu.pipeline_mode<synchronous>, transform_indices = @transform_3, window_bounds = array<i64: 1, 512>}, {pipeline_mode = #tpu.pipeline_mode<synchronous>, transform_indices = @transform_4, window_bounds = array<i64: 1, 512>}, {transform_indices = @transform_5, window_bounds = array<i64: 512, 512>}, {pipeline_mode = #tpu.pipeline_mode<synchronous>, transform_indices = @transform_6, window_bounds = array<i64: 8, 512>}]} {
    %get3A = arith.constant 0 : index
    %get3A_0 = arith.constant 0 : index
    %get3A_1 = vector.load %arg1[%get3A, %get3A_0] : memref<512x1024xf32, #tpu.memory_space<vmem>>, vector<512x1024xf32>
    %convert_element_type3A = arith.truncf %get3A_1 : vector<512x1024xf32> to vector<512x1024xbf16>
    %get3A_2 = arith.constant 0 : index
    %get3A_3 = arith.constant 0 : index
    %get3A_4 = vector.load %arg2[%get3A_2, %get3A_3] : memref<1024x512xf32, #tpu.memory_space<vmem>>, vector<1024x512xf32>
    %convert_element_type3A_5 = arith.truncf %get3A_4 : vector<1024x512xf32> to vector<1024x512xbf16>
    %dot_general3A = arith.constant dense<0.000000e+00> : vector<512x512xf32>
    %dot_general3A_6 = tpu.matmul %convert_element_type3A, %convert_element_type3A_5, %dot_general3A {dimension_numbers = #tpu.dot_dimension_numbers<[1], [0], [0], [1], [0, 0, 1, 1], [], []>, transpose_lhs_hint = false} : vector<512x1024xbf16>, vector<1024x512xbf16>, vector<512x512xf32> -> vector<512x512xf32>
    %get3A_7 = arith.constant 0 : index
    %get3A_8 = arith.constant 0 : index
    %get3A_9 = vector.load %arg3[%get3A_7, %get3A_8] : memref<1x512xf32, #tpu.memory_space<vmem>>, vector<1x512xf32>
    %add3A = vector.broadcast %get3A_9 : vector<1x512xf32> to vector<512x512xf32>
    %add3A_10 = arith.addf %dot_general3A_6, %add3A : vector<512x512xf32>
    %swap3A = arith.constant 0 : index
    %swap3A_11 = arith.constant 0 : index
    %swap3A_12 = vector.load %arg6[%swap3A, %swap3A_11] : memref<512x512xf32, #tpu.memory_space<vmem>>, vector<512x512xf32>
    tpu.vector_store %arg6[%swap3A, %swap3A_11], %add3A_10 {strides = array<i32>} : memref<512x512xf32, #tpu.memory_space<vmem>>, vector<512x512xf32>,
    %eq3A = arith.constant 0 : i32
    %eq3A_13 = arith.cmpi eq, %arg0, %eq3A : i32
    %convert_element_type3A_14 = arith.extui %eq3A_13 : i1 to i32
    %cond3A = arith.constant 0 : i32
    %cond3A_15 = arith.cmpi ne, %convert_element_type3A_14, %cond3A : i32
    scf.if %cond3A_15 {
      %broadcast_in_dim3A_39 = arith.constant 0.000000e+00 : f32
      %broadcast_in_dim3A_40 = vector.broadcast %broadcast_in_dim3A_39 : f32 to vector<8x512xf32>
      %swap3A_41 = arith.constant 0 : index
      %swap3A_42 = arith.constant 0 : index
      %swap3A_43 = vector.load %arg7[%swap3A_41, %swap3A_42] : memref<8x512xf32, #tpu.memory_space<vmem>>, vector<8x512xf32>
      tpu.vector_store %arg7[%swap3A_41, %swap3A_42], %broadcast_in_dim3A_40 {strides = array<i32>} : memref<8x512xf32, #tpu.memory_space<vmem>>, vector<8x512xf32>,
    } else {
    }
    %get3A_16 = arith.constant 0 : index
    %get3A_17 = arith.constant 0 : index
    %get3A_18 = vector.load %arg7[%get3A_16, %get3A_17] : memref<8x512xf32, #tpu.memory_space<vmem>>, vector<1x512xf32>
    %reduce_sum3A = arith.constant dense<0.000000e+00> : vector<512xf32>
    %reduce_sum3A_19 = vector.multi_reduction <add>, %add3A_10, %reduce_sum3A [0] : vector<512x512xf32> to vector<512xf32>
    %broadcast_in_dim3A = vector.shape_cast %reduce_sum3A_19 : vector<512xf32> to vector<1x512xf32>
    %add3A_20 = arith.addf %get3A_18, %broadcast_in_dim3A : vector<1x512xf32>
    %swap3A_21 = arith.constant 0 : index
    %swap3A_22 = arith.constant 0 : index
    %swap3A_23 = vector.load %arg7[%swap3A_21, %swap3A_22] : memref<8x512xf32, #tpu.memory_space<vmem>>, vector<1x512xf32>
    tpu.vector_store %arg7[%swap3A_21, %swap3A_22], %add3A_20 {strides = array<i32>} : memref<8x512xf32, #tpu.memory_space<vmem>>, vector<1x512xf32>,
    %get3A_24 = arith.constant 1 : index
    %get3A_25 = arith.constant 0 : index
    %get3A_26 = vector.load %arg7[%get3A_24, %get3A_25] : memref<8x512xf32, #tpu.memory_space<vmem>>, vector<1x512xf32>
    %mul3A = arith.mulf %add3A_10, %add3A_10 : vector<512x512xf32>
    %reduce_sum3A_27 = arith.constant dense<0.000000e+00> : vector<512xf32>
    %reduce_sum3A_28 = vector.multi_reduction <add>, %mul3A, %reduce_sum3A_27 [0] : vector<512x512xf32> to vector<512xf32>
    %broadcast_in_dim3A_29 = vector.shape_cast %reduce_sum3A_28 : vector<512xf32> to vector<1x512xf32>
    %add3A_30 = arith.addf %get3A_26, %broadcast_in_dim3A_29 : vector<1x512xf32>
    %swap3A_31 = arith.constant 1 : index
    %swap3A_32 = arith.constant 0 : index
    %swap3A_33 = vector.load %arg7[%swap3A_31, %swap3A_32] : memref<8x512xf32, #tpu.memory_space<vmem>>, vector<1x512xf32>
    tpu.vector_store %arg7[%swap3A_31, %swap3A_32], %add3A_30 {strides = array<i32>} : memref<8x512xf32, #tpu.memory_space<vmem>>, vector<1x512xf32>,
    %eq3A_34 = arith.constant 31 : i32
    %eq3A_35 = arith.cmpi eq, %arg0, %eq3A_34 : i32
    %convert_element_type3A_36 = arith.extui %eq3A_35 : i1 to i32
    %cond3A_37 = arith.constant 0 : i32
    %cond3A_38 = arith.cmpi ne, %convert_element_type3A_36, %cond3A_37 : i32
    scf.if %cond3A_38 {
      %get3A_39 = arith.constant 0 : index
      %get3A_40 = arith.constant 0 : index
      %get3A_41 = vector.load %arg7[%get3A_39, %get3A_40] : memref<8x512xf32, #tpu.memory_space<vmem>>, vector<1x512xf32>
      %div3A = arith.constant 1.638400e+04 : f32
      %div3A_42 = vector.broadcast %div3A : f32 to vector<1x512xf32>
      %div3A_43 = arith.divf %get3A_41, %div3A_42 : vector<1x512xf32>
      %get3A_44 = arith.constant 1 : index
      %get3A_45 = arith.constant 0 : index
      %get3A_46 = vector.load %arg7[%get3A_44, %get3A_45] : memref<8x512xf32, #tpu.memory_space<vmem>>, vector<1x512xf32>
      %div3A_47 = arith.constant 1.638400e+04 : f32
      %div3A_48 = vector.broadcast %div3A_47 : f32 to vector<1x512xf32>
      %div3A_49 = arith.divf %get3A_46, %div3A_48 : vector<1x512xf32>
      %mul3A_50 = arith.mulf %div3A_43, %div3A_43 : vector<1x512xf32>
      %sub3A = arith.subf %div3A_49, %mul3A_50 : vector<1x512xf32>
      %swap3A_51 = arith.constant 0 : index
      %swap3A_52 = arith.constant 0 : index
      %swap3A_53 = vector.load %arg7[%swap3A_51, %swap3A_52] : memref<8x512xf32, #tpu.memory_space<vmem>>, vector<1x512xf32>
      tpu.vector_store %arg7[%swap3A_51, %swap3A_52], %div3A_43 {strides = array<i32>} : memref<8x512xf32, #tpu.memory_space<vmem>>, vector<1x512xf32>,
      %get3A_54 = arith.constant 0 : index
      %get3A_55 = arith.constant 0 : index
      %get3A_56 = vector.load %arg4[%get3A_54, %get3A_55] : memref<1x512xf32, #tpu.memory_space<vmem>>, vector<1x512xf32>
      %add3A_57 = arith.constant 9.99999974E-6 : f32
      %add3A_58 = vector.broadcast %add3A_57 : f32 to vector<1x512xf32>
      %add3A_59 = arith.addf %sub3A, %add3A_58 : vector<1x512xf32>
      %rsqrt3A = math.rsqrt %add3A_59 : vector<1x512xf32>
      %mul3A_60 = arith.mulf %get3A_56, %rsqrt3A : vector<1x512xf32>
      %swap3A_61 = arith.constant 1 : index
      %swap3A_62 = arith.constant 0 : index
      %swap3A_63 = vector.load %arg7[%swap3A_61, %swap3A_62] : memref<8x512xf32, #tpu.memory_space<vmem>>, vector<1x512xf32>
      tpu.vector_store %arg7[%swap3A_61, %swap3A_62], %mul3A_60 {strides = array<i32>} : memref<8x512xf32, #tpu.memory_space<vmem>>, vector<1x512xf32>,
      %get3A_64 = arith.constant 0 : index
      %get3A_65 = arith.constant 0 : index
      %get3A_66 = vector.load %arg5[%get3A_64, %get3A_65] : memref<1x512xf32, #tpu.memory_space<vmem>>, vector<1x512xf32>
      %swap3A_67 = arith.constant 2 : index
      %swap3A_68 = arith.constant 0 : index
      %swap3A_69 = vector.load %arg7[%swap3A_67, %swap3A_68] : memref<8x512xf32, #tpu.memory_space<vmem>>, vector<1x512xf32>
      tpu.vector_store %arg7[%swap3A_67, %swap3A_68], %get3A_66 {strides = array<i32>} : memref<8x512xf32, #tpu.memory_space<vmem>>, vector<1x512xf32>,
    } else {
    }
    return
  }
  func.func @transform_0(%arg0: i32) -> (i32, i32) {
    %c0_i32 = arith.constant 0 : i32
    %c0_i32_0 = arith.constant 0 : i32
    return %arg0, %c0_i32 : i32, i32
  }
  func.func @transform_1(%arg0: i32) -> (i32, i32) {
    %c0_i32 = arith.constant 0 : i32
    %c0_i32_0 = arith.constant 0 : i32
    %c0_i32_1 = arith.constant 0 : i32
    return %c0_i32, %c0_i32_0 : i32, i32
  }
  func.func @transform_2(%arg0: i32) -> (i32, i32) {
    %c0_i32 = arith.constant 0 : i32
    %c0_i32_0 = arith.constant 0 : i32
    %c0_i32_1 = arith.constant 0 : i32
    return %c0_i32, %c0_i32_0 : i32, i32
  }
  func.func @transform_3(%arg0: i32) -> (i32, i32) {
    %c0_i32 = arith.constant 0 : i32
    %c0_i32_0 = arith.constant 0 : i32
    %c0_i32_1 = arith.constant 0 : i32
    return %c0_i32, %c0_i32_0 : i32, i32
  }
  func.func @transform_4(%arg0: i32) -> (i32, i32) {
    %c0_i32 = arith.constant 0 : i32
    %c0_i32_0 = arith.constant 0 : i32
    %c0_i32_1 = arith.constant 0 : i32
    return %c0_i32, %c0_i32_0 : i32, i32
  }
  func.func @transform_5(%arg0: i32) -> (i32, i32) {
    %c0_i32 = arith.constant 0 : i32
    %c0_i32_0 = arith.constant 0 : i32
    return %arg0, %c0_i32 : i32, i32
  }
  func.func @transform_6(%arg0: i32) -> (i32, i32) {
    %c0_i32 = arith.constant 0 : i32
    %c0_i32_0 = arith.constant 0 : i32
    %c0_i32_1 = arith.constant 0 : i32
    return %c0_i32, %c0_i32_0 : i32, i32
  }
}

</mosaic_0001>

<sc_bundles>
// kernel: kernel.12.cloned.1.call-start
scs
__scs_entry_jumppad:
0x0: {  	(pc) =	sbr.rel $0x88, $3  }
0x1: {  	(tag) =	ssettag $0x0;
	lr =	simm.s32 $0x1  }
0x2: {  	[smem:$0x3F97] =	sst lr;
	_ =	strace $0xD0000000  }
0x3: {  	_ = 	snop  }
0x4: {  	_ = 	snop  }
0x5: {  	_ = 	snop  }
0x6: {  	_ = 	snop  }
0x7: {  	_ = 	snop  }
__scs_overlays_trampoline_lowered:
0x8: {  	[smem:$0x3FA6] =	sst s0  }
0x9: {  	[smem:$0x3FA7] =	sst s1  }
0xa: {  	[smem:$0x3FA8] =	sst s2  }
0xb: {  	[smem:$0x3FA9] =	sst s3  }
0xc: {  	[smem:$0x3FAA] =	sst s4  }
0xd: {  	[smem:$0x3FAB] =	sst s5  }
0xe: {  	[smem:$0x3FAC] =	sst s6  }
0xf: {  	[smem:$0x3FAD] =	sst s7  }
0x10: {  	[smem:$0x3FAE] =	sst s8  }
0x11: {  	[smem:$0x3FAF] =	sst s9;
	s0 =	simm.s32 @!p0 $0x0  }
0x12: {  	s1 =	sld [smem:$0x3F95];
	s0 =	simm.s32 @p0 $0x1  }
0x13: {  	[smem:$0x3FB0] =	sst s0;
	s0 =	simm.s32 @!p1 $0x0  }
0x14: {  	s2 =	sld [smem:$0x3F94];
	s0 =	simm.s32 @p1 $0x1  }
0x15: {  	[smem:$0x3FB1] =	sst s0;
	s0 =	simm.s32 @!p2 $0x0  }
0x16: {  	s3 =	sld [smem:$0x3FDB];
	s0 =	simm.s32 @p2 $0x1  }
0x17: {  	s4 =	simm.s32 $0x1BF5;
	[smem:$0x3FB3] =	sst s0  }
0x18: {  	s0 =	sld [smem:$0x3F96];
	_ =	swait.ge [sflag:s4], $0x0  }
0x19: {  	s7 =	sld [smem:$0x3F97]  }
0x1a: {  	s8 =	sadd.s32 $0xFFFFE003, lr  }
0x1b: {  	s9 =	sadd.s32 $0xFFFFFEF7, lr;
	s5 =	simm.s32 $0xFFFFFFFF;
	p2 =	slt.u32 s8, $0xFFFFF086  }
0x1c: {  	p1 =	slt.u32 s9, $0xF7A;
	s5 =	simm.s32 @!p2 $0x0  }
0x1d: {  	s5 =	simm.s32 @p1 $0x1;
	p0 =	seq.s32 s7, s2  }
0x1e: {  	s7 =	smul.u32 @!p0 $0xF7A, s2;
	p2 =	seq.s32 @!p0 s5, $0x0  }
0x1f: {  	s9 =	smul.u32 $0xF7A, s1;
	s8 =	simm.s32 @!p0 $0x1BF5;
	p2 =	por !p2, p0  }
0x20: {  	[sflag:s8] =	ssyncset.s32 @!p0 $0xFFFFF086;
	s6 =	sadd.s32 @!p0 s3, s7;
	s7 =	simm.s32 @!p0 $0x108  }
0x21: {  	s3 =	sadd.s32 s3, s9;
	s6 =	sadd.s32 @!p0 $0x88, s6;
	s7 =	simm.s32 @p2 $0x1082  }
0x22: {  	[simem:s7], [sflag:s8] =	dma.local @!p0 [hbm:s6], $0xF7A  }
0x23: {  	s9 =	sor.u32 $0xD0000000, s2;
	s6 =	simm.s32 $0x108;
	_ =	swait.ge @!p0 [sflag:s8], $0x0  }
0x24: {  	s3 =	sadd.s32 $0x88, s3;
	s6 =	simm.s32 @!p1 $0x1082;
	[sflag:s4] =	ssyncset.s32 $0xFFFFF086  }
0x25: {  	[simem:s6], [sflag:s4] =	dma.local [hbm:s3], $0xF7A  }
0x26: {  	[smem:$0x3F97] =	sst s1;
	(tag) =	ssettag s2;
	_ =	strace s9  }
0x27: {  	s1 =	sld [smem:$0x3FA7]  }
0x28: {  	s2 =	sld [smem:$0x3FA8]  }
0x29: {  	s4 =	sld [smem:$0x3FAA]  }
0x2a: {  	p0 =	seq.s32 s5, $0x0;
	s5 =	sld [smem:$0x3FAB]  }
0x2b: {  	s6 =	sld [smem:$0x3FAC]  }
0x2c: {  	s7 =	sld [smem:$0x3FAD]  }
0x2d: {  	s3 =	simm.s32 $0x108;
	s8 =	sld [smem:$0x3FAE]  }
0x2e: {  	s3 =	simm.s32 @!p0 $0x1082;
	s9 =	sld [smem:$0x3FAF]  }
0x2f: {  	lr =	sadd.s32 s0, s3;
	s0 =	sld [smem:$0x3FA6]  }
0x30: {  	s3 =	sld [smem:$0x3FA9]  }
0x31: {  	[smem:$0x3FB2] =	sst s10  }
0x32: {  	s10 =	sld [smem:$0x3FB0];
	_ =	sdelay $0x3  }
0x33: {  	p0 =	seq.s32 s10, $0x1;
	s10 =	sld [smem:$0x3FB2];
	_ =	sdelay $0x3  }
0x34: {  	[smem:$0x3FB2] =	sst s10  }
0x35: {  	s10 =	sld [smem:$0x3FB1];
	_ =	sdelay $0x3  }
0x36: {  	p1 =	seq.s32 s10, $0x1;
	s10 =	sld [smem:$0x3FB2];
	_ =	sdelay $0x3  }
0x37: {  	[smem:$0x3FB2] =	sst s10  }
0x38: {  	s10 =	sld [smem:$0x3FB3]  }
0x39: {  	_ = 	snop;
	(pc) =	sbr.ind lr, $3  }
0x3a: {  	_ = 	snop  }
0x3b: {  	_ = 	snop  }
0x3c: {  	p2 =	seq.s32 s10, $0x1;
	s10 =	sld [smem:$0x3FB2]  }
0x3d: {  	_ =	shalt  }
0x3e: {  	_ =	shalt  }
0x3f: {  	_ =	shalt  }
0x40: {  	_ =	shalt  }
0x41: {  	_ =	shalt  }
0x42: {  	_ =	shalt  }
0x43: {  	_ =	shalt  }
0x44: {  	_ =	shalt  }
0x45: {  	_ =	shalt  }
0x46: {  	_ =	shalt  }
0x47: {  	_ =	shalt  }
0x48: {  	_ =	shalt  }
0x49: {  	_ =	shalt  }
0x4a: {  	_ =	shalt  }
0x4b: {  	_ =	shalt  }
0x4c: {  	_ =	shalt  }
0x4d: {  	_ =	shalt  }
0x4e: {  	_ =	shalt  }
0x4f: {  	_ =	shalt  }
0x50: {  	_ =	shalt  }
0x51: {  	_ =	shalt  }
0x52: {  	_ =	shalt  }
0x53: {  	_ =	shalt  }
0x54: {  	_ =	shalt  }
0x55: {  	_ =	shalt  }
0x56: {  	_ =	shalt  }
0x57: {  	_ =	shalt  }
0x58: {  	_ =	shalt  }
0x59: {  	_ =	shalt  }
0x5a: {  	_ =	shalt  }
0x5b: {  	_ =	shalt  }
0x5c: {  	_ =	shalt  }
0x5d: {  	_ =	shalt  }
0x5e: {  	_ =	shalt  }
0x5f: {  	_ =	shalt  }
0x60: {  	_ =	shalt  }
0x61: {  	_ =	shalt  }
0x62: {  	_ =	shalt  }
0x63: {  	_ =	shalt  }
0x64: {  	_ =	shalt  }
0x65: {  	_ =	shalt  }
0x66: {  	_ =	shalt  }
0x67: {  	_ =	shalt  }
0x68: {  	_ =	shalt  }
0x69: {  	_ =	shalt  }
0x6a: {  	_ =	shalt  }
0x6b: {  	_ =	shalt  }
0x6c: {  	_ =	shalt  }
0x6d: {  	_ =	shalt  }
0x6e: {  	_ =	shalt  }
0x6f: {  	_ =	shalt  }
0x70: {  	_ =	shalt  }
0x71: {  	_ =	shalt  }
0x72: {  	_ =	shalt  }
0x73: {  	_ =	shalt  }
0x74: {  	_ =	shalt  }
0x75: {  	_ =	shalt  }
0x76: {  	_ =	shalt  }
0x77: {  	_ =	shalt  }
0x78: {  	_ =	shalt  }
0x79: {  	_ =	shalt  }
0x7a: {  	_ =	shalt  }
0x7b: {  	_ =	shalt  }
0x7c: {  	_ =	shalt  }
0x7d: {  	_ =	shalt  }
0x7e: {  	_ =	shalt  }
0x7f: {  	_ =	shalt  }
0x80: {  	_ =	shalt  }
0x81: {  	_ =	shalt  }
0x82: {  	_ =	shalt  }
0x83: {  	_ =	shalt  }
0x84: {  	_ =	shalt  }
0x85: {  	_ =	shalt  }
0x86: {  	_ =	shalt  }
0x87: {  	_ =	shalt  }
.Lfunc_end0:
.L_simem_size_0:
called_computation.1_lowered:
.L_overlay_start_0:
0x88: {  	s2 =	sld [smem:$0x3FD9]  }
0x89: {  	s3 =	sld [smem:$0x3FFE];
	_ =	sdelay $0x1  }
0x8a: {  	s1 =	srdreg.scid  }
0x8b: {  	s0 =	sand.u32 $0x1, s1  }
0x8c: {  	s17 =	sshll.u32 s0, $0xA;
	s2 =	sadd.s32 s3, s2  }
0x8d: {  	s2 =	sadd.s32 s2, s17  }
0x8e: {  	[smem:$0x3FBE] =	sst s2  }
0x8f: {  	_ = 	snop  }
0x90: {  	s2 =	sld [smem:$0x3FC7];
	(tm) =	ssettm $0x1  }
0x91: {  	s18 =	sld [smem:$0x3FFB];
	_ =	sdelay $0x3  }
0x92: {  	_ =	strace s18  }
0x93: {  	s3 =	sld [smem:$0x3FFC];
	_ =	sdelay $0x3  }
0x94: {  	_ =	strace s3  }
0x95: {  	s3 =	sld [smem:$0x3FFD];
	_ =	sdelay $0x3  }
0x96: {  	_ =	strace s3  }
0x97: {  	_ =	strace $0x8FFFFFFF  }
0x98: {  	s19 =	sld [smem:$0x3FDB];
	_ =	sdelay $0x1  }
0x99: {  	s4 =	simm.s32 $_scs_section_size  }
0x9a: {  	s5 =	simm.s32 $_size__tile_overlayer_lowered;
	s6 =	simm.s32 $_tile_overlayer_lowered  }
0x9b: {  	s22 =	simm.s32 $0x1BFF;
	s21 =	sshll.u32 s6, $0x1;
	s3 =	sadd.s32 s4, s19  }
0x9c: {  	s7 =	simm.s32 $0x0;
	s20 =	sshll.u32 s5, $0x1;
	s5 =	sadd.s32 s21, s3  }
0x9d: {  	[timem:s7], [sflag:s22] =	dma.local [hbm:s5], s20  }
0x9e: {  	_ =	swait.ge [sflag:s22], s20  }
0x9f: {  	s4 =	ssub.s32 $0x0, s20;
	[sflag:s22] =	ssyncset.done $0x0  }
0xa0: {  	[sflag:s22] =	ssyncadd.s32 s4;
	_ =	sdelay $0x1  }
0xa1: {  	s23 =	simm.s32 $0x1B8B  }
0xa2: {  	_ =	swait.ge [sflag:s23], $0x1  }
0xa3: {  	[sflag:s23] =	ssyncset.done $0x0  }
0xa4: {  	s25 =	simm.s32 $0x1B8E;
	s24 =	sld [smem:$0x3FFE];
	[sflag:s23] =	ssyncadd.s32 $0xFFFFFFFF  }
0xa5: {  	s26 =	simm.s32 $execute0_lowered;
	[smem:$0x3FD2] =	sst s25  }
0xa6: {  	s5 =	sshll.u32 s26, $0x1;
	_ =	strace $0x80000046;
	[dreg:$0x1] =	wrdreg $0xFFFFFFFF  }
0xa7: {  	s28 =	simm.s32 $_size_execute0_lowered;
	s3 =	sadd.s32 s3, s5;
	[dreg:$0x0] =	wrdreg $0x0  }
0xa8: {  	s5 =	sshll.u32 s28, $0x1;
	[dreg:$0x2] =	wrdreg s3  }
0xa9: {  	[dreg:$0x3] =	wrdreg s5  }
0xaa: {  	[dreg:$0x4] =	wrdreg $0xC0  }
0xab: {  	_ =	task [dreg:s7], $0x5FFFF  }
0xac: {  	[dreg:$0x1] =	wrdreg $0xFFFFFFFF  }
0xad: {  	[dreg:$0x0] =	wrdreg $0x60  }
0xae: {  	[dreg:$0x2] =	wrdreg s24  }
0xaf: {  	[dreg:$0x3] =	wrdreg s2  }
0xb0: {  	[dreg:$0x4] =	wrdreg $0xA  }
0xb1: {  	_ =	task.clear_ibuf [dreg:s7], $0x5FFFF;
	_ =	strace $0x90000046  }
0xb2: {  	s29 =	simm.s32 $0xA;
	_ =	strace $0x80000048  }
0xb3: {  	_ =	swait.ge [sflag:s29], $0x1  }
0xb4: {  	[sflag:s29] =	ssyncadd.s32 $0xFFFFFFFF  }
0xb5: {  	_ =	strace $0x90000048  }
0xb6: {  	_ =	sfence  }
0xb7: {  	s30 =	sld [smem:$0x0];
	_ =	sdelay $0x2  }
0xb8: {  	s31 =	sshll.u32 s1, $0xD;
	s1 =	sshrl.u32 s1, $0x2  }
0xb9: {  	s3 =	sand.u32 $0x4000, s31;
	s1 =	sadd.s32 s1, s30  }
0xba: {  	s0 =	sor.u32 s3, s0;
	s1 =	sshll.u32 s1, $0x11  }
0xbb: {  	s0 =	sor.u32 s1, s0  }
0xbc: {  	s0 =	sadd.s32 $0x8F2B, s0  }
0xbd: {  	[sflag:s0] =	ssyncadd.remote.s32 $0x1  }
0xbe: {  	_ =	sfence.sel $0xFFFF  }
0xbf: {  	[dreg:$0x0] =	wrdreg $0xFFFFFFFF;
	(pc) =	sbr.abs _section_cstart, $3  }
0xc0: {  	[dreg:$0x1] =	wrdreg $0xFFFFFFFF  }
0xc1: {  	_ =	task.clear_ibuf [dreg:s7], $0x2FFFF;
	_ =	strace $0x9FFFFFFF  }
0xc2: {  	(tm) =	ssettm $0x7FFFFFFF  }
0xc3: {  	_ =	shalt  }
tec
execute0_lowered:
.L_overlay_start_1:
0x0: {  	(tag) =	ssettag $0x1  }
0x1: {  	s0 =	rddreg [dreg:$0x0];
	s1 =	srdreg.scid  }
0x2: {  	s3 =	simm.s32 $0x0;
	s2 =	stileid.u32;
	s10 =	simm.s32 $0x2  }
0x3: {  	s11 =	simm.s32 $0x8000;
	s12 =	simm.s32 $0x10000;
	s1 =	sand.u32 $0x1, s1  }
0x4: {  	s23 =	simm.s32 $0x1;
	s2 =	sshll.u32 s2, $0x9;
	s4 =	sshll.u32 s1, $0x8  }
0x5: {  	s24 =	simm.s32 $0x14000;
	s25 =	simm.s32 $0x1E080;
	s4 =	sor.u32 s4, s2  }
0x6: {  	v3 =	vlaneseq.u32;
	[smem:$0x7FF] =	sst s3;
	s5 =	sadd.s32 $0x43000, s0;
	s2 =	sshll.u32 s4, $0x4  }
0x7: {  	s6 =	sadd.s32 $0x63000, s0;
	v0 =	vmul.u32 $0x80, v3;
	s1 =	ssub.s32 $0x2, s1;
	s2 =	sadd.s32 s2, s0  }
0x8: {  	vm0 =	vmmov $0xffff;
	v1 =	vand.u32 $0x7, v3;
	v2 =	vshrl.u32 v3, $0x3;
	_ =	strace $0x80000047;
	s29 =	sshrl.u32 s1, $0x1;
	s30 =	sadd.s32 $0x23000, s2  }
0x9: {  	v3 =	vor.u32 $0x8, v3;
	v2 =	vmul.u32 $0x8, v2;
	v4 =	vor.u32 $0x1, v0;
	s0 =	ssub.s32 s1, s29;
	s31 =	sadd.s32 $0x3000, s2;
	[dreg:$0x3] =	wrdreg s30  }
0xa: {  	s26 =	simm.s32 $0x0;
	v5 =	vor.u32 $0x2, v0;
	v6 =	vor.u32 $0x3, v0;
	v7 =	vor.u32 $0x4, v0;
	s9 =	smax.u32 s0, $0x1;
	[dreg:$0x4] =	wrdreg s31  }
.LBB2_1:
0xb: {  	s0 =	rddreg [dreg:$0x3]  }
0xc: {  	[tilespmem:s3], [sflag:$0x2] =	stream.linear.gather [hbm4b:s0+s3], $0x8000, $0x38;
	[tilespmem:$0x1F080] =	vst v63  }
0xd: {  	_ =	swait.ge [sflag:s10], $0x8000  }
0xe: {  	[sflag:s10] =	ssyncset.done $0x0  }
0xf: {  	s15 =	rddreg [dreg:$0x4];
	[sflag:s10] =	ssyncadd.s32 $0xFFFF8000  }
0x10: {  	[tilespmem:s11], [sflag:$0x2] =	stream.linear.gather [hbm4b:s15+s3], $0x8000, $0x38;
	[tilespmem:$0x1F080] =	vst v63  }
0x11: {  	_ =	swait.ge [sflag:s10], $0x8000  }
0x12: {  	[sflag:s10] =	ssyncset.done $0x0  }
0x13: {  	[sflag:s10] =	ssyncadd.s32 $0xFFFF8000  }
0x14: {  	s16 =	rddreg [dreg:$0x1]  }
0x15: {  	[tilespmem:s12], [sflag:$0x2] =	stream.linear.gather [hbm4b:s16+s3], $0x4000, $0x38;
	[tilespmem:$0x1F080] =	vst v63  }
0x16: {  	_ =	swait.ge [sflag:s10], $0x4000  }
0x17: {  	[sflag:s10] =	ssyncset.done $0x0  }
0x18: {  	[sflag:s10] =	ssyncadd.s32 $0xFFFFC000  }
0x19: {  	v8 =	vld.idx.msk [tilespmem:v0+s3+$0x0], $0xffff;
	_ =	sdelay $0x4  }
0x1a: {  	v9 =	vshll.u32 v8, $0x1  }
0x1b: {  	v8 =	vand.u32 $0x7, v8;
	v9 =	vand.u32 $0xFFFFFFF0, v9  }
0x1c: {  	v8 =	vor.u32 v8, v9  }
0x1d: {  	v9 =	vperm.xlane v8, v1;
	_ =	sdelay $0x1  }
0x1e: {  	v8 =	vperm.xlane v8, v3;
	v9 =	vadd.s32 v2, v9;
	_ =	sdelay $0x1  }
0x1f: {  	v8 =	vadd.s32 v2, v8;
	_ =	sdelay $0x1  }
0x20: {  	s17 =	simm.s32 $0x14080  }
0x21: {  	[tilespmem:s17], [sflag:$0x1] =	stream.indirect_vreg.gather [hbm4b:s5+s3], $0x80, v9, vm0, $0xb8;
	[tilespmem:$0x1F080] =	vst v63  }
0x22: {  	s18 =	simm.s32 $0x14880  }
0x23: {  	[tilespmem:s18], [sflag:$0x1] =	stream.indirect_vreg.gather [hbm4b:s5+s3], $0x80, v8, vm0, $0xb8;
	[tilespmem:$0x1F080] =	vst v63  }
0x24: {  	v8 =	vld.idx.msk [tilespmem:v4+s3+$0x0], $0xffff;
	_ =	sdelay $0x4  }
0x25: {  	v60 =	vshll.u32 v8, $0x1  }
0x26: {  	v8 =	vand.u32 $0x7, v8;
	v9 =	vand.u32 $0xFFFFFFF0, v60  }
0x27: {  	v8 =	vor.u32 v8, v9  }
0x28: {  	v9 =	vperm.xlane v8, v1;
	_ =	sdelay $0x1  }
0x29: {  	v8 =	vperm.xlane v8, v3;
	v9 =	vadd.s32 v2, v9;
	_ =	sdelay $0x1  }
0x2a: {  	v8 =	vadd.s32 v2, v8;
	_ =	sdelay $0x1  }
0x2b: {  	s19 =	simm.s32 $0x15080  }
0x2c: {  	[tilespmem:s19], [sflag:$0x1] =	stream.indirect_vreg.gather [hbm4b:s5+s3], $0x80, v9, vm0, $0xb8;
	[tilespmem:$0x1F080] =	vst v63  }
0x2d: {  	s20 =	simm.s32 $0x15880  }
0x2e: {  	[tilespmem:s20], [sflag:$0x1] =	stream.indirect_vreg.gather [hbm4b:s5+s3], $0x80, v8, vm0, $0xb8;
	[tilespmem:$0x1F080] =	vst v63  }
0x2f: {  	v8 =	vld.idx.msk [tilespmem:v5+s3+$0x0], $0xffff;
	_ =	sdelay $0x4  }
0x30: {  	v61 =	vshll.u32 v8, $0x1  }
0x31: {  	v8 =	vand.u32 $0x7, v8;
	v9 =	vand.u32 $0xFFFFFFF0, v61  }
0x32: {  	v8 =	vor.u32 v8, v9  }
0x33: {  	v9 =	vperm.xlane v8, v1;
	_ =	sdelay $0x1  }
0x34: {  	v8 =	vperm.xlane v8, v3;
	v9 =	vadd.s32 v2, v9;
	_ =	sdelay $0x1  }
0x35: {  	v8 =	vadd.s32 v2, v8;
	_ =	sdelay $0x1  }
0x36: {  	s21 =	simm.s32 $0x16080  }
0x37: {  	[tilespmem:s21], [sflag:$0x1] =	stream.indirect_vreg.gather [hbm4b:s5+s3], $0x80, v9, vm0, $0xb8;
	[tilespmem:$0x1F080] =	vst v63  }
0x38: {  	s22 =	simm.s32 $0x16880  }
0x39: {  	[tilespmem:s22], [sflag:$0x1] =	stream.indirect_vreg.gather [hbm4b:s5+s3], $0x80, v8, vm0, $0xb8;
	[tilespmem:$0x1F080] =	vst v63  }
0x3a: {  	v8 =	vld.idx.msk [tilespmem:v6+s3+$0x0], $0xffff;
	_ =	sdelay $0x4  }
0x3b: {  	v62 =	vshll.u32 v8, $0x1  }
0x3c: {  	v8 =	vand.u32 $0x7, v8;
	v9 =	vand.u32 $0xFFFFFFF0, v62  }
0x3d: {  	v8 =	vor.u32 v8, v9  }
0x3e: {  	v9 =	vperm.xlane v8, v1;
	_ =	sdelay $0x1  }
0x3f: {  	v8 =	vperm.xlane v8, v3;
	v9 =	vadd.s32 v2, v9;
	_ =	sdelay $0x1  }
0x40: {  	v8 =	vadd.s32 v2, v8;
	_ =	sdelay $0x1  }
0x41: {  	s28 =	simm.s32 $0x17080  }
0x42: {  	[tilespmem:s28], [sflag:$0x1] =	stream.indirect_vreg.gather [hbm4b:s5+s3], $0x80, v9, vm0, $0xb8;
	[tilespmem:$0x1F080] =	vst v63  }
0x43: {  	s29 =	simm.s32 $0x17880  }
0x44: {  	[tilespmem:s29], [sflag:$0x1] =	stream.indirect_vreg.gather [hbm4b:s5+s3], $0x80, v8, vm0, $0xb8;
	[tilespmem:$0x1F080] =	vst v63  }
0x45: {  	v8 =	vld.idx.msk [tilespmem:v7+s3+$0x0], $0xffff;
	_ =	sdelay $0x4  }
0x46: {  	v63 =	vshll.u32 v8, $0x1  }
0x47: {  	v8 =	vand.u32 $0x7, v8;
	v9 =	vand.u32 $0xFFFFFFF0, v63  }
0x48: {  	v8 =	vor.u32 v8, v9  }
0x49: {  	v9 =	vperm.xlane v8, v1;
	_ =	sdelay $0x1  }
0x4a: {  	v8 =	vperm.xlane v8, v3;
	v9 =	vadd.s32 v2, v9;
	_ =	sdelay $0x1  }
0x4b: {  	v8 =	vadd.s32 v2, v8;
	_ =	sdelay $0x1  }
0x4c: {  	s30 =	simm.s32 $0x18080  }
0x4d: {  	[tilespmem:s30], [sflag:$0x1] =	stream.indirect_vreg.gather [hbm4b:s5+s3], $0x80, v9, vm0, $0xb8;
	[tilespmem:$0x1F080] =	vst v63  }
0x4e: {  	s31 =	simm.s32 $0x18880;
	s1 =	simm.s32 $0x0  }
0x4f: {  	[tilespmem:s31], [sflag:$0x1] =	stream.indirect_vreg.gather [hbm4b:s5+s3], $0x80, v8, vm0, $0xb8;
	[tilespmem:$0x1F080] =	vst v63  }
.LBB2_2:
0x50: {  	_ =	swait.ge [sflag:s23], $0x1000  }
0x51: {  	[sflag:s23] =	ssyncset.done $0x0  }
0x52: {  	[sflag:s23] =	ssyncadd.s32 $0xFFFFF000  }
0x53: {  	_ =	swait.ge [sflag:s23], $0x1000  }
0x54: {  	[sflag:s23] =	ssyncset.done $0x0  }
0x55: {  	[sflag:s23] =	ssyncadd.s32 $0xFFFFF000  }
0x56: {  	_ =	swait.ge [sflag:s23], $0x1000  }
0x57: {  	[sflag:s23] =	ssyncset.done $0x0  }
0x58: {  	[sflag:s23] =	ssyncadd.s32 $0xFFFFF000  }
0x59: {  	p0 =	seq.s32 s1, $0xF;
	_ =	swait.ge [sflag:s23], $0x1000  }
.Ltmp0:
0x5a: {  	[sflag:s23] =	ssyncset.done $0x0;
	(pc) =	sbr.rel @p0 .LBB2_4-.Ltmp0, $4  }
0x5b: {  	[sflag:s23] =	ssyncadd.s32 $0xFFFFF000  }
0x5c: {  	_ =	swait.ge [sflag:s23], $0x1000  }
0x5d: {  	[sflag:s23] =	ssyncset.done $0x0  }
0x5e: {  	s0 =	sand.u32 $0x1, s1;
	s28 =	sadd.s32 $0x1, s1;
	[sflag:s23] =	ssyncadd.s32 $0xFFFFF000  }
0x5f: {  	s2 =	sshll.u32 s28, $0x4  }
0x60: {  	v8 =	vmov s2  }
0x61: {  	v8 =	vshll.u32 v8, $0x7  }
0x62: {  	v8 =	vor.u32 v0, v8;
	_ =	sdelay $0x4  }
0x63: {  	v9 =	vld.idx.msk [tilespmem:v8+s3+$0x0], $0xffff;
	_ =	sdelay $0x4  }
0x64: {  	v10 =	vshll.u32 v9, $0x1  }
0x65: {  	v9 =	vand.u32 $0x7, v9;
	v10 =	vand.u32 $0xFFFFFFF0, v10  }
0x66: {  	v9 =	vor.u32 v9, v10  }
0x67: {  	v10 =	vperm.xlane v9, v1;
	_ =	sdelay $0x1  }
0x68: {  	s17 =	sxor.u32 $0x1, s0;
	v9 =	vperm.xlane v9, v3;
	v10 =	vadd.s32 v2, v10  }
0x69: {  	s2 =	smul.u32 $0x14000, s17  }
0x6a: {  	v9 =	vadd.s32 v2, v9  }
0x6b: {  	s2 =	sshrl.u32 s2, $0x2;
	v11 =	vor.u32 $0x1, v8  }
0x6c: {  	s13 =	sadd.s32 $0x14080, s2  }
0x6d: {  	[tilespmem:s13], [sflag:$0x1] =	stream.indirect_vreg.gather [hbm4b:s5+s3], $0x80, v10, vm0, $0xb8;
	[tilespmem:$0x1F080] =	vst v63  }
0x6e: {  	s18 =	sadd.s32 $0x14880, s2  }
0x6f: {  	[tilespmem:s18], [sflag:$0x1] =	stream.indirect_vreg.gather [hbm4b:s5+s3], $0x80, v9, vm0, $0xb8;
	[tilespmem:$0x1F080] =	vst v63  }
0x70: {  	v9 =	vld.idx.msk [tilespmem:v11+s3+$0x0], $0xffff;
	_ =	sdelay $0x4  }
0x71: {  	v58 =	vshll.u32 v9, $0x1  }
0x72: {  	v9 =	vand.u32 $0x7, v9;
	v10 =	vand.u32 $0xFFFFFFF0, v58  }
0x73: {  	v9 =	vor.u32 v9, v10  }
0x74: {  	v10 =	vperm.xlane v9, v1;
	_ =	sdelay $0x1  }
0x75: {  	v9 =	vperm.xlane v9, v3;
	v10 =	vadd.s32 v2, v10;
	_ =	sdelay $0x1  }
0x76: {  	v9 =	vadd.s32 v2, v9  }
0x77: {  	v59 =	vor.u32 $0x2, v8  }
0x78: {  	s19 =	sadd.s32 $0x15080, s2  }
0x79: {  	[tilespmem:s19], [sflag:$0x1] =	stream.indirect_vreg.gather [hbm4b:s5+s3], $0x80, v10, vm0, $0xb8;
	[tilespmem:$0x1F080] =	vst v63  }
0x7a: {  	s20 =	sadd.s32 $0x15880, s2  }
0x7b: {  	[tilespmem:s20], [sflag:$0x1] =	stream.indirect_vreg.gather [hbm4b:s5+s3], $0x80, v9, vm0, $0xb8;
	[tilespmem:$0x1F080] =	vst v63  }
0x7c: {  	v9 =	vld.idx.msk [tilespmem:v59+s3+$0x0], $0xffff;
	_ =	sdelay $0x4  }
0x7d: {  	v60 =	vshll.u32 v9, $0x1  }
0x7e: {  	v9 =	vand.u32 $0x7, v9;
	v10 =	vand.u32 $0xFFFFFFF0, v60  }
0x7f: {  	v9 =	vor.u32 v9, v10  }
0x80: {  	v10 =	vperm.xlane v9, v1;
	_ =	sdelay $0x1  }
0x81: {  	v9 =	vperm.xlane v9, v3;
	v10 =	vadd.s32 v2, v10;
	_ =	sdelay $0x1  }
0x82: {  	v9 =	vadd.s32 v2, v9  }
0x83: {  	v61 =	vor.u32 $0x3, v8  }
0x84: {  	s21 =	sadd.s32 $0x16080, s2  }
0x85: {  	[tilespmem:s21], [sflag:$0x1] =	stream.indirect_vreg.gather [hbm4b:s5+s3], $0x80, v10, vm0, $0xb8;
	[tilespmem:$0x1F080] =	vst v63  }
0x86: {  	s22 =	sadd.s32 $0x16880, s2  }
0x87: {  	[tilespmem:s22], [sflag:$0x1] =	stream.indirect_vreg.gather [hbm4b:s5+s3], $0x80, v9, vm0, $0xb8;
	[tilespmem:$0x1F080] =	vst v63  }
0x88: {  	v9 =	vld.idx.msk [tilespmem:v61+s3+$0x0], $0xffff;
	_ =	sdelay $0x4  }
0x89: {  	v62 =	vshll.u32 v9, $0x1  }
0x8a: {  	v9 =	vand.u32 $0x7, v9;
	v10 =	vand.u32 $0xFFFFFFF0, v62  }
0x8b: {  	v9 =	vor.u32 v9, v10  }
0x8c: {  	v10 =	vperm.xlane v9, v1;
	_ =	sdelay $0x1  }
0x8d: {  	v9 =	vperm.xlane v9, v3;
	v10 =	vadd.s32 v2, v10;
	_ =	sdelay $0x1  }
0x8e: {  	v9 =	vadd.s32 v2, v9  }
0x8f: {  	v8 =	vor.u32 $0x4, v8  }
0x90: {  	s29 =	sadd.s32 $0x17080, s2  }
0x91: {  	[tilespmem:s29], [sflag:$0x1] =	stream.indirect_vreg.gather [hbm4b:s5+s3], $0x80, v10, vm0, $0xb8;
	[tilespmem:$0x1F080] =	vst v63  }
0x92: {  	s30 =	sadd.s32 $0x17880, s2  }
0x93: {  	[tilespmem:s30], [sflag:$0x1] =	stream.indirect_vreg.gather [hbm4b:s5+s3], $0x80, v9, vm0, $0xb8;
	[tilespmem:$0x1F080] =	vst v63  }
0x94: {  	v8 =	vld.idx.msk [tilespmem:v8+s3+$0x0], $0xffff;
	_ =	sdelay $0x4  }
0x95: {  	v63 =	vshll.u32 v8, $0x1  }
0x96: {  	v8 =	vand.u32 $0x7, v8;
	v9 =	vand.u32 $0xFFFFFFF0, v63  }
0x97: {  	v8 =	vor.u32 v8, v9  }
0x98: {  	v9 =	vperm.xlane v8, v1;
	_ =	sdelay $0x1  }
0x99: {  	v8 =	vperm.xlane v8, v3;
	v9 =	vadd.s32 v2, v9;
	_ =	sdelay $0x1  }
0x9a: {  	v8 =	vadd.s32 v2, v8;
	_ =	sdelay $0x1  }
0x9b: {  	s31 =	sor.u32 $0x18080, s2  }
0x9c: {  	[tilespmem:s31], [sflag:$0x1] =	stream.indirect_vreg.gather [hbm4b:s5+s3], $0x80, v9, vm0, $0xb8;
	[tilespmem:$0x1F080] =	vst v63  }
0x9d: {  	s2 =	sor.u32 $0x18880, s2  }
0x9e: {  	[tilespmem:s2], [sflag:$0x1] =	stream.indirect_vreg.gather [hbm4b:s5+s3], $0x80, v8, vm0, $0xb8;
	[tilespmem:$0x1F080] =	vst v63  }
.LBB2_4:
0x9f: {  	s29 =	sshll.u32 s1, $0x4  }
0xa0: {  	v8 =	vmov s29  }
0xa1: {  	v8 =	vshll.u32 v8, $0x7  }
0xa2: {  	v8 =	vor.u32 v0, v8;
	_ =	sdelay $0x3  }
0xa3: {  	s30 =	simm.s32 $0x0;
	v10 =	vor.u32 $0x1, v8  }
0xa4: {  	v11 =	vor.u32 $0x2, v8;
	v9 =	vld.idx.msk [tilespmem:v8+s30+$0x0], $0xffff;
	_ =	sdelay $0x3  }
0xa5: {  	v17 =	vor.u32 $0x3, v8;
	v13 =	vld.idx.msk [tilespmem:v10+s30+$0x0], $0xffff  }
0xa6: {  	v16 =	vld.idx.msk [tilespmem:v11+s30+$0x0], $0xffff;
	v12 =	vshll.u32 v9, $0x2  }
0xa7: {  	v9 =	vand.u32 $0x7F, v9;
	v12 =	vand.u32 $0xFFFFFE00, v12  }
0xa8: {  	v9 =	vor.u32 v9, v12  }
0xa9: {  	v12 =	vld.idx.msk [tilespmem:v8+s11+$0x0], $0xffff;
	v8 =	vor.u32 $0x4, v8  }
0xaa: {  	v17 =	vld.idx.msk [tilespmem:v17+s30+$0x0], $0xffff;
	v18 =	vshll.u32 v13, $0x2;
	v13 =	vand.u32 $0x7F, v13;
	v14 =	vor.u32 $0x80, v9  }
0xab: {  	v10 =	vld.idx.msk [tilespmem:v10+s11+$0x0], $0xffff;
	v19 =	vshll.u32 v16, $0x2;
	v18 =	vand.u32 $0xFFFFFE00, v18;
	v15 =	vor.u32 $0x100, v9  }
0xac: {  	v11 =	vld.idx.msk [tilespmem:v11+s11+$0x0], $0xffff;
	v16 =	vand.u32 $0x7F, v16;
	v19 =	vand.u32 $0xFFFFFE00, v19;
	v13 =	vor.u32 v13, v18  }
0xad: {  	v16 =	vor.u32 v16, v19;
	v9 =	vld.idx.msk [tilespmem:v9+s12+$0x0], $0xffff  }
0xae: {  	v18 =	vor.u32 $0x80, v13;
	v8 =	vld.idx.msk [tilespmem:v8+s30+$0x0], $0xffff  }
0xaf: {  	v21 =	vshll.u32 v17, $0x2;
	v14 =	vld.idx.msk [tilespmem:v14+s12+$0x0], $0xffff  }
0xb0: {  	v17 =	vand.u32 $0x7F, v17;
	v21 =	vand.u32 $0xFFFFFE00, v21;
	v19 =	vor.u32 $0x80, v16;
	v15 =	vld.idx.msk [tilespmem:v15+s12+$0x0], $0xffff  }
0xb1: {  	v17 =	vor.u32 v17, v21;
	v20 =	vld.idx.msk [tilespmem:v13+s12+$0x0], $0xffff  }
0xb2: {  	v13 =	vor.u32 $0x100, v13;
	v22 =	vld.idx.msk [tilespmem:v16+s12+$0x0], $0xffff  }
0xb3: {  	v16 =	vor.u32 $0x100, v16;
	v18 =	vld.idx.msk [tilespmem:v18+s12+$0x0], $0xffff  }
0xb4: {  	v21 =	vor.u32 $0x80, v17;
	v61 =	vor.u32 $0x100, v17  }
0xb5: {  	v19 =	vld.idx.msk [tilespmem:v19+s12+$0x0], $0xffff;
	v9 =	vsub.f32 v9, v12;
	v23 =	vshll.u32 v8, $0x2;
	v14 =	vsub.f32 v14, v10  }
0xb6: {  	v17 =	vld.idx.msk [tilespmem:v17+s12+$0x0], $0xffff;
	v8 =	vand.u32 $0x7F, v8;
	v15 =	vsub.f32 v15, v11;
	v23 =	vand.u32 $0xFFFFFE00, v23  }
0xb7: {  	v13 =	vld.idx.msk [tilespmem:v13+s12+$0x0], $0xffff;
	v9 =	vmul.f32 v9, v9;
	v8 =	vor.u32 v8, v23;
	v14 =	vmul.f32 v14, v14  }
0xb8: {  	v16 =	vld.idx.msk [tilespmem:v16+s12+$0x0], $0xffff;
	v22 =	vsub.f32 v22, v12;
	v18 =	vsub.f32 v18, v10;
	v23 =	vor.u32 $0x80, v8  }
0xb9: {  	v21 =	vld.idx.msk [tilespmem:v21+s12+$0x0], $0xffff;
	v9 =	vadd.f32 v14, v9;
	v14 =	vmul.f32 v15, v15;
	v15 =	vsub.f32 v20, v12  }
0xba: {  	v19 =	vsub.f32 v19, v10;
	v22 =	vmul.f32 v22, v22;
	v62 =	vor.u32 $0x100, v8  }
0xbb: {  	v17 =	vsub.f32 v17, v12;
	v18 =	vmul.f32 v18, v18;
	v15 =	vmul.f32 v15, v15  }
0xbc: {  	v19 =	vmul.f32 v19, v19;
	v13 =	vsub.f32 v13, v11;
	v9 =	vadd.f32 v14, v9;
	v14 =	vld.idx.msk [tilespmem:v61+s12+$0x0], $0xffff  }
0xbd: {  	v16 =	vsub.f32 v16, v11;
	v8 =	vld.idx.msk [tilespmem:v8+s12+$0x0], $0xffff;
	v15 =	vadd.f32 v18, v15  }
0xbe: {  	v63 =	vld.idx.msk [tilespmem:v23+s12+$0x0], $0xffff;
	v13 =	vmul.f32 v13, v13;
	v18 =	vadd.f32 v19, v22;
	v19 =	vsub.f32 v21, v10  }
0xbf: {  	v17 =	vmul.f32 v17, v17;
	v16 =	vmul.f32 v16, v16;
	v20 =	vld.idx.msk [tilespmem:v62+s12+$0x0], $0xffff;
	v9 =	vmax.f32 v9, $1.000000010e-10  }
0xc0: {  	(erf) = vrcp.f32 v9;
	v19 =	vmul.f32 v19, v19;
	v9 =	vadd.f32 v13, v15  }
0xc1: {  	v13 =	vadd.f32 v16, v18;
	v14 =	vsub.f32 v14, v11  }
0xc2: {  	v8 =	vsub.f32 v8, v12;
	v15 =	vadd.f32 v19, v17  }
0xc3: {  	v9 =	vmax.f32 v9, $1.000000010e-10;
	v10 =	vsub.f32 v63, v10;
	v14 =	vmul.f32 v14, v14  }
0xc4: {  	v11 =	vsub.f32 v20, v11;
	(erf) = vrcp.f32 v9;
	v9 =	vmax.f32 v13, $1.000000010e-10  }
0xc5: {  	v8 =	vmul.f32 v8, v8;
	v10 =	vmul.f32 v10, v10;
	v12 =	vadd.f32 v14, v15  }
0xc6: {  	(erf) = vrcp.f32 v9  }
0xc7: {  	v8 =	vadd.f32 v10, v8;
	v10 =	vmul.f32 v11, v11;
	v9 =	vmax.f32 v12, $1.000000010e-10  }
0xc8: {  	(erf) = vrcp.f32 v9  }
0xc9: {  	v8 =	vadd.f32 v10, v8;
	_ =	sdelay $0x1  }
0xca: {  	v8 =	vmax.f32 v8, $1.000000010e-10;
	_ =	sdelay $0x1  }
0xcb: {  	(erf) = vrcp.f32 v8  }
0xcc: {  	v8 =	vpop (erf)  }
0xcd: {  	v9 =	vpop (erf)  }
0xce: {  	v10 =	vpop (erf)  }
0xcf: {  	v11 =	vpop (erf)  }
0xd0: {  	v13 =	vadd.f32 v11, v10  }
0xd1: {  	v12 =	vadd.f32 v9, v8;
	_ =	sdelay $0x1  }
0xd2: {  	v12 =	vadd.f32 v13, v12  }
0xd3: {  	v13 =	vpop (erf)  }
0xd4: {  	v12 =	vadd.f32 v13, v12;
	_ =	sdelay $0x1  }
0xd5: {  	(erf) = vrcp.f32 v12;
	_ =	sdelay $0x8  }
0xd6: {  	v12 =	vpop (erf)  }
0xd7: {  	v8 =	vmul.f32 v12, v8  }
0xd8: {  	s19 =	simm.s32 $0x10;
	v9 =	vmul.f32 v12, v9  }
0xd9: {  	[tilespmem:$0x14000] =	vst v8;
	v8 =	vmul.f32 v12, v10;
	v10 =	vmov s19  }
0xda: {  	s0 =	smul.u32 $0x14000, s0;
	[tilespmem:$0x14010] =	vst v9;
	v9 =	vmul.f32 v12, v11;
	v11 =	vmov s30  }
0xdb: {  	[tilespmem:$0x14020] =	vst v8;
	v8 =	vmul.f32 v12, v13  }
0xdc: {  	s20 =	simm.s32 $0x20;
	s15 =	sshrl.u32 s0, $0x2;
	[tilespmem:$0x14030] =	vst v9  }
0xdd: {  	s21 =	simm.s32 $0x30;
	s0 =	sadd.s32 $0x15080, s15;
	s19 =	sand.u32 $0x800, s30;
	[tilespmem:$0x14040] =	vst v8;
	v8 =	vmov s20  }
0xde: {  	s31 =	sadd.s32 $0x14080, s15;
	s2 =	sadd.s32 s19, s0;
	s20 =	sand.u32 $0x380, s30;
	v9 =	vld.idx.msk [tilespmem:v10+s24+$0x0], $0xffff  }
0xdf: {  	s13 =	sadd.s32 s19, s31;
	v10 =	vmov s21;
	v11 =	vld.idx.msk [tilespmem:v11+s24+$0x0], $0xffff;
	s1 =	sadd.s32 s20, s2  }
0xe0: {  	s16 =	simm.s32 $0x40;
	s2 =	sadd.s32 $0x16080, s15;
	s14 =	sadd.s32 s20, s13;
	v12 =	vld [tilespmem:s1+$0x0]  }
0xe1: {  	v13 =	vmov s16;
	v14 =	vld [tilespmem:s14+$0x0];
	s22 =	sadd.s32 s19, s2  }
0xe2: {  	s13 =	sadd.s32 $0x17080, s15;
	s16 =	sadd.s32 s20, s22;
	v15 =	vld.idx.msk [tilespmem:v8+s24+$0x0], $0xffff  }
0xe3: {  	s17 =	sadd.s32 s19, s13;
	v16 =	vld [tilespmem:s16+$0x0]  }
0xe4: {  	s15 =	sor.u32 $0x18080, s15;
	s17 =	sadd.s32 s20, s17;
	v17 =	vld.idx.msk [tilespmem:v10+s24+$0x0], $0xffff  }
0xe5: {  	s18 =	sadd.s32 s19, s15;
	v18 =	vld [tilespmem:s17+$0x0];
	v8 =	vpack.i.f32.bf16 v11, v11;
	v9 =	vpack.i.f32.bf16 v9, v9  }
0xe6: {  	v13 =	vld.idx.msk [tilespmem:v13+s24+$0x0], $0xffff;
	s18 =	sadd.s32 s20, s18;
	v11 =	vmul.bf16 v14, v8;
	v12 =	vmul.bf16 v12, v9  }
0xe7: {  	v14 =	vld [tilespmem:s18+$0x0];
	v10 =	vpack.i.f32.bf16 v15, v15  }
0xe8: {  	v12 =	vadd.bf16 v12, v11;
	v15 =	vmul.bf16 v16, v10  }
0xe9: {  	v11 =	vpack.i.f32.bf16 v17, v17  }
0xea: {  	v16 =	vmul.bf16 v18, v11;
	v15 =	vadd.bf16 v15, v12  }
0xeb: {  	v12 =	vpack.i.f32.bf16 v13, v13  }
0xec: {  	v14 =	vmul.bf16 v14, v12;
	v13 =	vadd.bf16 v16, v15;
	_ =	sdelay $0x1  }
0xed: {  	v13 =	vadd.bf16 v14, v13  }
0xee: {  	s19 =	sor.u32 s20, s19  }
0xef: {  	[tilespmem:s19+$0x1E080] =	vst v13  }
0xf0: {  	v13 =	vld [tilespmem:s14+$0x10]  }
0xf1: {  	v14 =	vld [tilespmem:s1+$0x10];
	_ =	sdelay $0x1  }
0xf2: {  	v15 =	vld [tilespmem:s16+$0x10];
	_ =	sdelay $0x1  }
0xf3: {  	v16 =	vld [tilespmem:s17+$0x10]  }
0xf4: {  	v13 =	vmul.bf16 v13, v8;
	v14 =	vmul.bf16 v14, v9  }
0xf5: {  	v17 =	vld [tilespmem:s18+$0x10]  }
0xf6: {  	v13 =	vadd.bf16 v14, v13;
	v14 =	vmul.bf16 v15, v10;
	_ =	sdelay $0x1  }
0xf7: {  	v13 =	vadd.bf16 v14, v13;
	v14 =	vmul.bf16 v16, v11;
	_ =	sdelay $0x1  }
0xf8: {  	v13 =	vadd.bf16 v14, v13;
	v14 =	vmul.bf16 v17, v12;
	_ =	sdelay $0x1  }
0xf9: {  	v13 =	vadd.bf16 v14, v13  }
0xfa: {  	s19 =	sadd.s32 $0x1E080, s19  }
0xfb: {  	[tilespmem:s19+$0x10] =	vst v13  }
0xfc: {  	v13 =	vld [tilespmem:s14+$0x20]  }
0xfd: {  	v14 =	vld [tilespmem:s1+$0x20];
	_ =	sdelay $0x1  }
0xfe: {  	v15 =	vld [tilespmem:s16+$0x20];
	_ =	sdelay $0x1  }
0xff: {  	v16 =	vld [tilespmem:s17+$0x20]  }
0x100: {  	v13 =	vmul.bf16 v13, v8;
	v14 =	vmul.bf16 v14, v9  }
0x101: {  	v17 =	vld [tilespmem:s18+$0x20]  }
0x102: {  	v15 =	vmul.bf16 v15, v10;
	v13 =	vadd.bf16 v14, v13;
	_ =	sdelay $0x1  }
0x103: {  	v14 =	vmul.bf16 v16, v11;
	v13 =	vadd.bf16 v15, v13;
	_ =	sdelay $0x1  }
0x104: {  	v15 =	vmul.bf16 v17, v12;
	v13 =	vadd.bf16 v14, v13;
	_ =	sdelay $0x1  }
0x105: {  	v13 =	vadd.bf16 v15, v13;
	_ =	sdelay $0x1  }
0x106: {  	[tilespmem:s19+$0x20] =	vst v13  }
0x107: {  	v13 =	vld [tilespmem:s14+$0x30]  }
0x108: {  	v14 =	vld [tilespmem:s1+$0x30];
	_ =	sdelay $0x1  }
0x109: {  	v15 =	vld [tilespmem:s16+$0x30];
	_ =	sdelay $0x1  }
0x10a: {  	v16 =	vld [tilespmem:s17+$0x30]  }
0x10b: {  	v13 =	vmul.bf16 v13, v8;
	v14 =	vmul.bf16 v14, v9  }
0x10c: {  	v17 =	vld [tilespmem:s18+$0x30]  }
0x10d: {  	v15 =	vmul.bf16 v15, v10;
	v13 =	vadd.bf16 v14, v13;
	_ =	sdelay $0x1  }
0x10e: {  	v14 =	vmul.bf16 v16, v11;
	v13 =	vadd.bf16 v15, v13;
	_ =	sdelay $0x1  }
0x10f: {  	v13 =	vadd.bf16 v14, v13;
	v14 =	vmul.bf16 v17, v12;
	_ =	sdelay $0x1  }
0x110: {  	v13 =	vadd.bf16 v14, v13;
	_ =	sdelay $0x1  }
0x111: {  	[tilespmem:s19+$0x30] =	vst v13  }
0x112: {  	v13 =	vld [tilespmem:s14+$0x40]  }
0x113: {  	v14 =	vld [tilespmem:s1+$0x40];
	_ =	sdelay $0x1  }
0x114: {  	v15 =	vld [tilespmem:s16+$0x40];
	_ =	sdelay $0x1  }
0x115: {  	v16 =	vld [tilespmem:s17+$0x40]  }
0x116: {  	v13 =	vmul.bf16 v13, v8;
	v14 =	vmul.bf16 v14, v9  }
0x117: {  	v17 =	vld [tilespmem:s18+$0x40]  }
0x118: {  	v15 =	vmul.bf16 v15, v10;
	v13 =	vadd.bf16 v14, v13;
	_ =	sdelay $0x1  }
0x119: {  	v14 =	vmul.bf16 v16, v11;
	v13 =	vadd.bf16 v15, v13;
	_ =	sdelay $0x1  }
0x11a: {  	v15 =	vmul.bf16 v17, v12;
	v13 =	vadd.bf16 v14, v13;
	_ =	sdelay $0x1  }
0x11b: {  	v13 =	vadd.bf16 v15, v13;
	_ =	sdelay $0x1  }
0x11c: {  	[tilespmem:s19+$0x40] =	vst v13  }
0x11d: {  	v13 =	vld [tilespmem:s14+$0x50]  }
0x11e: {  	v14 =	vld [tilespmem:s1+$0x50];
	_ =	sdelay $0x1  }
0x11f: {  	v15 =	vld [tilespmem:s16+$0x50];
	_ =	sdelay $0x1  }
0x120: {  	v16 =	vld [tilespmem:s17+$0x50]  }
0x121: {  	v13 =	vmul.bf16 v13, v8;
	v14 =	vmul.bf16 v14, v9  }
0x122: {  	v17 =	vld [tilespmem:s18+$0x50]  }
0x123: {  	v15 =	vmul.bf16 v15, v10;
	v13 =	vadd.bf16 v14, v13;
	_ =	sdelay $0x1  }
0x124: {  	v14 =	vmul.bf16 v16, v11;
	v13 =	vadd.bf16 v15, v13;
	_ =	sdelay $0x1  }
0x125: {  	v15 =	vmul.bf16 v17, v12;
	v13 =	vadd.bf16 v14, v13;
	_ =	sdelay $0x1  }
0x126: {  	v13 =	vadd.bf16 v15, v13;
	_ =	sdelay $0x1  }
0x127: {  	[tilespmem:s19+$0x50] =	vst v13  }
0x128: {  	v13 =	vld [tilespmem:s14+$0x60]  }
0x129: {  	v14 =	vld [tilespmem:s1+$0x60];
	_ =	sdelay $0x1  }
0x12a: {  	v15 =	vld [tilespmem:s16+$0x60];
	_ =	sdelay $0x1  }
0x12b: {  	v16 =	vld [tilespmem:s17+$0x60]  }
0x12c: {  	v13 =	vmul.bf16 v13, v8;
	v14 =	vmul.bf16 v14, v9  }
0x12d: {  	v17 =	vld [tilespmem:s18+$0x60]  }
0x12e: {  	v15 =	vmul.bf16 v15, v10;
	v13 =	vadd.bf16 v14, v13;
	_ =	sdelay $0x1  }
0x12f: {  	v14 =	vmul.bf16 v16, v11;
	v13 =	vadd.bf16 v15, v13;
	_ =	sdelay $0x1  }
0x130: {  	v15 =	vmul.bf16 v17, v12;
	v13 =	vadd.bf16 v14, v13;
	_ =	sdelay $0x1  }
0x131: {  	v13 =	vadd.bf16 v15, v13;
	_ =	sdelay $0x1  }
0x132: {  	[tilespmem:s19+$0x60] =	vst v13  }
0x133: {  	v13 =	vld [tilespmem:s14+$0x70]  }
0x134: {  	v14 =	vld [tilespmem:s1+$0x70];
	_ =	sdelay $0x1  }
0x135: {  	v15 =	vld [tilespmem:s16+$0x70];
	_ =	sdelay $0x1  }
0x136: {  	v16 =	vld [tilespmem:s17+$0x70]  }
0x137: {  	v13 =	vmul.bf16 v13, v8;
	v14 =	vmul.bf16 v14, v9  }
0x138: {  	v17 =	vld [tilespmem:s18+$0x70]  }
0x139: {  	v15 =	vmul.bf16 v15, v10;
	v13 =	vadd.bf16 v14, v13;
	_ =	sdelay $0x1  }
0x13a: {  	v14 =	vmul.bf16 v16, v11;
	v13 =	vadd.bf16 v15, v13;
	_ =	sdelay $0x1  }
0x13b: {  	v13 =	vadd.bf16 v14, v13;
	v14 =	vmul.bf16 v17, v12;
	_ =	sdelay $0x1  }
0x13c: {  	v13 =	vadd.bf16 v14, v13;
	_ =	sdelay $0x1  }
0x13d: {  	[tilespmem:s19+$0x70] =	vst v13  }
0x13e: {  	v13 =	vld [tilespmem:s14+$0x400]  }
0x13f: {  	v14 =	vld [tilespmem:s1+$0x400];
	_ =	sdelay $0x1  }
0x140: {  	v15 =	vld [tilespmem:s16+$0x400];
	_ =	sdelay $0x1  }
0x141: {  	v16 =	vld [tilespmem:s17+$0x400]  }
0x142: {  	v13 =	vmul.bf16 v13, v8;
	v14 =	vmul.bf16 v14, v9  }
0x143: {  	v17 =	vld [tilespmem:s18+$0x400]  }
0x144: {  	v13 =	vadd.bf16 v14, v13;
	v14 =	vmul.bf16 v15, v10;
	_ =	sdelay $0x1  }
0x145: {  	v15 =	vmul.bf16 v16, v11;
	v13 =	vadd.bf16 v14, v13;
	_ =	sdelay $0x1  }
0x146: {  	v14 =	vmul.bf16 v17, v12;
	v13 =	vadd.bf16 v15, v13;
	_ =	sdelay $0x1  }
0x147: {  	v13 =	vadd.bf16 v14, v13;
	_ =	sdelay $0x1  }
0x148: {  	[tilespmem:s19+$0x400] =	vst v13  }
0x149: {  	v13 =	vld [tilespmem:s14+$0x410]  }
0x14a: {  	v14 =	vld [tilespmem:s1+$0x410];
	_ =	sdelay $0x1  }
0x14b: {  	v15 =	vld [tilespmem:s16+$0x410];
	_ =	sdelay $0x1  }
0x14c: {  	v16 =	vld [tilespmem:s17+$0x410]  }
0x14d: {  	v13 =	vmul.bf16 v13, v8;
	v14 =	vmul.bf16 v14, v9  }
0x14e: {  	v17 =	vld [tilespmem:s18+$0x410]  }
0x14f: {  	v15 =	vmul.bf16 v15, v10;
	v13 =	vadd.bf16 v14, v13;
	_ =	sdelay $0x1  }
0x150: {  	v14 =	vmul.bf16 v16, v11;
	v13 =	vadd.bf16 v15, v13;
	_ =	sdelay $0x1  }
0x151: {  	v15 =	vmul.bf16 v17, v12;
	v13 =	vadd.bf16 v14, v13;
	_ =	sdelay $0x1  }
0x152: {  	v13 =	vadd.bf16 v15, v13;
	_ =	sdelay $0x1  }
0x153: {  	[tilespmem:s19+$0x410] =	vst v13  }
0x154: {  	v13 =	vld [tilespmem:s14+$0x420]  }
0x155: {  	v14 =	vld [tilespmem:s1+$0x420];
	_ =	sdelay $0x1  }
0x156: {  	v15 =	vld [tilespmem:s16+$0x420];
	_ =	sdelay $0x1  }
0x157: {  	v16 =	vld [tilespmem:s17+$0x420]  }
0x158: {  	v13 =	vmul.bf16 v13, v8;
	v14 =	vmul.bf16 v14, v9  }
0x159: {  	v17 =	vld [tilespmem:s18+$0x420]  }
0x15a: {  	v15 =	vmul.bf16 v15, v10;
	v13 =	vadd.bf16 v14, v13;
	_ =	sdelay $0x1  }
0x15b: {  	v14 =	vmul.bf16 v16, v11;
	v13 =	vadd.bf16 v15, v13;
	_ =	sdelay $0x1  }
0x15c: {  	v15 =	vmul.bf16 v17, v12;
	v13 =	vadd.bf16 v14, v13;
	_ =	sdelay $0x1  }
0x15d: {  	v13 =	vadd.bf16 v15, v13;
	_ =	sdelay $0x1  }
0x15e: {  	[tilespmem:s19+$0x420] =	vst v13  }
0x15f: {  	v13 =	vld [tilespmem:s14+$0x430]  }
0x160: {  	v14 =	vld [tilespmem:s1+$0x430];
	_ =	sdelay $0x1  }
0x161: {  	v15 =	vld [tilespmem:s16+$0x430];
	_ =	sdelay $0x1  }
0x162: {  	v16 =	vld [tilespmem:s17+$0x430]  }
0x163: {  	v13 =	vmul.bf16 v13, v8;
	v14 =	vmul.bf16 v14, v9  }
0x164: {  	v17 =	vld [tilespmem:s18+$0x430]  }
0x165: {  	v15 =	vmul.bf16 v15, v10;
	v13 =	vadd.bf16 v14, v13;
	_ =	sdelay $0x1  }
0x166: {  	v14 =	vmul.bf16 v16, v11;
	v13 =	vadd.bf16 v15, v13;
	_ =	sdelay $0x1  }
0x167: {  	v15 =	vmul.bf16 v17, v12;
	v13 =	vadd.bf16 v14, v13;
	_ =	sdelay $0x1  }
0x168: {  	v13 =	vadd.bf16 v15, v13;
	_ =	sdelay $0x1  }
0x169: {  	[tilespmem:s19+$0x430] =	vst v13  }
0x16a: {  	v16 =	vld [tilespmem:s14+$0x440]  }
0x16b: {  	v15 =	vld [tilespmem:s1+$0x440]  }
0x16c: {  	v14 =	vld [tilespmem:s16+$0x440]  }
0x16d: {  	s21 =	simm.s32 $0x0;
	s20 =	simm.s32 $0x1;
	v13 =	vld [tilespmem:s17+$0x440]  }
.LBB2_5:
0x16e: {  	p0 =	sne.s32 s20, $0xF;
	v17 =	vld [tilespmem:s18+$0x440];
	s30 =	sadd.s32 $0x80, s30;
	s21 =	sadd.s32 $0x100, s21  }
0x16f: {  	s22 =	smov.u32 s20;
	s20 =	sadd.s32 $0x1, s20;
	v16 =	vmul.bf16 v16, v8  }
0x170: {  	v15 =	vmul.bf16 v15, v9  }
0x171: {  	v14 =	vmul.bf16 v14, v10  }
0x172: {  	v15 =	vadd.bf16 v15, v16;
	v13 =	vmul.bf16 v13, v11  }
0x173: {  	v16 =	vmul.bf16 v17, v12  }
0x174: {  	v14 =	vadd.bf16 v14, v15;
	_ =	sdelay $0x1  }
0x175: {  	v13 =	vadd.bf16 v13, v14;
	_ =	sdelay $0x1  }
0x176: {  	v13 =	vadd.bf16 v16, v13;
	_ =	sdelay $0x1  }
0x177: {  	[tilespmem:s19+$0x440] =	vst v13  }
0x178: {  	s7 =	sadd.s32 $0x10, s22;
	v13 =	vld [tilespmem:s14+$0x450]  }
0x179: {  	v14 =	vmov s7;
	v15 =	vld [tilespmem:s1+$0x450]  }
0x17a: {  	v16 =	vmov s22;
	v17 =	vld [tilespmem:s16+$0x450]  }
0x17b: {  	s7 =	sadd.s32 $0x20, s22;
	v18 =	vld [tilespmem:s17+$0x450]  }
0x17c: {  	v19 =	vmov s7;
	v20 =	vld [tilespmem:s18+$0x450]  }
0x17d: {  	v13 =	vmul.bf16 v13, v8  }
0x17e: {  	v15 =	vmul.bf16 v15, v9  }
0x17f: {  	v17 =	vmul.bf16 v17, v10  }
0x180: {  	v13 =	vadd.bf16 v15, v13;
	v15 =	vmul.bf16 v18, v11  }
0x181: {  	v18 =	vmul.bf16 v20, v12  }
0x182: {  	v13 =	vadd.bf16 v17, v13;
	_ =	sdelay $0x1  }
0x183: {  	v13 =	vadd.bf16 v15, v13;
	_ =	sdelay $0x1  }
0x184: {  	v13 =	vadd.bf16 v18, v13;
	_ =	sdelay $0x1  }
0x185: {  	[tilespmem:s19+$0x450] =	vst v13  }
0x186: {  	v13 =	vld [tilespmem:s14+$0x460]  }
0x187: {  	v15 =	vld [tilespmem:s1+$0x460]  }
0x188: {  	v17 =	vld [tilespmem:s16+$0x460]  }
0x189: {  	v18 =	vld [tilespmem:s17+$0x460]  }
0x18a: {  	v20 =	vld [tilespmem:s18+$0x460]  }
0x18b: {  	v13 =	vmul.bf16 v13, v8  }
0x18c: {  	v15 =	vmul.bf16 v15, v9  }
0x18d: {  	v17 =	vmul.bf16 v17, v10  }
0x18e: {  	v13 =	vadd.bf16 v15, v13;
	v15 =	vmul.bf16 v18, v11  }
0x18f: {  	v18 =	vmul.bf16 v20, v12  }
0x190: {  	v13 =	vadd.bf16 v17, v13;
	_ =	sdelay $0x1  }
0x191: {  	v13 =	vadd.bf16 v15, v13;
	_ =	sdelay $0x1  }
0x192: {  	v13 =	vadd.bf16 v18, v13;
	_ =	sdelay $0x1  }
0x193: {  	[tilespmem:s19+$0x460] =	vst v13  }
0x194: {  	v13 =	vld [tilespmem:s14+$0x470]  }
0x195: {  	v15 =	vld [tilespmem:s1+$0x470]  }
0x196: {  	v17 =	vld [tilespmem:s16+$0x470]  }
0x197: {  	v18 =	vld [tilespmem:s17+$0x470]  }
0x198: {  	v20 =	vld [tilespmem:s18+$0x470]  }
0x199: {  	v8 =	vmul.bf16 v13, v8  }
0x19a: {  	v9 =	vmul.bf16 v15, v9  }
0x19b: {  	v10 =	vmul.bf16 v17, v10  }
0x19c: {  	v8 =	vadd.bf16 v9, v8;
	v9 =	vmul.bf16 v18, v11  }
0x19d: {  	v11 =	vmul.bf16 v20, v12  }
0x19e: {  	v8 =	vadd.bf16 v10, v8;
	_ =	sdelay $0x1  }
0x19f: {  	v8 =	vadd.bf16 v9, v8;
	_ =	sdelay $0x1  }
0x1a0: {  	v8 =	vadd.bf16 v11, v8;
	_ =	sdelay $0x1  }
0x1a1: {  	s8 =	sand.u32 $0x380, s30;
	s7 =	sand.u32 $0x800, s21;
	s1 =	sadd.s32 $0x30, s22;
	[tilespmem:s19+$0x470] =	vst v8  }
0x1a2: {  	s14 =	sadd.s32 s7, s31;
	s17 =	sadd.s32 s7, s13;
	v8 =	vmov s1;
	s1 =	sadd.s32 s7, s0;
	v9 =	vld.idx.msk [tilespmem:v14+s24+$0x0], $0xffff  }
0x1a3: {  	s18 =	sadd.s32 s7, s15;
	s1 =	sadd.s32 s8, s1;
	v10 =	vld.idx.msk [tilespmem:v16+s24+$0x0], $0xffff  }
0x1a4: {  	v11 =	vld [tilespmem:s1+$0x0]  }
0x1a5: {  	s14 =	sadd.s32 s8, s14;
	s16 =	sadd.s32 $0x40, s22;
	v12 =	vld.idx.msk [tilespmem:v19+s24+$0x0], $0xffff  }
0x1a6: {  	v13 =	vmov s16;
	s16 =	sadd.s32 s7, s2;
	v14 =	vld [tilespmem:s14+$0x0]  }
0x1a7: {  	s16 =	sadd.s32 s8, s16;
	v15 =	vld.idx.msk [tilespmem:v8+s24+$0x0], $0xffff  }
0x1a8: {  	s17 =	sadd.s32 s8, s17;
	v16 =	vld [tilespmem:s16+$0x0]  }
0x1a9: {  	v17 =	vld [tilespmem:s17+$0x0]  }
0x1aa: {  	v8 =	vpack.i.f32.bf16 v10, v10  }
0x1ab: {  	v9 =	vpack.i.f32.bf16 v9, v9;
	v13 =	vld.idx.msk [tilespmem:v13+s24+$0x0], $0xffff;
	v14 =	vmul.bf16 v14, v8  }
0x1ac: {  	s18 =	sadd.s32 s8, s18;
	v18 =	vmul.bf16 v11, v9  }
0x1ad: {  	v10 =	vpack.i.f32.bf16 v12, v12;
	v11 =	vpack.i.f32.bf16 v15, v15;
	v15 =	vld [tilespmem:s18+$0x0]  }
0x1ae: {  	v12 =	vadd.bf16 v18, v14;
	v14 =	vmul.bf16 v16, v10;
	v16 =	vmul.bf16 v17, v11;
	_ =	sdelay $0x1  }
0x1af: {  	v14 =	vadd.bf16 v14, v12  }
0x1b0: {  	v12 =	vpack.i.f32.bf16 v13, v13  }
0x1b1: {  	v13 =	vadd.bf16 v16, v14;
	v14 =	vmul.bf16 v15, v12;
	_ =	sdelay $0x1  }
0x1b2: {  	v13 =	vadd.bf16 v14, v13  }
0x1b3: {  	s7 =	sor.u32 s8, s7  }
0x1b4: {  	[tilespmem:s7+$0x1E080] =	vst v13  }
0x1b5: {  	v13 =	vld [tilespmem:s14+$0x10]  }
0x1b6: {  	v14 =	vld [tilespmem:s1+$0x10];
	_ =	sdelay $0x1  }
0x1b7: {  	v15 =	vld [tilespmem:s16+$0x10];
	_ =	sdelay $0x1  }
0x1b8: {  	v13 =	vmul.bf16 v13, v8;
	v16 =	vld [tilespmem:s17+$0x10]  }
0x1b9: {  	v14 =	vmul.bf16 v14, v9  }
0x1ba: {  	v17 =	vld [tilespmem:s18+$0x10]  }
0x1bb: {  	v13 =	vadd.bf16 v14, v13;
	v14 =	vmul.bf16 v15, v10;
	_ =	sdelay $0x1  }
0x1bc: {  	v13 =	vadd.bf16 v14, v13;
	v14 =	vmul.bf16 v16, v11;
	_ =	sdelay $0x1  }
0x1bd: {  	v13 =	vadd.bf16 v14, v13;
	v14 =	vmul.bf16 v17, v12;
	_ =	sdelay $0x1  }
0x1be: {  	v13 =	vadd.bf16 v14, v13  }
0x1bf: {  	s19 =	sadd.s32 $0x1E080, s7  }
0x1c0: {  	[tilespmem:s19+$0x10] =	vst v13  }
0x1c1: {  	v13 =	vld [tilespmem:s14+$0x20]  }
0x1c2: {  	v14 =	vld [tilespmem:s1+$0x20]  }
0x1c3: {  	v15 =	vld [tilespmem:s16+$0x20]  }
0x1c4: {  	v16 =	vld [tilespmem:s17+$0x20]  }
0x1c5: {  	v17 =	vld [tilespmem:s18+$0x20]  }
0x1c6: {  	v13 =	vmul.bf16 v13, v8  }
0x1c7: {  	v14 =	vmul.bf16 v14, v9  }
0x1c8: {  	v15 =	vmul.bf16 v15, v10  }
0x1c9: {  	v13 =	vadd.bf16 v14, v13;
	v14 =	vmul.bf16 v16, v11  }
0x1ca: {  	v16 =	vmul.bf16 v17, v12  }
0x1cb: {  	v13 =	vadd.bf16 v15, v13;
	_ =	sdelay $0x1  }
0x1cc: {  	v13 =	vadd.bf16 v14, v13;
	_ =	sdelay $0x1  }
0x1cd: {  	v13 =	vadd.bf16 v16, v13;
	_ =	sdelay $0x1  }
0x1ce: {  	[tilespmem:s19+$0x20] =	vst v13  }
0x1cf: {  	v13 =	vld [tilespmem:s14+$0x30]  }
0x1d0: {  	v14 =	vld [tilespmem:s1+$0x30]  }
0x1d1: {  	v15 =	vld [tilespmem:s16+$0x30];
	_ =	sdelay $0x2  }
0x1d2: {  	v13 =	vmul.bf16 v13, v8;
	v16 =	vld [tilespmem:s17+$0x30]  }
0x1d3: {  	v14 =	vmul.bf16 v14, v9  }
0x1d4: {  	v15 =	vmul.bf16 v15, v10;
	v17 =	vld [tilespmem:s18+$0x30]  }
0x1d5: {  	v13 =	vadd.bf16 v14, v13;
	_ =	sdelay $0x1  }
0x1d6: {  	v13 =	vadd.bf16 v15, v13;
	v14 =	vmul.bf16 v16, v11;
	_ =	sdelay $0x1  }
0x1d7: {  	v13 =	vadd.bf16 v14, v13;
	v14 =	vmul.bf16 v17, v12;
	_ =	sdelay $0x1  }
0x1d8: {  	v13 =	vadd.bf16 v14, v13;
	_ =	sdelay $0x1  }
0x1d9: {  	[tilespmem:s19+$0x30] =	vst v13  }
0x1da: {  	v13 =	vld [tilespmem:s14+$0x40]  }
0x1db: {  	v14 =	vld [tilespmem:s1+$0x40]  }
0x1dc: {  	v15 =	vld [tilespmem:s16+$0x40]  }
0x1dd: {  	v16 =	vld [tilespmem:s18+$0x40];
	_ =	sdelay $0x1  }
0x1de: {  	v13 =	vmul.bf16 v13, v8;
	v17 =	vld [tilespmem:s17+$0x40]  }
0x1df: {  	v14 =	vmul.bf16 v14, v9  }
0x1e0: {  	v15 =	vmul.bf16 v15, v10  }
0x1e1: {  	v13 =	vadd.bf16 v14, v13;
	v14 =	vmul.bf16 v16, v12;
	_ =	sdelay $0x1  }
0x1e2: {  	v13 =	vadd.bf16 v15, v13;
	v15 =	vmul.bf16 v17, v11;
	_ =	sdelay $0x1  }
0x1e3: {  	v13 =	vadd.bf16 v15, v13;
	_ =	sdelay $0x1  }
0x1e4: {  	v13 =	vadd.bf16 v14, v13;
	_ =	sdelay $0x1  }
0x1e5: {  	[tilespmem:s19+$0x40] =	vst v13  }
0x1e6: {  	v13 =	vld [tilespmem:s14+$0x50]  }
0x1e7: {  	v14 =	vld [tilespmem:s1+$0x50]  }
0x1e8: {  	v15 =	vld [tilespmem:s16+$0x50]  }
0x1e9: {  	v16 =	vld [tilespmem:s17+$0x50]  }
0x1ea: {  	v17 =	vld [tilespmem:s18+$0x50]  }
0x1eb: {  	v13 =	vmul.bf16 v13, v8  }
0x1ec: {  	v14 =	vmul.bf16 v14, v9  }
0x1ed: {  	v15 =	vmul.bf16 v15, v10  }
0x1ee: {  	v13 =	vadd.bf16 v14, v13;
	v14 =	vmul.bf16 v16, v11  }
0x1ef: {  	v16 =	vmul.bf16 v17, v12  }
0x1f0: {  	v13 =	vadd.bf16 v15, v13;
	_ =	sdelay $0x1  }
0x1f1: {  	v13 =	vadd.bf16 v14, v13;
	_ =	sdelay $0x1  }
0x1f2: {  	v13 =	vadd.bf16 v16, v13;
	_ =	sdelay $0x1  }
0x1f3: {  	[tilespmem:s19+$0x50] =	vst v13  }
0x1f4: {  	v13 =	vld [tilespmem:s14+$0x60]  }
0x1f5: {  	v14 =	vld [tilespmem:s1+$0x60]  }
0x1f6: {  	v15 =	vld [tilespmem:s16+$0x60]  }
0x1f7: {  	v16 =	vld [tilespmem:s17+$0x60]  }
0x1f8: {  	v17 =	vld [tilespmem:s18+$0x60]  }
0x1f9: {  	v13 =	vmul.bf16 v13, v8  }
0x1fa: {  	v14 =	vmul.bf16 v14, v9  }
0x1fb: {  	v15 =	vmul.bf16 v15, v10  }
0x1fc: {  	v13 =	vadd.bf16 v14, v13;
	v14 =	vmul.bf16 v16, v11  }
0x1fd: {  	v16 =	vmul.bf16 v17, v12  }
0x1fe: {  	v13 =	vadd.bf16 v15, v13;
	_ =	sdelay $0x1  }
0x1ff: {  	v13 =	vadd.bf16 v14, v13;
	_ =	sdelay $0x1  }
0x200: {  	v13 =	vadd.bf16 v16, v13;
	_ =	sdelay $0x1  }
0x201: {  	[tilespmem:s19+$0x60] =	vst v13  }
0x202: {  	v13 =	vld [tilespmem:s14+$0x70]  }
0x203: {  	v14 =	vld [tilespmem:s1+$0x70]  }
0x204: {  	v15 =	vld [tilespmem:s16+$0x70]  }
0x205: {  	v16 =	vld [tilespmem:s17+$0x70];
	_ =	sdelay $0x1  }
0x206: {  	v13 =	vmul.bf16 v13, v8  }
0x207: {  	v14 =	vmul.bf16 v14, v9  }
0x208: {  	v15 =	vmul.bf16 v15, v10;
	v17 =	vld [tilespmem:s18+$0x70]  }
0x209: {  	v13 =	vadd.bf16 v14, v13;
	v14 =	vmul.bf16 v16, v11;
	_ =	sdelay $0x1  }
0x20a: {  	v13 =	vadd.bf16 v15, v13;
	_ =	sdelay $0x1  }
0x20b: {  	v13 =	vadd.bf16 v14, v13;
	v14 =	vmul.bf16 v17, v12;
	_ =	sdelay $0x1  }
0x20c: {  	v13 =	vadd.bf16 v14, v13;
	_ =	sdelay $0x1  }
0x20d: {  	[tilespmem:s19+$0x70] =	vst v13  }
0x20e: {  	v13 =	vld [tilespmem:s14+$0x400]  }
0x20f: {  	v14 =	vld [tilespmem:s1+$0x400]  }
0x210: {  	v15 =	vld [tilespmem:s16+$0x400]  }
0x211: {  	v16 =	vld [tilespmem:s17+$0x400];
	_ =	sdelay $0x1  }
0x212: {  	v13 =	vmul.bf16 v13, v8  }
0x213: {  	v14 =	vmul.bf16 v14, v9  }
0x214: {  	v17 =	vld [tilespmem:s18+$0x400]  }
0x215: {  	v13 =	vadd.bf16 v14, v13;
	v14 =	vmul.bf16 v15, v10;
	v15 =	vmul.bf16 v16, v11;
	_ =	sdelay $0x1  }
0x216: {  	v13 =	vadd.bf16 v14, v13;
	_ =	sdelay $0x1  }
0x217: {  	v13 =	vadd.bf16 v15, v13;
	v14 =	vmul.bf16 v17, v12;
	_ =	sdelay $0x1  }
0x218: {  	v13 =	vadd.bf16 v14, v13;
	_ =	sdelay $0x1  }
0x219: {  	[tilespmem:s19+$0x400] =	vst v13  }
0x21a: {  	v13 =	vld [tilespmem:s14+$0x410]  }
0x21b: {  	v14 =	vld [tilespmem:s1+$0x410]  }
0x21c: {  	v15 =	vld [tilespmem:s16+$0x410]  }
0x21d: {  	v16 =	vld [tilespmem:s17+$0x410]  }
0x21e: {  	v17 =	vld [tilespmem:s18+$0x410]  }
0x21f: {  	v13 =	vmul.bf16 v13, v8  }
0x220: {  	v14 =	vmul.bf16 v14, v9  }
0x221: {  	v15 =	vmul.bf16 v15, v10  }
0x222: {  	v13 =	vadd.bf16 v14, v13;
	v14 =	vmul.bf16 v16, v11  }
0x223: {  	v16 =	vmul.bf16 v17, v12  }
0x224: {  	v13 =	vadd.bf16 v15, v13;
	_ =	sdelay $0x1  }
0x225: {  	v13 =	vadd.bf16 v14, v13;
	_ =	sdelay $0x1  }
0x226: {  	v13 =	vadd.bf16 v16, v13;
	_ =	sdelay $0x1  }
0x227: {  	[tilespmem:s19+$0x410] =	vst v13  }
0x228: {  	v13 =	vld [tilespmem:s14+$0x420]  }
0x229: {  	v14 =	vld [tilespmem:s1+$0x420]  }
0x22a: {  	v15 =	vld [tilespmem:s16+$0x420]  }
0x22b: {  	v16 =	vld [tilespmem:s17+$0x420]  }
0x22c: {  	v17 =	vld [tilespmem:s18+$0x420]  }
0x22d: {  	v13 =	vmul.bf16 v13, v8  }
0x22e: {  	v14 =	vmul.bf16 v14, v9  }
0x22f: {  	v15 =	vmul.bf16 v15, v10  }
0x230: {  	v13 =	vadd.bf16 v14, v13;
	v14 =	vmul.bf16 v16, v11  }
0x231: {  	v16 =	vmul.bf16 v17, v12  }
0x232: {  	v13 =	vadd.bf16 v15, v13;
	_ =	sdelay $0x1  }
0x233: {  	v13 =	vadd.bf16 v14, v13;
	_ =	sdelay $0x1  }
0x234: {  	v13 =	vadd.bf16 v16, v13;
	_ =	sdelay $0x1  }
0x235: {  	[tilespmem:s19+$0x420] =	vst v13  }
0x236: {  	v13 =	vld [tilespmem:s14+$0x430]  }
0x237: {  	v14 =	vld [tilespmem:s1+$0x430]  }
0x238: {  	v15 =	vld [tilespmem:s16+$0x430]  }
0x239: {  	v16 =	vld [tilespmem:s17+$0x430]  }
0x23a: {  	v17 =	vld [tilespmem:s18+$0x430]  }
0x23b: {  	v13 =	vmul.bf16 v13, v8  }
0x23c: {  	v14 =	vmul.bf16 v14, v9  }
0x23d: {  	v15 =	vmul.bf16 v15, v10  }
0x23e: {  	v13 =	vadd.bf16 v14, v13;
	v14 =	vmul.bf16 v16, v11  }
0x23f: {  	v16 =	vmul.bf16 v17, v12  }
0x240: {  	v13 =	vadd.bf16 v15, v13;
	_ =	sdelay $0x1  }
0x241: {  	v13 =	vadd.bf16 v14, v13;
	_ =	sdelay $0x1  }
0x242: {  	v13 =	vadd.bf16 v16, v13;
	_ =	sdelay $0x1  }
.Ltmp1:
0x243: {  	[tilespmem:s19+$0x430] =	vst v13;
	(pc) =	sbr.rel @p0 .LBB2_5-.Ltmp1, $4  }
0x244: {  	v16 =	vld [tilespmem:s14+$0x440]  }
0x245: {  	v15 =	vld [tilespmem:s1+$0x440]  }
0x246: {  	v14 =	vld [tilespmem:s16+$0x440]  }
0x247: {  	v13 =	vld [tilespmem:s17+$0x440]  }
0x248: {  	_ =	sdelay $0x1  }
0x249: {  	v16 =	vmul.bf16 v16, v8;
	v15 =	vmul.bf16 v15, v9  }
0x24a: {  	v17 =	vld [tilespmem:s18+$0x440]  }
0x24b: {  	v14 =	vmul.bf16 v14, v10;
	v15 =	vadd.bf16 v15, v16;
	_ =	sdelay $0x1  }
0x24c: {  	v13 =	vmul.bf16 v13, v11;
	v14 =	vadd.bf16 v14, v15;
	_ =	sdelay $0x1  }
0x24d: {  	v43 =	vmul.bf16 v17, v12;
	v13 =	vadd.bf16 v13, v14;
	_ =	sdelay $0x1  }
0x24e: {  	v13 =	vadd.bf16 v43, v13;
	_ =	sdelay $0x1  }
0x24f: {  	[tilespmem:s19+$0x440] =	vst v13  }
0x250: {  	v13 =	vld [tilespmem:s14+$0x450]  }
0x251: {  	v44 =	vld [tilespmem:s1+$0x450];
	_ =	sdelay $0x1  }
0x252: {  	v45 =	vld [tilespmem:s16+$0x450];
	_ =	sdelay $0x1  }
0x253: {  	v46 =	vld [tilespmem:s17+$0x450]  }
0x254: {  	v13 =	vmul.bf16 v13, v8;
	v14 =	vmul.bf16 v44, v9  }
0x255: {  	v47 =	vld [tilespmem:s18+$0x450]  }
0x256: {  	v15 =	vmul.bf16 v45, v10;
	v13 =	vadd.bf16 v14, v13;
	_ =	sdelay $0x1  }
0x257: {  	v48 =	vmul.bf16 v46, v11;
	v13 =	vadd.bf16 v15, v13;
	_ =	sdelay $0x1  }
0x258: {  	v49 =	vmul.bf16 v47, v12;
	v13 =	vadd.bf16 v48, v13;
	_ =	sdelay $0x1  }
0x259: {  	v13 =	vadd.bf16 v49, v13;
	_ =	sdelay $0x1  }
0x25a: {  	[tilespmem:s19+$0x450] =	vst v13  }
0x25b: {  	v13 =	vld [tilespmem:s14+$0x460]  }
0x25c: {  	v50 =	vld [tilespmem:s1+$0x460];
	_ =	sdelay $0x1  }
0x25d: {  	v51 =	vld [tilespmem:s16+$0x460];
	_ =	sdelay $0x1  }
0x25e: {  	v52 =	vld [tilespmem:s17+$0x460]  }
0x25f: {  	v13 =	vmul.bf16 v13, v8;
	v14 =	vmul.bf16 v50, v9  }
0x260: {  	v53 =	vld [tilespmem:s18+$0x460]  }
0x261: {  	v15 =	vmul.bf16 v51, v10;
	v13 =	vadd.bf16 v14, v13;
	_ =	sdelay $0x1  }
0x262: {  	v54 =	vmul.bf16 v52, v11;
	v13 =	vadd.bf16 v15, v13;
	_ =	sdelay $0x1  }
0x263: {  	v55 =	vmul.bf16 v53, v12;
	v13 =	vadd.bf16 v54, v13;
	_ =	sdelay $0x1  }
0x264: {  	v13 =	vadd.bf16 v55, v13;
	_ =	sdelay $0x1  }
0x265: {  	[tilespmem:s19+$0x460] =	vst v13  }
0x266: {  	v13 =	vld [tilespmem:s14+$0x470]  }
0x267: {  	v56 =	vld [tilespmem:s1+$0x470];
	_ =	sdelay $0x1  }
0x268: {  	v57 =	vld [tilespmem:s16+$0x470];
	_ =	sdelay $0x1  }
0x269: {  	v58 =	vld [tilespmem:s17+$0x470]  }
0x26a: {  	v8 =	vmul.bf16 v13, v8;
	v59 =	vmul.bf16 v56, v9  }
0x26b: {  	v60 =	vld [tilespmem:s18+$0x470]  }
0x26c: {  	v61 =	vmul.bf16 v57, v10;
	v8 =	vadd.bf16 v59, v8;
	_ =	sdelay $0x1  }
0x26d: {  	v62 =	vmul.bf16 v58, v11;
	v8 =	vadd.bf16 v61, v8;
	_ =	sdelay $0x1  }
0x26e: {  	v63 =	vmul.bf16 v60, v12;
	v8 =	vadd.bf16 v62, v8;
	_ =	sdelay $0x1  }
0x26f: {  	s0 =	sadd.s32 s4, s29;
	v8 =	vadd.bf16 v63, v8  }
0x270: {  	p0 =	sne.s32 s28, $0x10;
	s0 =	sshll.u32 s0, $0x5  }
.Ltmp2:
0x271: {  	s0 =	sadd.s32 s6, s0;
	[tilespmem:s19+$0x470] =	vst v8;
	(pc) =	sbr.rel @p0 .LBB2_2-.Ltmp2, $4  }
0x272: {  	[hbm4b:s0+s3] =	stream.linear.scatter [tilespmem:s25], [sflag:$0x2], $0x1000, $0x38;
	[tilespmem:$0x1F080] =	vst v63  }
0x273: {  	_ =	swait.ge [sflag:s10], $0x1000  }
0x274: {  	[sflag:s10] =	ssyncset.done $0x0  }
0x275: {  	s1 =	smov.u32 s28;
	[sflag:s10] =	ssyncadd.s32 $0xFFFFF000  }
0x276: {  	s26 =	sadd.s32 $0x1, s26  }
0x277: {  	p0 =	sne.s32 s26, s9  }
.Ltmp3:
0x278: {  	_ = 	snop;
	(pc) =	sbr.rel @p0 .LBB2_1-.Ltmp3, $1  }
0x279: {  	_ =	sdelay $0x3  }
0x27a: {  	_ =	sfence.sel $0x180000  }
0x27b: {  	[bflag:$0x0] =	sbarrier.arrive $0xFFFF  }
0x27c: {  	_ =	strace $0x90000047  }
0x27d: {  	s0 =	stileid.u32;
	[bflag:$0x2] =	sbarrier.arrive $0xFFFF  }
0x27e: {  	p0 =	sne.s32 s0, $0x0;
	s0 =	rddreg [dreg:$0x2]  }
0x27f: {  	s0 =	sadd.s32 @!p0 $0x100000, s0  }
0x280: {  	[sflag:s0] =	ssyncadd.tile.s32 @!p0 $0x1;
	_ =	shalt  }
.Lfunc_end2:
_tile_overlayer_lowered:
.L_overlay_start_2:
0x281: {  	(tag) =	ssettag $0x2  }
0x282: {  	s0 =	rddreg [dreg:$0x0];
	s2 =	stileid.u32  }
0x283: {  	s1 =	rddreg [dreg:$0x1];
	p0 =	sne.s32 s2, $0x0  }
0x284: {  	s3 =	rddreg [dreg:$0x2];
	[bflag:$0x3] =	sbarrier.arrive $0xFFFF;
	s2 =	simm.s32 @!p0 $0x1C02  }
0x285: {  	[timem:s3], [sflag:s2] =	dma.local @!p0 [hbm:s0], s1  }
0x286: {  	s0 =	simm.s32 @!p0 $0x2  }
0x287: {  	_ =	swait.ge @!p0 [sflag:s0], s1  }
0x288: {  	s1 =	ssub.s32 @!p0 $0x0, s1;
	[sflag:s0] =	ssyncset.done @!p0 $0x0  }
0x289: {  	[sflag:s0] =	ssyncadd.s32 @!p0 s1  }
0x28a: {  	[bflag:$0x3] =	sbarrier.arrive $0xFFFF  }
0x28b: {  	_ =	shalt  }

// kernel: kernel.9.cloned.1.call-start
scs
__scs_entry_jumppad:
0x0: {  	(pc) =	sbr.rel $0x88, $3  }
0x1: {  	(tag) =	ssettag $0x0;
	lr =	simm.s32 $0x1  }
0x2: {  	[smem:$0x3F97] =	sst lr;
	_ =	strace $0xD0000000  }
0x3: {  	_ = 	snop  }
0x4: {  	_ = 	snop  }
0x5: {  	_ = 	snop  }
0x6: {  	_ = 	snop  }
0x7: {  	_ = 	snop  }
__scs_overlays_trampoline_lowered:
0x8: {  	[smem:$0x3FA6] =	sst s0  }
0x9: {  	[smem:$0x3FA7] =	sst s1  }
0xa: {  	[smem:$0x3FA8] =	sst s2  }
0xb: {  	[smem:$0x3FA9] =	sst s3  }
0xc: {  	[smem:$0x3FAA] =	sst s4  }
0xd: {  	[smem:$0x3FAB] =	sst s5  }
0xe: {  	[smem:$0x3FAC] =	sst s6  }
0xf: {  	[smem:$0x3FAD] =	sst s7  }
0x10: {  	[smem:$0x3FAE] =	sst s8  }
0x11: {  	[smem:$0x3FAF] =	sst s9;
	s0 =	simm.s32 @!p0 $0x0  }
0x12: {  	s1 =	sld [smem:$0x3F95];
	s0 =	simm.s32 @p0 $0x1  }
0x13: {  	[smem:$0x3FB0] =	sst s0;
	s0 =	simm.s32 @!p1 $0x0  }
0x14: {  	s2 =	sld [smem:$0x3F94];
	s0 =	simm.s32 @p1 $0x1  }
0x15: {  	[smem:$0x3FB1] =	sst s0;
	s0 =	simm.s32 @!p2 $0x0  }
0x16: {  	s3 =	sld [smem:$0x3FDB];
	s0 =	simm.s32 @p2 $0x1  }
0x17: {  	s4 =	simm.s32 $0x1BF5;
	[smem:$0x3FB3] =	sst s0  }
0x18: {  	s0 =	sld [smem:$0x3F96];
	_ =	swait.ge [sflag:s4], $0x0  }
0x19: {  	s7 =	sld [smem:$0x3F97]  }
0x1a: {  	s8 =	sadd.s32 $0xFFFFE003, lr  }
0x1b: {  	s9 =	sadd.s32 $0xFFFFFEF7, lr;
	s5 =	simm.s32 $0xFFFFFFFF;
	p2 =	slt.u32 s8, $0xFFFFF086  }
0x1c: {  	p1 =	slt.u32 s9, $0xF7A;
	s5 =	simm.s32 @!p2 $0x0  }
0x1d: {  	s5 =	simm.s32 @p1 $0x1;
	p0 =	seq.s32 s7, s2  }
0x1e: {  	s7 =	smul.u32 @!p0 $0xF7A, s2;
	p2 =	seq.s32 @!p0 s5, $0x0  }
0x1f: {  	s9 =	smul.u32 $0xF7A, s1;
	s8 =	simm.s32 @!p0 $0x1BF5;
	p2 =	por !p2, p0  }
0x20: {  	[sflag:s8] =	ssyncset.s32 @!p0 $0xFFFFF086;
	s6 =	sadd.s32 @!p0 s3, s7;
	s7 =	simm.s32 @!p0 $0x108  }
0x21: {  	s3 =	sadd.s32 s3, s9;
	s6 =	sadd.s32 @!p0 $0x88, s6;
	s7 =	simm.s32 @p2 $0x1082  }
0x22: {  	[simem:s7], [sflag:s8] =	dma.local @!p0 [hbm:s6], $0xF7A  }
0x23: {  	s9 =	sor.u32 $0xD0000000, s2;
	s6 =	simm.s32 $0x108;
	_ =	swait.ge @!p0 [sflag:s8], $0x0  }
0x24: {  	s3 =	sadd.s32 $0x88, s3;
	s6 =	simm.s32 @!p1 $0x1082;
	[sflag:s4] =	ssyncset.s32 $0xFFFFF086  }
0x25: {  	[simem:s6], [sflag:s4] =	dma.local [hbm:s3], $0xF7A  }
0x26: {  	[smem:$0x3F97] =	sst s1;
	(tag) =	ssettag s2;
	_ =	strace s9  }
0x27: {  	s1 =	sld [smem:$0x3FA7]  }
0x28: {  	s2 =	sld [smem:$0x3FA8]  }
0x29: {  	s4 =	sld [smem:$0x3FAA]  }
0x2a: {  	p0 =	seq.s32 s5, $0x0;
	s5 =	sld [smem:$0x3FAB]  }
0x2b: {  	s6 =	sld [smem:$0x3FAC]  }
0x2c: {  	s7 =	sld [smem:$0x3FAD]  }
0x2d: {  	s3 =	simm.s32 $0x108;
	s8 =	sld [smem:$0x3FAE]  }
0x2e: {  	s3 =	simm.s32 @!p0 $0x1082;
	s9 =	sld [smem:$0x3FAF]  }
0x2f: {  	lr =	sadd.s32 s0, s3;
	s0 =	sld [smem:$0x3FA6]  }
0x30: {  	s3 =	sld [smem:$0x3FA9]  }
0x31: {  	[smem:$0x3FB2] =	sst s10  }
0x32: {  	s10 =	sld [smem:$0x3FB0];
	_ =	sdelay $0x3  }
0x33: {  	p0 =	seq.s32 s10, $0x1;
	s10 =	sld [smem:$0x3FB2];
	_ =	sdelay $0x3  }
0x34: {  	[smem:$0x3FB2] =	sst s10  }
0x35: {  	s10 =	sld [smem:$0x3FB1];
	_ =	sdelay $0x3  }
0x36: {  	p1 =	seq.s32 s10, $0x1;
	s10 =	sld [smem:$0x3FB2];
	_ =	sdelay $0x3  }
0x37: {  	[smem:$0x3FB2] =	sst s10  }
0x38: {  	s10 =	sld [smem:$0x3FB3]  }
0x39: {  	_ = 	snop;
	(pc) =	sbr.ind lr, $3  }
0x3a: {  	_ = 	snop  }
0x3b: {  	_ = 	snop  }
0x3c: {  	p2 =	seq.s32 s10, $0x1;
	s10 =	sld [smem:$0x3FB2]  }
0x3d: {  	_ =	shalt  }
0x3e: {  	_ =	shalt  }
0x3f: {  	_ =	shalt  }
0x40: {  	_ =	shalt  }
0x41: {  	_ =	shalt  }
0x42: {  	_ =	shalt  }
0x43: {  	_ =	shalt  }
0x44: {  	_ =	shalt  }
0x45: {  	_ =	shalt  }
0x46: {  	_ =	shalt  }
0x47: {  	_ =	shalt  }
0x48: {  	_ =	shalt  }
0x49: {  	_ =	shalt  }
0x4a: {  	_ =	shalt  }
0x4b: {  	_ =	shalt  }
0x4c: {  	_ =	shalt  }
0x4d: {  	_ =	shalt  }
0x4e: {  	_ =	shalt  }
0x4f: {  	_ =	shalt  }
0x50: {  	_ =	shalt  }
0x51: {  	_ =	shalt  }
0x52: {  	_ =	shalt  }
0x53: {  	_ =	shalt  }
0x54: {  	_ =	shalt  }
0x55: {  	_ =	shalt  }
0x56: {  	_ =	shalt  }
0x57: {  	_ =	shalt  }
0x58: {  	_ =	shalt  }
0x59: {  	_ =	shalt  }
0x5a: {  	_ =	shalt  }
0x5b: {  	_ =	shalt  }
0x5c: {  	_ =	shalt  }
0x5d: {  	_ =	shalt  }
0x5e: {  	_ =	shalt  }
0x5f: {  	_ =	shalt  }
0x60: {  	_ =	shalt  }
0x61: {  	_ =	shalt  }
0x62: {  	_ =	shalt  }
0x63: {  	_ =	shalt  }
0x64: {  	_ =	shalt  }
0x65: {  	_ =	shalt  }
0x66: {  	_ =	shalt  }
0x67: {  	_ =	shalt  }
0x68: {  	_ =	shalt  }
0x69: {  	_ =	shalt  }
0x6a: {  	_ =	shalt  }
0x6b: {  	_ =	shalt  }
0x6c: {  	_ =	shalt  }
0x6d: {  	_ =	shalt  }
0x6e: {  	_ =	shalt  }
0x6f: {  	_ =	shalt  }
0x70: {  	_ =	shalt  }
0x71: {  	_ =	shalt  }
0x72: {  	_ =	shalt  }
0x73: {  	_ =	shalt  }
0x74: {  	_ =	shalt  }
0x75: {  	_ =	shalt  }
0x76: {  	_ =	shalt  }
0x77: {  	_ =	shalt  }
0x78: {  	_ =	shalt  }
0x79: {  	_ =	shalt  }
0x7a: {  	_ =	shalt  }
0x7b: {  	_ =	shalt  }
0x7c: {  	_ =	shalt  }
0x7d: {  	_ =	shalt  }
0x7e: {  	_ =	shalt  }
0x7f: {  	_ =	shalt  }
0x80: {  	_ =	shalt  }
0x81: {  	_ =	shalt  }
0x82: {  	_ =	shalt  }
0x83: {  	_ =	shalt  }
0x84: {  	_ =	shalt  }
0x85: {  	_ =	shalt  }
0x86: {  	_ =	shalt  }
0x87: {  	_ =	shalt  }
.Lfunc_end0:
.L_simem_size_0:
called_computation_lowered:
.L_overlay_start_0:
0x88: {  	s2 =	sld [smem:$0x3FD9]  }
0x89: {  	s3 =	sld [smem:$0x3FFE];
	_ =	sdelay $0x1  }
0x8a: {  	s1 =	srdreg.scid  }
0x8b: {  	s0 =	sand.u32 $0x1, s1  }
0x8c: {  	s17 =	sshll.u32 s0, $0xA;
	s2 =	sadd.s32 s3, s2  }
0x8d: {  	s2 =	sadd.s32 s2, s17  }
0x8e: {  	[smem:$0x3FBE] =	sst s2  }
0x8f: {  	_ = 	snop  }
0x90: {  	s18 =	sld [smem:$0x3FC7]  }
0x91: {  	s4 =	sld [smem:$0x3FD0];
	(tm) =	ssettm $0x1  }
0x92: {  	s19 =	sld [smem:$0x3FFB];
	_ =	sdelay $0x3  }
0x93: {  	_ =	strace s19  }
0x94: {  	s2 =	sld [smem:$0x3FFC];
	_ =	sdelay $0x3  }
0x95: {  	_ =	strace s2  }
0x96: {  	s2 =	sld [smem:$0x3FFD];
	_ =	sdelay $0x3  }
0x97: {  	_ =	strace s2  }
0x98: {  	_ =	strace $0x8FFFFFFF  }
0x99: {  	s20 =	sld [smem:$0x3FDB];
	_ =	sdelay $0x1  }
0x9a: {  	s5 =	simm.s32 $_scs_section_size  }
0x9b: {  	s6 =	simm.s32 $_size__tile_overlayer_lowered;
	s7 =	simm.s32 $_tile_overlayer_lowered  }
0x9c: {  	s8 =	simm.s32 $0x1BFF;
	s21 =	sshll.u32 s7, $0x1;
	s5 =	sadd.s32 s5, s20  }
0x9d: {  	s22 =	simm.s32 $0x0;
	s6 =	sshll.u32 s6, $0x1;
	s7 =	sadd.s32 s21, s5  }
0x9e: {  	[timem:s22], [sflag:s8] =	dma.local [hbm:s7], s6  }
0x9f: {  	_ =	swait.ge [sflag:s8], s6  }
0xa0: {  	s6 =	ssub.s32 $0x0, s6;
	[sflag:s8] =	ssyncset.done $0x0  }
0xa1: {  	[sflag:s8] =	ssyncadd.s32 s6;
	_ =	sdelay $0x1  }
0xa2: {  	s23 =	simm.s32 $0x1B8B  }
0xa3: {  	_ =	swait.ge [sflag:s23], $0x1  }
0xa4: {  	[sflag:s23] =	ssyncset.done $0x0  }
0xa5: {  	[sflag:s23] =	ssyncadd.s32 $0xFFFFFFFF  }
0xa6: {  	s6 =	sld [smem:$0x0]  }
0xa7: {  	s7 =	sand.u32 $0xFFFFFFFE, s1  }
0xa8: {  	p0 =	sne.s32 s1, s7  }
0xa9: {  	s7 =	sshll.u32 @p0 s7, $0xE  }
0xaa: {  	s7 =	sadd.s32 @p0 $0x11B8D, s7;
	s8 =	sshll.u32 @p0 s6, $0x11  }
0xab: {  	s7 =	sor.u32 @p0 s8, s7  }
0xac: {  	[sflag:s7] =	ssyncadd.remote.s32 @p0 $0x1;
	_ =	sdelay $0x1  }
0xad: {  	s7 =	simm.s32 @p0 $0x1B8D  }
0xae: {  	_ =	swait.eq @p0 [sflag:s7], $0x1  }
0xaf: {  	[sflag:s7] =	ssyncadd.s32 @p0 $0xFFFFFFFF  }
0xb0: {  	s8 =	sshll.u32 @!p0 s1, $0xE  }
0xb1: {  	s8 =	sor.u32 @!p0 $0x4000, s8;
	s7 =	simm.s32 @!p0 $0x1B8D  }
0xb2: {  	s6 =	sshll.u32 @!p0 s6, $0x11;
	s8 =	sadd.s32 @!p0 $0x11B8D, s8;
	_ =	swait.eq @!p0 [sflag:s7], $0x1  }
0xb3: {  	s6 =	sor.u32 @!p0 s6, s8;
	[sflag:s7] =	ssyncadd.s32 @!p0 $0xFFFFFFFF  }
0xb4: {  	s25 =	simm.s32 $0x1B8E;
	s24 =	sld [smem:$0x3FFE];
	[sflag:s6] =	ssyncadd.remote.s32 @!p0 $0x1  }
0xb5: {  	s26 =	simm.s32 $execute0_lowered;
	[smem:$0x3FD2] =	sst s25  }
0xb6: {  	s7 =	sshll.u32 s26, $0x1;
	_ =	strace $0x80000049;
	[dreg:$0x1] =	wrdreg $0xFFFFFFFF  }
0xb7: {  	s28 =	simm.s32 $_size_execute0_lowered;
	s5 =	sadd.s32 s5, s7;
	[dreg:$0x0] =	wrdreg $0x0  }
0xb8: {  	s7 =	sshll.u32 s28, $0x1;
	[dreg:$0x2] =	wrdreg s5  }
0xb9: {  	[dreg:$0x3] =	wrdreg s7  }
0xba: {  	[dreg:$0x4] =	wrdreg $0xC0  }
0xbb: {  	_ =	task [dreg:s22], $0x5FFFF  }
0xbc: {  	[dreg:$0x1] =	wrdreg $0xFFFFFFFF  }
0xbd: {  	[dreg:$0x0] =	wrdreg $0x60  }
0xbe: {  	[dreg:$0x2] =	wrdreg s24  }
0xbf: {  	[dreg:$0x3] =	wrdreg s18  }
0xc0: {  	[dreg:$0x4] =	wrdreg s4  }
0xc1: {  	[dreg:$0x5] =	wrdreg $0x9  }
0xc2: {  	_ =	task.clear_ibuf [dreg:s22], $0x6FFFF;
	_ =	strace $0x90000049  }
0xc3: {  	s29 =	simm.s32 $0x9;
	_ =	strace $0x8000004B  }
0xc4: {  	_ =	swait.ge [sflag:s29], $0x1  }
0xc5: {  	[sflag:s29] =	ssyncadd.s32 $0xFFFFFFFF  }
0xc6: {  	_ =	strace $0x9000004B  }
0xc7: {  	_ =	sfence  }
0xc8: {  	s30 =	sld [smem:$0x0];
	_ =	sdelay $0x2  }
0xc9: {  	s31 =	sshll.u32 s1, $0xD;
	s1 =	sshrl.u32 s1, $0x2  }
0xca: {  	s4 =	sand.u32 $0x4000, s31;
	s1 =	sadd.s32 s1, s30  }
0xcb: {  	s0 =	sor.u32 s4, s0;
	s1 =	sshll.u32 s1, $0x11  }
0xcc: {  	s0 =	sor.u32 s1, s0  }
0xcd: {  	s0 =	sadd.s32 $0x8F2B, s0  }
0xce: {  	[sflag:s0] =	ssyncadd.remote.s32 $0x1  }
0xcf: {  	_ =	sfence.sel $0xFFFF  }
0xd0: {  	[dreg:$0x0] =	wrdreg $0xFFFFFFFF;
	(pc) =	sbr.abs _section_cstart, $3  }
0xd1: {  	[dreg:$0x1] =	wrdreg $0xFFFFFFFF  }
0xd2: {  	_ =	task.clear_ibuf [dreg:s22], $0x2FFFF;
	_ =	strace $0x9FFFFFFF  }
0xd3: {  	(tm) =	ssettm $0x7FFFFFFF  }
tec
execute0_lowered:
.L_overlay_start_1:
0x0: {  	(tag) =	ssettag $0x1  }
0x1: {  	s0 =	rddreg [dreg:$0x0]  }
0x2: {  	s3 =	rddreg [dreg:$0x2]  }
0x3: {  	s1 =	srdreg.scid;
	s2 =	stileid.u32;
	s4 =	simm.s32 $0x0  }
0x4: {  	s10 =	simm.s32 $0x2;
	s11 =	simm.s32 $0x8000;
	s1 =	sand.u32 $0x1, s1  }
0x5: {  	s12 =	simm.s32 $0x10000;
	s2 =	sshll.u32 s2, $0x9;
	s5 =	sshll.u32 s1, $0x8  }
0x6: {  	s23 =	simm.s32 $0x1;
	s24 =	simm.s32 $0x14000;
	s5 =	sor.u32 s5, s2  }
0x7: {  	v3 =	vlaneseq.u32;
	s25 =	simm.s32 $0x1E080;
	[smem:$0x7FF] =	sst s4;
	s2 =	sshll.u32 s5, $0x4  }
0x8: {  	s6 =	sadd.s32 $0x43000, s0;
	v0 =	vmul.u32 $0x80, v3;
	s1 =	ssub.s32 $0x2, s1;
	s0 =	sadd.s32 s2, s0  }
0x9: {  	vm0 =	vmmov $0xffff;
	v1 =	vand.u32 $0x7, v3;
	v2 =	vshrl.u32 v3, $0x3;
	_ =	strace $0x8000004A;
	s30 =	sshrl.u32 s1, $0x1;
	s31 =	sadd.s32 $0xC3000, s0  }
0xa: {  	v3 =	vor.u32 $0x8, v3;
	v2 =	vmul.u32 $0x8, v2;
	v4 =	vor.u32 $0x1, v0;
	s1 =	ssub.s32 s1, s30;
	s0 =	sadd.s32 $0xA3000, s0;
	[dreg:$0x4] =	wrdreg s31  }
0xb: {  	s26 =	simm.s32 $0x0;
	v5 =	vor.u32 $0x2, v0;
	v6 =	vor.u32 $0x3, v0;
	v7 =	vor.u32 $0x4, v0;
	s9 =	smax.u32 s1, $0x1;
	[dreg:$0x5] =	wrdreg s0  }
.LBB2_1:
0xc: {  	s0 =	rddreg [dreg:$0x4]  }
0xd: {  	[tilespmem:s4], [sflag:$0x2] =	stream.linear.gather [hbm4b:s0+s4], $0x8000, $0x38;
	[tilespmem:$0x1F080] =	vst v63  }
0xe: {  	_ =	swait.ge [sflag:s10], $0x8000  }
0xf: {  	[sflag:s10] =	ssyncset.done $0x0  }
0x10: {  	s15 =	rddreg [dreg:$0x5];
	[sflag:s10] =	ssyncadd.s32 $0xFFFF8000  }
0x11: {  	[tilespmem:s11], [sflag:$0x2] =	stream.linear.gather [hbm4b:s15+s4], $0x8000, $0x38;
	[tilespmem:$0x1F080] =	vst v63  }
0x12: {  	_ =	swait.ge [sflag:s10], $0x8000  }
0x13: {  	[sflag:s10] =	ssyncset.done $0x0  }
0x14: {  	[sflag:s10] =	ssyncadd.s32 $0xFFFF8000  }
0x15: {  	s16 =	rddreg [dreg:$0x1]  }
0x16: {  	[tilespmem:s12], [sflag:$0x2] =	stream.linear.gather [hbm4b:s16+s4], $0x4000, $0x38;
	[tilespmem:$0x1F080] =	vst v63  }
0x17: {  	_ =	swait.ge [sflag:s10], $0x4000  }
0x18: {  	[sflag:s10] =	ssyncset.done $0x0  }
0x19: {  	[sflag:s10] =	ssyncadd.s32 $0xFFFFC000  }
0x1a: {  	v8 =	vld.idx.msk [tilespmem:v0+s4+$0x0], $0xffff;
	_ =	sdelay $0x4  }
0x1b: {  	v9 =	vshll.u32 v8, $0x1  }
0x1c: {  	v8 =	vand.u32 $0x7, v8;
	v9 =	vand.u32 $0xFFFFFFF0, v9  }
0x1d: {  	v8 =	vor.u32 v8, v9  }
0x1e: {  	v9 =	vperm.xlane v8, v1;
	_ =	sdelay $0x1  }
0x1f: {  	v8 =	vperm.xlane v8, v3;
	v9 =	vadd.s32 v2, v9;
	_ =	sdelay $0x1  }
0x20: {  	v8 =	vadd.s32 v2, v8;
	_ =	sdelay $0x1  }
0x21: {  	s17 =	simm.s32 $0x14080  }
0x22: {  	[tilespmem:s17], [sflag:$0x1] =	stream.indirect_vreg.gather [hbm4b:s6+s4], $0x80, v9, vm0, $0xb8;
	[tilespmem:$0x1F080] =	vst v63  }
0x23: {  	s18 =	simm.s32 $0x14880  }
0x24: {  	[tilespmem:s18], [sflag:$0x1] =	stream.indirect_vreg.gather [hbm4b:s6+s4], $0x80, v8, vm0, $0xb8;
	[tilespmem:$0x1F080] =	vst v63  }
0x25: {  	v8 =	vld.idx.msk [tilespmem:v4+s4+$0x0], $0xffff;
	_ =	sdelay $0x4  }
0x26: {  	v60 =	vshll.u32 v8, $0x1  }
0x27: {  	v8 =	vand.u32 $0x7, v8;
	v9 =	vand.u32 $0xFFFFFFF0, v60  }
0x28: {  	v8 =	vor.u32 v8, v9  }
0x29: {  	v9 =	vperm.xlane v8, v1;
	_ =	sdelay $0x1  }
0x2a: {  	v8 =	vperm.xlane v8, v3;
	v9 =	vadd.s32 v2, v9;
	_ =	sdelay $0x1  }
0x2b: {  	v8 =	vadd.s32 v2, v8;
	_ =	sdelay $0x1  }
0x2c: {  	s19 =	simm.s32 $0x15080  }
0x2d: {  	[tilespmem:s19], [sflag:$0x1] =	stream.indirect_vreg.gather [hbm4b:s6+s4], $0x80, v9, vm0, $0xb8;
	[tilespmem:$0x1F080] =	vst v63  }
0x2e: {  	s20 =	simm.s32 $0x15880  }
0x2f: {  	[tilespmem:s20], [sflag:$0x1] =	stream.indirect_vreg.gather [hbm4b:s6+s4], $0x80, v8, vm0, $0xb8;
	[tilespmem:$0x1F080] =	vst v63  }
0x30: {  	v8 =	vld.idx.msk [tilespmem:v5+s4+$0x0], $0xffff;
	_ =	sdelay $0x4  }
0x31: {  	v61 =	vshll.u32 v8, $0x1  }
0x32: {  	v8 =	vand.u32 $0x7, v8;
	v9 =	vand.u32 $0xFFFFFFF0, v61  }
0x33: {  	v8 =	vor.u32 v8, v9  }
0x34: {  	v9 =	vperm.xlane v8, v1;
	_ =	sdelay $0x1  }
0x35: {  	v8 =	vperm.xlane v8, v3;
	v9 =	vadd.s32 v2, v9;
	_ =	sdelay $0x1  }
0x36: {  	v8 =	vadd.s32 v2, v8;
	_ =	sdelay $0x1  }
0x37: {  	s21 =	simm.s32 $0x16080  }
0x38: {  	[tilespmem:s21], [sflag:$0x1] =	stream.indirect_vreg.gather [hbm4b:s6+s4], $0x80, v9, vm0, $0xb8;
	[tilespmem:$0x1F080] =	vst v63  }
0x39: {  	s22 =	simm.s32 $0x16880  }
0x3a: {  	[tilespmem:s22], [sflag:$0x1] =	stream.indirect_vreg.gather [hbm4b:s6+s4], $0x80, v8, vm0, $0xb8;
	[tilespmem:$0x1F080] =	vst v63  }
0x3b: {  	v8 =	vld.idx.msk [tilespmem:v6+s4+$0x0], $0xffff;
	_ =	sdelay $0x4  }
0x3c: {  	v62 =	vshll.u32 v8, $0x1  }
0x3d: {  	v8 =	vand.u32 $0x7, v8;
	v9 =	vand.u32 $0xFFFFFFF0, v62  }
0x3e: {  	v8 =	vor.u32 v8, v9  }
0x3f: {  	v9 =	vperm.xlane v8, v1;
	_ =	sdelay $0x1  }
0x40: {  	v8 =	vperm.xlane v8, v3;
	v9 =	vadd.s32 v2, v9;
	_ =	sdelay $0x1  }
0x41: {  	v8 =	vadd.s32 v2, v8;
	_ =	sdelay $0x1  }
0x42: {  	s28 =	simm.s32 $0x17080  }
0x43: {  	[tilespmem:s28], [sflag:$0x1] =	stream.indirect_vreg.gather [hbm4b:s6+s4], $0x80, v9, vm0, $0xb8;
	[tilespmem:$0x1F080] =	vst v63  }
0x44: {  	s29 =	simm.s32 $0x17880  }
0x45: {  	[tilespmem:s29], [sflag:$0x1] =	stream.indirect_vreg.gather [hbm4b:s6+s4], $0x80, v8, vm0, $0xb8;
	[tilespmem:$0x1F080] =	vst v63  }
0x46: {  	v8 =	vld.idx.msk [tilespmem:v7+s4+$0x0], $0xffff;
	_ =	sdelay $0x4  }
0x47: {  	v63 =	vshll.u32 v8, $0x1  }
0x48: {  	v8 =	vand.u32 $0x7, v8;
	v9 =	vand.u32 $0xFFFFFFF0, v63  }
0x49: {  	v8 =	vor.u32 v8, v9  }
0x4a: {  	v9 =	vperm.xlane v8, v1;
	_ =	sdelay $0x1  }
0x4b: {  	v8 =	vperm.xlane v8, v3;
	v9 =	vadd.s32 v2, v9;
	_ =	sdelay $0x1  }
0x4c: {  	v8 =	vadd.s32 v2, v8;
	_ =	sdelay $0x1  }
0x4d: {  	s30 =	simm.s32 $0x18080  }
0x4e: {  	[tilespmem:s30], [sflag:$0x1] =	stream.indirect_vreg.gather [hbm4b:s6+s4], $0x80, v9, vm0, $0xb8;
	[tilespmem:$0x1F080] =	vst v63  }
0x4f: {  	s31 =	simm.s32 $0x18880;
	s1 =	simm.s32 $0x0  }
0x50: {  	[tilespmem:s31], [sflag:$0x1] =	stream.indirect_vreg.gather [hbm4b:s6+s4], $0x80, v8, vm0, $0xb8;
	[tilespmem:$0x1F080] =	vst v63  }
.LBB2_2:
0x51: {  	_ =	swait.ge [sflag:s23], $0x1000  }
0x52: {  	[sflag:s23] =	ssyncset.done $0x0  }
0x53: {  	[sflag:s23] =	ssyncadd.s32 $0xFFFFF000  }
0x54: {  	_ =	swait.ge [sflag:s23], $0x1000  }
0x55: {  	[sflag:s23] =	ssyncset.done $0x0  }
0x56: {  	[sflag:s23] =	ssyncadd.s32 $0xFFFFF000  }
0x57: {  	_ =	swait.ge [sflag:s23], $0x1000  }
0x58: {  	[sflag:s23] =	ssyncset.done $0x0  }
0x59: {  	[sflag:s23] =	ssyncadd.s32 $0xFFFFF000  }
0x5a: {  	p0 =	seq.s32 s1, $0xF;
	_ =	swait.ge [sflag:s23], $0x1000  }
.Ltmp0:
0x5b: {  	[sflag:s23] =	ssyncset.done $0x0;
	(pc) =	sbr.rel @p0 .LBB2_4-.Ltmp0, $4  }
0x5c: {  	[sflag:s23] =	ssyncadd.s32 $0xFFFFF000  }
0x5d: {  	_ =	swait.ge [sflag:s23], $0x1000  }
0x5e: {  	[sflag:s23] =	ssyncset.done $0x0  }
0x5f: {  	s0 =	sand.u32 $0x1, s1;
	s28 =	sadd.s32 $0x1, s1;
	[sflag:s23] =	ssyncadd.s32 $0xFFFFF000  }
0x60: {  	s2 =	sshll.u32 s28, $0x4  }
0x61: {  	v8 =	vmov s2  }
0x62: {  	v8 =	vshll.u32 v8, $0x7  }
0x63: {  	v8 =	vor.u32 v0, v8;
	_ =	sdelay $0x4  }
0x64: {  	v9 =	vld.idx.msk [tilespmem:v8+s4+$0x0], $0xffff;
	_ =	sdelay $0x4  }
0x65: {  	v10 =	vshll.u32 v9, $0x1  }
0x66: {  	v9 =	vand.u32 $0x7, v9;
	v10 =	vand.u32 $0xFFFFFFF0, v10  }
0x67: {  	v9 =	vor.u32 v9, v10  }
0x68: {  	v10 =	vperm.xlane v9, v1;
	_ =	sdelay $0x1  }
0x69: {  	s17 =	sxor.u32 $0x1, s0;
	v9 =	vperm.xlane v9, v3;
	v10 =	vadd.s32 v2, v10  }
0x6a: {  	s2 =	smul.u32 $0x14000, s17  }
0x6b: {  	v9 =	vadd.s32 v2, v9  }
0x6c: {  	s2 =	sshrl.u32 s2, $0x2;
	v11 =	vor.u32 $0x1, v8  }
0x6d: {  	s13 =	sadd.s32 $0x14080, s2  }
0x6e: {  	[tilespmem:s13], [sflag:$0x1] =	stream.indirect_vreg.gather [hbm4b:s6+s4], $0x80, v10, vm0, $0xb8;
	[tilespmem:$0x1F080] =	vst v63  }
0x6f: {  	s18 =	sadd.s32 $0x14880, s2  }
0x70: {  	[tilespmem:s18], [sflag:$0x1] =	stream.indirect_vreg.gather [hbm4b:s6+s4], $0x80, v9, vm0, $0xb8;
	[tilespmem:$0x1F080] =	vst v63  }
0x71: {  	v9 =	vld.idx.msk [tilespmem:v11+s4+$0x0], $0xffff;
	_ =	sdelay $0x4  }
0x72: {  	v58 =	vshll.u32 v9, $0x1  }
0x73: {  	v9 =	vand.u32 $0x7, v9;
	v10 =	vand.u32 $0xFFFFFFF0, v58  }
0x74: {  	v9 =	vor.u32 v9, v10  }
0x75: {  	v10 =	vperm.xlane v9, v1;
	_ =	sdelay $0x1  }
0x76: {  	v9 =	vperm.xlane v9, v3;
	v10 =	vadd.s32 v2, v10;
	_ =	sdelay $0x1  }
0x77: {  	v9 =	vadd.s32 v2, v9  }
0x78: {  	v59 =	vor.u32 $0x2, v8  }
0x79: {  	s19 =	sadd.s32 $0x15080, s2  }
0x7a: {  	[tilespmem:s19], [sflag:$0x1] =	stream.indirect_vreg.gather [hbm4b:s6+s4], $0x80, v10, vm0, $0xb8;
	[tilespmem:$0x1F080] =	vst v63  }
0x7b: {  	s20 =	sadd.s32 $0x15880, s2  }
0x7c: {  	[tilespmem:s20], [sflag:$0x1] =	stream.indirect_vreg.gather [hbm4b:s6+s4], $0x80, v9, vm0, $0xb8;
	[tilespmem:$0x1F080] =	vst v63  }
0x7d: {  	v9 =	vld.idx.msk [tilespmem:v59+s4+$0x0], $0xffff;
	_ =	sdelay $0x4  }
0x7e: {  	v60 =	vshll.u32 v9, $0x1  }
0x7f: {  	v9 =	vand.u32 $0x7, v9;
	v10 =	vand.u32 $0xFFFFFFF0, v60  }
0x80: {  	v9 =	vor.u32 v9, v10  }
0x81: {  	v10 =	vperm.xlane v9, v1;
	_ =	sdelay $0x1  }
0x82: {  	v9 =	vperm.xlane v9, v3;
	v10 =	vadd.s32 v2, v10;
	_ =	sdelay $0x1  }
0x83: {  	v9 =	vadd.s32 v2, v9  }
0x84: {  	v61 =	vor.u32 $0x3, v8  }
0x85: {  	s21 =	sadd.s32 $0x16080, s2  }
0x86: {  	[tilespmem:s21], [sflag:$0x1] =	stream.indirect_vreg.gather [hbm4b:s6+s4], $0x80, v10, vm0, $0xb8;
	[tilespmem:$0x1F080] =	vst v63  }
0x87: {  	s22 =	sadd.s32 $0x16880, s2  }
0x88: {  	[tilespmem:s22], [sflag:$0x1] =	stream.indirect_vreg.gather [hbm4b:s6+s4], $0x80, v9, vm0, $0xb8;
	[tilespmem:$0x1F080] =	vst v63  }
0x89: {  	v9 =	vld.idx.msk [tilespmem:v61+s4+$0x0], $0xffff;
	_ =	sdelay $0x4  }
0x8a: {  	v62 =	vshll.u32 v9, $0x1  }
0x8b: {  	v9 =	vand.u32 $0x7, v9;
	v10 =	vand.u32 $0xFFFFFFF0, v62  }
0x8c: {  	v9 =	vor.u32 v9, v10  }
0x8d: {  	v10 =	vperm.xlane v9, v1;
	_ =	sdelay $0x1  }
0x8e: {  	v9 =	vperm.xlane v9, v3;
	v10 =	vadd.s32 v2, v10;
	_ =	sdelay $0x1  }
0x8f: {  	v9 =	vadd.s32 v2, v9  }
0x90: {  	v8 =	vor.u32 $0x4, v8  }
0x91: {  	s29 =	sadd.s32 $0x17080, s2  }
0x92: {  	[tilespmem:s29], [sflag:$0x1] =	stream.indirect_vreg.gather [hbm4b:s6+s4], $0x80, v10, vm0, $0xb8;
	[tilespmem:$0x1F080] =	vst v63  }
0x93: {  	s30 =	sadd.s32 $0x17880, s2  }
0x94: {  	[tilespmem:s30], [sflag:$0x1] =	stream.indirect_vreg.gather [hbm4b:s6+s4], $0x80, v9, vm0, $0xb8;
	[tilespmem:$0x1F080] =	vst v63  }
0x95: {  	v8 =	vld.idx.msk [tilespmem:v8+s4+$0x0], $0xffff;
	_ =	sdelay $0x4  }
0x96: {  	v63 =	vshll.u32 v8, $0x1  }
0x97: {  	v8 =	vand.u32 $0x7, v8;
	v9 =	vand.u32 $0xFFFFFFF0, v63  }
0x98: {  	v8 =	vor.u32 v8, v9  }
0x99: {  	v9 =	vperm.xlane v8, v1;
	_ =	sdelay $0x1  }
0x9a: {  	v8 =	vperm.xlane v8, v3;
	v9 =	vadd.s32 v2, v9;
	_ =	sdelay $0x1  }
0x9b: {  	v8 =	vadd.s32 v2, v8;
	_ =	sdelay $0x1  }
0x9c: {  	s31 =	sor.u32 $0x18080, s2  }
0x9d: {  	[tilespmem:s31], [sflag:$0x1] =	stream.indirect_vreg.gather [hbm4b:s6+s4], $0x80, v9, vm0, $0xb8;
	[tilespmem:$0x1F080] =	vst v63  }
0x9e: {  	s2 =	sor.u32 $0x18880, s2  }
0x9f: {  	[tilespmem:s2], [sflag:$0x1] =	stream.indirect_vreg.gather [hbm4b:s6+s4], $0x80, v8, vm0, $0xb8;
	[tilespmem:$0x1F080] =	vst v63  }
.LBB2_4:
0xa0: {  	s29 =	sshll.u32 s1, $0x4  }
0xa1: {  	v8 =	vmov s29  }
0xa2: {  	v8 =	vshll.u32 v8, $0x7  }
0xa3: {  	v8 =	vor.u32 v0, v8;
	_ =	sdelay $0x3  }
0xa4: {  	s30 =	simm.s32 $0x0;
	v10 =	vor.u32 $0x1, v8  }
0xa5: {  	v11 =	vor.u32 $0x2, v8;
	v9 =	vld.idx.msk [tilespmem:v8+s30+$0x0], $0xffff;
	_ =	sdelay $0x3  }
0xa6: {  	v17 =	vor.u32 $0x3, v8;
	v13 =	vld.idx.msk [tilespmem:v10+s30+$0x0], $0xffff  }
0xa7: {  	v16 =	vld.idx.msk [tilespmem:v11+s30+$0x0], $0xffff;
	v12 =	vshll.u32 v9, $0x2  }
0xa8: {  	v9 =	vand.u32 $0x7F, v9;
	v12 =	vand.u32 $0xFFFFFE00, v12  }
0xa9: {  	v9 =	vor.u32 v9, v12  }
0xaa: {  	v12 =	vld.idx.msk [tilespmem:v8+s11+$0x0], $0xffff;
	v8 =	vor.u32 $0x4, v8  }
0xab: {  	v17 =	vld.idx.msk [tilespmem:v17+s30+$0x0], $0xffff;
	v18 =	vshll.u32 v13, $0x2;
	v13 =	vand.u32 $0x7F, v13;
	v14 =	vor.u32 $0x80, v9  }
0xac: {  	v10 =	vld.idx.msk [tilespmem:v10+s11+$0x0], $0xffff;
	v19 =	vshll.u32 v16, $0x2;
	v18 =	vand.u32 $0xFFFFFE00, v18;
	v15 =	vor.u32 $0x100, v9  }
0xad: {  	v11 =	vld.idx.msk [tilespmem:v11+s11+$0x0], $0xffff;
	v16 =	vand.u32 $0x7F, v16;
	v19 =	vand.u32 $0xFFFFFE00, v19;
	v13 =	vor.u32 v13, v18  }
0xae: {  	v16 =	vor.u32 v16, v19;
	v9 =	vld.idx.msk [tilespmem:v9+s12+$0x0], $0xffff  }
0xaf: {  	v18 =	vor.u32 $0x80, v13;
	v8 =	vld.idx.msk [tilespmem:v8+s30+$0x0], $0xffff  }
0xb0: {  	v21 =	vshll.u32 v17, $0x2;
	v14 =	vld.idx.msk [tilespmem:v14+s12+$0x0], $0xffff  }
0xb1: {  	v17 =	vand.u32 $0x7F, v17;
	v21 =	vand.u32 $0xFFFFFE00, v21;
	v19 =	vor.u32 $0x80, v16;
	v15 =	vld.idx.msk [tilespmem:v15+s12+$0x0], $0xffff  }
0xb2: {  	v17 =	vor.u32 v17, v21;
	v20 =	vld.idx.msk [tilespmem:v13+s12+$0x0], $0xffff  }
0xb3: {  	v13 =	vor.u32 $0x100, v13;
	v22 =	vld.idx.msk [tilespmem:v16+s12+$0x0], $0xffff  }
0xb4: {  	v16 =	vor.u32 $0x100, v16;
	v18 =	vld.idx.msk [tilespmem:v18+s12+$0x0], $0xffff  }
0xb5: {  	v21 =	vor.u32 $0x80, v17;
	v61 =	vor.u32 $0x100, v17  }
0xb6: {  	v19 =	vld.idx.msk [tilespmem:v19+s12+$0x0], $0xffff;
	v9 =	vsub.f32 v9, v12;
	v23 =	vshll.u32 v8, $0x2;
	v14 =	vsub.f32 v14, v10  }
0xb7: {  	v17 =	vld.idx.msk [tilespmem:v17+s12+$0x0], $0xffff;
	v8 =	vand.u32 $0x7F, v8;
	v15 =	vsub.f32 v15, v11;
	v23 =	vand.u32 $0xFFFFFE00, v23  }
0xb8: {  	v13 =	vld.idx.msk [tilespmem:v13+s12+$0x0], $0xffff;
	v9 =	vmul.f32 v9, v9;
	v8 =	vor.u32 v8, v23;
	v14 =	vmul.f32 v14, v14  }
0xb9: {  	v16 =	vld.idx.msk [tilespmem:v16+s12+$0x0], $0xffff;
	v22 =	vsub.f32 v22, v12;
	v18 =	vsub.f32 v18, v10;
	v23 =	vor.u32 $0x80, v8  }
0xba: {  	v21 =	vld.idx.msk [tilespmem:v21+s12+$0x0], $0xffff;
	v9 =	vadd.f32 v14, v9;
	v14 =	vmul.f32 v15, v15;
	v15 =	vsub.f32 v20, v12  }
0xbb: {  	v19 =	vsub.f32 v19, v10;
	v22 =	vmul.f32 v22, v22;
	v62 =	vor.u32 $0x100, v8  }
0xbc: {  	v17 =	vsub.f32 v17, v12;
	v18 =	vmul.f32 v18, v18;
	v15 =	vmul.f32 v15, v15  }
0xbd: {  	v19 =	vmul.f32 v19, v19;
	v13 =	vsub.f32 v13, v11;
	v9 =	vadd.f32 v14, v9;
	v14 =	vld.idx.msk [tilespmem:v61+s12+$0x0], $0xffff  }
0xbe: {  	v16 =	vsub.f32 v16, v11;
	v8 =	vld.idx.msk [tilespmem:v8+s12+$0x0], $0xffff;
	v15 =	vadd.f32 v18, v15  }
0xbf: {  	v63 =	vld.idx.msk [tilespmem:v23+s12+$0x0], $0xffff;
	v13 =	vmul.f32 v13, v13;
	v18 =	vadd.f32 v19, v22;
	v19 =	vsub.f32 v21, v10  }
0xc0: {  	v17 =	vmul.f32 v17, v17;
	v16 =	vmul.f32 v16, v16;
	v20 =	vld.idx.msk [tilespmem:v62+s12+$0x0], $0xffff;
	v9 =	vmax.f32 v9, $1.000000010e-10  }
0xc1: {  	(erf) = vrcp.f32 v9;
	v19 =	vmul.f32 v19, v19;
	v9 =	vadd.f32 v13, v15  }
0xc2: {  	v13 =	vadd.f32 v16, v18;
	v14 =	vsub.f32 v14, v11  }
0xc3: {  	v8 =	vsub.f32 v8, v12;
	v15 =	vadd.f32 v19, v17  }
0xc4: {  	v9 =	vmax.f32 v9, $1.000000010e-10;
	v10 =	vsub.f32 v63, v10;
	v14 =	vmul.f32 v14, v14  }
0xc5: {  	v11 =	vsub.f32 v20, v11;
	(erf) = vrcp.f32 v9;
	v9 =	vmax.f32 v13, $1.000000010e-10  }
0xc6: {  	v8 =	vmul.f32 v8, v8;
	v10 =	vmul.f32 v10, v10;
	v12 =	vadd.f32 v14, v15  }
0xc7: {  	(erf) = vrcp.f32 v9  }
0xc8: {  	v8 =	vadd.f32 v10, v8;
	v10 =	vmul.f32 v11, v11;
	v9 =	vmax.f32 v12, $1.000000010e-10  }
0xc9: {  	(erf) = vrcp.f32 v9  }
0xca: {  	v8 =	vadd.f32 v10, v8;
	_ =	sdelay $0x1  }
0xcb: {  	v8 =	vmax.f32 v8, $1.000000010e-10;
	_ =	sdelay $0x1  }
0xcc: {  	(erf) = vrcp.f32 v8  }
0xcd: {  	v8 =	vpop (erf)  }
0xce: {  	v9 =	vpop (erf)  }
0xcf: {  	v10 =	vpop (erf)  }
0xd0: {  	v11 =	vpop (erf)  }
0xd1: {  	v13 =	vadd.f32 v11, v10  }
0xd2: {  	v12 =	vadd.f32 v9, v8;
	_ =	sdelay $0x1  }
0xd3: {  	v12 =	vadd.f32 v13, v12  }
0xd4: {  	v13 =	vpop (erf)  }
0xd5: {  	v12 =	vadd.f32 v13, v12;
	_ =	sdelay $0x1  }
0xd6: {  	(erf) = vrcp.f32 v12;
	_ =	sdelay $0x8  }
0xd7: {  	v12 =	vpop (erf)  }
0xd8: {  	v8 =	vmul.f32 v12, v8  }
0xd9: {  	s19 =	simm.s32 $0x10;
	v9 =	vmul.f32 v12, v9  }
0xda: {  	[tilespmem:$0x14000] =	vst v8;
	v8 =	vmul.f32 v12, v10;
	v10 =	vmov s19  }
0xdb: {  	s0 =	smul.u32 $0x14000, s0;
	[tilespmem:$0x14010] =	vst v9;
	v9 =	vmul.f32 v12, v11;
	v11 =	vmov s30  }
0xdc: {  	[tilespmem:$0x14020] =	vst v8;
	v8 =	vmul.f32 v12, v13  }
0xdd: {  	s20 =	simm.s32 $0x20;
	s15 =	sshrl.u32 s0, $0x2;
	[tilespmem:$0x14030] =	vst v9  }
0xde: {  	s21 =	simm.s32 $0x30;
	s0 =	sadd.s32 $0x15080, s15;
	s19 =	sand.u32 $0x800, s30;
	[tilespmem:$0x14040] =	vst v8;
	v8 =	vmov s20  }
0xdf: {  	s31 =	sadd.s32 $0x14080, s15;
	s2 =	sadd.s32 s19, s0;
	s20 =	sand.u32 $0x380, s30;
	v9 =	vld.idx.msk [tilespmem:v10+s24+$0x0], $0xffff  }
0xe0: {  	s13 =	sadd.s32 s19, s31;
	v10 =	vmov s21;
	v11 =	vld.idx.msk [tilespmem:v11+s24+$0x0], $0xffff;
	s1 =	sadd.s32 s20, s2  }
0xe1: {  	s16 =	simm.s32 $0x40;
	s2 =	sadd.s32 $0x16080, s15;
	s14 =	sadd.s32 s20, s13;
	v12 =	vld [tilespmem:s1+$0x0]  }
0xe2: {  	v13 =	vmov s16;
	v14 =	vld [tilespmem:s14+$0x0];
	s22 =	sadd.s32 s19, s2  }
0xe3: {  	s13 =	sadd.s32 $0x17080, s15;
	s16 =	sadd.s32 s20, s22;
	v15 =	vld.idx.msk [tilespmem:v8+s24+$0x0], $0xffff  }
0xe4: {  	s17 =	sadd.s32 s19, s13;
	v16 =	vld [tilespmem:s16+$0x0]  }
0xe5: {  	s15 =	sor.u32 $0x18080, s15;
	s17 =	sadd.s32 s20, s17;
	v17 =	vld.idx.msk [tilespmem:v10+s24+$0x0], $0xffff  }
0xe6: {  	s18 =	sadd.s32 s19, s15;
	v18 =	vld [tilespmem:s17+$0x0];
	v8 =	vpack.i.f32.bf16 v11, v11;
	v9 =	vpack.i.f32.bf16 v9, v9  }
0xe7: {  	v13 =	vld.idx.msk [tilespmem:v13+s24+$0x0], $0xffff;
	s18 =	sadd.s32 s20, s18;
	v11 =	vmul.bf16 v14, v8;
	v12 =	vmul.bf16 v12, v9  }
0xe8: {  	v14 =	vld [tilespmem:s18+$0x0];
	v10 =	vpack.i.f32.bf16 v15, v15  }
0xe9: {  	v12 =	vadd.bf16 v12, v11;
	v15 =	vmul.bf16 v16, v10  }
0xea: {  	v11 =	vpack.i.f32.bf16 v17, v17  }
0xeb: {  	v16 =	vmul.bf16 v18, v11;
	v15 =	vadd.bf16 v15, v12  }
0xec: {  	v12 =	vpack.i.f32.bf16 v13, v13  }
0xed: {  	v14 =	vmul.bf16 v14, v12;
	v13 =	vadd.bf16 v16, v15;
	_ =	sdelay $0x1  }
0xee: {  	v13 =	vadd.bf16 v14, v13  }
0xef: {  	s19 =	sor.u32 s20, s19  }
0xf0: {  	[tilespmem:s19+$0x1E080] =	vst v13  }
0xf1: {  	v13 =	vld [tilespmem:s14+$0x10]  }
0xf2: {  	v14 =	vld [tilespmem:s1+$0x10];
	_ =	sdelay $0x1  }
0xf3: {  	v15 =	vld [tilespmem:s16+$0x10];
	_ =	sdelay $0x1  }
0xf4: {  	v16 =	vld [tilespmem:s17+$0x10]  }
0xf5: {  	v13 =	vmul.bf16 v13, v8;
	v14 =	vmul.bf16 v14, v9  }
0xf6: {  	v17 =	vld [tilespmem:s18+$0x10]  }
0xf7: {  	v13 =	vadd.bf16 v14, v13;
	v14 =	vmul.bf16 v15, v10;
	_ =	sdelay $0x1  }
0xf8: {  	v13 =	vadd.bf16 v14, v13;
	v14 =	vmul.bf16 v16, v11;
	_ =	sdelay $0x1  }
0xf9: {  	v13 =	vadd.bf16 v14, v13;
	v14 =	vmul.bf16 v17, v12;
	_ =	sdelay $0x1  }
0xfa: {  	v13 =	vadd.bf16 v14, v13  }
0xfb: {  	s19 =	sadd.s32 $0x1E080, s19  }
0xfc: {  	[tilespmem:s19+$0x10] =	vst v13  }
0xfd: {  	v13 =	vld [tilespmem:s14+$0x20]  }
0xfe: {  	v14 =	vld [tilespmem:s1+$0x20];
	_ =	sdelay $0x1  }
0xff: {  	v15 =	vld [tilespmem:s16+$0x20];
	_ =	sdelay $0x1  }
0x100: {  	v16 =	vld [tilespmem:s17+$0x20]  }
0x101: {  	v13 =	vmul.bf16 v13, v8;
	v14 =	vmul.bf16 v14, v9  }
0x102: {  	v17 =	vld [tilespmem:s18+$0x20]  }
0x103: {  	v15 =	vmul.bf16 v15, v10;
	v13 =	vadd.bf16 v14, v13;
	_ =	sdelay $0x1  }
0x104: {  	v14 =	vmul.bf16 v16, v11;
	v13 =	vadd.bf16 v15, v13;
	_ =	sdelay $0x1  }
0x105: {  	v15 =	vmul.bf16 v17, v12;
	v13 =	vadd.bf16 v14, v13;
	_ =	sdelay $0x1  }
0x106: {  	v13 =	vadd.bf16 v15, v13;
	_ =	sdelay $0x1  }
0x107: {  	[tilespmem:s19+$0x20] =	vst v13  }
0x108: {  	v13 =	vld [tilespmem:s14+$0x30]  }
0x109: {  	v14 =	vld [tilespmem:s1+$0x30];
	_ =	sdelay $0x1  }
0x10a: {  	v15 =	vld [tilespmem:s16+$0x30];
	_ =	sdelay $0x1  }
0x10b: {  	v16 =	vld [tilespmem:s17+$0x30]  }
0x10c: {  	v13 =	vmul.bf16 v13, v8;
	v14 =	vmul.bf16 v14, v9  }
0x10d: {  	v17 =	vld [tilespmem:s18+$0x30]  }
0x10e: {  	v15 =	vmul.bf16 v15, v10;
	v13 =	vadd.bf16 v14, v13;
	_ =	sdelay $0x1  }
0x10f: {  	v14 =	vmul.bf16 v16, v11;
	v13 =	vadd.bf16 v15, v13;
	_ =	sdelay $0x1  }
0x110: {  	v13 =	vadd.bf16 v14, v13;
	v14 =	vmul.bf16 v17, v12;
	_ =	sdelay $0x1  }
0x111: {  	v13 =	vadd.bf16 v14, v13;
	_ =	sdelay $0x1  }
0x112: {  	[tilespmem:s19+$0x30] =	vst v13  }
0x113: {  	v13 =	vld [tilespmem:s14+$0x40]  }
0x114: {  	v14 =	vld [tilespmem:s1+$0x40];
	_ =	sdelay $0x1  }
0x115: {  	v15 =	vld [tilespmem:s16+$0x40];
	_ =	sdelay $0x1  }
0x116: {  	v16 =	vld [tilespmem:s17+$0x40]  }
0x117: {  	v13 =	vmul.bf16 v13, v8;
	v14 =	vmul.bf16 v14, v9  }
0x118: {  	v17 =	vld [tilespmem:s18+$0x40]  }
0x119: {  	v15 =	vmul.bf16 v15, v10;
	v13 =	vadd.bf16 v14, v13;
	_ =	sdelay $0x1  }
0x11a: {  	v14 =	vmul.bf16 v16, v11;
	v13 =	vadd.bf16 v15, v13;
	_ =	sdelay $0x1  }
0x11b: {  	v15 =	vmul.bf16 v17, v12;
	v13 =	vadd.bf16 v14, v13;
	_ =	sdelay $0x1  }
0x11c: {  	v13 =	vadd.bf16 v15, v13;
	_ =	sdelay $0x1  }
0x11d: {  	[tilespmem:s19+$0x40] =	vst v13  }
0x11e: {  	v13 =	vld [tilespmem:s14+$0x50]  }
0x11f: {  	v14 =	vld [tilespmem:s1+$0x50];
	_ =	sdelay $0x1  }
0x120: {  	v15 =	vld [tilespmem:s16+$0x50];
	_ =	sdelay $0x1  }
0x121: {  	v16 =	vld [tilespmem:s17+$0x50]  }
0x122: {  	v13 =	vmul.bf16 v13, v8;
	v14 =	vmul.bf16 v14, v9  }
0x123: {  	v17 =	vld [tilespmem:s18+$0x50]  }
0x124: {  	v15 =	vmul.bf16 v15, v10;
	v13 =	vadd.bf16 v14, v13;
	_ =	sdelay $0x1  }
0x125: {  	v14 =	vmul.bf16 v16, v11;
	v13 =	vadd.bf16 v15, v13;
	_ =	sdelay $0x1  }
0x126: {  	v15 =	vmul.bf16 v17, v12;
	v13 =	vadd.bf16 v14, v13;
	_ =	sdelay $0x1  }
0x127: {  	v13 =	vadd.bf16 v15, v13;
	_ =	sdelay $0x1  }
0x128: {  	[tilespmem:s19+$0x50] =	vst v13  }
0x129: {  	v13 =	vld [tilespmem:s14+$0x60]  }
0x12a: {  	v14 =	vld [tilespmem:s1+$0x60];
	_ =	sdelay $0x1  }
0x12b: {  	v15 =	vld [tilespmem:s16+$0x60];
	_ =	sdelay $0x1  }
0x12c: {  	v16 =	vld [tilespmem:s17+$0x60]  }
0x12d: {  	v13 =	vmul.bf16 v13, v8;
	v14 =	vmul.bf16 v14, v9  }
0x12e: {  	v17 =	vld [tilespmem:s18+$0x60]  }
0x12f: {  	v15 =	vmul.bf16 v15, v10;
	v13 =	vadd.bf16 v14, v13;
	_ =	sdelay $0x1  }
0x130: {  	v14 =	vmul.bf16 v16, v11;
	v13 =	vadd.bf16 v15, v13;
	_ =	sdelay $0x1  }
0x131: {  	v15 =	vmul.bf16 v17, v12;
	v13 =	vadd.bf16 v14, v13;
	_ =	sdelay $0x1  }
0x132: {  	v13 =	vadd.bf16 v15, v13;
	_ =	sdelay $0x1  }
0x133: {  	[tilespmem:s19+$0x60] =	vst v13  }
0x134: {  	v13 =	vld [tilespmem:s14+$0x70]  }
0x135: {  	v14 =	vld [tilespmem:s1+$0x70];
	_ =	sdelay $0x1  }
0x136: {  	v15 =	vld [tilespmem:s16+$0x70];
	_ =	sdelay $0x1  }
0x137: {  	v16 =	vld [tilespmem:s17+$0x70]  }
0x138: {  	v13 =	vmul.bf16 v13, v8;
	v14 =	vmul.bf16 v14, v9  }
0x139: {  	v17 =	vld [tilespmem:s18+$0x70]  }
0x13a: {  	v15 =	vmul.bf16 v15, v10;
	v13 =	vadd.bf16 v14, v13;
	_ =	sdelay $0x1  }
0x13b: {  	v14 =	vmul.bf16 v16, v11;
	v13 =	vadd.bf16 v15, v13;
	_ =	sdelay $0x1  }
0x13c: {  	v13 =	vadd.bf16 v14, v13;
	v14 =	vmul.bf16 v17, v12;
	_ =	sdelay $0x1  }
0x13d: {  	v13 =	vadd.bf16 v14, v13;
	_ =	sdelay $0x1  }
0x13e: {  	[tilespmem:s19+$0x70] =	vst v13  }
0x13f: {  	v13 =	vld [tilespmem:s14+$0x400]  }
0x140: {  	v14 =	vld [tilespmem:s1+$0x400];
	_ =	sdelay $0x1  }
0x141: {  	v15 =	vld [tilespmem:s16+$0x400];
	_ =	sdelay $0x1  }
0x142: {  	v16 =	vld [tilespmem:s17+$0x400]  }
0x143: {  	v13 =	vmul.bf16 v13, v8;
	v14 =	vmul.bf16 v14, v9  }
0x144: {  	v17 =	vld [tilespmem:s18+$0x400]  }
0x145: {  	v13 =	vadd.bf16 v14, v13;
	v14 =	vmul.bf16 v15, v10;
	_ =	sdelay $0x1  }
0x146: {  	v15 =	vmul.bf16 v16, v11;
	v13 =	vadd.bf16 v14, v13;
	_ =	sdelay $0x1  }
0x147: {  	v14 =	vmul.bf16 v17, v12;
	v13 =	vadd.bf16 v15, v13;
	_ =	sdelay $0x1  }
0x148: {  	v13 =	vadd.bf16 v14, v13;
	_ =	sdelay $0x1  }
0x149: {  	[tilespmem:s19+$0x400] =	vst v13  }
0x14a: {  	v13 =	vld [tilespmem:s14+$0x410]  }
0x14b: {  	v14 =	vld [tilespmem:s1+$0x410];
	_ =	sdelay $0x1  }
0x14c: {  	v15 =	vld [tilespmem:s16+$0x410];
	_ =	sdelay $0x1  }
0x14d: {  	v16 =	vld [tilespmem:s17+$0x410]  }
0x14e: {  	v13 =	vmul.bf16 v13, v8;
	v14 =	vmul.bf16 v14, v9  }
0x14f: {  	v17 =	vld [tilespmem:s18+$0x410]  }
0x150: {  	v15 =	vmul.bf16 v15, v10;
	v13 =	vadd.bf16 v14, v13;
	_ =	sdelay $0x1  }
0x151: {  	v14 =	vmul.bf16 v16, v11;
	v13 =	vadd.bf16 v15, v13;
	_ =	sdelay $0x1  }
0x152: {  	v15 =	vmul.bf16 v17, v12;
	v13 =	vadd.bf16 v14, v13;
	_ =	sdelay $0x1  }
0x153: {  	v13 =	vadd.bf16 v15, v13;
	_ =	sdelay $0x1  }
0x154: {  	[tilespmem:s19+$0x410] =	vst v13  }
0x155: {  	v13 =	vld [tilespmem:s14+$0x420]  }
0x156: {  	v14 =	vld [tilespmem:s1+$0x420];
	_ =	sdelay $0x1  }
0x157: {  	v15 =	vld [tilespmem:s16+$0x420];
	_ =	sdelay $0x1  }
0x158: {  	v16 =	vld [tilespmem:s17+$0x420]  }
0x159: {  	v13 =	vmul.bf16 v13, v8;
	v14 =	vmul.bf16 v14, v9  }
0x15a: {  	v17 =	vld [tilespmem:s18+$0x420]  }
0x15b: {  	v15 =	vmul.bf16 v15, v10;
	v13 =	vadd.bf16 v14, v13;
	_ =	sdelay $0x1  }
0x15c: {  	v14 =	vmul.bf16 v16, v11;
	v13 =	vadd.bf16 v15, v13;
	_ =	sdelay $0x1  }
0x15d: {  	v15 =	vmul.bf16 v17, v12;
	v13 =	vadd.bf16 v14, v13;
	_ =	sdelay $0x1  }
0x15e: {  	v13 =	vadd.bf16 v15, v13;
	_ =	sdelay $0x1  }
0x15f: {  	[tilespmem:s19+$0x420] =	vst v13  }
0x160: {  	v13 =	vld [tilespmem:s14+$0x430]  }
0x161: {  	v14 =	vld [tilespmem:s1+$0x430];
	_ =	sdelay $0x1  }
0x162: {  	v15 =	vld [tilespmem:s16+$0x430];
	_ =	sdelay $0x1  }
0x163: {  	v16 =	vld [tilespmem:s17+$0x430]  }
0x164: {  	v13 =	vmul.bf16 v13, v8;
	v14 =	vmul.bf16 v14, v9  }
0x165: {  	v17 =	vld [tilespmem:s18+$0x430]  }
0x166: {  	v15 =	vmul.bf16 v15, v10;
	v13 =	vadd.bf16 v14, v13;
	_ =	sdelay $0x1  }
0x167: {  	v14 =	vmul.bf16 v16, v11;
	v13 =	vadd.bf16 v15, v13;
	_ =	sdelay $0x1  }
0x168: {  	v15 =	vmul.bf16 v17, v12;
	v13 =	vadd.bf16 v14, v13;
	_ =	sdelay $0x1  }
0x169: {  	v13 =	vadd.bf16 v15, v13;
	_ =	sdelay $0x1  }
0x16a: {  	[tilespmem:s19+$0x430] =	vst v13  }
0x16b: {  	v16 =	vld [tilespmem:s14+$0x440]  }
0x16c: {  	v15 =	vld [tilespmem:s1+$0x440]  }
0x16d: {  	v14 =	vld [tilespmem:s16+$0x440]  }
0x16e: {  	s21 =	simm.s32 $0x0;
	s20 =	simm.s32 $0x1;
	v13 =	vld [tilespmem:s17+$0x440]  }
.LBB2_5:
0x16f: {  	p0 =	sne.s32 s20, $0xF;
	v17 =	vld [tilespmem:s18+$0x440];
	s30 =	sadd.s32 $0x80, s30;
	s21 =	sadd.s32 $0x100, s21  }
0x170: {  	s22 =	smov.u32 s20;
	s20 =	sadd.s32 $0x1, s20;
	v16 =	vmul.bf16 v16, v8  }
0x171: {  	v15 =	vmul.bf16 v15, v9  }
0x172: {  	v14 =	vmul.bf16 v14, v10  }
0x173: {  	v15 =	vadd.bf16 v15, v16;
	v13 =	vmul.bf16 v13, v11  }
0x174: {  	v16 =	vmul.bf16 v17, v12  }
0x175: {  	v14 =	vadd.bf16 v14, v15;
	_ =	sdelay $0x1  }
0x176: {  	v13 =	vadd.bf16 v13, v14;
	_ =	sdelay $0x1  }
0x177: {  	v13 =	vadd.bf16 v16, v13;
	_ =	sdelay $0x1  }
0x178: {  	[tilespmem:s19+$0x440] =	vst v13  }
0x179: {  	s7 =	sadd.s32 $0x10, s22;
	v13 =	vld [tilespmem:s14+$0x450]  }
0x17a: {  	v14 =	vmov s7;
	v15 =	vld [tilespmem:s1+$0x450]  }
0x17b: {  	v16 =	vmov s22;
	v17 =	vld [tilespmem:s16+$0x450]  }
0x17c: {  	s7 =	sadd.s32 $0x20, s22;
	v18 =	vld [tilespmem:s17+$0x450]  }
0x17d: {  	v19 =	vmov s7;
	v20 =	vld [tilespmem:s18+$0x450]  }
0x17e: {  	v13 =	vmul.bf16 v13, v8  }
0x17f: {  	v15 =	vmul.bf16 v15, v9  }
0x180: {  	v17 =	vmul.bf16 v17, v10  }
0x181: {  	v13 =	vadd.bf16 v15, v13;
	v15 =	vmul.bf16 v18, v11  }
0x182: {  	v18 =	vmul.bf16 v20, v12  }
0x183: {  	v13 =	vadd.bf16 v17, v13;
	_ =	sdelay $0x1  }
0x184: {  	v13 =	vadd.bf16 v15, v13;
	_ =	sdelay $0x1  }
0x185: {  	v13 =	vadd.bf16 v18, v13;
	_ =	sdelay $0x1  }
0x186: {  	[tilespmem:s19+$0x450] =	vst v13  }
0x187: {  	v13 =	vld [tilespmem:s14+$0x460]  }
0x188: {  	v15 =	vld [tilespmem:s1+$0x460]  }
0x189: {  	v17 =	vld [tilespmem:s16+$0x460]  }
0x18a: {  	v18 =	vld [tilespmem:s17+$0x460]  }
0x18b: {  	v20 =	vld [tilespmem:s18+$0x460]  }
0x18c: {  	v13 =	vmul.bf16 v13, v8  }
0x18d: {  	v15 =	vmul.bf16 v15, v9  }
0x18e: {  	v17 =	vmul.bf16 v17, v10  }
0x18f: {  	v13 =	vadd.bf16 v15, v13;
	v15 =	vmul.bf16 v18, v11  }
0x190: {  	v18 =	vmul.bf16 v20, v12  }
0x191: {  	v13 =	vadd.bf16 v17, v13;
	_ =	sdelay $0x1  }
0x192: {  	v13 =	vadd.bf16 v15, v13;
	_ =	sdelay $0x1  }
0x193: {  	v13 =	vadd.bf16 v18, v13;
	_ =	sdelay $0x1  }
0x194: {  	[tilespmem:s19+$0x460] =	vst v13  }
0x195: {  	v13 =	vld [tilespmem:s14+$0x470]  }
0x196: {  	v15 =	vld [tilespmem:s1+$0x470]  }
0x197: {  	v17 =	vld [tilespmem:s16+$0x470]  }
0x198: {  	v18 =	vld [tilespmem:s17+$0x470]  }
0x199: {  	v20 =	vld [tilespmem:s18+$0x470]  }
0x19a: {  	v8 =	vmul.bf16 v13, v8  }
0x19b: {  	v9 =	vmul.bf16 v15, v9  }
0x19c: {  	v10 =	vmul.bf16 v17, v10  }
0x19d: {  	v8 =	vadd.bf16 v9, v8;
	v9 =	vmul.bf16 v18, v11  }
0x19e: {  	v11 =	vmul.bf16 v20, v12  }
0x19f: {  	v8 =	vadd.bf16 v10, v8;
	_ =	sdelay $0x1  }
0x1a0: {  	v8 =	vadd.bf16 v9, v8;
	_ =	sdelay $0x1  }
0x1a1: {  	v8 =	vadd.bf16 v11, v8;
	_ =	sdelay $0x1  }
0x1a2: {  	s8 =	sand.u32 $0x380, s30;
	s7 =	sand.u32 $0x800, s21;
	s1 =	sadd.s32 $0x30, s22;
	[tilespmem:s19+$0x470] =	vst v8  }
0x1a3: {  	s14 =	sadd.s32 s7, s31;
	s17 =	sadd.s32 s7, s13;
	v8 =	vmov s1;
	s1 =	sadd.s32 s7, s0;
	v9 =	vld.idx.msk [tilespmem:v14+s24+$0x0], $0xffff  }
0x1a4: {  	s18 =	sadd.s32 s7, s15;
	s1 =	sadd.s32 s8, s1;
	v10 =	vld.idx.msk [tilespmem:v16+s24+$0x0], $0xffff  }
0x1a5: {  	v11 =	vld [tilespmem:s1+$0x0]  }
0x1a6: {  	s14 =	sadd.s32 s8, s14;
	s16 =	sadd.s32 $0x40, s22;
	v12 =	vld.idx.msk [tilespmem:v19+s24+$0x0], $0xffff  }
0x1a7: {  	v13 =	vmov s16;
	s16 =	sadd.s32 s7, s2;
	v14 =	vld [tilespmem:s14+$0x0]  }
0x1a8: {  	s16 =	sadd.s32 s8, s16;
	v15 =	vld.idx.msk [tilespmem:v8+s24+$0x0], $0xffff  }
0x1a9: {  	s17 =	sadd.s32 s8, s17;
	v16 =	vld [tilespmem:s16+$0x0]  }
0x1aa: {  	v17 =	vld [tilespmem:s17+$0x0]  }
0x1ab: {  	v8 =	vpack.i.f32.bf16 v10, v10  }
0x1ac: {  	v9 =	vpack.i.f32.bf16 v9, v9;
	v13 =	vld.idx.msk [tilespmem:v13+s24+$0x0], $0xffff;
	v14 =	vmul.bf16 v14, v8  }
0x1ad: {  	s18 =	sadd.s32 s8, s18;
	v18 =	vmul.bf16 v11, v9  }
0x1ae: {  	v10 =	vpack.i.f32.bf16 v12, v12;
	v11 =	vpack.i.f32.bf16 v15, v15;
	v15 =	vld [tilespmem:s18+$0x0]  }
0x1af: {  	v12 =	vadd.bf16 v18, v14;
	v14 =	vmul.bf16 v16, v10;
	v16 =	vmul.bf16 v17, v11;
	_ =	sdelay $0x1  }
0x1b0: {  	v14 =	vadd.bf16 v14, v12  }
0x1b1: {  	v12 =	vpack.i.f32.bf16 v13, v13  }
0x1b2: {  	v13 =	vadd.bf16 v16, v14;
	v14 =	vmul.bf16 v15, v12;
	_ =	sdelay $0x1  }
0x1b3: {  	v13 =	vadd.bf16 v14, v13  }
0x1b4: {  	s7 =	sor.u32 s8, s7  }
0x1b5: {  	[tilespmem:s7+$0x1E080] =	vst v13  }
0x1b6: {  	v13 =	vld [tilespmem:s14+$0x10]  }
0x1b7: {  	v14 =	vld [tilespmem:s1+$0x10];
	_ =	sdelay $0x1  }
0x1b8: {  	v15 =	vld [tilespmem:s16+$0x10];
	_ =	sdelay $0x1  }
0x1b9: {  	v13 =	vmul.bf16 v13, v8;
	v16 =	vld [tilespmem:s17+$0x10]  }
0x1ba: {  	v14 =	vmul.bf16 v14, v9  }
0x1bb: {  	v17 =	vld [tilespmem:s18+$0x10]  }
0x1bc: {  	v13 =	vadd.bf16 v14, v13;
	v14 =	vmul.bf16 v15, v10;
	_ =	sdelay $0x1  }
0x1bd: {  	v13 =	vadd.bf16 v14, v13;
	v14 =	vmul.bf16 v16, v11;
	_ =	sdelay $0x1  }
0x1be: {  	v13 =	vadd.bf16 v14, v13;
	v14 =	vmul.bf16 v17, v12;
	_ =	sdelay $0x1  }
0x1bf: {  	v13 =	vadd.bf16 v14, v13  }
0x1c0: {  	s19 =	sadd.s32 $0x1E080, s7  }
0x1c1: {  	[tilespmem:s19+$0x10] =	vst v13  }
0x1c2: {  	v13 =	vld [tilespmem:s14+$0x20]  }
0x1c3: {  	v14 =	vld [tilespmem:s1+$0x20]  }
0x1c4: {  	v15 =	vld [tilespmem:s16+$0x20]  }
0x1c5: {  	v16 =	vld [tilespmem:s17+$0x20]  }
0x1c6: {  	v17 =	vld [tilespmem:s18+$0x20]  }
0x1c7: {  	v13 =	vmul.bf16 v13, v8  }
0x1c8: {  	v14 =	vmul.bf16 v14, v9  }
0x1c9: {  	v15 =	vmul.bf16 v15, v10  }
0x1ca: {  	v13 =	vadd.bf16 v14, v13;
	v14 =	vmul.bf16 v16, v11  }
0x1cb: {  	v16 =	vmul.bf16 v17, v12  }
0x1cc: {  	v13 =	vadd.bf16 v15, v13;
	_ =	sdelay $0x1  }
0x1cd: {  	v13 =	vadd.bf16 v14, v13;
	_ =	sdelay $0x1  }
0x1ce: {  	v13 =	vadd.bf16 v16, v13;
	_ =	sdelay $0x1  }
0x1cf: {  	[tilespmem:s19+$0x20] =	vst v13  }
0x1d0: {  	v13 =	vld [tilespmem:s14+$0x30]  }
0x1d1: {  	v14 =	vld [tilespmem:s1+$0x30]  }
0x1d2: {  	v15 =	vld [tilespmem:s16+$0x30];
	_ =	sdelay $0x2  }
0x1d3: {  	v13 =	vmul.bf16 v13, v8;
	v16 =	vld [tilespmem:s17+$0x30]  }
0x1d4: {  	v14 =	vmul.bf16 v14, v9  }
0x1d5: {  	v15 =	vmul.bf16 v15, v10;
	v17 =	vld [tilespmem:s18+$0x30]  }
0x1d6: {  	v13 =	vadd.bf16 v14, v13;
	_ =	sdelay $0x1  }
0x1d7: {  	v13 =	vadd.bf16 v15, v13;
	v14 =	vmul.bf16 v16, v11;
	_ =	sdelay $0x1  }
0x1d8: {  	v13 =	vadd.bf16 v14, v13;
	v14 =	vmul.bf16 v17, v12;
	_ =	sdelay $0x1  }
0x1d9: {  	v13 =	vadd.bf16 v14, v13;
	_ =	sdelay $0x1  }
0x1da: {  	[tilespmem:s19+$0x30] =	vst v13  }
0x1db: {  	v13 =	vld [tilespmem:s14+$0x40]  }
0x1dc: {  	v14 =	vld [tilespmem:s1+$0x40]  }
0x1dd: {  	v15 =	vld [tilespmem:s16+$0x40]  }
0x1de: {  	v16 =	vld [tilespmem:s18+$0x40];
	_ =	sdelay $0x1  }
0x1df: {  	v13 =	vmul.bf16 v13, v8;
	v17 =	vld [tilespmem:s17+$0x40]  }
0x1e0: {  	v14 =	vmul.bf16 v14, v9  }
0x1e1: {  	v15 =	vmul.bf16 v15, v10  }
0x1e2: {  	v13 =	vadd.bf16 v14, v13;
	v14 =	vmul.bf16 v16, v12;
	_ =	sdelay $0x1  }
0x1e3: {  	v13 =	vadd.bf16 v15, v13;
	v15 =	vmul.bf16 v17, v11;
	_ =	sdelay $0x1  }
0x1e4: {  	v13 =	vadd.bf16 v15, v13;
	_ =	sdelay $0x1  }
0x1e5: {  	v13 =	vadd.bf16 v14, v13;
	_ =	sdelay $0x1  }
0x1e6: {  	[tilespmem:s19+$0x40] =	vst v13  }
0x1e7: {  	v13 =	vld [tilespmem:s14+$0x50]  }
0x1e8: {  	v14 =	vld [tilespmem:s1+$0x50]  }
0x1e9: {  	v15 =	vld [tilespmem:s16+$0x50]  }
0x1ea: {  	v16 =	vld [tilespmem:s17+$0x50]  }
0x1eb: {  	v17 =	vld [tilespmem:s18+$0x50]  }
0x1ec: {  	v13 =	vmul.bf16 v13, v8  }
0x1ed: {  	v14 =	vmul.bf16 v14, v9  }
0x1ee: {  	v15 =	vmul.bf16 v15, v10  }
0x1ef: {  	v13 =	vadd.bf16 v14, v13;
	v14 =	vmul.bf16 v16, v11  }
0x1f0: {  	v16 =	vmul.bf16 v17, v12  }
0x1f1: {  	v13 =	vadd.bf16 v15, v13;
	_ =	sdelay $0x1  }
0x1f2: {  	v13 =	vadd.bf16 v14, v13;
	_ =	sdelay $0x1  }
0x1f3: {  	v13 =	vadd.bf16 v16, v13;
	_ =	sdelay $0x1  }
0x1f4: {  	[tilespmem:s19+$0x50] =	vst v13  }
0x1f5: {  	v13 =	vld [tilespmem:s14+$0x60]  }
0x1f6: {  	v14 =	vld [tilespmem:s1+$0x60]  }
0x1f7: {  	v15 =	vld [tilespmem:s16+$0x60]  }
0x1f8: {  	v16 =	vld [tilespmem:s17+$0x60]  }
0x1f9: {  	v17 =	vld [tilespmem:s18+$0x60]  }
0x1fa: {  	v13 =	vmul.bf16 v13, v8  }
0x1fb: {  	v14 =	vmul.bf16 v14, v9  }
0x1fc: {  	v15 =	vmul.bf16 v15, v10  }
0x1fd: {  	v13 =	vadd.bf16 v14, v13;
	v14 =	vmul.bf16 v16, v11  }
0x1fe: {  	v16 =	vmul.bf16 v17, v12  }
0x1ff: {  	v13 =	vadd.bf16 v15, v13;
	_ =	sdelay $0x1  }
0x200: {  	v13 =	vadd.bf16 v14, v13;
	_ =	sdelay $0x1  }
0x201: {  	v13 =	vadd.bf16 v16, v13;
	_ =	sdelay $0x1  }
0x202: {  	[tilespmem:s19+$0x60] =	vst v13  }
0x203: {  	v13 =	vld [tilespmem:s14+$0x70]  }
0x204: {  	v14 =	vld [tilespmem:s1+$0x70]  }
0x205: {  	v15 =	vld [tilespmem:s16+$0x70]  }
0x206: {  	v16 =	vld [tilespmem:s17+$0x70];
	_ =	sdelay $0x1  }
0x207: {  	v13 =	vmul.bf16 v13, v8  }
0x208: {  	v14 =	vmul.bf16 v14, v9  }
0x209: {  	v15 =	vmul.bf16 v15, v10;
	v17 =	vld [tilespmem:s18+$0x70]  }
0x20a: {  	v13 =	vadd.bf16 v14, v13;
	v14 =	vmul.bf16 v16, v11;
	_ =	sdelay $0x1  }
0x20b: {  	v13 =	vadd.bf16 v15, v13;
	_ =	sdelay $0x1  }
0x20c: {  	v13 =	vadd.bf16 v14, v13;
	v14 =	vmul.bf16 v17, v12;
	_ =	sdelay $0x1  }
0x20d: {  	v13 =	vadd.bf16 v14, v13;
	_ =	sdelay $0x1  }
0x20e: {  	[tilespmem:s19+$0x70] =	vst v13  }
0x20f: {  	v13 =	vld [tilespmem:s14+$0x400]  }
0x210: {  	v14 =	vld [tilespmem:s1+$0x400]  }
0x211: {  	v15 =	vld [tilespmem:s16+$0x400]  }
0x212: {  	v16 =	vld [tilespmem:s17+$0x400];
	_ =	sdelay $0x1  }
0x213: {  	v13 =	vmul.bf16 v13, v8  }
0x214: {  	v14 =	vmul.bf16 v14, v9  }
0x215: {  	v17 =	vld [tilespmem:s18+$0x400]  }
0x216: {  	v13 =	vadd.bf16 v14, v13;
	v14 =	vmul.bf16 v15, v10;
	v15 =	vmul.bf16 v16, v11;
	_ =	sdelay $0x1  }
0x217: {  	v13 =	vadd.bf16 v14, v13;
	_ =	sdelay $0x1  }
0x218: {  	v13 =	vadd.bf16 v15, v13;
	v14 =	vmul.bf16 v17, v12;
	_ =	sdelay $0x1  }
0x219: {  	v13 =	vadd.bf16 v14, v13;
	_ =	sdelay $0x1  }
0x21a: {  	[tilespmem:s19+$0x400] =	vst v13  }
0x21b: {  	v13 =	vld [tilespmem:s14+$0x410]  }
0x21c: {  	v14 =	vld [tilespmem:s1+$0x410]  }
0x21d: {  	v15 =	vld [tilespmem:s16+$0x410]  }
0x21e: {  	v16 =	vld [tilespmem:s17+$0x410]  }
0x21f: {  	v17 =	vld [tilespmem:s18+$0x410]  }
0x220: {  	v13 =	vmul.bf16 v13, v8  }
0x221: {  	v14 =	vmul.bf16 v14, v9  }
0x222: {  	v15 =	vmul.bf16 v15, v10  }
0x223: {  	v13 =	vadd.bf16 v14, v13;
	v14 =	vmul.bf16 v16, v11  }
0x224: {  	v16 =	vmul.bf16 v17, v12  }
0x225: {  	v13 =	vadd.bf16 v15, v13;
	_ =	sdelay $0x1  }
0x226: {  	v13 =	vadd.bf16 v14, v13;
	_ =	sdelay $0x1  }
0x227: {  	v13 =	vadd.bf16 v16, v13;
	_ =	sdelay $0x1  }
0x228: {  	[tilespmem:s19+$0x410] =	vst v13  }
0x229: {  	v13 =	vld [tilespmem:s14+$0x420]  }
0x22a: {  	v14 =	vld [tilespmem:s1+$0x420]  }
0x22b: {  	v15 =	vld [tilespmem:s16+$0x420]  }
0x22c: {  	v16 =	vld [tilespmem:s17+$0x420]  }
0x22d: {  	v17 =	vld [tilespmem:s18+$0x420]  }
0x22e: {  	v13 =	vmul.bf16 v13, v8  }
0x22f: {  	v14 =	vmul.bf16 v14, v9  }
0x230: {  	v15 =	vmul.bf16 v15, v10  }
0x231: {  	v13 =	vadd.bf16 v14, v13;
	v14 =	vmul.bf16 v16, v11  }
0x232: {  	v16 =	vmul.bf16 v17, v12  }
0x233: {  	v13 =	vadd.bf16 v15, v13;
	_ =	sdelay $0x1  }
0x234: {  	v13 =	vadd.bf16 v14, v13;
	_ =	sdelay $0x1  }
0x235: {  	v13 =	vadd.bf16 v16, v13;
	_ =	sdelay $0x1  }
0x236: {  	[tilespmem:s19+$0x420] =	vst v13  }
0x237: {  	v13 =	vld [tilespmem:s14+$0x430]  }
0x238: {  	v14 =	vld [tilespmem:s1+$0x430]  }
0x239: {  	v15 =	vld [tilespmem:s16+$0x430]  }
0x23a: {  	v16 =	vld [tilespmem:s17+$0x430]  }
0x23b: {  	v17 =	vld [tilespmem:s18+$0x430]  }
0x23c: {  	v13 =	vmul.bf16 v13, v8  }
0x23d: {  	v14 =	vmul.bf16 v14, v9  }
0x23e: {  	v15 =	vmul.bf16 v15, v10  }
0x23f: {  	v13 =	vadd.bf16 v14, v13;
	v14 =	vmul.bf16 v16, v11  }
0x240: {  	v16 =	vmul.bf16 v17, v12  }
0x241: {  	v13 =	vadd.bf16 v15, v13;
	_ =	sdelay $0x1  }
0x242: {  	v13 =	vadd.bf16 v14, v13;
	_ =	sdelay $0x1  }
0x243: {  	v13 =	vadd.bf16 v16, v13;
	_ =	sdelay $0x1  }
.Ltmp1:
0x244: {  	[tilespmem:s19+$0x430] =	vst v13;
	(pc) =	sbr.rel @p0 .LBB2_5-.Ltmp1, $4  }
0x245: {  	v16 =	vld [tilespmem:s14+$0x440]  }
0x246: {  	v15 =	vld [tilespmem:s1+$0x440]  }
0x247: {  	v14 =	vld [tilespmem:s16+$0x440]  }
0x248: {  	v13 =	vld [tilespmem:s17+$0x440]  }
0x249: {  	_ =	sdelay $0x1  }
0x24a: {  	v16 =	vmul.bf16 v16, v8;
	v15 =	vmul.bf16 v15, v9  }
0x24b: {  	v17 =	vld [tilespmem:s18+$0x440]  }
0x24c: {  	v14 =	vmul.bf16 v14, v10;
	v15 =	vadd.bf16 v15, v16;
	_ =	sdelay $0x1  }
0x24d: {  	v13 =	vmul.bf16 v13, v11;
	v14 =	vadd.bf16 v14, v15;
	_ =	sdelay $0x1  }
0x24e: {  	v43 =	vmul.bf16 v17, v12;
	v13 =	vadd.bf16 v13, v14;
	_ =	sdelay $0x1  }
0x24f: {  	v13 =	vadd.bf16 v43, v13;
	_ =	sdelay $0x1  }
0x250: {  	[tilespmem:s19+$0x440] =	vst v13  }
0x251: {  	v13 =	vld [tilespmem:s14+$0x450]  }
0x252: {  	v44 =	vld [tilespmem:s1+$0x450];
	_ =	sdelay $0x1  }
0x253: {  	v45 =	vld [tilespmem:s16+$0x450];
	_ =	sdelay $0x1  }
0x254: {  	v46 =	vld [tilespmem:s17+$0x450]  }
0x255: {  	v13 =	vmul.bf16 v13, v8;
	v14 =	vmul.bf16 v44, v9  }
0x256: {  	v47 =	vld [tilespmem:s18+$0x450]  }
0x257: {  	v15 =	vmul.bf16 v45, v10;
	v13 =	vadd.bf16 v14, v13;
	_ =	sdelay $0x1  }
0x258: {  	v48 =	vmul.bf16 v46, v11;
	v13 =	vadd.bf16 v15, v13;
	_ =	sdelay $0x1  }
0x259: {  	v49 =	vmul.bf16 v47, v12;
	v13 =	vadd.bf16 v48, v13;
	_ =	sdelay $0x1  }
0x25a: {  	v13 =	vadd.bf16 v49, v13;
	_ =	sdelay $0x1  }
0x25b: {  	[tilespmem:s19+$0x450] =	vst v13  }
0x25c: {  	v13 =	vld [tilespmem:s14+$0x460]  }
0x25d: {  	v50 =	vld [tilespmem:s1+$0x460];
	_ =	sdelay $0x1  }
0x25e: {  	v51 =	vld [tilespmem:s16+$0x460];
	_ =	sdelay $0x1  }
0x25f: {  	v52 =	vld [tilespmem:s17+$0x460]  }
0x260: {  	v13 =	vmul.bf16 v13, v8;
	v14 =	vmul.bf16 v50, v9  }
0x261: {  	v53 =	vld [tilespmem:s18+$0x460]  }
0x262: {  	v15 =	vmul.bf16 v51, v10;
	v13 =	vadd.bf16 v14, v13;
	_ =	sdelay $0x1  }
0x263: {  	v54 =	vmul.bf16 v52, v11;
	v13 =	vadd.bf16 v15, v13;
	_ =	sdelay $0x1  }
0x264: {  	v55 =	vmul.bf16 v53, v12;
	v13 =	vadd.bf16 v54, v13;
	_ =	sdelay $0x1  }
0x265: {  	v13 =	vadd.bf16 v55, v13;
	_ =	sdelay $0x1  }
0x266: {  	[tilespmem:s19+$0x460] =	vst v13  }
0x267: {  	v13 =	vld [tilespmem:s14+$0x470]  }
0x268: {  	v56 =	vld [tilespmem:s1+$0x470];
	_ =	sdelay $0x1  }
0x269: {  	v57 =	vld [tilespmem:s16+$0x470];
	_ =	sdelay $0x1  }
0x26a: {  	v58 =	vld [tilespmem:s17+$0x470]  }
0x26b: {  	v8 =	vmul.bf16 v13, v8;
	v59 =	vmul.bf16 v56, v9  }
0x26c: {  	v60 =	vld [tilespmem:s18+$0x470]  }
0x26d: {  	v61 =	vmul.bf16 v57, v10;
	v8 =	vadd.bf16 v59, v8;
	_ =	sdelay $0x1  }
0x26e: {  	v62 =	vmul.bf16 v58, v11;
	v8 =	vadd.bf16 v61, v8;
	_ =	sdelay $0x1  }
0x26f: {  	v63 =	vmul.bf16 v60, v12;
	v8 =	vadd.bf16 v62, v8;
	_ =	sdelay $0x1  }
0x270: {  	s0 =	sadd.s32 s5, s29;
	v8 =	vadd.bf16 v63, v8  }
0x271: {  	p0 =	sne.s32 s28, $0x10;
	s0 =	sshll.u32 s0, $0x5  }
.Ltmp2:
0x272: {  	s0 =	sadd.s32 s3, s0;
	[tilespmem:s19+$0x470] =	vst v8;
	(pc) =	sbr.rel @p0 .LBB2_2-.Ltmp2, $4  }
0x273: {  	[hbm4b:s0+s4] =	stream.linear.scatter [tilespmem:s25], [sflag:$0x2], $0x1000, $0x38;
	[tilespmem:$0x1F080] =	vst v63  }
0x274: {  	_ =	swait.ge [sflag:s10], $0x1000  }
0x275: {  	[sflag:s10] =	ssyncset.done $0x0  }
0x276: {  	s1 =	smov.u32 s28;
	[sflag:s10] =	ssyncadd.s32 $0xFFFFF000  }
0x277: {  	s26 =	sadd.s32 $0x1, s26  }
0x278: {  	p0 =	sne.s32 s26, s9  }
.Ltmp3:
0x279: {  	_ = 	snop;
	(pc) =	sbr.rel @p0 .LBB2_1-.Ltmp3, $1  }
0x27a: {  	_ =	sdelay $0x3  }
0x27b: {  	_ =	sfence.sel $0x180000  }
0x27c: {  	[bflag:$0x0] =	sbarrier.arrive $0xFFFF  }
0x27d: {  	_ =	strace $0x9000004A  }
0x27e: {  	s0 =	stileid.u32;
	[bflag:$0x2] =	sbarrier.arrive $0xFFFF  }
0x27f: {  	p0 =	sne.s32 s0, $0x0;
	s0 =	rddreg [dreg:$0x3]  }
0x280: {  	s0 =	sadd.s32 @!p0 $0x100000, s0  }
0x281: {  	[sflag:s0] =	ssyncadd.tile.s32 @!p0 $0x1;
	_ =	shalt  }
.Lfunc_end2:
_tile_overlayer_lowered:
.L_overlay_start_2:
0x282: {  	(tag) =	ssettag $0x2  }
0x283: {  	s0 =	rddreg [dreg:$0x0];
	s2 =	stileid.u32  }
0x284: {  	s1 =	rddreg [dreg:$0x1];
	p0 =	sne.s32 s2, $0x0  }
0x285: {  	s3 =	rddreg [dreg:$0x2];
	[bflag:$0x3] =	sbarrier.arrive $0xFFFF;
	s2 =	simm.s32 @!p0 $0x1C02  }
0x286: {  	[timem:s3], [sflag:s2] =	dma.local @!p0 [hbm:s0], s1  }
0x287: {  	s0 =	simm.s32 @!p0 $0x2  }
0x288: {  	_ =	swait.ge @!p0 [sflag:s0], s1  }
0x289: {  	s1 =	ssub.s32 @!p0 $0x0, s1;
	[sflag:s0] =	ssyncset.done @!p0 $0x0  }
0x28a: {  	[sflag:s0] =	ssyncadd.s32 @!p0 s1  }
0x28b: {  	[bflag:$0x3] =	sbarrier.arrive $0xFFFF  }
0x28c: {  	_ =	shalt  }

</sc_bundles>
